<compile_context>
chip_gen: v7x
topology: tpu7x:2x2x1
jax: 0.10.2.dev20260603
libtpu: 0.0.44.dev20260713+nightly
codegen_flags: <defaults>
</compile_context>

<pallas_src>
import functools

import jax
import jax.numpy as jnp
from jax import lax
from jax.experimental import pallas as pl
from jax.experimental.pallas import tpu as pltpu
from jax.experimental.pallas import tpu_sc as plsc

_K = 13
_EPS = 1e-9
_B, _N, _L = 8, 64, 8400
_NCH = _L // 16
_NC, _NS = 2, 16
_NW = _NC * _NS
_TRS = _B * _N // 8
_TPW = _TRS // _NW
_G = 8
_CAP = 1008
_CSTR = 1024
_NEG = -3.0e38


def _sc_body(m_hbm, o_hbm, inb, candi, selbuf, dsem):
    wid = lax.axis_index("s") * _NC + lax.axis_index("c")
    iota = lax.iota(jnp.int32, 16)
    onesv = jnp.full((16,), 1.0, jnp.float32)
    zerosv = jnp.zeros((16,), jnp.float32)
    zerosiv = jnp.zeros((16,), jnp.int32)

    def tile_row(t, carry):
        pltpu.async_copy(m_hbm.at[pl.ds(8 * t, 8), :], inb, dsem).wait()

        @plsc.parallel_loop(
            0, _NCH, unroll=2,
            carry=tuple(jnp.full((16,), _NEG, jnp.float32)
                        for _ in range(_G)))
        def accs(i, acc):
            sl = pl.ds(i * 16, 16)
            return tuple(jnp.maximum(acc[g], inb[g, sl]) for g in range(_G))

        b0v = []
        for g in range(_G):
            sk, _ = plsc.sort_key_val(accs[g], iota, descending=True)
            b0v.append(jnp.full((16,), sk[_K - 1]))

        endv = [jnp.full((16,), (g + 1) * _CSTR - 1, jnp.int32)
                for g in range(_G)]

        @plsc.parallel_loop(
            0, _NCH, unroll=2,
            carry=tuple(jnp.full((16,), g * _CSTR, jnp.int32)
                        for g in range(_G)))
        def offs(i, off):
            sl = pl.ds(i * 16, 16)
            idxv = iota + i * 16
            new = []
            for g in range(_G):
                v = inb[g, sl]
                msk = v >= b0v[g]
                mi = msk.astype(jnp.int32)
                excl = plsc.cumsum(mi) - mi
                pos = jnp.minimum(off[g] + excl, endv[g])
                plsc.store_scatter(candi, [pos], idxv, mask=msk)
                new.append(off[g] + plsc.all_reduce_population_count(msk))
            return tuple(new)

        for g in range(_G):
            selbuf[pl.ds(g * 16, 16)] = jnp.full((16,), -1, jnp.int32)
            ncand = offs[g][0] - g * _CSTR
            cvec = jnp.full((16,), ncand, jnp.int32)

            def merge_step(vals, idxs, run):
                sa, _ = plsc.sort_key_val(vals, idxs, descending=False)
                mx = jnp.maximum(run, sa)
                rd, _ = plsc.sort_key_val(mx, iota, descending=True)
                return rd

            def select_plan(run):
                thr = run[_K - 1]
                rowmax = run[0]
                ne = _K - plsc.all_reduce_population_count(run > thr)
                return thr, rowmax, ne

            def select_step(vals, idxs, thrv, nev, eqc, soff):
                gt = vals > thrv
                eq = vals == thrv
                eqi = eq.astype(jnp.int32)
                excl = plsc.cumsum(eqi) - eqi
                sel = jnp.logical_or(
                    gt, jnp.logical_and(eq, (excl + eqc) < nev))
                seli = sel.astype(jnp.int32)
                sx = plsc.cumsum(seli) - seli
                plsc.store_scatter(selbuf, [soff + sx], idxs, mask=sel)
                return (eqc + plsc.all_reduce_population_count(eq),
                        soff + plsc.all_reduce_population_count(sel))

            @pl.when(ncand <= _CAP)
            def _(g=g, ncand=ncand, cvec=cvec):
                base = g * _CSTR
                candi[pl.ds(base + ncand, 16)] = zerosiv
                nch = (ncand + 15) // 16

                def body_c(j, run):
                    idxs = candi[pl.ds(base + j * 16, 16)]
                    vals = plsc.load_gather(inb, [jnp.full((16,), g, jnp.int32), idxs])
                    vals = jnp.where(iota + j * 16 < cvec, vals, -1.0)
                    return merge_step(vals, idxs, run)
                run = lax.fori_loop(0, nch, body_c,
                                    jnp.full((16,), _NEG, jnp.float32))
                thr, rowmax, ne = select_plan(run)
                thrv = jnp.full((16,), thr)

                @pl.when(rowmax > _EPS)
                def _():
                    def body_s(j, c):
                        idxs = candi[pl.ds(base + j * 16, 16)]
                        vals = plsc.load_gather(inb, [jnp.full((16,), g, jnp.int32), idxs])
                        vals = jnp.where(iota + j * 16 < cvec, vals, -1.0)
                        return select_step(vals, idxs, thrv, ne, *c)
                    lax.fori_loop(0, nch, body_s,
                                  (zerosiv, jnp.full((16,), g * 16,
                                                     jnp.int32)))

            @pl.when(ncand > _CAP)
            def _(g=g):
                def body_c(j, run):
                    sl = pl.ds(j * 16, 16)
                    return merge_step(inb[g, sl], iota + j * 16, run)
                run = lax.fori_loop(0, _NCH, body_c,
                                    jnp.full((16,), _NEG, jnp.float32))
                thr, rowmax, ne = select_plan(run)
                thrv = jnp.full((16,), thr)

                @pl.when(rowmax > _EPS)
                def _():
                    def body_s(j, c):
                        sl = pl.ds(j * 16, 16)
                        return select_step(inb[g, sl], iota + j * 16,
                                           thrv, ne, *c)
                    lax.fori_loop(0, _NCH, body_s,
                                  (zerosiv, jnp.full((16,), g * 16,
                                                     jnp.int32)))

        @plsc.parallel_loop(0, _NCH, unroll=2)
        def _(i):
            sl = pl.ds(i * 16, 16)
            for g in range(_G):
                inb[g, sl] = zerosv

        for g in range(_G):
            selv = selbuf[pl.ds(g * 16, 16)]
            m = selv >= 0
            gv = jnp.full((16,), g, jnp.int32)
            plsc.store_scatter(inb, [gv, selv], onesv, mask=m)
        pltpu.async_copy(inb, o_hbm.at[pl.ds(8 * t, 8), :], dsem).wait()
        return carry

    lax.fori_loop(0, _TPW, lambda k, c: tile_row(wid * _TPW + k, c),
                  jnp.zeros((), jnp.int32))


_mesh = plsc.VectorSubcoreMesh(core_axis_name="c", subcore_axis_name="s",
                               num_cores=_NC, num_subcores=_NS)

_topk_mask = functools.partial(
    pl.kernel,
    out_type=jax.ShapeDtypeStruct((_B * _N, _L), jnp.float32),
    mesh=_mesh,
    scratch_types=(
        pltpu.VMEM((_G, _L), jnp.float32),
        pltpu.VMEM((_G * _CSTR,), jnp.int32),
        pltpu.VMEM((_G * 16,), jnp.int32),
        pltpu.SemaphoreType.DMA,
    ),
    compiler_params=pltpu.CompilerParams(needs_layout_passes=False),
)(_sc_body)


@jax.jit
def kernel(metrics):
    b, n, l = metrics.shape
    out = _topk_mask(metrics.reshape(b * n, l))
    return out.reshape(b, n, l)

# --- scband reference (transcript-rebuilt; emitter-appended) ---
"""Pipeline reference for scband-model-34608846471279 (READ-ONLY COPY).

The authoritative reference and input builder live on the scoring server;
editing this copy changes nothing except your own understanding.
"""

import jax, jax.numpy as jnp
import numpy as np

TOPK = 13
EPS = 1e-09


def setup_inputs(seed: int = 0) -> dict:
    key = jax.random.key(seed)
    metrics = jax.random.uniform(key, (8, 64, 8400), dtype=jnp.float32)
    return {"metrics": metrics}


def reference(metrics):
    # gather_topk_anchors: top-k along anchor axis, one-hot scatter to mask,
    # masked by whether any of the top-k metrics exceeds eps (valid-gt mask).
    num_anchors = metrics.shape[-1]
    topk_metrics, topk_idxs = jax.lax.top_k(metrics, TOPK)  # [B, n, topk]
    topk_mask = (jnp.max(topk_metrics, axis=-1, keepdims=True) > EPS).astype(metrics.dtype)  # [B, n, 1]
    is_in_topk = jax.nn.one_hot(topk_idxs, num_anchors, dtype=metrics.dtype).sum(axis=-2)  # [B, n, L]
    return is_in_topk * topk_mask

if __name__ == "__main__":
    import jax
    _d = setup_inputs()
    print(jax.jit(kernel)(*tuple(_d.values())))

</pallas_src>

<mosaic_0001>
#map = affine_map<(d0, d1) -> (0, 0)>
module attributes {stable_mosaic.version = 14 : i64} {
  func.func @_sc_body(%arg0: i32, %arg1: i32, %arg2: memref<512x8400xf32, #tpu.memory_space<hbm>>, %arg3: memref<512x8400xf32, #tpu.memory_space<hbm>>, %arg4: memref<8x8400xf32, #tpu.memory_space<vmem>>, %arg5: memref<8192xi32, #tpu.memory_space<vmem>>, %arg6: memref<128xi32, #tpu.memory_space<vmem>>, %arg7: memref<!tpu.dma_semaphore, #tpu.memory_space<semaphore_mem>>) attributes {dimension_semantics = [#tpu.dimension_semantics<core_parallel>, #tpu.dimension_semantics<subcore_parallel>], iteration_bounds = array<i64: 2, 16>, scalar_prefetch = 0 : i64, scratch_operands = 4 : i64, tpu.core_type = #tpu.core_type<sc_vector_subcore>, window_params = [{transform_indices = #map}, {transform_indices = #map}]} {
    %mul3A = arith.constant 2 : i32
    %mul3A_0 = arith.muli %arg1, %mul3A : i32
    %add3A = arith.addi %mul3A_0, %arg0 : i32
    %iota3A = tpu.iota {dimensions = array<i32: 0>} : vector<16xi32>
    %broadcast_in_dim3A = arith.constant 1.000000e+00 : f32
    %broadcast_in_dim3A_1 = vector.broadcast %broadcast_in_dim3A : f32 to vector<16xf32>
    %broadcast_in_dim3A_2 = arith.constant 0.000000e+00 : f32
    %broadcast_in_dim3A_3 = vector.broadcast %broadcast_in_dim3A_2 : f32 to vector<16xf32>
    %broadcast_in_dim3A_4 = arith.constant 0 : i32
    %broadcast_in_dim3A_5 = vector.broadcast %broadcast_in_dim3A_4 : i32 to vector<16xi32>
    %scan3A = arith.constant 0 : i32
    %scan3A_6 = arith.constant 0 : i32
    %scan3A_7 = arith.constant 2 : i32
    %scan3A_8 = arith.addi %scan3A_6, %scan3A_7 : i32
    %scan3A_9 = arith.constant 1 : i32
    scf.for %scan3A_11 = %scan3A_6 to %scan3A_8 step %scan3A_9  : i32 {
      %mul3A_12 = arith.constant 2 : i32
      %mul3A_13 = arith.muli %add3A, %mul3A_12 : i32
      %add3A_14 = arith.addi %mul3A_13, %scan3A_11 : i32
      %mul3A_15 = arith.constant 8 : i32
      %mul3A_16 = arith.muli %mul3A_15, %add3A_14 : i32
      %dma_start3A = arith.constant 0 : i32
      %dma_start3A_17 = tpu.memref_slice %arg2[%mul3A_16, %dma_start3A] : memref<512x8400xf32, #tpu.memory_space<hbm>> -> memref<8x8400xf32, #tpu.memory_space<hbm>>
      %dma_start3A_18 = arith.constant 0 : i32
      %dma_start3A_19 = tpu.memref_slice %arg2[%mul3A_16, %dma_start3A_18] : memref<512x8400xf32, #tpu.memory_space<hbm>> -> memref<8x8400xf32, #tpu.memory_space<hbm>>
      tpu.enqueue_dma source(%dma_start3A_19 : memref<8x8400xf32, #tpu.memory_space<hbm>>) target(%arg4 : memref<8x8400xf32, #tpu.memory_space<vmem>>) target_semaphore(%arg7 : memref<!tpu.dma_semaphore, #tpu.memory_space<semaphore_mem>>)
      %dma_wait3A = arith.constant 0 : i32
      %dma_wait3A_20 = tpu.memref_slice %arg2[%mul3A_16, %dma_wait3A] : memref<512x8400xf32, #tpu.memory_space<hbm>> -> memref<8x8400xf32, #tpu.memory_space<hbm>>
      %dma_wait3A_21 = arith.constant 0 : i32
      %dma_wait3A_22 = tpu.memref_slice %arg2[%mul3A_16, %dma_wait3A_21] : memref<512x8400xf32, #tpu.memory_space<hbm>> -> memref<8x8400xf32, #tpu.memory_space<hbm>>
      tpu.wait_dma2 semaphore(%arg7 : memref<!tpu.dma_semaphore, #tpu.memory_space<semaphore_mem>>) src(%dma_wait3A_22 : memref<8x8400xf32, #tpu.memory_space<hbm>>) dst(%arg4 : memref<8x8400xf32, #tpu.memory_space<vmem>>)
      %broadcast_in_dim3A_23 = arith.constant -3.000000e+38 : f32
      %broadcast_in_dim3A_24 = vector.broadcast %broadcast_in_dim3A_23 : f32 to vector<16xf32>
      %broadcast_in_dim3A_25 = arith.constant -3.000000e+38 : f32
      %broadcast_in_dim3A_26 = vector.broadcast %broadcast_in_dim3A_25 : f32 to vector<16xf32>
      %broadcast_in_dim3A_27 = arith.constant -3.000000e+38 : f32
      %broadcast_in_dim3A_28 = vector.broadcast %broadcast_in_dim3A_27 : f32 to vector<16xf32>
      %broadcast_in_dim3A_29 = arith.constant -3.000000e+38 : f32
      %broadcast_in_dim3A_30 = vector.broadcast %broadcast_in_dim3A_29 : f32 to vector<16xf32>
      %broadcast_in_dim3A_31 = arith.constant -3.000000e+38 : f32
      %broadcast_in_dim3A_32 = vector.broadcast %broadcast_in_dim3A_31 : f32 to vector<16xf32>
      %broadcast_in_dim3A_33 = arith.constant -3.000000e+38 : f32
      %broadcast_in_dim3A_34 = vector.broadcast %broadcast_in_dim3A_33 : f32 to vector<16xf32>
      %broadcast_in_dim3A_35 = arith.constant -3.000000e+38 : f32
      %broadcast_in_dim3A_36 = vector.broadcast %broadcast_in_dim3A_35 : f32 to vector<16xf32>
      %broadcast_in_dim3A_37 = arith.constant -3.000000e+38 : f32
      %broadcast_in_dim3A_38 = vector.broadcast %broadcast_in_dim3A_37 : f32 to vector<16xf32>
      %parallel_loop3A = arith.constant 0 : i32
      %parallel_loop3A_39 = arith.constant 525 : i32
      %parallel_loop3A_40 = arith.constant 1 : i32
      %parallel_loop3A_41:8 = scf.for %parallel_loop3A_344 = %parallel_loop3A to %parallel_loop3A_39 step %parallel_loop3A_40 iter_args(%parallel_loop3A_345 = %broadcast_in_dim3A_24, %parallel_loop3A_346 = %broadcast_in_dim3A_26, %parallel_loop3A_347 = %broadcast_in_dim3A_28, %parallel_loop3A_348 = %broadcast_in_dim3A_30, %parallel_loop3A_349 = %broadcast_in_dim3A_32, %parallel_loop3A_350 = %broadcast_in_dim3A_34, %parallel_loop3A_351 = %broadcast_in_dim3A_36, %parallel_loop3A_352 = %broadcast_in_dim3A_38) -> (vector<16xf32>, vector<16xf32>, vector<16xf32>, vector<16xf32>, vector<16xf32>, vector<16xf32>, vector<16xf32>, vector<16xf32>)  : i32 {
        %parallel_loop3A_353 = arith.constant 16 : i32
        %parallel_loop3A_354 = arith.muli %parallel_loop3A_344, %parallel_loop3A_353 : i32
        %parallel_loop3A_355 = arith.constant 0 : i32
        %parallel_loop3A_356 = arith.index_cast %parallel_loop3A_355 : i32 to index
        %parallel_loop3A_357 = arith.index_cast %parallel_loop3A_354 : i32 to index
        %parallel_loop3A_358 = tpu.vector_load %arg4[%parallel_loop3A_356, %parallel_loop3A_357] {strides = array<i32>} : memref<8x8400xf32, #tpu.memory_space<vmem>>, vector<16xf32>,
        %parallel_loop3A_359 = arith.maximumf %parallel_loop3A_345, %parallel_loop3A_358 : vector<16xf32>
        %parallel_loop3A_360 = arith.constant 1 : i32
        %parallel_loop3A_361 = arith.index_cast %parallel_loop3A_360 : i32 to index
        %parallel_loop3A_362 = arith.index_cast %parallel_loop3A_354 : i32 to index
        %parallel_loop3A_363 = tpu.vector_load %arg4[%parallel_loop3A_361, %parallel_loop3A_362] {strides = array<i32>} : memref<8x8400xf32, #tpu.memory_space<vmem>>, vector<16xf32>,
        %parallel_loop3A_364 = arith.maximumf %parallel_loop3A_346, %parallel_loop3A_363 : vector<16xf32>
        %parallel_loop3A_365 = arith.constant 2 : i32
        %parallel_loop3A_366 = arith.index_cast %parallel_loop3A_365 : i32 to index
        %parallel_loop3A_367 = arith.index_cast %parallel_loop3A_354 : i32 to index
        %parallel_loop3A_368 = tpu.vector_load %arg4[%parallel_loop3A_366, %parallel_loop3A_367] {strides = array<i32>} : memref<8x8400xf32, #tpu.memory_space<vmem>>, vector<16xf32>,
        %parallel_loop3A_369 = arith.maximumf %parallel_loop3A_347, %parallel_loop3A_368 : vector<16xf32>
        %parallel_loop3A_370 = arith.constant 3 : i32
        %parallel_loop3A_371 = arith.index_cast %parallel_loop3A_370 : i32 to index
        %parallel_loop3A_372 = arith.index_cast %parallel_loop3A_354 : i32 to index
        %parallel_loop3A_373 = tpu.vector_load %arg4[%parallel_loop3A_371, %parallel_loop3A_372] {strides = array<i32>} : memref<8x8400xf32, #tpu.memory_space<vmem>>, vector<16xf32>,
        %parallel_loop3A_374 = arith.maximumf %parallel_loop3A_348, %parallel_loop3A_373 : vector<16xf32>
        %parallel_loop3A_375 = arith.constant 4 : i32
        %parallel_loop3A_376 = arith.index_cast %parallel_loop3A_375 : i32 to index
        %parallel_loop3A_377 = arith.index_cast %parallel_loop3A_354 : i32 to index
        %parallel_loop3A_378 = tpu.vector_load %arg4[%parallel_loop3A_376, %parallel_loop3A_377] {strides = array<i32>} : memref<8x8400xf32, #tpu.memory_space<vmem>>, vector<16xf32>,
        %parallel_loop3A_379 = arith.maximumf %parallel_loop3A_349, %parallel_loop3A_378 : vector<16xf32>
        %parallel_loop3A_380 = arith.constant 5 : i32
        %parallel_loop3A_381 = arith.index_cast %parallel_loop3A_380 : i32 to index
        %parallel_loop3A_382 = arith.index_cast %parallel_loop3A_354 : i32 to index
        %parallel_loop3A_383 = tpu.vector_load %arg4[%parallel_loop3A_381, %parallel_loop3A_382] {strides = array<i32>} : memref<8x8400xf32, #tpu.memory_space<vmem>>, vector<16xf32>,
        %parallel_loop3A_384 = arith.maximumf %parallel_loop3A_350, %parallel_loop3A_383 : vector<16xf32>
        %parallel_loop3A_385 = arith.constant 6 : i32
        %parallel_loop3A_386 = arith.index_cast %parallel_loop3A_385 : i32 to index
        %parallel_loop3A_387 = arith.index_cast %parallel_loop3A_354 : i32 to index
        %parallel_loop3A_388 = tpu.vector_load %arg4[%parallel_loop3A_386, %parallel_loop3A_387] {strides = array<i32>} : memref<8x8400xf32, #tpu.memory_space<vmem>>, vector<16xf32>,
        %parallel_loop3A_389 = arith.maximumf %parallel_loop3A_351, %parallel_loop3A_388 : vector<16xf32>
        %parallel_loop3A_390 = arith.constant 7 : i32
        %parallel_loop3A_391 = arith.index_cast %parallel_loop3A_390 : i32 to index
        %parallel_loop3A_392 = arith.index_cast %parallel_loop3A_354 : i32 to index
        %parallel_loop3A_393 = tpu.vector_load %arg4[%parallel_loop3A_391, %parallel_loop3A_392] {strides = array<i32>} : memref<8x8400xf32, #tpu.memory_space<vmem>>, vector<16xf32>,
        %parallel_loop3A_394 = arith.maximumf %parallel_loop3A_352, %parallel_loop3A_393 : vector<16xf32>
        scf.yield %parallel_loop3A_359, %parallel_loop3A_364, %parallel_loop3A_369, %parallel_loop3A_374, %parallel_loop3A_379, %parallel_loop3A_384, %parallel_loop3A_389, %parallel_loop3A_394 : vector<16xf32>, vector<16xf32>, vector<16xf32>, vector<16xf32>, vector<16xf32>, vector<16xf32>, vector<16xf32>, vector<16xf32>
      } {sc.loop_unroll_factor = 2 : i64, sc.parallel_access}
      %masked_sort3A = arith.constant dense<true> : vector<16xi1>
      %masked_sort3A_42, %masked_sort3A_43, %masked_sort3A_44 = tpu.sort %parallel_loop3A_41#0, %iota3A masked %masked_sort3A {descending = true} : (vector<16xf32>, vector<16xi32>, vector<16xi1>) -> (vector<16xi1>, vector<16xf32>, vector<16xi32>)
      %slice3A = vector.extract_strided_slice %masked_sort3A_43 {offsets = [12], sizes = [1], strides = [1]} : vector<16xf32> to vector<1xf32>
      %squeeze3A = vector.extract %slice3A[0] : f32 from vector<1xf32>
      %broadcast_in_dim3A_45 = vector.broadcast %squeeze3A : f32 to vector<16xf32>
      %masked_sort3A_46 = arith.constant dense<true> : vector<16xi1>
      %masked_sort3A_47, %masked_sort3A_48, %masked_sort3A_49 = tpu.sort %parallel_loop3A_41#1, %iota3A masked %masked_sort3A_46 {descending = true} : (vector<16xf32>, vector<16xi32>, vector<16xi1>) -> (vector<16xi1>, vector<16xf32>, vector<16xi32>)
      %slice3A_50 = vector.extract_strided_slice %masked_sort3A_48 {offsets = [12], sizes = [1], strides = [1]} : vector<16xf32> to vector<1xf32>
      %squeeze3A_51 = vector.extract %slice3A_50[0] : f32 from vector<1xf32>
      %broadcast_in_dim3A_52 = vector.broadcast %squeeze3A_51 : f32 to vector<16xf32>
      %masked_sort3A_53 = arith.constant dense<true> : vector<16xi1>
      %masked_sort3A_54, %masked_sort3A_55, %masked_sort3A_56 = tpu.sort %parallel_loop3A_41#2, %iota3A masked %masked_sort3A_53 {descending = true} : (vector<16xf32>, vector<16xi32>, vector<16xi1>) -> (vector<16xi1>, vector<16xf32>, vector<16xi32>)
      %slice3A_57 = vector.extract_strided_slice %masked_sort3A_55 {offsets = [12], sizes = [1], strides = [1]} : vector<16xf32> to vector<1xf32>
      %squeeze3A_58 = vector.extract %slice3A_57[0] : f32 from vector<1xf32>
      %broadcast_in_dim3A_59 = vector.broadcast %squeeze3A_58 : f32 to vector<16xf32>
      %masked_sort3A_60 = arith.constant dense<true> : vector<16xi1>
      %masked_sort3A_61, %masked_sort3A_62, %masked_sort3A_63 = tpu.sort %parallel_loop3A_41#3, %iota3A masked %masked_sort3A_60 {descending = true} : (vector<16xf32>, vector<16xi32>, vector<16xi1>) -> (vector<16xi1>, vector<16xf32>, vector<16xi32>)
      %slice3A_64 = vector.extract_strided_slice %masked_sort3A_62 {offsets = [12], sizes = [1], strides = [1]} : vector<16xf32> to vector<1xf32>
      %squeeze3A_65 = vector.extract %slice3A_64[0] : f32 from vector<1xf32>
      %broadcast_in_dim3A_66 = vector.broadcast %squeeze3A_65 : f32 to vector<16xf32>
      %masked_sort3A_67 = arith.constant dense<true> : vector<16xi1>
      %masked_sort3A_68, %masked_sort3A_69, %masked_sort3A_70 = tpu.sort %parallel_loop3A_41#4, %iota3A masked %masked_sort3A_67 {descending = true} : (vector<16xf32>, vector<16xi32>, vector<16xi1>) -> (vector<16xi1>, vector<16xf32>, vector<16xi32>)
      %slice3A_71 = vector.extract_strided_slice %masked_sort3A_69 {offsets = [12], sizes = [1], strides = [1]} : vector<16xf32> to vector<1xf32>
      %squeeze3A_72 = vector.extract %slice3A_71[0] : f32 from vector<1xf32>
      %broadcast_in_dim3A_73 = vector.broadcast %squeeze3A_72 : f32 to vector<16xf32>
      %masked_sort3A_74 = arith.constant dense<true> : vector<16xi1>
      %masked_sort3A_75, %masked_sort3A_76, %masked_sort3A_77 = tpu.sort %parallel_loop3A_41#5, %iota3A masked %masked_sort3A_74 {descending = true} : (vector<16xf32>, vector<16xi32>, vector<16xi1>) -> (vector<16xi1>, vector<16xf32>, vector<16xi32>)
      %slice3A_78 = vector.extract_strided_slice %masked_sort3A_76 {offsets = [12], sizes = [1], strides = [1]} : vector<16xf32> to vector<1xf32>
      %squeeze3A_79 = vector.extract %slice3A_78[0] : f32 from vector<1xf32>
      %broadcast_in_dim3A_80 = vector.broadcast %squeeze3A_79 : f32 to vector<16xf32>
      %masked_sort3A_81 = arith.constant dense<true> : vector<16xi1>
      %masked_sort3A_82, %masked_sort3A_83, %masked_sort3A_84 = tpu.sort %parallel_loop3A_41#6, %iota3A masked %masked_sort3A_81 {descending = true} : (vector<16xf32>, vector<16xi32>, vector<16xi1>) -> (vector<16xi1>, vector<16xf32>, vector<16xi32>)
      %slice3A_85 = vector.extract_strided_slice %masked_sort3A_83 {offsets = [12], sizes = [1], strides = [1]} : vector<16xf32> to vector<1xf32>
      %squeeze3A_86 = vector.extract %slice3A_85[0] : f32 from vector<1xf32>
      %broadcast_in_dim3A_87 = vector.broadcast %squeeze3A_86 : f32 to vector<16xf32>
      %masked_sort3A_88 = arith.constant dense<true> : vector<16xi1>
      %masked_sort3A_89, %masked_sort3A_90, %masked_sort3A_91 = tpu.sort %parallel_loop3A_41#7, %iota3A masked %masked_sort3A_88 {descending = true} : (vector<16xf32>, vector<16xi32>, vector<16xi1>) -> (vector<16xi1>, vector<16xf32>, vector<16xi32>)
      %slice3A_92 = vector.extract_strided_slice %masked_sort3A_90 {offsets = [12], sizes = [1], strides = [1]} : vector<16xf32> to vector<1xf32>
      %squeeze3A_93 = vector.extract %slice3A_92[0] : f32 from vector<1xf32>
      %broadcast_in_dim3A_94 = vector.broadcast %squeeze3A_93 : f32 to vector<16xf32>
      %broadcast_in_dim3A_95 = arith.constant 1023 : i32
      %broadcast_in_dim3A_96 = vector.broadcast %broadcast_in_dim3A_95 : i32 to vector<16xi32>
      %broadcast_in_dim3A_97 = arith.constant 2047 : i32
      %broadcast_in_dim3A_98 = vector.broadcast %broadcast_in_dim3A_97 : i32 to vector<16xi32>
      %broadcast_in_dim3A_99 = arith.constant 3071 : i32
      %broadcast_in_dim3A_100 = vector.broadcast %broadcast_in_dim3A_99 : i32 to vector<16xi32>
      %broadcast_in_dim3A_101 = arith.constant 4095 : i32
      %broadcast_in_dim3A_102 = vector.broadcast %broadcast_in_dim3A_101 : i32 to vector<16xi32>
      %broadcast_in_dim3A_103 = arith.constant 5119 : i32
      %broadcast_in_dim3A_104 = vector.broadcast %broadcast_in_dim3A_103 : i32 to vector<16xi32>
      %broadcast_in_dim3A_105 = arith.constant 6143 : i32
      %broadcast_in_dim3A_106 = vector.broadcast %broadcast_in_dim3A_105 : i32 to vector<16xi32>
      %broadcast_in_dim3A_107 = arith.constant 7167 : i32
      %broadcast_in_dim3A_108 = vector.broadcast %broadcast_in_dim3A_107 : i32 to vector<16xi32>
      %broadcast_in_dim3A_109 = arith.constant 8191 : i32
      %broadcast_in_dim3A_110 = vector.broadcast %broadcast_in_dim3A_109 : i32 to vector<16xi32>
      %broadcast_in_dim3A_111 = arith.constant 0 : i32
      %broadcast_in_dim3A_112 = vector.broadcast %broadcast_in_dim3A_111 : i32 to vector<16xi32>
      %broadcast_in_dim3A_113 = arith.constant 1024 : i32
      %broadcast_in_dim3A_114 = vector.broadcast %broadcast_in_dim3A_113 : i32 to vector<16xi32>
      %broadcast_in_dim3A_115 = arith.constant 2048 : i32
      %broadcast_in_dim3A_116 = vector.broadcast %broadcast_in_dim3A_115 : i32 to vector<16xi32>
      %broadcast_in_dim3A_117 = arith.constant 3072 : i32
      %broadcast_in_dim3A_118 = vector.broadcast %broadcast_in_dim3A_117 : i32 to vector<16xi32>
      %broadcast_in_dim3A_119 = arith.constant 4096 : i32
      %broadcast_in_dim3A_120 = vector.broadcast %broadcast_in_dim3A_119 : i32 to vector<16xi32>
      %broadcast_in_dim3A_121 = arith.constant 5120 : i32
      %broadcast_in_dim3A_122 = vector.broadcast %broadcast_in_dim3A_121 : i32 to vector<16xi32>
      %broadcast_in_dim3A_123 = arith.constant 6144 : i32
      %broadcast_in_dim3A_124 = vector.broadcast %broadcast_in_dim3A_123 : i32 to vector<16xi32>
      %broadcast_in_dim3A_125 = arith.constant 7168 : i32
      %broadcast_in_dim3A_126 = vector.broadcast %broadcast_in_dim3A_125 : i32 to vector<16xi32>
      %parallel_loop3A_127 = arith.constant 0 : i32
      %parallel_loop3A_128 = arith.constant 525 : i32
      %parallel_loop3A_129 = arith.constant 1 : i32
      %parallel_loop3A_130:8 = scf.for %parallel_loop3A_344 = %parallel_loop3A_127 to %parallel_loop3A_128 step %parallel_loop3A_129 iter_args(%parallel_loop3A_345 = %broadcast_in_dim3A_112, %parallel_loop3A_346 = %broadcast_in_dim3A_114, %parallel_loop3A_347 = %broadcast_in_dim3A_116, %parallel_loop3A_348 = %broadcast_in_dim3A_118, %parallel_loop3A_349 = %broadcast_in_dim3A_120, %parallel_loop3A_350 = %broadcast_in_dim3A_122, %parallel_loop3A_351 = %broadcast_in_dim3A_124, %parallel_loop3A_352 = %broadcast_in_dim3A_126) -> (vector<16xi32>, vector<16xi32>, vector<16xi32>, vector<16xi32>, vector<16xi32>, vector<16xi32>, vector<16xi32>, vector<16xi32>)  : i32 {
        %parallel_loop3A_353 = arith.constant 16 : i32
        %parallel_loop3A_354 = arith.muli %parallel_loop3A_344, %parallel_loop3A_353 : i32
        %parallel_loop3A_355 = arith.constant 16 : i32
        %parallel_loop3A_356 = arith.muli %parallel_loop3A_344, %parallel_loop3A_355 : i32
        %parallel_loop3A_357 = vector.broadcast %parallel_loop3A_356 : i32 to vector<16xi32>
        %parallel_loop3A_358 = arith.addi %iota3A, %parallel_loop3A_357 : vector<16xi32>
        %parallel_loop3A_359 = arith.constant 0 : i32
        %parallel_loop3A_360 = arith.index_cast %parallel_loop3A_359 : i32 to index
        %parallel_loop3A_361 = arith.index_cast %parallel_loop3A_354 : i32 to index
        %parallel_loop3A_362 = tpu.vector_load %arg4[%parallel_loop3A_360, %parallel_loop3A_361] {strides = array<i32>} : memref<8x8400xf32, #tpu.memory_space<vmem>>, vector<16xf32>,
        %parallel_loop3A_363 = arith.cmpf oge, %parallel_loop3A_362, %broadcast_in_dim3A_45 : vector<16xf32>
        %parallel_loop3A_364 = arith.extui %parallel_loop3A_363 : vector<16xi1> to vector<16xi32>
        %parallel_loop3A_365 = arith.constant true
        %parallel_loop3A_366 = vector.broadcast %parallel_loop3A_365 : i1 to vector<16xi1>
        %parallel_loop3A_367 = tpu.scan <sum>, %parallel_loop3A_364 masked %parallel_loop3A_366 : vector<16xi32>, vector<16xi1> -> vector<16xi32>
        %parallel_loop3A_368 = arith.subi %parallel_loop3A_367, %parallel_loop3A_364 : vector<16xi32>
        %parallel_loop3A_369 = arith.addi %parallel_loop3A_345, %parallel_loop3A_368 : vector<16xi32>
        %parallel_loop3A_370 = arith.minsi %parallel_loop3A_369, %broadcast_in_dim3A_96 : vector<16xi32>
        tpu.vector_store_idx %arg5[%parallel_loop3A_370], %parallel_loop3A_358 masked %parallel_loop3A_363 : memref<8192xi32, #tpu.memory_space<vmem>>[vector<16xi32>], vector<16xi32>, vector<16xi1>
        %parallel_loop3A_371 = tpu.all_reduce %parallel_loop3A_363 {dim = 0 : i64, kind = #tpu.reduction_kind<sum>} : vector<16xi1> -> vector<16xi32>
        %parallel_loop3A_372 = arith.addi %parallel_loop3A_345, %parallel_loop3A_371 : vector<16xi32>
        %parallel_loop3A_373 = arith.constant 1 : i32
        %parallel_loop3A_374 = arith.index_cast %parallel_loop3A_373 : i32 to index
        %parallel_loop3A_375 = arith.index_cast %parallel_loop3A_354 : i32 to index
        %parallel_loop3A_376 = tpu.vector_load %arg4[%parallel_loop3A_374, %parallel_loop3A_375] {strides = array<i32>} : memref<8x8400xf32, #tpu.memory_space<vmem>>, vector<16xf32>,
        %parallel_loop3A_377 = arith.cmpf oge, %parallel_loop3A_376, %broadcast_in_dim3A_52 : vector<16xf32>
        %parallel_loop3A_378 = arith.extui %parallel_loop3A_377 : vector<16xi1> to vector<16xi32>
        %parallel_loop3A_379 = arith.constant true
        %parallel_loop3A_380 = vector.broadcast %parallel_loop3A_379 : i1 to vector<16xi1>
        %parallel_loop3A_381 = tpu.scan <sum>, %parallel_loop3A_378 masked %parallel_loop3A_380 : vector<16xi32>, vector<16xi1> -> vector<16xi32>
        %parallel_loop3A_382 = arith.subi %parallel_loop3A_381, %parallel_loop3A_378 : vector<16xi32>
        %parallel_loop3A_383 = arith.addi %parallel_loop3A_346, %parallel_loop3A_382 : vector<16xi32>
        %parallel_loop3A_384 = arith.minsi %parallel_loop3A_383, %broadcast_in_dim3A_98 : vector<16xi32>
        tpu.vector_store_idx %arg5[%parallel_loop3A_384], %parallel_loop3A_358 masked %parallel_loop3A_377 : memref<8192xi32, #tpu.memory_space<vmem>>[vector<16xi32>], vector<16xi32>, vector<16xi1>
        %parallel_loop3A_385 = tpu.all_reduce %parallel_loop3A_377 {dim = 0 : i64, kind = #tpu.reduction_kind<sum>} : vector<16xi1> -> vector<16xi32>
        %parallel_loop3A_386 = arith.addi %parallel_loop3A_346, %parallel_loop3A_385 : vector<16xi32>
        %parallel_loop3A_387 = arith.constant 2 : i32
        %parallel_loop3A_388 = arith.index_cast %parallel_loop3A_387 : i32 to index
        %parallel_loop3A_389 = arith.index_cast %parallel_loop3A_354 : i32 to index
        %parallel_loop3A_390 = tpu.vector_load %arg4[%parallel_loop3A_388, %parallel_loop3A_389] {strides = array<i32>} : memref<8x8400xf32, #tpu.memory_space<vmem>>, vector<16xf32>,
        %parallel_loop3A_391 = arith.cmpf oge, %parallel_loop3A_390, %broadcast_in_dim3A_59 : vector<16xf32>
        %parallel_loop3A_392 = arith.extui %parallel_loop3A_391 : vector<16xi1> to vector<16xi32>
        %parallel_loop3A_393 = arith.constant true
        %parallel_loop3A_394 = vector.broadcast %parallel_loop3A_393 : i1 to vector<16xi1>
        %parallel_loop3A_395 = tpu.scan <sum>, %parallel_loop3A_392 masked %parallel_loop3A_394 : vector<16xi32>, vector<16xi1> -> vector<16xi32>
        %parallel_loop3A_396 = arith.subi %parallel_loop3A_395, %parallel_loop3A_392 : vector<16xi32>
        %parallel_loop3A_397 = arith.addi %parallel_loop3A_347, %parallel_loop3A_396 : vector<16xi32>
        %parallel_loop3A_398 = arith.minsi %parallel_loop3A_397, %broadcast_in_dim3A_100 : vector<16xi32>
        tpu.vector_store_idx %arg5[%parallel_loop3A_398], %parallel_loop3A_358 masked %parallel_loop3A_391 : memref<8192xi32, #tpu.memory_space<vmem>>[vector<16xi32>], vector<16xi32>, vector<16xi1>
        %parallel_loop3A_399 = tpu.all_reduce %parallel_loop3A_391 {dim = 0 : i64, kind = #tpu.reduction_kind<sum>} : vector<16xi1> -> vector<16xi32>
        %parallel_loop3A_400 = arith.addi %parallel_loop3A_347, %parallel_loop3A_399 : vector<16xi32>
        %parallel_loop3A_401 = arith.constant 3 : i32
        %parallel_loop3A_402 = arith.index_cast %parallel_loop3A_401 : i32 to index
        %parallel_loop3A_403 = arith.index_cast %parallel_loop3A_354 : i32 to index
        %parallel_loop3A_404 = tpu.vector_load %arg4[%parallel_loop3A_402, %parallel_loop3A_403] {strides = array<i32>} : memref<8x8400xf32, #tpu.memory_space<vmem>>, vector<16xf32>,
        %parallel_loop3A_405 = arith.cmpf oge, %parallel_loop3A_404, %broadcast_in_dim3A_66 : vector<16xf32>
        %parallel_loop3A_406 = arith.extui %parallel_loop3A_405 : vector<16xi1> to vector<16xi32>
        %parallel_loop3A_407 = arith.constant true
        %parallel_loop3A_408 = vector.broadcast %parallel_loop3A_407 : i1 to vector<16xi1>
        %parallel_loop3A_409 = tpu.scan <sum>, %parallel_loop3A_406 masked %parallel_loop3A_408 : vector<16xi32>, vector<16xi1> -> vector<16xi32>
        %parallel_loop3A_410 = arith.subi %parallel_loop3A_409, %parallel_loop3A_406 : vector<16xi32>
        %parallel_loop3A_411 = arith.addi %parallel_loop3A_348, %parallel_loop3A_410 : vector<16xi32>
        %parallel_loop3A_412 = arith.minsi %parallel_loop3A_411, %broadcast_in_dim3A_102 : vector<16xi32>
        tpu.vector_store_idx %arg5[%parallel_loop3A_412], %parallel_loop3A_358 masked %parallel_loop3A_405 : memref<8192xi32, #tpu.memory_space<vmem>>[vector<16xi32>], vector<16xi32>, vector<16xi1>
        %parallel_loop3A_413 = tpu.all_reduce %parallel_loop3A_405 {dim = 0 : i64, kind = #tpu.reduction_kind<sum>} : vector<16xi1> -> vector<16xi32>
        %parallel_loop3A_414 = arith.addi %parallel_loop3A_348, %parallel_loop3A_413 : vector<16xi32>
        %parallel_loop3A_415 = arith.constant 4 : i32
        %parallel_loop3A_416 = arith.index_cast %parallel_loop3A_415 : i32 to index
        %parallel_loop3A_417 = arith.index_cast %parallel_loop3A_354 : i32 to index
        %parallel_loop3A_418 = tpu.vector_load %arg4[%parallel_loop3A_416, %parallel_loop3A_417] {strides = array<i32>} : memref<8x8400xf32, #tpu.memory_space<vmem>>, vector<16xf32>,
        %parallel_loop3A_419 = arith.cmpf oge, %parallel_loop3A_418, %broadcast_in_dim3A_73 : vector<16xf32>
        %parallel_loop3A_420 = arith.extui %parallel_loop3A_419 : vector<16xi1> to vector<16xi32>
        %parallel_loop3A_421 = arith.constant true
        %parallel_loop3A_422 = vector.broadcast %parallel_loop3A_421 : i1 to vector<16xi1>
        %parallel_loop3A_423 = tpu.scan <sum>, %parallel_loop3A_420 masked %parallel_loop3A_422 : vector<16xi32>, vector<16xi1> -> vector<16xi32>
        %parallel_loop3A_424 = arith.subi %parallel_loop3A_423, %parallel_loop3A_420 : vector<16xi32>
        %parallel_loop3A_425 = arith.addi %parallel_loop3A_349, %parallel_loop3A_424 : vector<16xi32>
        %parallel_loop3A_426 = arith.minsi %parallel_loop3A_425, %broadcast_in_dim3A_104 : vector<16xi32>
        tpu.vector_store_idx %arg5[%parallel_loop3A_426], %parallel_loop3A_358 masked %parallel_loop3A_419 : memref<8192xi32, #tpu.memory_space<vmem>>[vector<16xi32>], vector<16xi32>, vector<16xi1>
        %parallel_loop3A_427 = tpu.all_reduce %parallel_loop3A_419 {dim = 0 : i64, kind = #tpu.reduction_kind<sum>} : vector<16xi1> -> vector<16xi32>
        %parallel_loop3A_428 = arith.addi %parallel_loop3A_349, %parallel_loop3A_427 : vector<16xi32>
        %parallel_loop3A_429 = arith.constant 5 : i32
        %parallel_loop3A_430 = arith.index_cast %parallel_loop3A_429 : i32 to index
        %parallel_loop3A_431 = arith.index_cast %parallel_loop3A_354 : i32 to index
        %parallel_loop3A_432 = tpu.vector_load %arg4[%parallel_loop3A_430, %parallel_loop3A_431] {strides = array<i32>} : memref<8x8400xf32, #tpu.memory_space<vmem>>, vector<16xf32>,
        %parallel_loop3A_433 = arith.cmpf oge, %parallel_loop3A_432, %broadcast_in_dim3A_80 : vector<16xf32>
        %parallel_loop3A_434 = arith.extui %parallel_loop3A_433 : vector<16xi1> to vector<16xi32>
        %parallel_loop3A_435 = arith.constant true
        %parallel_loop3A_436 = vector.broadcast %parallel_loop3A_435 : i1 to vector<16xi1>
        %parallel_loop3A_437 = tpu.scan <sum>, %parallel_loop3A_434 masked %parallel_loop3A_436 : vector<16xi32>, vector<16xi1> -> vector<16xi32>
        %parallel_loop3A_438 = arith.subi %parallel_loop3A_437, %parallel_loop3A_434 : vector<16xi32>
        %parallel_loop3A_439 = arith.addi %parallel_loop3A_350, %parallel_loop3A_438 : vector<16xi32>
        %parallel_loop3A_440 = arith.minsi %parallel_loop3A_439, %broadcast_in_dim3A_106 : vector<16xi32>
        tpu.vector_store_idx %arg5[%parallel_loop3A_440], %parallel_loop3A_358 masked %parallel_loop3A_433 : memref<8192xi32, #tpu.memory_space<vmem>>[vector<16xi32>], vector<16xi32>, vector<16xi1>
        %parallel_loop3A_441 = tpu.all_reduce %parallel_loop3A_433 {dim = 0 : i64, kind = #tpu.reduction_kind<sum>} : vector<16xi1> -> vector<16xi32>
        %parallel_loop3A_442 = arith.addi %parallel_loop3A_350, %parallel_loop3A_441 : vector<16xi32>
        %parallel_loop3A_443 = arith.constant 6 : i32
        %parallel_loop3A_444 = arith.index_cast %parallel_loop3A_443 : i32 to index
        %parallel_loop3A_445 = arith.index_cast %parallel_loop3A_354 : i32 to index
        %parallel_loop3A_446 = tpu.vector_load %arg4[%parallel_loop3A_444, %parallel_loop3A_445] {strides = array<i32>} : memref<8x8400xf32, #tpu.memory_space<vmem>>, vector<16xf32>,
        %parallel_loop3A_447 = arith.cmpf oge, %parallel_loop3A_446, %broadcast_in_dim3A_87 : vector<16xf32>
        %parallel_loop3A_448 = arith.extui %parallel_loop3A_447 : vector<16xi1> to vector<16xi32>
        %parallel_loop3A_449 = arith.constant true
        %parallel_loop3A_450 = vector.broadcast %parallel_loop3A_449 : i1 to vector<16xi1>
        %parallel_loop3A_451 = tpu.scan <sum>, %parallel_loop3A_448 masked %parallel_loop3A_450 : vector<16xi32>, vector<16xi1> -> vector<16xi32>
        %parallel_loop3A_452 = arith.subi %parallel_loop3A_451, %parallel_loop3A_448 : vector<16xi32>
        %parallel_loop3A_453 = arith.addi %parallel_loop3A_351, %parallel_loop3A_452 : vector<16xi32>
        %parallel_loop3A_454 = arith.minsi %parallel_loop3A_453, %broadcast_in_dim3A_108 : vector<16xi32>
        tpu.vector_store_idx %arg5[%parallel_loop3A_454], %parallel_loop3A_358 masked %parallel_loop3A_447 : memref<8192xi32, #tpu.memory_space<vmem>>[vector<16xi32>], vector<16xi32>, vector<16xi1>
        %parallel_loop3A_455 = tpu.all_reduce %parallel_loop3A_447 {dim = 0 : i64, kind = #tpu.reduction_kind<sum>} : vector<16xi1> -> vector<16xi32>
        %parallel_loop3A_456 = arith.addi %parallel_loop3A_351, %parallel_loop3A_455 : vector<16xi32>
        %parallel_loop3A_457 = arith.constant 7 : i32
        %parallel_loop3A_458 = arith.index_cast %parallel_loop3A_457 : i32 to index
        %parallel_loop3A_459 = arith.index_cast %parallel_loop3A_354 : i32 to index
        %parallel_loop3A_460 = tpu.vector_load %arg4[%parallel_loop3A_458, %parallel_loop3A_459] {strides = array<i32>} : memref<8x8400xf32, #tpu.memory_space<vmem>>, vector<16xf32>,
        %parallel_loop3A_461 = arith.cmpf oge, %parallel_loop3A_460, %broadcast_in_dim3A_94 : vector<16xf32>
        %parallel_loop3A_462 = arith.extui %parallel_loop3A_461 : vector<16xi1> to vector<16xi32>
        %parallel_loop3A_463 = arith.constant true
        %parallel_loop3A_464 = vector.broadcast %parallel_loop3A_463 : i1 to vector<16xi1>
        %parallel_loop3A_465 = tpu.scan <sum>, %parallel_loop3A_462 masked %parallel_loop3A_464 : vector<16xi32>, vector<16xi1> -> vector<16xi32>
        %parallel_loop3A_466 = arith.subi %parallel_loop3A_465, %parallel_loop3A_462 : vector<16xi32>
        %parallel_loop3A_467 = arith.addi %parallel_loop3A_352, %parallel_loop3A_466 : vector<16xi32>
        %parallel_loop3A_468 = arith.minsi %parallel_loop3A_467, %broadcast_in_dim3A_110 : vector<16xi32>
        tpu.vector_store_idx %arg5[%parallel_loop3A_468], %parallel_loop3A_358 masked %parallel_loop3A_461 : memref<8192xi32, #tpu.memory_space<vmem>>[vector<16xi32>], vector<16xi32>, vector<16xi1>
        %parallel_loop3A_469 = tpu.all_reduce %parallel_loop3A_461 {dim = 0 : i64, kind = #tpu.reduction_kind<sum>} : vector<16xi1> -> vector<16xi32>
        %parallel_loop3A_470 = arith.addi %parallel_loop3A_352, %parallel_loop3A_469 : vector<16xi32>
        scf.yield %parallel_loop3A_372, %parallel_loop3A_386, %parallel_loop3A_400, %parallel_loop3A_414, %parallel_loop3A_428, %parallel_loop3A_442, %parallel_loop3A_456, %parallel_loop3A_470 : vector<16xi32>, vector<16xi32>, vector<16xi32>, vector<16xi32>, vector<16xi32>, vector<16xi32>, vector<16xi32>, vector<16xi32>
      } {sc.loop_unroll_factor = 2 : i64, sc.parallel_access}
      %broadcast_in_dim3A_131 = arith.constant -1 : i32
      %broadcast_in_dim3A_132 = vector.broadcast %broadcast_in_dim3A_131 : i32 to vector<16xi32>
      %swap3A = arith.constant 0 : index
      %swap3A_133 = tpu.vector_load %arg6[%swap3A] {strides = array<i32>} : memref<128xi32, #tpu.memory_space<vmem>>, vector<16xi32>,
      tpu.vector_store %arg6[%swap3A], %broadcast_in_dim3A_132 {strides = array<i32>} : memref<128xi32, #tpu.memory_space<vmem>>, vector<16xi32>,
      %slice3A_134 = vector.extract_strided_slice %parallel_loop3A_130#0 {offsets = [0], sizes = [1], strides = [1]} : vector<16xi32> to vector<1xi32>
      %squeeze3A_135 = vector.extract %slice3A_134[0] : i32 from vector<1xi32>
      %sub3A = arith.constant 0 : i32
      %sub3A_136 = arith.subi %squeeze3A_135, %sub3A : i32
      %broadcast_in_dim3A_137 = vector.broadcast %sub3A_136 : i32 to vector<16xi32>
      %le3A = arith.constant 1008 : i32
      %le3A_138 = arith.cmpi sle, %sub3A_136, %le3A : i32
      %convert_element_type3A = arith.extui %le3A_138 : i1 to i32
      %cond3A = arith.constant 0 : i32
      %cond3A_139 = arith.cmpi ne, %convert_element_type3A, %cond3A : i32
      scf.if %cond3A_139 {
        %add3A_344 = arith.constant 0 : i32
        %add3A_345 = arith.addi %add3A_344, %sub3A_136 : i32
        %swap3A_346 = arith.index_cast %add3A_345 : i32 to index
        %swap3A_347 = tpu.vector_load %arg5[%swap3A_346] {strides = array<i32>} : memref<8192xi32, #tpu.memory_space<vmem>>, vector<16xi32>,
        tpu.vector_store %arg5[%swap3A_346], %broadcast_in_dim3A_5 {strides = array<i32>} : memref<8192xi32, #tpu.memory_space<vmem>>, vector<16xi32>,
        %add3A_348 = arith.constant 15 : i32
        %add3A_349 = arith.addi %sub3A_136, %add3A_348 : i32
        %jit3A = arith.constant 16 : i32
        %div3A = arith.divsi %add3A_349, %jit3A : i32
        %sign3A = arith.constant 0 : i32
        %sign3A_350 = arith.cmpi sgt, %add3A_349, %sign3A : i32
        %sign3A_351 = arith.extui %sign3A_350 : i1 to i32
        %sign3A_352 = arith.constant 0 : i32
        %sign3A_353 = arith.cmpi slt, %add3A_349, %sign3A_352 : i32
        %sign3A_354 = arith.extui %sign3A_353 : i1 to i32
        %sign3A_355 = arith.subi %sign3A_351, %sign3A_354 : i32
        %sign3A_356 = arith.constant 0 : i32
        %sign3A_357 = arith.cmpi sgt, %jit3A, %sign3A_356 : i32
        %sign3A_358 = arith.extui %sign3A_357 : i1 to i32
        %sign3A_359 = arith.constant 0 : i32
        %sign3A_360 = arith.cmpi slt, %jit3A, %sign3A_359 : i32
        %sign3A_361 = arith.extui %sign3A_360 : i1 to i32
        %sign3A_362 = arith.subi %sign3A_358, %sign3A_361 : i32
        %ne3A = arith.cmpi ne, %sign3A_355, %sign3A_362 : i32
        %rem3A = arith.remsi %add3A_349, %jit3A : i32
        %ne3A_363 = arith.constant 0 : i32
        %ne3A_364 = arith.cmpi ne, %rem3A, %ne3A_363 : i32
        %and3A = arith.andi %ne3A, %ne3A_364 : i1
        %sub3A_365 = arith.constant 1 : i32
        %sub3A_366 = arith.subi %div3A, %sub3A_365 : i32
        %select_n3A = arith.select %and3A, %sub3A_366, %div3A : i32
        %broadcast_in_dim3A_367 = arith.constant -3.000000e+38 : f32
        %broadcast_in_dim3A_368 = vector.broadcast %broadcast_in_dim3A_367 : f32 to vector<16xf32>
        %while3A = arith.constant 0 : i32
        %while3A_369 = arith.subi %select_n3A, %while3A : i32
        %while3A_370 = arith.addi %while3A, %while3A_369 : i32
        %while3A_371 = arith.constant 1 : i32
        %while3A_372 = arith.divsi %while3A_369, %while3A_371 : i32
        %while3A_373 = arith.muli %while3A_372, %while3A_371 : i32
        %while3A_374 = arith.addi %while3A, %while3A_373 : i32
        %while3A_375 = arith.constant 1 : i32
        %while3A_376 = scf.for %while3A_394 = %while3A to %while3A_374 step %while3A_375 iter_args(%while3A_395 = %broadcast_in_dim3A_368) -> (vector<16xf32>)  : i32 {
          %mul3A_396 = arith.constant 16 : i32
          %mul3A_397 = arith.muli %while3A_394, %mul3A_396 : i32
          %add3A_398 = arith.constant 0 : i32
          %add3A_399 = arith.addi %add3A_398, %mul3A_397 : i32
          %get3A_400 = arith.index_cast %add3A_399 : i32 to index
          %get3A_401 = tpu.vector_load %arg5[%get3A_400] {strides = array<i32>} : memref<8192xi32, #tpu.memory_space<vmem>>, vector<16xi32>,
          %broadcast_in_dim3A_402 = arith.constant 0 : i32
          %broadcast_in_dim3A_403 = vector.broadcast %broadcast_in_dim3A_402 : i32 to vector<16xi32>
          %gather3A = tpu.vector_load_idx %arg4[%broadcast_in_dim3A_403, %get3A_401] : memref<8x8400xf32, #tpu.memory_space<vmem>>[vector<16xi32>, vector<16xi32>], vector<16xf32>,
          %mul3A_404 = arith.constant 16 : i32
          %mul3A_405 = arith.muli %while3A_394, %mul3A_404 : i32
          %add3A_406 = vector.broadcast %mul3A_405 : i32 to vector<16xi32>
          %add3A_407 = arith.addi %iota3A, %add3A_406 : vector<16xi32>
          %lt3A = arith.cmpi slt, %add3A_407, %broadcast_in_dim3A_137 : vector<16xi32>
          %jit3A_408 = arith.constant -1.000000e+00 : f32
          %broadcast_in_dim3A_409 = vector.broadcast %jit3A_408 : f32 to vector<16xf32>
          %select_n3A_410 = arith.select %lt3A, %gather3A, %broadcast_in_dim3A_409 : vector<16xi1>, vector<16xf32>
          %masked_sort3A_411 = arith.constant dense<true> : vector<16xi1>
          %masked_sort3A_412, %masked_sort3A_413, %masked_sort3A_414 = tpu.sort %select_n3A_410, %get3A_401 masked %masked_sort3A_411 : (vector<16xf32>, vector<16xi32>, vector<16xi1>) -> (vector<16xi1>, vector<16xf32>, vector<16xi32>)
          %max3A = arith.maximumf %while3A_395, %masked_sort3A_413 : vector<16xf32>
          %masked_sort3A_415 = arith.constant dense<true> : vector<16xi1>
          %masked_sort3A_416, %masked_sort3A_417, %masked_sort3A_418 = tpu.sort %max3A, %iota3A masked %masked_sort3A_415 {descending = true} : (vector<16xf32>, vector<16xi32>, vector<16xi1>) -> (vector<16xi1>, vector<16xf32>, vector<16xi32>)
          scf.yield %masked_sort3A_417 : vector<16xf32>
        }
        %while3A_377 = arith.constant 1 : i32
        %while3A_378 = scf.for %while3A_394 = %while3A_374 to %while3A_370 step %while3A_377 iter_args(%while3A_395 = %while3A_376) -> (vector<16xf32>)  : i32 {
          %mul3A_396 = arith.constant 16 : i32
          %mul3A_397 = arith.muli %while3A_394, %mul3A_396 : i32
          %add3A_398 = arith.constant 0 : i32
          %add3A_399 = arith.addi %add3A_398, %mul3A_397 : i32
          %get3A_400 = arith.index_cast %add3A_399 : i32 to index
          %get3A_401 = tpu.vector_load %arg5[%get3A_400] {strides = array<i32>} : memref<8192xi32, #tpu.memory_space<vmem>>, vector<16xi32>,
          %broadcast_in_dim3A_402 = arith.constant 0 : i32
          %broadcast_in_dim3A_403 = vector.broadcast %broadcast_in_dim3A_402 : i32 to vector<16xi32>
          %gather3A = tpu.vector_load_idx %arg4[%broadcast_in_dim3A_403, %get3A_401] : memref<8x8400xf32, #tpu.memory_space<vmem>>[vector<16xi32>, vector<16xi32>], vector<16xf32>,
          %mul3A_404 = arith.constant 16 : i32
          %mul3A_405 = arith.muli %while3A_394, %mul3A_404 : i32
          %add3A_406 = vector.broadcast %mul3A_405 : i32 to vector<16xi32>
          %add3A_407 = arith.addi %iota3A, %add3A_406 : vector<16xi32>
          %lt3A = arith.cmpi slt, %add3A_407, %broadcast_in_dim3A_137 : vector<16xi32>
          %jit3A_408 = arith.constant -1.000000e+00 : f32
          %broadcast_in_dim3A_409 = vector.broadcast %jit3A_408 : f32 to vector<16xf32>
          %select_n3A_410 = arith.select %lt3A, %gather3A, %broadcast_in_dim3A_409 : vector<16xi1>, vector<16xf32>
          %masked_sort3A_411 = arith.constant dense<true> : vector<16xi1>
          %masked_sort3A_412, %masked_sort3A_413, %masked_sort3A_414 = tpu.sort %select_n3A_410, %get3A_401 masked %masked_sort3A_411 : (vector<16xf32>, vector<16xi32>, vector<16xi1>) -> (vector<16xi1>, vector<16xf32>, vector<16xi32>)
          %max3A = arith.maximumf %while3A_395, %masked_sort3A_413 : vector<16xf32>
          %masked_sort3A_415 = arith.constant dense<true> : vector<16xi1>
          %masked_sort3A_416, %masked_sort3A_417, %masked_sort3A_418 = tpu.sort %max3A, %iota3A masked %masked_sort3A_415 {descending = true} : (vector<16xf32>, vector<16xi32>, vector<16xi1>) -> (vector<16xi1>, vector<16xf32>, vector<16xi32>)
          scf.yield %masked_sort3A_417 : vector<16xf32>
        }
        %slice3A_379 = vector.extract_strided_slice %while3A_378 {offsets = [12], sizes = [1], strides = [1]} : vector<16xf32> to vector<1xf32>
        %squeeze3A_380 = vector.extract %slice3A_379[0] : f32 from vector<1xf32>
        %slice3A_381 = vector.extract_strided_slice %while3A_378 {offsets = [0], sizes = [1], strides = [1]} : vector<16xf32> to vector<1xf32>
        %squeeze3A_382 = vector.extract %slice3A_381[0] : f32 from vector<1xf32>
        %gt3A_383 = vector.broadcast %squeeze3A_380 : f32 to vector<16xf32>
        %gt3A_384 = arith.cmpf ogt, %while3A_378, %gt3A_383 : vector<16xf32>
        %all_reduce_population_count3A = tpu.all_reduce %gt3A_384 {dim = 0 : i64, kind = #tpu.reduction_kind<sum>} : vector<16xi1> -> vector<16xi32>
        %sub3A_385 = arith.constant 13 : i32
        %sub3A_386 = vector.broadcast %sub3A_385 : i32 to vector<16xi32>
        %sub3A_387 = arith.subi %sub3A_386, %all_reduce_population_count3A : vector<16xi32>
        %broadcast_in_dim3A_388 = vector.broadcast %squeeze3A_380 : f32 to vector<16xf32>
        %gt3A_389 = arith.constant 9.99999971E-10 : f32
        %gt3A_390 = arith.cmpf ogt, %squeeze3A_382, %gt3A_389 : f32
        %convert_element_type3A_391 = arith.extui %gt3A_390 : i1 to i32
        %cond3A_392 = arith.constant 0 : i32
        %cond3A_393 = arith.cmpi ne, %convert_element_type3A_391, %cond3A_392 : i32
        scf.if %cond3A_393 {
          %broadcast_in_dim3A_394 = arith.constant 0 : i32
          %broadcast_in_dim3A_395 = vector.broadcast %broadcast_in_dim3A_394 : i32 to vector<16xi32>
          %while3A_396 = arith.constant 0 : i32
          %while3A_397 = arith.subi %select_n3A, %while3A_396 : i32
          %while3A_398 = arith.addi %while3A_396, %while3A_397 : i32
          %while3A_399 = arith.constant 1 : i32
          %while3A_400 = arith.divsi %while3A_397, %while3A_399 : i32
          %while3A_401 = arith.muli %while3A_400, %while3A_399 : i32
          %while3A_402 = arith.addi %while3A_396, %while3A_401 : i32
          %while3A_403 = arith.constant 1 : i32
          %while3A_404:2 = scf.for %while3A_407 = %while3A_396 to %while3A_402 step %while3A_403 iter_args(%while3A_408 = %broadcast_in_dim3A_5, %while3A_409 = %broadcast_in_dim3A_395) -> (vector<16xi32>, vector<16xi32>)  : i32 {
            %mul3A_410 = arith.constant 16 : i32
            %mul3A_411 = arith.muli %while3A_407, %mul3A_410 : i32
            %add3A_412 = arith.constant 0 : i32
            %add3A_413 = arith.addi %add3A_412, %mul3A_411 : i32
            %get3A_414 = arith.index_cast %add3A_413 : i32 to index
            %get3A_415 = tpu.vector_load %arg5[%get3A_414] {strides = array<i32>} : memref<8192xi32, #tpu.memory_space<vmem>>, vector<16xi32>,
            %broadcast_in_dim3A_416 = arith.constant 0 : i32
            %broadcast_in_dim3A_417 = vector.broadcast %broadcast_in_dim3A_416 : i32 to vector<16xi32>
            %gather3A = tpu.vector_load_idx %arg4[%broadcast_in_dim3A_417, %get3A_415] : memref<8x8400xf32, #tpu.memory_space<vmem>>[vector<16xi32>, vector<16xi32>], vector<16xf32>,
            %mul3A_418 = arith.constant 16 : i32
            %mul3A_419 = arith.muli %while3A_407, %mul3A_418 : i32
            %add3A_420 = vector.broadcast %mul3A_419 : i32 to vector<16xi32>
            %add3A_421 = arith.addi %iota3A, %add3A_420 : vector<16xi32>
            %lt3A = arith.cmpi slt, %add3A_421, %broadcast_in_dim3A_137 : vector<16xi32>
            %jit3A_422 = arith.constant -1.000000e+00 : f32
            %broadcast_in_dim3A_423 = vector.broadcast %jit3A_422 : f32 to vector<16xf32>
            %select_n3A_424 = arith.select %lt3A, %gather3A, %broadcast_in_dim3A_423 : vector<16xi1>, vector<16xf32>
            %gt3A_425 = arith.cmpf ogt, %select_n3A_424, %broadcast_in_dim3A_388 : vector<16xf32>
            %eq3A = arith.cmpf oeq, %select_n3A_424, %broadcast_in_dim3A_388 : vector<16xf32>
            %convert_element_type3A_426 = arith.extui %eq3A : vector<16xi1> to vector<16xi32>
            %broadcast_in_dim3A_427 = arith.constant true
            %broadcast_in_dim3A_428 = vector.broadcast %broadcast_in_dim3A_427 : i1 to vector<16xi1>
            %masked_cumsum3A = tpu.scan <sum>, %convert_element_type3A_426 masked %broadcast_in_dim3A_428 : vector<16xi32>, vector<16xi1> -> vector<16xi32>
            %sub3A_429 = arith.subi %masked_cumsum3A, %convert_element_type3A_426 : vector<16xi32>
            %add3A_430 = arith.addi %sub3A_429, %while3A_408 : vector<16xi32>
            %lt3A_431 = arith.cmpi slt, %add3A_430, %sub3A_387 : vector<16xi32>
            %and3A_432 = arith.andi %eq3A, %lt3A_431 : vector<16xi1>
            %or3A = arith.ori %gt3A_425, %and3A_432 : vector<16xi1>
            %convert_element_type3A_433 = arith.extui %or3A : vector<16xi1> to vector<16xi32>
            %broadcast_in_dim3A_434 = arith.constant true
            %broadcast_in_dim3A_435 = vector.broadcast %broadcast_in_dim3A_434 : i1 to vector<16xi1>
            %masked_cumsum3A_436 = tpu.scan <sum>, %convert_element_type3A_433 masked %broadcast_in_dim3A_435 : vector<16xi32>, vector<16xi1> -> vector<16xi32>
            %sub3A_437 = arith.subi %masked_cumsum3A_436, %convert_element_type3A_433 : vector<16xi32>
            %add3A_438 = arith.addi %while3A_409, %sub3A_437 : vector<16xi32>
            tpu.vector_store_idx %arg6[%add3A_438], %get3A_415 masked %or3A : memref<128xi32, #tpu.memory_space<vmem>>[vector<16xi32>], vector<16xi32>, vector<16xi1>
            %all_reduce_population_count3A_439 = tpu.all_reduce %eq3A {dim = 0 : i64, kind = #tpu.reduction_kind<sum>} : vector<16xi1> -> vector<16xi32>
            %add3A_440 = arith.addi %while3A_408, %all_reduce_population_count3A_439 : vector<16xi32>
            %all_reduce_population_count3A_441 = tpu.all_reduce %or3A {dim = 0 : i64, kind = #tpu.reduction_kind<sum>} : vector<16xi1> -> vector<16xi32>
            %add3A_442 = arith.addi %while3A_409, %all_reduce_population_count3A_441 : vector<16xi32>
            scf.yield %add3A_440, %add3A_442 : vector<16xi32>, vector<16xi32>
          }
          %while3A_405 = arith.constant 1 : i32
          %while3A_406:2 = scf.for %while3A_407 = %while3A_402 to %while3A_398 step %while3A_405 iter_args(%while3A_408 = %while3A_404#0, %while3A_409 = %while3A_404#1) -> (vector<16xi32>, vector<16xi32>)  : i32 {
            %mul3A_410 = arith.constant 16 : i32
            %mul3A_411 = arith.muli %while3A_407, %mul3A_410 : i32
            %add3A_412 = arith.constant 0 : i32
            %add3A_413 = arith.addi %add3A_412, %mul3A_411 : i32
            %get3A_414 = arith.index_cast %add3A_413 : i32 to index
            %get3A_415 = tpu.vector_load %arg5[%get3A_414] {strides = array<i32>} : memref<8192xi32, #tpu.memory_space<vmem>>, vector<16xi32>,
            %broadcast_in_dim3A_416 = arith.constant 0 : i32
            %broadcast_in_dim3A_417 = vector.broadcast %broadcast_in_dim3A_416 : i32 to vector<16xi32>
            %gather3A = tpu.vector_load_idx %arg4[%broadcast_in_dim3A_417, %get3A_415] : memref<8x8400xf32, #tpu.memory_space<vmem>>[vector<16xi32>, vector<16xi32>], vector<16xf32>,
            %mul3A_418 = arith.constant 16 : i32
            %mul3A_419 = arith.muli %while3A_407, %mul3A_418 : i32
            %add3A_420 = vector.broadcast %mul3A_419 : i32 to vector<16xi32>
            %add3A_421 = arith.addi %iota3A, %add3A_420 : vector<16xi32>
            %lt3A = arith.cmpi slt, %add3A_421, %broadcast_in_dim3A_137 : vector<16xi32>
            %jit3A_422 = arith.constant -1.000000e+00 : f32
            %broadcast_in_dim3A_423 = vector.broadcast %jit3A_422 : f32 to vector<16xf32>
            %select_n3A_424 = arith.select %lt3A, %gather3A, %broadcast_in_dim3A_423 : vector<16xi1>, vector<16xf32>
            %gt3A_425 = arith.cmpf ogt, %select_n3A_424, %broadcast_in_dim3A_388 : vector<16xf32>
            %eq3A = arith.cmpf oeq, %select_n3A_424, %broadcast_in_dim3A_388 : vector<16xf32>
            %convert_element_type3A_426 = arith.extui %eq3A : vector<16xi1> to vector<16xi32>
            %broadcast_in_dim3A_427 = arith.constant true
            %broadcast_in_dim3A_428 = vector.broadcast %broadcast_in_dim3A_427 : i1 to vector<16xi1>
            %masked_cumsum3A = tpu.scan <sum>, %convert_element_type3A_426 masked %broadcast_in_dim3A_428 : vector<16xi32>, vector<16xi1> -> vector<16xi32>
            %sub3A_429 = arith.subi %masked_cumsum3A, %convert_element_type3A_426 : vector<16xi32>
            %add3A_430 = arith.addi %sub3A_429, %while3A_408 : vector<16xi32>
            %lt3A_431 = arith.cmpi slt, %add3A_430, %sub3A_387 : vector<16xi32>
            %and3A_432 = arith.andi %eq3A, %lt3A_431 : vector<16xi1>
            %or3A = arith.ori %gt3A_425, %and3A_432 : vector<16xi1>
            %convert_element_type3A_433 = arith.extui %or3A : vector<16xi1> to vector<16xi32>
            %broadcast_in_dim3A_434 = arith.constant true
            %broadcast_in_dim3A_435 = vector.broadcast %broadcast_in_dim3A_434 : i1 to vector<16xi1>
            %masked_cumsum3A_436 = tpu.scan <sum>, %convert_element_type3A_433 masked %broadcast_in_dim3A_435 : vector<16xi32>, vector<16xi1> -> vector<16xi32>
            %sub3A_437 = arith.subi %masked_cumsum3A_436, %convert_element_type3A_433 : vector<16xi32>
            %add3A_438 = arith.addi %while3A_409, %sub3A_437 : vector<16xi32>
            tpu.vector_store_idx %arg6[%add3A_438], %get3A_415 masked %or3A : memref<128xi32, #tpu.memory_space<vmem>>[vector<16xi32>], vector<16xi32>, vector<16xi1>
            %all_reduce_population_count3A_439 = tpu.all_reduce %eq3A {dim = 0 : i64, kind = #tpu.reduction_kind<sum>} : vector<16xi1> -> vector<16xi32>
            %add3A_440 = arith.addi %while3A_408, %all_reduce_population_count3A_439 : vector<16xi32>
            %all_reduce_population_count3A_441 = tpu.all_reduce %or3A {dim = 0 : i64, kind = #tpu.reduction_kind<sum>} : vector<16xi1> -> vector<16xi32>
            %add3A_442 = arith.addi %while3A_409, %all_reduce_population_count3A_441 : vector<16xi32>
            scf.yield %add3A_440, %add3A_442 : vector<16xi32>, vector<16xi32>
          }
        } else {
        }
      } else {
      }
      %gt3A = arith.constant 1008 : i32
      %gt3A_140 = arith.cmpi sgt, %sub3A_136, %gt3A : i32
      %convert_element_type3A_141 = arith.extui %gt3A_140 : i1 to i32
      %cond3A_142 = arith.constant 0 : i32
      %cond3A_143 = arith.cmpi ne, %convert_element_type3A_141, %cond3A_142 : i32
      scf.if %cond3A_143 {
        %broadcast_in_dim3A_344 = arith.constant -3.000000e+38 : f32
        %broadcast_in_dim3A_345 = vector.broadcast %broadcast_in_dim3A_344 : f32 to vector<16xf32>
        %scan3A_346 = arith.constant 0 : i32
        %scan3A_347 = arith.constant 525 : i32
        %scan3A_348 = arith.addi %scan3A_346, %scan3A_347 : i32
        %scan3A_349 = arith.constant 1 : i32
        %scan3A_350 = scf.for %scan3A_367 = %scan3A_346 to %scan3A_348 step %scan3A_349 iter_args(%scan3A_368 = %broadcast_in_dim3A_345) -> (vector<16xf32>)  : i32 {
          %mul3A_369 = arith.constant 16 : i32
          %mul3A_370 = arith.muli %scan3A_367, %mul3A_369 : i32
          %get3A_371 = arith.constant 0 : i32
          %get3A_372 = arith.index_cast %get3A_371 : i32 to index
          %get3A_373 = arith.index_cast %mul3A_370 : i32 to index
          %get3A_374 = tpu.vector_load %arg4[%get3A_372, %get3A_373] {strides = array<i32>} : memref<8x8400xf32, #tpu.memory_space<vmem>>, vector<16xf32>,
          %mul3A_375 = arith.constant 16 : i32
          %mul3A_376 = arith.muli %scan3A_367, %mul3A_375 : i32
          %add3A_377 = vector.broadcast %mul3A_376 : i32 to vector<16xi32>
          %add3A_378 = arith.addi %iota3A, %add3A_377 : vector<16xi32>
          %masked_sort3A_379 = arith.constant dense<true> : vector<16xi1>
          %masked_sort3A_380, %masked_sort3A_381, %masked_sort3A_382 = tpu.sort %get3A_374, %add3A_378 masked %masked_sort3A_379 : (vector<16xf32>, vector<16xi32>, vector<16xi1>) -> (vector<16xi1>, vector<16xf32>, vector<16xi32>)
          %max3A = arith.maximumf %scan3A_368, %masked_sort3A_381 : vector<16xf32>
          %masked_sort3A_383 = arith.constant dense<true> : vector<16xi1>
          %masked_sort3A_384, %masked_sort3A_385, %masked_sort3A_386 = tpu.sort %max3A, %iota3A masked %masked_sort3A_383 {descending = true} : (vector<16xf32>, vector<16xi32>, vector<16xi1>) -> (vector<16xi1>, vector<16xf32>, vector<16xi32>)
          scf.yield %masked_sort3A_385 : vector<16xf32>
        }
        %scan3A_351 = arith.constant 525 : i32
        %slice3A_352 = vector.extract_strided_slice %scan3A_350 {offsets = [12], sizes = [1], strides = [1]} : vector<16xf32> to vector<1xf32>
        %squeeze3A_353 = vector.extract %slice3A_352[0] : f32 from vector<1xf32>
        %slice3A_354 = vector.extract_strided_slice %scan3A_350 {offsets = [0], sizes = [1], strides = [1]} : vector<16xf32> to vector<1xf32>
        %squeeze3A_355 = vector.extract %slice3A_354[0] : f32 from vector<1xf32>
        %gt3A_356 = vector.broadcast %squeeze3A_353 : f32 to vector<16xf32>
        %gt3A_357 = arith.cmpf ogt, %scan3A_350, %gt3A_356 : vector<16xf32>
        %all_reduce_population_count3A = tpu.all_reduce %gt3A_357 {dim = 0 : i64, kind = #tpu.reduction_kind<sum>} : vector<16xi1> -> vector<16xi32>
        %sub3A_358 = arith.constant 13 : i32
        %sub3A_359 = vector.broadcast %sub3A_358 : i32 to vector<16xi32>
        %sub3A_360 = arith.subi %sub3A_359, %all_reduce_population_count3A : vector<16xi32>
        %broadcast_in_dim3A_361 = vector.broadcast %squeeze3A_353 : f32 to vector<16xf32>
        %gt3A_362 = arith.constant 9.99999971E-10 : f32
        %gt3A_363 = arith.cmpf ogt, %squeeze3A_355, %gt3A_362 : f32
        %convert_element_type3A_364 = arith.extui %gt3A_363 : i1 to i32
        %cond3A_365 = arith.constant 0 : i32
        %cond3A_366 = arith.cmpi ne, %convert_element_type3A_364, %cond3A_365 : i32
        scf.if %cond3A_366 {
          %broadcast_in_dim3A_367 = arith.constant 0 : i32
          %broadcast_in_dim3A_368 = vector.broadcast %broadcast_in_dim3A_367 : i32 to vector<16xi32>
          %scan3A_369 = arith.constant 0 : i32
          %scan3A_370 = arith.constant 525 : i32
          %scan3A_371 = arith.addi %scan3A_369, %scan3A_370 : i32
          %scan3A_372 = arith.constant 1 : i32
          %scan3A_373:2 = scf.for %scan3A_375 = %scan3A_369 to %scan3A_371 step %scan3A_372 iter_args(%scan3A_376 = %broadcast_in_dim3A_5, %scan3A_377 = %broadcast_in_dim3A_368) -> (vector<16xi32>, vector<16xi32>)  : i32 {
            %mul3A_378 = arith.constant 16 : i32
            %mul3A_379 = arith.muli %scan3A_375, %mul3A_378 : i32
            %get3A_380 = arith.constant 0 : i32
            %get3A_381 = arith.index_cast %get3A_380 : i32 to index
            %get3A_382 = arith.index_cast %mul3A_379 : i32 to index
            %get3A_383 = tpu.vector_load %arg4[%get3A_381, %get3A_382] {strides = array<i32>} : memref<8x8400xf32, #tpu.memory_space<vmem>>, vector<16xf32>,
            %mul3A_384 = arith.constant 16 : i32
            %mul3A_385 = arith.muli %scan3A_375, %mul3A_384 : i32
            %add3A_386 = vector.broadcast %mul3A_385 : i32 to vector<16xi32>
            %add3A_387 = arith.addi %iota3A, %add3A_386 : vector<16xi32>
            %gt3A_388 = arith.cmpf ogt, %get3A_383, %broadcast_in_dim3A_361 : vector<16xf32>
            %eq3A = arith.cmpf oeq, %get3A_383, %broadcast_in_dim3A_361 : vector<16xf32>
            %convert_element_type3A_389 = arith.extui %eq3A : vector<16xi1> to vector<16xi32>
            %broadcast_in_dim3A_390 = arith.constant true
            %broadcast_in_dim3A_391 = vector.broadcast %broadcast_in_dim3A_390 : i1 to vector<16xi1>
            %masked_cumsum3A = tpu.scan <sum>, %convert_element_type3A_389 masked %broadcast_in_dim3A_391 : vector<16xi32>, vector<16xi1> -> vector<16xi32>
            %sub3A_392 = arith.subi %masked_cumsum3A, %convert_element_type3A_389 : vector<16xi32>
            %add3A_393 = arith.addi %sub3A_392, %scan3A_376 : vector<16xi32>
            %lt3A = arith.cmpi slt, %add3A_393, %sub3A_360 : vector<16xi32>
            %and3A = arith.andi %eq3A, %lt3A : vector<16xi1>
            %or3A = arith.ori %gt3A_388, %and3A : vector<16xi1>
            %convert_element_type3A_394 = arith.extui %or3A : vector<16xi1> to vector<16xi32>
            %broadcast_in_dim3A_395 = arith.constant true
            %broadcast_in_dim3A_396 = vector.broadcast %broadcast_in_dim3A_395 : i1 to vector<16xi1>
            %masked_cumsum3A_397 = tpu.scan <sum>, %convert_element_type3A_394 masked %broadcast_in_dim3A_396 : vector<16xi32>, vector<16xi1> -> vector<16xi32>
            %sub3A_398 = arith.subi %masked_cumsum3A_397, %convert_element_type3A_394 : vector<16xi32>
            %add3A_399 = arith.addi %scan3A_377, %sub3A_398 : vector<16xi32>
            tpu.vector_store_idx %arg6[%add3A_399], %add3A_387 masked %or3A : memref<128xi32, #tpu.memory_space<vmem>>[vector<16xi32>], vector<16xi32>, vector<16xi1>
            %all_reduce_population_count3A_400 = tpu.all_reduce %eq3A {dim = 0 : i64, kind = #tpu.reduction_kind<sum>} : vector<16xi1> -> vector<16xi32>
            %add3A_401 = arith.addi %scan3A_376, %all_reduce_population_count3A_400 : vector<16xi32>
            %all_reduce_population_count3A_402 = tpu.all_reduce %or3A {dim = 0 : i64, kind = #tpu.reduction_kind<sum>} : vector<16xi1> -> vector<16xi32>
            %add3A_403 = arith.addi %scan3A_377, %all_reduce_population_count3A_402 : vector<16xi32>
            scf.yield %add3A_401, %add3A_403 : vector<16xi32>, vector<16xi32>
          }
          %scan3A_374 = arith.constant 525 : i32
        } else {
        }
      } else {
      }
      %broadcast_in_dim3A_144 = arith.constant -1 : i32
      %broadcast_in_dim3A_145 = vector.broadcast %broadcast_in_dim3A_144 : i32 to vector<16xi32>
      %swap3A_146 = arith.constant 16 : index
      %swap3A_147 = tpu.vector_load %arg6[%swap3A_146] {strides = array<i32>} : memref<128xi32, #tpu.memory_space<vmem>>, vector<16xi32>,
      tpu.vector_store %arg6[%swap3A_146], %broadcast_in_dim3A_145 {strides = array<i32>} : memref<128xi32, #tpu.memory_space<vmem>>, vector<16xi32>,
      %slice3A_148 = vector.extract_strided_slice %parallel_loop3A_130#1 {offsets = [0], sizes = [1], strides = [1]} : vector<16xi32> to vector<1xi32>
      %squeeze3A_149 = vector.extract %slice3A_148[0] : i32 from vector<1xi32>
      %sub3A_150 = arith.constant 1024 : i32
      %sub3A_151 = arith.subi %squeeze3A_149, %sub3A_150 : i32
      %broadcast_in_dim3A_152 = vector.broadcast %sub3A_151 : i32 to vector<16xi32>
      %le3A_153 = arith.constant 1008 : i32
      %le3A_154 = arith.cmpi sle, %sub3A_151, %le3A_153 : i32
      %convert_element_type3A_155 = arith.extui %le3A_154 : i1 to i32
      %cond3A_156 = arith.constant 0 : i32
      %cond3A_157 = arith.cmpi ne, %convert_element_type3A_155, %cond3A_156 : i32
      scf.if %cond3A_157 {
        %add3A_344 = arith.constant 1024 : i32
        %add3A_345 = arith.addi %add3A_344, %sub3A_151 : i32
        %swap3A_346 = arith.index_cast %add3A_345 : i32 to index
        %swap3A_347 = tpu.vector_load %arg5[%swap3A_346] {strides = array<i32>} : memref<8192xi32, #tpu.memory_space<vmem>>, vector<16xi32>,
        tpu.vector_store %arg5[%swap3A_346], %broadcast_in_dim3A_5 {strides = array<i32>} : memref<8192xi32, #tpu.memory_space<vmem>>, vector<16xi32>,
        %add3A_348 = arith.constant 15 : i32
        %add3A_349 = arith.addi %sub3A_151, %add3A_348 : i32
        %jit3A = arith.constant 16 : i32
        %div3A = arith.divsi %add3A_349, %jit3A : i32
        %sign3A = arith.constant 0 : i32
        %sign3A_350 = arith.cmpi sgt, %add3A_349, %sign3A : i32
        %sign3A_351 = arith.extui %sign3A_350 : i1 to i32
        %sign3A_352 = arith.constant 0 : i32
        %sign3A_353 = arith.cmpi slt, %add3A_349, %sign3A_352 : i32
        %sign3A_354 = arith.extui %sign3A_353 : i1 to i32
        %sign3A_355 = arith.subi %sign3A_351, %sign3A_354 : i32
        %sign3A_356 = arith.constant 0 : i32
        %sign3A_357 = arith.cmpi sgt, %jit3A, %sign3A_356 : i32
        %sign3A_358 = arith.extui %sign3A_357 : i1 to i32
        %sign3A_359 = arith.constant 0 : i32
        %sign3A_360 = arith.cmpi slt, %jit3A, %sign3A_359 : i32
        %sign3A_361 = arith.extui %sign3A_360 : i1 to i32
        %sign3A_362 = arith.subi %sign3A_358, %sign3A_361 : i32
        %ne3A = arith.cmpi ne, %sign3A_355, %sign3A_362 : i32
        %rem3A = arith.remsi %add3A_349, %jit3A : i32
        %ne3A_363 = arith.constant 0 : i32
        %ne3A_364 = arith.cmpi ne, %rem3A, %ne3A_363 : i32
        %and3A = arith.andi %ne3A, %ne3A_364 : i1
        %sub3A_365 = arith.constant 1 : i32
        %sub3A_366 = arith.subi %div3A, %sub3A_365 : i32
        %select_n3A = arith.select %and3A, %sub3A_366, %div3A : i32
        %broadcast_in_dim3A_367 = arith.constant -3.000000e+38 : f32
        %broadcast_in_dim3A_368 = vector.broadcast %broadcast_in_dim3A_367 : f32 to vector<16xf32>
        %while3A = arith.constant 0 : i32
        %while3A_369 = arith.subi %select_n3A, %while3A : i32
        %while3A_370 = arith.addi %while3A, %while3A_369 : i32
        %while3A_371 = arith.constant 1 : i32
        %while3A_372 = arith.divsi %while3A_369, %while3A_371 : i32
        %while3A_373 = arith.muli %while3A_372, %while3A_371 : i32
        %while3A_374 = arith.addi %while3A, %while3A_373 : i32
        %while3A_375 = arith.constant 1 : i32
        %while3A_376 = scf.for %while3A_394 = %while3A to %while3A_374 step %while3A_375 iter_args(%while3A_395 = %broadcast_in_dim3A_368) -> (vector<16xf32>)  : i32 {
          %mul3A_396 = arith.constant 16 : i32
          %mul3A_397 = arith.muli %while3A_394, %mul3A_396 : i32
          %add3A_398 = arith.constant 1024 : i32
          %add3A_399 = arith.addi %add3A_398, %mul3A_397 : i32
          %get3A_400 = arith.index_cast %add3A_399 : i32 to index
          %get3A_401 = tpu.vector_load %arg5[%get3A_400] {strides = array<i32>} : memref<8192xi32, #tpu.memory_space<vmem>>, vector<16xi32>,
          %broadcast_in_dim3A_402 = arith.constant 1 : i32
          %broadcast_in_dim3A_403 = vector.broadcast %broadcast_in_dim3A_402 : i32 to vector<16xi32>
          %gather3A = tpu.vector_load_idx %arg4[%broadcast_in_dim3A_403, %get3A_401] : memref<8x8400xf32, #tpu.memory_space<vmem>>[vector<16xi32>, vector<16xi32>], vector<16xf32>,
          %mul3A_404 = arith.constant 16 : i32
          %mul3A_405 = arith.muli %while3A_394, %mul3A_404 : i32
          %add3A_406 = vector.broadcast %mul3A_405 : i32 to vector<16xi32>
          %add3A_407 = arith.addi %iota3A, %add3A_406 : vector<16xi32>
          %lt3A = arith.cmpi slt, %add3A_407, %broadcast_in_dim3A_152 : vector<16xi32>
          %jit3A_408 = arith.constant -1.000000e+00 : f32
          %broadcast_in_dim3A_409 = vector.broadcast %jit3A_408 : f32 to vector<16xf32>
          %select_n3A_410 = arith.select %lt3A, %gather3A, %broadcast_in_dim3A_409 : vector<16xi1>, vector<16xf32>
          %masked_sort3A_411 = arith.constant dense<true> : vector<16xi1>
          %masked_sort3A_412, %masked_sort3A_413, %masked_sort3A_414 = tpu.sort %select_n3A_410, %get3A_401 masked %masked_sort3A_411 : (vector<16xf32>, vector<16xi32>, vector<16xi1>) -> (vector<16xi1>, vector<16xf32>, vector<16xi32>)
          %max3A = arith.maximumf %while3A_395, %masked_sort3A_413 : vector<16xf32>
          %masked_sort3A_415 = arith.constant dense<true> : vector<16xi1>
          %masked_sort3A_416, %masked_sort3A_417, %masked_sort3A_418 = tpu.sort %max3A, %iota3A masked %masked_sort3A_415 {descending = true} : (vector<16xf32>, vector<16xi32>, vector<16xi1>) -> (vector<16xi1>, vector<16xf32>, vector<16xi32>)
          scf.yield %masked_sort3A_417 : vector<16xf32>
        }
        %while3A_377 = arith.constant 1 : i32
        %while3A_378 = scf.for %while3A_394 = %while3A_374 to %while3A_370 step %while3A_377 iter_args(%while3A_395 = %while3A_376) -> (vector<16xf32>)  : i32 {
          %mul3A_396 = arith.constant 16 : i32
          %mul3A_397 = arith.muli %while3A_394, %mul3A_396 : i32
          %add3A_398 = arith.constant 1024 : i32
          %add3A_399 = arith.addi %add3A_398, %mul3A_397 : i32
          %get3A_400 = arith.index_cast %add3A_399 : i32 to index
          %get3A_401 = tpu.vector_load %arg5[%get3A_400] {strides = array<i32>} : memref<8192xi32, #tpu.memory_space<vmem>>, vector<16xi32>,
          %broadcast_in_dim3A_402 = arith.constant 1 : i32
          %broadcast_in_dim3A_403 = vector.broadcast %broadcast_in_dim3A_402 : i32 to vector<16xi32>
          %gather3A = tpu.vector_load_idx %arg4[%broadcast_in_dim3A_403, %get3A_401] : memref<8x8400xf32, #tpu.memory_space<vmem>>[vector<16xi32>, vector<16xi32>], vector<16xf32>,
          %mul3A_404 = arith.constant 16 : i32
          %mul3A_405 = arith.muli %while3A_394, %mul3A_404 : i32
          %add3A_406 = vector.broadcast %mul3A_405 : i32 to vector<16xi32>
          %add3A_407 = arith.addi %iota3A, %add3A_406 : vector<16xi32>
          %lt3A = arith.cmpi slt, %add3A_407, %broadcast_in_dim3A_152 : vector<16xi32>
          %jit3A_408 = arith.constant -1.000000e+00 : f32
          %broadcast_in_dim3A_409 = vector.broadcast %jit3A_408 : f32 to vector<16xf32>
          %select_n3A_410 = arith.select %lt3A, %gather3A, %broadcast_in_dim3A_409 : vector<16xi1>, vector<16xf32>
          %masked_sort3A_411 = arith.constant dense<true> : vector<16xi1>
          %masked_sort3A_412, %masked_sort3A_413, %masked_sort3A_414 = tpu.sort %select_n3A_410, %get3A_401 masked %masked_sort3A_411 : (vector<16xf32>, vector<16xi32>, vector<16xi1>) -> (vector<16xi1>, vector<16xf32>, vector<16xi32>)
          %max3A = arith.maximumf %while3A_395, %masked_sort3A_413 : vector<16xf32>
          %masked_sort3A_415 = arith.constant dense<true> : vector<16xi1>
          %masked_sort3A_416, %masked_sort3A_417, %masked_sort3A_418 = tpu.sort %max3A, %iota3A masked %masked_sort3A_415 {descending = true} : (vector<16xf32>, vector<16xi32>, vector<16xi1>) -> (vector<16xi1>, vector<16xf32>, vector<16xi32>)
          scf.yield %masked_sort3A_417 : vector<16xf32>
        }
        %slice3A_379 = vector.extract_strided_slice %while3A_378 {offsets = [12], sizes = [1], strides = [1]} : vector<16xf32> to vector<1xf32>
        %squeeze3A_380 = vector.extract %slice3A_379[0] : f32 from vector<1xf32>
        %slice3A_381 = vector.extract_strided_slice %while3A_378 {offsets = [0], sizes = [1], strides = [1]} : vector<16xf32> to vector<1xf32>
        %squeeze3A_382 = vector.extract %slice3A_381[0] : f32 from vector<1xf32>
        %gt3A_383 = vector.broadcast %squeeze3A_380 : f32 to vector<16xf32>
        %gt3A_384 = arith.cmpf ogt, %while3A_378, %gt3A_383 : vector<16xf32>
        %all_reduce_population_count3A = tpu.all_reduce %gt3A_384 {dim = 0 : i64, kind = #tpu.reduction_kind<sum>} : vector<16xi1> -> vector<16xi32>
        %sub3A_385 = arith.constant 13 : i32
        %sub3A_386 = vector.broadcast %sub3A_385 : i32 to vector<16xi32>
        %sub3A_387 = arith.subi %sub3A_386, %all_reduce_population_count3A : vector<16xi32>
        %broadcast_in_dim3A_388 = vector.broadcast %squeeze3A_380 : f32 to vector<16xf32>
        %gt3A_389 = arith.constant 9.99999971E-10 : f32
        %gt3A_390 = arith.cmpf ogt, %squeeze3A_382, %gt3A_389 : f32
        %convert_element_type3A_391 = arith.extui %gt3A_390 : i1 to i32
        %cond3A_392 = arith.constant 0 : i32
        %cond3A_393 = arith.cmpi ne, %convert_element_type3A_391, %cond3A_392 : i32
        scf.if %cond3A_393 {
          %broadcast_in_dim3A_394 = arith.constant 16 : i32
          %broadcast_in_dim3A_395 = vector.broadcast %broadcast_in_dim3A_394 : i32 to vector<16xi32>
          %while3A_396 = arith.constant 0 : i32
          %while3A_397 = arith.subi %select_n3A, %while3A_396 : i32
          %while3A_398 = arith.addi %while3A_396, %while3A_397 : i32
          %while3A_399 = arith.constant 1 : i32
          %while3A_400 = arith.divsi %while3A_397, %while3A_399 : i32
          %while3A_401 = arith.muli %while3A_400, %while3A_399 : i32
          %while3A_402 = arith.addi %while3A_396, %while3A_401 : i32
          %while3A_403 = arith.constant 1 : i32
          %while3A_404:2 = scf.for %while3A_407 = %while3A_396 to %while3A_402 step %while3A_403 iter_args(%while3A_408 = %broadcast_in_dim3A_5, %while3A_409 = %broadcast_in_dim3A_395) -> (vector<16xi32>, vector<16xi32>)  : i32 {
            %mul3A_410 = arith.constant 16 : i32
            %mul3A_411 = arith.muli %while3A_407, %mul3A_410 : i32
            %add3A_412 = arith.constant 1024 : i32
            %add3A_413 = arith.addi %add3A_412, %mul3A_411 : i32
            %get3A_414 = arith.index_cast %add3A_413 : i32 to index
            %get3A_415 = tpu.vector_load %arg5[%get3A_414] {strides = array<i32>} : memref<8192xi32, #tpu.memory_space<vmem>>, vector<16xi32>,
            %broadcast_in_dim3A_416 = arith.constant 1 : i32
            %broadcast_in_dim3A_417 = vector.broadcast %broadcast_in_dim3A_416 : i32 to vector<16xi32>
            %gather3A = tpu.vector_load_idx %arg4[%broadcast_in_dim3A_417, %get3A_415] : memref<8x8400xf32, #tpu.memory_space<vmem>>[vector<16xi32>, vector<16xi32>], vector<16xf32>,
            %mul3A_418 = arith.constant 16 : i32
            %mul3A_419 = arith.muli %while3A_407, %mul3A_418 : i32
            %add3A_420 = vector.broadcast %mul3A_419 : i32 to vector<16xi32>
            %add3A_421 = arith.addi %iota3A, %add3A_420 : vector<16xi32>
            %lt3A = arith.cmpi slt, %add3A_421, %broadcast_in_dim3A_152 : vector<16xi32>
            %jit3A_422 = arith.constant -1.000000e+00 : f32
            %broadcast_in_dim3A_423 = vector.broadcast %jit3A_422 : f32 to vector<16xf32>
            %select_n3A_424 = arith.select %lt3A, %gather3A, %broadcast_in_dim3A_423 : vector<16xi1>, vector<16xf32>
            %gt3A_425 = arith.cmpf ogt, %select_n3A_424, %broadcast_in_dim3A_388 : vector<16xf32>
            %eq3A = arith.cmpf oeq, %select_n3A_424, %broadcast_in_dim3A_388 : vector<16xf32>
            %convert_element_type3A_426 = arith.extui %eq3A : vector<16xi1> to vector<16xi32>
            %broadcast_in_dim3A_427 = arith.constant true
            %broadcast_in_dim3A_428 = vector.broadcast %broadcast_in_dim3A_427 : i1 to vector<16xi1>
            %masked_cumsum3A = tpu.scan <sum>, %convert_element_type3A_426 masked %broadcast_in_dim3A_428 : vector<16xi32>, vector<16xi1> -> vector<16xi32>
            %sub3A_429 = arith.subi %masked_cumsum3A, %convert_element_type3A_426 : vector<16xi32>
            %add3A_430 = arith.addi %sub3A_429, %while3A_408 : vector<16xi32>
            %lt3A_431 = arith.cmpi slt, %add3A_430, %sub3A_387 : vector<16xi32>
            %and3A_432 = arith.andi %eq3A, %lt3A_431 : vector<16xi1>
            %or3A = arith.ori %gt3A_425, %and3A_432 : vector<16xi1>
            %convert_element_type3A_433 = arith.extui %or3A : vector<16xi1> to vector<16xi32>
            %broadcast_in_dim3A_434 = arith.constant true
            %broadcast_in_dim3A_435 = vector.broadcast %broadcast_in_dim3A_434 : i1 to vector<16xi1>
            %masked_cumsum3A_436 = tpu.scan <sum>, %convert_element_type3A_433 masked %broadcast_in_dim3A_435 : vector<16xi32>, vector<16xi1> -> vector<16xi32>
            %sub3A_437 = arith.subi %masked_cumsum3A_436, %convert_element_type3A_433 : vector<16xi32>
            %add3A_438 = arith.addi %while3A_409, %sub3A_437 : vector<16xi32>
            tpu.vector_store_idx %arg6[%add3A_438], %get3A_415 masked %or3A : memref<128xi32, #tpu.memory_space<vmem>>[vector<16xi32>], vector<16xi32>, vector<16xi1>
            %all_reduce_population_count3A_439 = tpu.all_reduce %eq3A {dim = 0 : i64, kind = #tpu.reduction_kind<sum>} : vector<16xi1> -> vector<16xi32>
            %add3A_440 = arith.addi %while3A_408, %all_reduce_population_count3A_439 : vector<16xi32>
            %all_reduce_population_count3A_441 = tpu.all_reduce %or3A {dim = 0 : i64, kind = #tpu.reduction_kind<sum>} : vector<16xi1> -> vector<16xi32>
            %add3A_442 = arith.addi %while3A_409, %all_reduce_population_count3A_441 : vector<16xi32>
            scf.yield %add3A_440, %add3A_442 : vector<16xi32>, vector<16xi32>
          }
          %while3A_405 = arith.constant 1 : i32
          %while3A_406:2 = scf.for %while3A_407 = %while3A_402 to %while3A_398 step %while3A_405 iter_args(%while3A_408 = %while3A_404#0, %while3A_409 = %while3A_404#1) -> (vector<16xi32>, vector<16xi32>)  : i32 {
            %mul3A_410 = arith.constant 16 : i32
            %mul3A_411 = arith.muli %while3A_407, %mul3A_410 : i32
            %add3A_412 = arith.constant 1024 : i32
            %add3A_413 = arith.addi %add3A_412, %mul3A_411 : i32
            %get3A_414 = arith.index_cast %add3A_413 : i32 to index
            %get3A_415 = tpu.vector_load %arg5[%get3A_414] {strides = array<i32>} : memref<8192xi32, #tpu.memory_space<vmem>>, vector<16xi32>,
            %broadcast_in_dim3A_416 = arith.constant 1 : i32
            %broadcast_in_dim3A_417 = vector.broadcast %broadcast_in_dim3A_416 : i32 to vector<16xi32>
            %gather3A = tpu.vector_load_idx %arg4[%broadcast_in_dim3A_417, %get3A_415] : memref<8x8400xf32, #tpu.memory_space<vmem>>[vector<16xi32>, vector<16xi32>], vector<16xf32>,
            %mul3A_418 = arith.constant 16 : i32
            %mul3A_419 = arith.muli %while3A_407, %mul3A_418 : i32
            %add3A_420 = vector.broadcast %mul3A_419 : i32 to vector<16xi32>
            %add3A_421 = arith.addi %iota3A, %add3A_420 : vector<16xi32>
            %lt3A = arith.cmpi slt, %add3A_421, %broadcast_in_dim3A_152 : vector<16xi32>
            %jit3A_422 = arith.constant -1.000000e+00 : f32
            %broadcast_in_dim3A_423 = vector.broadcast %jit3A_422 : f32 to vector<16xf32>
            %select_n3A_424 = arith.select %lt3A, %gather3A, %broadcast_in_dim3A_423 : vector<16xi1>, vector<16xf32>
            %gt3A_425 = arith.cmpf ogt, %select_n3A_424, %broadcast_in_dim3A_388 : vector<16xf32>
            %eq3A = arith.cmpf oeq, %select_n3A_424, %broadcast_in_dim3A_388 : vector<16xf32>
            %convert_element_type3A_426 = arith.extui %eq3A : vector<16xi1> to vector<16xi32>
            %broadcast_in_dim3A_427 = arith.constant true
            %broadcast_in_dim3A_428 = vector.broadcast %broadcast_in_dim3A_427 : i1 to vector<16xi1>
            %masked_cumsum3A = tpu.scan <sum>, %convert_element_type3A_426 masked %broadcast_in_dim3A_428 : vector<16xi32>, vector<16xi1> -> vector<16xi32>
            %sub3A_429 = arith.subi %masked_cumsum3A, %convert_element_type3A_426 : vector<16xi32>
            %add3A_430 = arith.addi %sub3A_429, %while3A_408 : vector<16xi32>
            %lt3A_431 = arith.cmpi slt, %add3A_430, %sub3A_387 : vector<16xi32>
            %and3A_432 = arith.andi %eq3A, %lt3A_431 : vector<16xi1>
            %or3A = arith.ori %gt3A_425, %and3A_432 : vector<16xi1>
            %convert_element_type3A_433 = arith.extui %or3A : vector<16xi1> to vector<16xi32>
            %broadcast_in_dim3A_434 = arith.constant true
            %broadcast_in_dim3A_435 = vector.broadcast %broadcast_in_dim3A_434 : i1 to vector<16xi1>
            %masked_cumsum3A_436 = tpu.scan <sum>, %convert_element_type3A_433 masked %broadcast_in_dim3A_435 : vector<16xi32>, vector<16xi1> -> vector<16xi32>
            %sub3A_437 = arith.subi %masked_cumsum3A_436, %convert_element_type3A_433 : vector<16xi32>
            %add3A_438 = arith.addi %while3A_409, %sub3A_437 : vector<16xi32>
            tpu.vector_store_idx %arg6[%add3A_438], %get3A_415 masked %or3A : memref<128xi32, #tpu.memory_space<vmem>>[vector<16xi32>], vector<16xi32>, vector<16xi1>
            %all_reduce_population_count3A_439 = tpu.all_reduce %eq3A {dim = 0 : i64, kind = #tpu.reduction_kind<sum>} : vector<16xi1> -> vector<16xi32>
            %add3A_440 = arith.addi %while3A_408, %all_reduce_population_count3A_439 : vector<16xi32>
            %all_reduce_population_count3A_441 = tpu.all_reduce %or3A {dim = 0 : i64, kind = #tpu.reduction_kind<sum>} : vector<16xi1> -> vector<16xi32>
            %add3A_442 = arith.addi %while3A_409, %all_reduce_population_count3A_441 : vector<16xi32>
            scf.yield %add3A_440, %add3A_442 : vector<16xi32>, vector<16xi32>
          }
        } else {
        }
      } else {
      }
      %gt3A_158 = arith.constant 1008 : i32
      %gt3A_159 = arith.cmpi sgt, %sub3A_151, %gt3A_158 : i32
      %convert_element_type3A_160 = arith.extui %gt3A_159 : i1 to i32
      %cond3A_161 = arith.constant 0 : i32
      %cond3A_162 = arith.cmpi ne, %convert_element_type3A_160, %cond3A_161 : i32
      scf.if %cond3A_162 {
        %broadcast_in_dim3A_344 = arith.constant -3.000000e+38 : f32
        %broadcast_in_dim3A_345 = vector.broadcast %broadcast_in_dim3A_344 : f32 to vector<16xf32>
        %scan3A_346 = arith.constant 0 : i32
        %scan3A_347 = arith.constant 525 : i32
        %scan3A_348 = arith.addi %scan3A_346, %scan3A_347 : i32
        %scan3A_349 = arith.constant 1 : i32
        %scan3A_350 = scf.for %scan3A_367 = %scan3A_346 to %scan3A_348 step %scan3A_349 iter_args(%scan3A_368 = %broadcast_in_dim3A_345) -> (vector<16xf32>)  : i32 {
          %mul3A_369 = arith.constant 16 : i32
          %mul3A_370 = arith.muli %scan3A_367, %mul3A_369 : i32
          %get3A_371 = arith.constant 1 : i32
          %get3A_372 = arith.index_cast %get3A_371 : i32 to index
          %get3A_373 = arith.index_cast %mul3A_370 : i32 to index
          %get3A_374 = tpu.vector_load %arg4[%get3A_372, %get3A_373] {strides = array<i32>} : memref<8x8400xf32, #tpu.memory_space<vmem>>, vector<16xf32>,
          %mul3A_375 = arith.constant 16 : i32
          %mul3A_376 = arith.muli %scan3A_367, %mul3A_375 : i32
          %add3A_377 = vector.broadcast %mul3A_376 : i32 to vector<16xi32>
          %add3A_378 = arith.addi %iota3A, %add3A_377 : vector<16xi32>
          %masked_sort3A_379 = arith.constant dense<true> : vector<16xi1>
          %masked_sort3A_380, %masked_sort3A_381, %masked_sort3A_382 = tpu.sort %get3A_374, %add3A_378 masked %masked_sort3A_379 : (vector<16xf32>, vector<16xi32>, vector<16xi1>) -> (vector<16xi1>, vector<16xf32>, vector<16xi32>)
          %max3A = arith.maximumf %scan3A_368, %masked_sort3A_381 : vector<16xf32>
          %masked_sort3A_383 = arith.constant dense<true> : vector<16xi1>
          %masked_sort3A_384, %masked_sort3A_385, %masked_sort3A_386 = tpu.sort %max3A, %iota3A masked %masked_sort3A_383 {descending = true} : (vector<16xf32>, vector<16xi32>, vector<16xi1>) -> (vector<16xi1>, vector<16xf32>, vector<16xi32>)
          scf.yield %masked_sort3A_385 : vector<16xf32>
        }
        %scan3A_351 = arith.constant 525 : i32
        %slice3A_352 = vector.extract_strided_slice %scan3A_350 {offsets = [12], sizes = [1], strides = [1]} : vector<16xf32> to vector<1xf32>
        %squeeze3A_353 = vector.extract %slice3A_352[0] : f32 from vector<1xf32>
        %slice3A_354 = vector.extract_strided_slice %scan3A_350 {offsets = [0], sizes = [1], strides = [1]} : vector<16xf32> to vector<1xf32>
        %squeeze3A_355 = vector.extract %slice3A_354[0] : f32 from vector<1xf32>
        %gt3A_356 = vector.broadcast %squeeze3A_353 : f32 to vector<16xf32>
        %gt3A_357 = arith.cmpf ogt, %scan3A_350, %gt3A_356 : vector<16xf32>
        %all_reduce_population_count3A = tpu.all_reduce %gt3A_357 {dim = 0 : i64, kind = #tpu.reduction_kind<sum>} : vector<16xi1> -> vector<16xi32>
        %sub3A_358 = arith.constant 13 : i32
        %sub3A_359 = vector.broadcast %sub3A_358 : i32 to vector<16xi32>
        %sub3A_360 = arith.subi %sub3A_359, %all_reduce_population_count3A : vector<16xi32>
        %broadcast_in_dim3A_361 = vector.broadcast %squeeze3A_353 : f32 to vector<16xf32>
        %gt3A_362 = arith.constant 9.99999971E-10 : f32
        %gt3A_363 = arith.cmpf ogt, %squeeze3A_355, %gt3A_362 : f32
        %convert_element_type3A_364 = arith.extui %gt3A_363 : i1 to i32
        %cond3A_365 = arith.constant 0 : i32
        %cond3A_366 = arith.cmpi ne, %convert_element_type3A_364, %cond3A_365 : i32
        scf.if %cond3A_366 {
          %broadcast_in_dim3A_367 = arith.constant 16 : i32
          %broadcast_in_dim3A_368 = vector.broadcast %broadcast_in_dim3A_367 : i32 to vector<16xi32>
          %scan3A_369 = arith.constant 0 : i32
          %scan3A_370 = arith.constant 525 : i32
          %scan3A_371 = arith.addi %scan3A_369, %scan3A_370 : i32
          %scan3A_372 = arith.constant 1 : i32
          %scan3A_373:2 = scf.for %scan3A_375 = %scan3A_369 to %scan3A_371 step %scan3A_372 iter_args(%scan3A_376 = %broadcast_in_dim3A_5, %scan3A_377 = %broadcast_in_dim3A_368) -> (vector<16xi32>, vector<16xi32>)  : i32 {
            %mul3A_378 = arith.constant 16 : i32
            %mul3A_379 = arith.muli %scan3A_375, %mul3A_378 : i32
            %get3A_380 = arith.constant 1 : i32
            %get3A_381 = arith.index_cast %get3A_380 : i32 to index
            %get3A_382 = arith.index_cast %mul3A_379 : i32 to index
            %get3A_383 = tpu.vector_load %arg4[%get3A_381, %get3A_382] {strides = array<i32>} : memref<8x8400xf32, #tpu.memory_space<vmem>>, vector<16xf32>,
            %mul3A_384 = arith.constant 16 : i32
            %mul3A_385 = arith.muli %scan3A_375, %mul3A_384 : i32
            %add3A_386 = vector.broadcast %mul3A_385 : i32 to vector<16xi32>
            %add3A_387 = arith.addi %iota3A, %add3A_386 : vector<16xi32>
            %gt3A_388 = arith.cmpf ogt, %get3A_383, %broadcast_in_dim3A_361 : vector<16xf32>
            %eq3A = arith.cmpf oeq, %get3A_383, %broadcast_in_dim3A_361 : vector<16xf32>
            %convert_element_type3A_389 = arith.extui %eq3A : vector<16xi1> to vector<16xi32>
            %broadcast_in_dim3A_390 = arith.constant true
            %broadcast_in_dim3A_391 = vector.broadcast %broadcast_in_dim3A_390 : i1 to vector<16xi1>
            %masked_cumsum3A = tpu.scan <sum>, %convert_element_type3A_389 masked %broadcast_in_dim3A_391 : vector<16xi32>, vector<16xi1> -> vector<16xi32>
            %sub3A_392 = arith.subi %masked_cumsum3A, %convert_element_type3A_389 : vector<16xi32>
            %add3A_393 = arith.addi %sub3A_392, %scan3A_376 : vector<16xi32>
            %lt3A = arith.cmpi slt, %add3A_393, %sub3A_360 : vector<16xi32>
            %and3A = arith.andi %eq3A, %lt3A : vector<16xi1>
            %or3A = arith.ori %gt3A_388, %and3A : vector<16xi1>
            %convert_element_type3A_394 = arith.extui %or3A : vector<16xi1> to vector<16xi32>
            %broadcast_in_dim3A_395 = arith.constant true
            %broadcast_in_dim3A_396 = vector.broadcast %broadcast_in_dim3A_395 : i1 to vector<16xi1>
            %masked_cumsum3A_397 = tpu.scan <sum>, %convert_element_type3A_394 masked %broadcast_in_dim3A_396 : vector<16xi32>, vector<16xi1> -> vector<16xi32>
            %sub3A_398 = arith.subi %masked_cumsum3A_397, %convert_element_type3A_394 : vector<16xi32>
            %add3A_399 = arith.addi %scan3A_377, %sub3A_398 : vector<16xi32>
            tpu.vector_store_idx %arg6[%add3A_399], %add3A_387 masked %or3A : memref<128xi32, #tpu.memory_space<vmem>>[vector<16xi32>], vector<16xi32>, vector<16xi1>
            %all_reduce_population_count3A_400 = tpu.all_reduce %eq3A {dim = 0 : i64, kind = #tpu.reduction_kind<sum>} : vector<16xi1> -> vector<16xi32>
            %add3A_401 = arith.addi %scan3A_376, %all_reduce_population_count3A_400 : vector<16xi32>
            %all_reduce_population_count3A_402 = tpu.all_reduce %or3A {dim = 0 : i64, kind = #tpu.reduction_kind<sum>} : vector<16xi1> -> vector<16xi32>
            %add3A_403 = arith.addi %scan3A_377, %all_reduce_population_count3A_402 : vector<16xi32>
            scf.yield %add3A_401, %add3A_403 : vector<16xi32>, vector<16xi32>
          }
          %scan3A_374 = arith.constant 525 : i32
        } else {
        }
      } else {
      }
      %broadcast_in_dim3A_163 = arith.constant -1 : i32
      %broadcast_in_dim3A_164 = vector.broadcast %broadcast_in_dim3A_163 : i32 to vector<16xi32>
      %swap3A_165 = arith.constant 32 : index
      %swap3A_166 = tpu.vector_load %arg6[%swap3A_165] {strides = array<i32>} : memref<128xi32, #tpu.memory_space<vmem>>, vector<16xi32>,
      tpu.vector_store %arg6[%swap3A_165], %broadcast_in_dim3A_164 {strides = array<i32>} : memref<128xi32, #tpu.memory_space<vmem>>, vector<16xi32>,
      %slice3A_167 = vector.extract_strided_slice %parallel_loop3A_130#2 {offsets = [0], sizes = [1], strides = [1]} : vector<16xi32> to vector<1xi32>
      %squeeze3A_168 = vector.extract %slice3A_167[0] : i32 from vector<1xi32>
      %sub3A_169 = arith.constant 2048 : i32
      %sub3A_170 = arith.subi %squeeze3A_168, %sub3A_169 : i32
      %broadcast_in_dim3A_171 = vector.broadcast %sub3A_170 : i32 to vector<16xi32>
      %le3A_172 = arith.constant 1008 : i32
      %le3A_173 = arith.cmpi sle, %sub3A_170, %le3A_172 : i32
      %convert_element_type3A_174 = arith.extui %le3A_173 : i1 to i32
      %cond3A_175 = arith.constant 0 : i32
      %cond3A_176 = arith.cmpi ne, %convert_element_type3A_174, %cond3A_175 : i32
      scf.if %cond3A_176 {
        %add3A_344 = arith.constant 2048 : i32
        %add3A_345 = arith.addi %add3A_344, %sub3A_170 : i32
        %swap3A_346 = arith.index_cast %add3A_345 : i32 to index
        %swap3A_347 = tpu.vector_load %arg5[%swap3A_346] {strides = array<i32>} : memref<8192xi32, #tpu.memory_space<vmem>>, vector<16xi32>,
        tpu.vector_store %arg5[%swap3A_346], %broadcast_in_dim3A_5 {strides = array<i32>} : memref<8192xi32, #tpu.memory_space<vmem>>, vector<16xi32>,
        %add3A_348 = arith.constant 15 : i32
        %add3A_349 = arith.addi %sub3A_170, %add3A_348 : i32
        %jit3A = arith.constant 16 : i32
        %div3A = arith.divsi %add3A_349, %jit3A : i32
        %sign3A = arith.constant 0 : i32
        %sign3A_350 = arith.cmpi sgt, %add3A_349, %sign3A : i32
        %sign3A_351 = arith.extui %sign3A_350 : i1 to i32
        %sign3A_352 = arith.constant 0 : i32
        %sign3A_353 = arith.cmpi slt, %add3A_349, %sign3A_352 : i32
        %sign3A_354 = arith.extui %sign3A_353 : i1 to i32
        %sign3A_355 = arith.subi %sign3A_351, %sign3A_354 : i32
        %sign3A_356 = arith.constant 0 : i32
        %sign3A_357 = arith.cmpi sgt, %jit3A, %sign3A_356 : i32
        %sign3A_358 = arith.extui %sign3A_357 : i1 to i32
        %sign3A_359 = arith.constant 0 : i32
        %sign3A_360 = arith.cmpi slt, %jit3A, %sign3A_359 : i32
        %sign3A_361 = arith.extui %sign3A_360 : i1 to i32
        %sign3A_362 = arith.subi %sign3A_358, %sign3A_361 : i32
        %ne3A = arith.cmpi ne, %sign3A_355, %sign3A_362 : i32
        %rem3A = arith.remsi %add3A_349, %jit3A : i32
        %ne3A_363 = arith.constant 0 : i32
        %ne3A_364 = arith.cmpi ne, %rem3A, %ne3A_363 : i32
        %and3A = arith.andi %ne3A, %ne3A_364 : i1
        %sub3A_365 = arith.constant 1 : i32
        %sub3A_366 = arith.subi %div3A, %sub3A_365 : i32
        %select_n3A = arith.select %and3A, %sub3A_366, %div3A : i32
        %broadcast_in_dim3A_367 = arith.constant -3.000000e+38 : f32
        %broadcast_in_dim3A_368 = vector.broadcast %broadcast_in_dim3A_367 : f32 to vector<16xf32>
        %while3A = arith.constant 0 : i32
        %while3A_369 = arith.subi %select_n3A, %while3A : i32
        %while3A_370 = arith.addi %while3A, %while3A_369 : i32
        %while3A_371 = arith.constant 1 : i32
        %while3A_372 = arith.divsi %while3A_369, %while3A_371 : i32
        %while3A_373 = arith.muli %while3A_372, %while3A_371 : i32
        %while3A_374 = arith.addi %while3A, %while3A_373 : i32
        %while3A_375 = arith.constant 1 : i32
        %while3A_376 = scf.for %while3A_394 = %while3A to %while3A_374 step %while3A_375 iter_args(%while3A_395 = %broadcast_in_dim3A_368) -> (vector<16xf32>)  : i32 {
          %mul3A_396 = arith.constant 16 : i32
          %mul3A_397 = arith.muli %while3A_394, %mul3A_396 : i32
          %add3A_398 = arith.constant 2048 : i32
          %add3A_399 = arith.addi %add3A_398, %mul3A_397 : i32
          %get3A_400 = arith.index_cast %add3A_399 : i32 to index
          %get3A_401 = tpu.vector_load %arg5[%get3A_400] {strides = array<i32>} : memref<8192xi32, #tpu.memory_space<vmem>>, vector<16xi32>,
          %broadcast_in_dim3A_402 = arith.constant 2 : i32
          %broadcast_in_dim3A_403 = vector.broadcast %broadcast_in_dim3A_402 : i32 to vector<16xi32>
          %gather3A = tpu.vector_load_idx %arg4[%broadcast_in_dim3A_403, %get3A_401] : memref<8x8400xf32, #tpu.memory_space<vmem>>[vector<16xi32>, vector<16xi32>], vector<16xf32>,
          %mul3A_404 = arith.constant 16 : i32
          %mul3A_405 = arith.muli %while3A_394, %mul3A_404 : i32
          %add3A_406 = vector.broadcast %mul3A_405 : i32 to vector<16xi32>
          %add3A_407 = arith.addi %iota3A, %add3A_406 : vector<16xi32>
          %lt3A = arith.cmpi slt, %add3A_407, %broadcast_in_dim3A_171 : vector<16xi32>
          %jit3A_408 = arith.constant -1.000000e+00 : f32
          %broadcast_in_dim3A_409 = vector.broadcast %jit3A_408 : f32 to vector<16xf32>
          %select_n3A_410 = arith.select %lt3A, %gather3A, %broadcast_in_dim3A_409 : vector<16xi1>, vector<16xf32>
          %masked_sort3A_411 = arith.constant dense<true> : vector<16xi1>
          %masked_sort3A_412, %masked_sort3A_413, %masked_sort3A_414 = tpu.sort %select_n3A_410, %get3A_401 masked %masked_sort3A_411 : (vector<16xf32>, vector<16xi32>, vector<16xi1>) -> (vector<16xi1>, vector<16xf32>, vector<16xi32>)
          %max3A = arith.maximumf %while3A_395, %masked_sort3A_413 : vector<16xf32>
          %masked_sort3A_415 = arith.constant dense<true> : vector<16xi1>
          %masked_sort3A_416, %masked_sort3A_417, %masked_sort3A_418 = tpu.sort %max3A, %iota3A masked %masked_sort3A_415 {descending = true} : (vector<16xf32>, vector<16xi32>, vector<16xi1>) -> (vector<16xi1>, vector<16xf32>, vector<16xi32>)
          scf.yield %masked_sort3A_417 : vector<16xf32>
        }
        %while3A_377 = arith.constant 1 : i32
        %while3A_378 = scf.for %while3A_394 = %while3A_374 to %while3A_370 step %while3A_377 iter_args(%while3A_395 = %while3A_376) -> (vector<16xf32>)  : i32 {
          %mul3A_396 = arith.constant 16 : i32
          %mul3A_397 = arith.muli %while3A_394, %mul3A_396 : i32
          %add3A_398 = arith.constant 2048 : i32
          %add3A_399 = arith.addi %add3A_398, %mul3A_397 : i32
          %get3A_400 = arith.index_cast %add3A_399 : i32 to index
          %get3A_401 = tpu.vector_load %arg5[%get3A_400] {strides = array<i32>} : memref<8192xi32, #tpu.memory_space<vmem>>, vector<16xi32>,
          %broadcast_in_dim3A_402 = arith.constant 2 : i32
          %broadcast_in_dim3A_403 = vector.broadcast %broadcast_in_dim3A_402 : i32 to vector<16xi32>
          %gather3A = tpu.vector_load_idx %arg4[%broadcast_in_dim3A_403, %get3A_401] : memref<8x8400xf32, #tpu.memory_space<vmem>>[vector<16xi32>, vector<16xi32>], vector<16xf32>,
          %mul3A_404 = arith.constant 16 : i32
          %mul3A_405 = arith.muli %while3A_394, %mul3A_404 : i32
          %add3A_406 = vector.broadcast %mul3A_405 : i32 to vector<16xi32>
          %add3A_407 = arith.addi %iota3A, %add3A_406 : vector<16xi32>
          %lt3A = arith.cmpi slt, %add3A_407, %broadcast_in_dim3A_171 : vector<16xi32>
          %jit3A_408 = arith.constant -1.000000e+00 : f32
          %broadcast_in_dim3A_409 = vector.broadcast %jit3A_408 : f32 to vector<16xf32>
          %select_n3A_410 = arith.select %lt3A, %gather3A, %broadcast_in_dim3A_409 : vector<16xi1>, vector<16xf32>
          %masked_sort3A_411 = arith.constant dense<true> : vector<16xi1>
          %masked_sort3A_412, %masked_sort3A_413, %masked_sort3A_414 = tpu.sort %select_n3A_410, %get3A_401 masked %masked_sort3A_411 : (vector<16xf32>, vector<16xi32>, vector<16xi1>) -> (vector<16xi1>, vector<16xf32>, vector<16xi32>)
          %max3A = arith.maximumf %while3A_395, %masked_sort3A_413 : vector<16xf32>
          %masked_sort3A_415 = arith.constant dense<true> : vector<16xi1>
          %masked_sort3A_416, %masked_sort3A_417, %masked_sort3A_418 = tpu.sort %max3A, %iota3A masked %masked_sort3A_415 {descending = true} : (vector<16xf32>, vector<16xi32>, vector<16xi1>) -> (vector<16xi1>, vector<16xf32>, vector<16xi32>)
          scf.yield %masked_sort3A_417 : vector<16xf32>
        }
        %slice3A_379 = vector.extract_strided_slice %while3A_378 {offsets = [12], sizes = [1], strides = [1]} : vector<16xf32> to vector<1xf32>
        %squeeze3A_380 = vector.extract %slice3A_379[0] : f32 from vector<1xf32>
        %slice3A_381 = vector.extract_strided_slice %while3A_378 {offsets = [0], sizes = [1], strides = [1]} : vector<16xf32> to vector<1xf32>
        %squeeze3A_382 = vector.extract %slice3A_381[0] : f32 from vector<1xf32>
        %gt3A_383 = vector.broadcast %squeeze3A_380 : f32 to vector<16xf32>
        %gt3A_384 = arith.cmpf ogt, %while3A_378, %gt3A_383 : vector<16xf32>
        %all_reduce_population_count3A = tpu.all_reduce %gt3A_384 {dim = 0 : i64, kind = #tpu.reduction_kind<sum>} : vector<16xi1> -> vector<16xi32>
        %sub3A_385 = arith.constant 13 : i32
        %sub3A_386 = vector.broadcast %sub3A_385 : i32 to vector<16xi32>
        %sub3A_387 = arith.subi %sub3A_386, %all_reduce_population_count3A : vector<16xi32>
        %broadcast_in_dim3A_388 = vector.broadcast %squeeze3A_380 : f32 to vector<16xf32>
        %gt3A_389 = arith.constant 9.99999971E-10 : f32
        %gt3A_390 = arith.cmpf ogt, %squeeze3A_382, %gt3A_389 : f32
        %convert_element_type3A_391 = arith.extui %gt3A_390 : i1 to i32
        %cond3A_392 = arith.constant 0 : i32
        %cond3A_393 = arith.cmpi ne, %convert_element_type3A_391, %cond3A_392 : i32
        scf.if %cond3A_393 {
          %broadcast_in_dim3A_394 = arith.constant 32 : i32
          %broadcast_in_dim3A_395 = vector.broadcast %broadcast_in_dim3A_394 : i32 to vector<16xi32>
          %while3A_396 = arith.constant 0 : i32
          %while3A_397 = arith.subi %select_n3A, %while3A_396 : i32
          %while3A_398 = arith.addi %while3A_396, %while3A_397 : i32
          %while3A_399 = arith.constant 1 : i32
          %while3A_400 = arith.divsi %while3A_397, %while3A_399 : i32
          %while3A_401 = arith.muli %while3A_400, %while3A_399 : i32
          %while3A_402 = arith.addi %while3A_396, %while3A_401 : i32
          %while3A_403 = arith.constant 1 : i32
          %while3A_404:2 = scf.for %while3A_407 = %while3A_396 to %while3A_402 step %while3A_403 iter_args(%while3A_408 = %broadcast_in_dim3A_5, %while3A_409 = %broadcast_in_dim3A_395) -> (vector<16xi32>, vector<16xi32>)  : i32 {
            %mul3A_410 = arith.constant 16 : i32
            %mul3A_411 = arith.muli %while3A_407, %mul3A_410 : i32
            %add3A_412 = arith.constant 2048 : i32
            %add3A_413 = arith.addi %add3A_412, %mul3A_411 : i32
            %get3A_414 = arith.index_cast %add3A_413 : i32 to index
            %get3A_415 = tpu.vector_load %arg5[%get3A_414] {strides = array<i32>} : memref<8192xi32, #tpu.memory_space<vmem>>, vector<16xi32>,
            %broadcast_in_dim3A_416 = arith.constant 2 : i32
            %broadcast_in_dim3A_417 = vector.broadcast %broadcast_in_dim3A_416 : i32 to vector<16xi32>
            %gather3A = tpu.vector_load_idx %arg4[%broadcast_in_dim3A_417, %get3A_415] : memref<8x8400xf32, #tpu.memory_space<vmem>>[vector<16xi32>, vector<16xi32>], vector<16xf32>,
            %mul3A_418 = arith.constant 16 : i32
            %mul3A_419 = arith.muli %while3A_407, %mul3A_418 : i32
            %add3A_420 = vector.broadcast %mul3A_419 : i32 to vector<16xi32>
            %add3A_421 = arith.addi %iota3A, %add3A_420 : vector<16xi32>
            %lt3A = arith.cmpi slt, %add3A_421, %broadcast_in_dim3A_171 : vector<16xi32>
            %jit3A_422 = arith.constant -1.000000e+00 : f32
            %broadcast_in_dim3A_423 = vector.broadcast %jit3A_422 : f32 to vector<16xf32>
            %select_n3A_424 = arith.select %lt3A, %gather3A, %broadcast_in_dim3A_423 : vector<16xi1>, vector<16xf32>
            %gt3A_425 = arith.cmpf ogt, %select_n3A_424, %broadcast_in_dim3A_388 : vector<16xf32>
            %eq3A = arith.cmpf oeq, %select_n3A_424, %broadcast_in_dim3A_388 : vector<16xf32>
            %convert_element_type3A_426 = arith.extui %eq3A : vector<16xi1> to vector<16xi32>
            %broadcast_in_dim3A_427 = arith.constant true
            %broadcast_in_dim3A_428 = vector.broadcast %broadcast_in_dim3A_427 : i1 to vector<16xi1>
            %masked_cumsum3A = tpu.scan <sum>, %convert_element_type3A_426 masked %broadcast_in_dim3A_428 : vector<16xi32>, vector<16xi1> -> vector<16xi32>
            %sub3A_429 = arith.subi %masked_cumsum3A, %convert_element_type3A_426 : vector<16xi32>
            %add3A_430 = arith.addi %sub3A_429, %while3A_408 : vector<16xi32>
            %lt3A_431 = arith.cmpi slt, %add3A_430, %sub3A_387 : vector<16xi32>
            %and3A_432 = arith.andi %eq3A, %lt3A_431 : vector<16xi1>
            %or3A = arith.ori %gt3A_425, %and3A_432 : vector<16xi1>
            %convert_element_type3A_433 = arith.extui %or3A : vector<16xi1> to vector<16xi32>
            %broadcast_in_dim3A_434 = arith.constant true
            %broadcast_in_dim3A_435 = vector.broadcast %broadcast_in_dim3A_434 : i1 to vector<16xi1>
            %masked_cumsum3A_436 = tpu.scan <sum>, %convert_element_type3A_433 masked %broadcast_in_dim3A_435 : vector<16xi32>, vector<16xi1> -> vector<16xi32>
            %sub3A_437 = arith.subi %masked_cumsum3A_436, %convert_element_type3A_433 : vector<16xi32>
            %add3A_438 = arith.addi %while3A_409, %sub3A_437 : vector<16xi32>
            tpu.vector_store_idx %arg6[%add3A_438], %get3A_415 masked %or3A : memref<128xi32, #tpu.memory_space<vmem>>[vector<16xi32>], vector<16xi32>, vector<16xi1>
            %all_reduce_population_count3A_439 = tpu.all_reduce %eq3A {dim = 0 : i64, kind = #tpu.reduction_kind<sum>} : vector<16xi1> -> vector<16xi32>
            %add3A_440 = arith.addi %while3A_408, %all_reduce_population_count3A_439 : vector<16xi32>
            %all_reduce_population_count3A_441 = tpu.all_reduce %or3A {dim = 0 : i64, kind = #tpu.reduction_kind<sum>} : vector<16xi1> -> vector<16xi32>
            %add3A_442 = arith.addi %while3A_409, %all_reduce_population_count3A_441 : vector<16xi32>
            scf.yield %add3A_440, %add3A_442 : vector<16xi32>, vector<16xi32>
          }
          %while3A_405 = arith.constant 1 : i32
          %while3A_406:2 = scf.for %while3A_407 = %while3A_402 to %while3A_398 step %while3A_405 iter_args(%while3A_408 = %while3A_404#0, %while3A_409 = %while3A_404#1) -> (vector<16xi32>, vector<16xi32>)  : i32 {
            %mul3A_410 = arith.constant 16 : i32
            %mul3A_411 = arith.muli %while3A_407, %mul3A_410 : i32
            %add3A_412 = arith.constant 2048 : i32
            %add3A_413 = arith.addi %add3A_412, %mul3A_411 : i32
            %get3A_414 = arith.index_cast %add3A_413 : i32 to index
            %get3A_415 = tpu.vector_load %arg5[%get3A_414] {strides = array<i32>} : memref<8192xi32, #tpu.memory_space<vmem>>, vector<16xi32>,
            %broadcast_in_dim3A_416 = arith.constant 2 : i32
            %broadcast_in_dim3A_417 = vector.broadcast %broadcast_in_dim3A_416 : i32 to vector<16xi32>
            %gather3A = tpu.vector_load_idx %arg4[%broadcast_in_dim3A_417, %get3A_415] : memref<8x8400xf32, #tpu.memory_space<vmem>>[vector<16xi32>, vector<16xi32>], vector<16xf32>,
            %mul3A_418 = arith.constant 16 : i32
            %mul3A_419 = arith.muli %while3A_407, %mul3A_418 : i32
            %add3A_420 = vector.broadcast %mul3A_419 : i32 to vector<16xi32>
            %add3A_421 = arith.addi %iota3A, %add3A_420 : vector<16xi32>
            %lt3A = arith.cmpi slt, %add3A_421, %broadcast_in_dim3A_171 : vector<16xi32>
            %jit3A_422 = arith.constant -1.000000e+00 : f32
            %broadcast_in_dim3A_423 = vector.broadcast %jit3A_422 : f32 to vector<16xf32>
            %select_n3A_424 = arith.select %lt3A, %gather3A, %broadcast_in_dim3A_423 : vector<16xi1>, vector<16xf32>
            %gt3A_425 = arith.cmpf ogt, %select_n3A_424, %broadcast_in_dim3A_388 : vector<16xf32>
            %eq3A = arith.cmpf oeq, %select_n3A_424, %broadcast_in_dim3A_388 : vector<16xf32>
            %convert_element_type3A_426 = arith.extui %eq3A : vector<16xi1> to vector<16xi32>
            %broadcast_in_dim3A_427 = arith.constant true
            %broadcast_in_dim3A_428 = vector.broadcast %broadcast_in_dim3A_427 : i1 to vector<16xi1>
            %masked_cumsum3A = tpu.scan <sum>, %convert_element_type3A_426 masked %broadcast_in_dim3A_428 : vector<16xi32>, vector<16xi1> -> vector<16xi32>
            %sub3A_429 = arith.subi %masked_cumsum3A, %convert_element_type3A_426 : vector<16xi32>
            %add3A_430 = arith.addi %sub3A_429, %while3A_408 : vector<16xi32>
            %lt3A_431 = arith.cmpi slt, %add3A_430, %sub3A_387 : vector<16xi32>
            %and3A_432 = arith.andi %eq3A, %lt3A_431 : vector<16xi1>
            %or3A = arith.ori %gt3A_425, %and3A_432 : vector<16xi1>
            %convert_element_type3A_433 = arith.extui %or3A : vector<16xi1> to vector<16xi32>
            %broadcast_in_dim3A_434 = arith.constant true
            %broadcast_in_dim3A_435 = vector.broadcast %broadcast_in_dim3A_434 : i1 to vector<16xi1>
            %masked_cumsum3A_436 = tpu.scan <sum>, %convert_element_type3A_433 masked %broadcast_in_dim3A_435 : vector<16xi32>, vector<16xi1> -> vector<16xi32>
            %sub3A_437 = arith.subi %masked_cumsum3A_436, %convert_element_type3A_433 : vector<16xi32>
            %add3A_438 = arith.addi %while3A_409, %sub3A_437 : vector<16xi32>
            tpu.vector_store_idx %arg6[%add3A_438], %get3A_415 masked %or3A : memref<128xi32, #tpu.memory_space<vmem>>[vector<16xi32>], vector<16xi32>, vector<16xi1>
            %all_reduce_population_count3A_439 = tpu.all_reduce %eq3A {dim = 0 : i64, kind = #tpu.reduction_kind<sum>} : vector<16xi1> -> vector<16xi32>
            %add3A_440 = arith.addi %while3A_408, %all_reduce_population_count3A_439 : vector<16xi32>
            %all_reduce_population_count3A_441 = tpu.all_reduce %or3A {dim = 0 : i64, kind = #tpu.reduction_kind<sum>} : vector<16xi1> -> vector<16xi32>
            %add3A_442 = arith.addi %while3A_409, %all_reduce_population_count3A_441 : vector<16xi32>
            scf.yield %add3A_440, %add3A_442 : vector<16xi32>, vector<16xi32>
          }
        } else {
        }
      } else {
      }
      %gt3A_177 = arith.constant 1008 : i32
      %gt3A_178 = arith.cmpi sgt, %sub3A_170, %gt3A_177 : i32
      %convert_element_type3A_179 = arith.extui %gt3A_178 : i1 to i32
      %cond3A_180 = arith.constant 0 : i32
      %cond3A_181 = arith.cmpi ne, %convert_element_type3A_179, %cond3A_180 : i32
      scf.if %cond3A_181 {
        %broadcast_in_dim3A_344 = arith.constant -3.000000e+38 : f32
        %broadcast_in_dim3A_345 = vector.broadcast %broadcast_in_dim3A_344 : f32 to vector<16xf32>
        %scan3A_346 = arith.constant 0 : i32
        %scan3A_347 = arith.constant 525 : i32
        %scan3A_348 = arith.addi %scan3A_346, %scan3A_347 : i32
        %scan3A_349 = arith.constant 1 : i32
        %scan3A_350 = scf.for %scan3A_367 = %scan3A_346 to %scan3A_348 step %scan3A_349 iter_args(%scan3A_368 = %broadcast_in_dim3A_345) -> (vector<16xf32>)  : i32 {
          %mul3A_369 = arith.constant 16 : i32
          %mul3A_370 = arith.muli %scan3A_367, %mul3A_369 : i32
          %get3A_371 = arith.constant 2 : i32
          %get3A_372 = arith.index_cast %get3A_371 : i32 to index
          %get3A_373 = arith.index_cast %mul3A_370 : i32 to index
          %get3A_374 = tpu.vector_load %arg4[%get3A_372, %get3A_373] {strides = array<i32>} : memref<8x8400xf32, #tpu.memory_space<vmem>>, vector<16xf32>,
          %mul3A_375 = arith.constant 16 : i32
          %mul3A_376 = arith.muli %scan3A_367, %mul3A_375 : i32
          %add3A_377 = vector.broadcast %mul3A_376 : i32 to vector<16xi32>
          %add3A_378 = arith.addi %iota3A, %add3A_377 : vector<16xi32>
          %masked_sort3A_379 = arith.constant dense<true> : vector<16xi1>
          %masked_sort3A_380, %masked_sort3A_381, %masked_sort3A_382 = tpu.sort %get3A_374, %add3A_378 masked %masked_sort3A_379 : (vector<16xf32>, vector<16xi32>, vector<16xi1>) -> (vector<16xi1>, vector<16xf32>, vector<16xi32>)
          %max3A = arith.maximumf %scan3A_368, %masked_sort3A_381 : vector<16xf32>
          %masked_sort3A_383 = arith.constant dense<true> : vector<16xi1>
          %masked_sort3A_384, %masked_sort3A_385, %masked_sort3A_386 = tpu.sort %max3A, %iota3A masked %masked_sort3A_383 {descending = true} : (vector<16xf32>, vector<16xi32>, vector<16xi1>) -> (vector<16xi1>, vector<16xf32>, vector<16xi32>)
          scf.yield %masked_sort3A_385 : vector<16xf32>
        }
        %scan3A_351 = arith.constant 525 : i32
        %slice3A_352 = vector.extract_strided_slice %scan3A_350 {offsets = [12], sizes = [1], strides = [1]} : vector<16xf32> to vector<1xf32>
        %squeeze3A_353 = vector.extract %slice3A_352[0] : f32 from vector<1xf32>
        %slice3A_354 = vector.extract_strided_slice %scan3A_350 {offsets = [0], sizes = [1], strides = [1]} : vector<16xf32> to vector<1xf32>
        %squeeze3A_355 = vector.extract %slice3A_354[0] : f32 from vector<1xf32>
        %gt3A_356 = vector.broadcast %squeeze3A_353 : f32 to vector<16xf32>
        %gt3A_357 = arith.cmpf ogt, %scan3A_350, %gt3A_356 : vector<16xf32>
        %all_reduce_population_count3A = tpu.all_reduce %gt3A_357 {dim = 0 : i64, kind = #tpu.reduction_kind<sum>} : vector<16xi1> -> vector<16xi32>
        %sub3A_358 = arith.constant 13 : i32
        %sub3A_359 = vector.broadcast %sub3A_358 : i32 to vector<16xi32>
        %sub3A_360 = arith.subi %sub3A_359, %all_reduce_population_count3A : vector<16xi32>
        %broadcast_in_dim3A_361 = vector.broadcast %squeeze3A_353 : f32 to vector<16xf32>
        %gt3A_362 = arith.constant 9.99999971E-10 : f32
        %gt3A_363 = arith.cmpf ogt, %squeeze3A_355, %gt3A_362 : f32
        %convert_element_type3A_364 = arith.extui %gt3A_363 : i1 to i32
        %cond3A_365 = arith.constant 0 : i32
        %cond3A_366 = arith.cmpi ne, %convert_element_type3A_364, %cond3A_365 : i32
        scf.if %cond3A_366 {
          %broadcast_in_dim3A_367 = arith.constant 32 : i32
          %broadcast_in_dim3A_368 = vector.broadcast %broadcast_in_dim3A_367 : i32 to vector<16xi32>
          %scan3A_369 = arith.constant 0 : i32
          %scan3A_370 = arith.constant 525 : i32
          %scan3A_371 = arith.addi %scan3A_369, %scan3A_370 : i32
          %scan3A_372 = arith.constant 1 : i32
          %scan3A_373:2 = scf.for %scan3A_375 = %scan3A_369 to %scan3A_371 step %scan3A_372 iter_args(%scan3A_376 = %broadcast_in_dim3A_5, %scan3A_377 = %broadcast_in_dim3A_368) -> (vector<16xi32>, vector<16xi32>)  : i32 {
            %mul3A_378 = arith.constant 16 : i32
            %mul3A_379 = arith.muli %scan3A_375, %mul3A_378 : i32
            %get3A_380 = arith.constant 2 : i32
            %get3A_381 = arith.index_cast %get3A_380 : i32 to index
            %get3A_382 = arith.index_cast %mul3A_379 : i32 to index
            %get3A_383 = tpu.vector_load %arg4[%get3A_381, %get3A_382] {strides = array<i32>} : memref<8x8400xf32, #tpu.memory_space<vmem>>, vector<16xf32>,
            %mul3A_384 = arith.constant 16 : i32
            %mul3A_385 = arith.muli %scan3A_375, %mul3A_384 : i32
            %add3A_386 = vector.broadcast %mul3A_385 : i32 to vector<16xi32>
            %add3A_387 = arith.addi %iota3A, %add3A_386 : vector<16xi32>
            %gt3A_388 = arith.cmpf ogt, %get3A_383, %broadcast_in_dim3A_361 : vector<16xf32>
            %eq3A = arith.cmpf oeq, %get3A_383, %broadcast_in_dim3A_361 : vector<16xf32>
            %convert_element_type3A_389 = arith.extui %eq3A : vector<16xi1> to vector<16xi32>
            %broadcast_in_dim3A_390 = arith.constant true
            %broadcast_in_dim3A_391 = vector.broadcast %broadcast_in_dim3A_390 : i1 to vector<16xi1>
            %masked_cumsum3A = tpu.scan <sum>, %convert_element_type3A_389 masked %broadcast_in_dim3A_391 : vector<16xi32>, vector<16xi1> -> vector<16xi32>
            %sub3A_392 = arith.subi %masked_cumsum3A, %convert_element_type3A_389 : vector<16xi32>
            %add3A_393 = arith.addi %sub3A_392, %scan3A_376 : vector<16xi32>
            %lt3A = arith.cmpi slt, %add3A_393, %sub3A_360 : vector<16xi32>
            %and3A = arith.andi %eq3A, %lt3A : vector<16xi1>
            %or3A = arith.ori %gt3A_388, %and3A : vector<16xi1>
            %convert_element_type3A_394 = arith.extui %or3A : vector<16xi1> to vector<16xi32>
            %broadcast_in_dim3A_395 = arith.constant true
            %broadcast_in_dim3A_396 = vector.broadcast %broadcast_in_dim3A_395 : i1 to vector<16xi1>
            %masked_cumsum3A_397 = tpu.scan <sum>, %convert_element_type3A_394 masked %broadcast_in_dim3A_396 : vector<16xi32>, vector<16xi1> -> vector<16xi32>
            %sub3A_398 = arith.subi %masked_cumsum3A_397, %convert_element_type3A_394 : vector<16xi32>
            %add3A_399 = arith.addi %scan3A_377, %sub3A_398 : vector<16xi32>
            tpu.vector_store_idx %arg6[%add3A_399], %add3A_387 masked %or3A : memref<128xi32, #tpu.memory_space<vmem>>[vector<16xi32>], vector<16xi32>, vector<16xi1>
            %all_reduce_population_count3A_400 = tpu.all_reduce %eq3A {dim = 0 : i64, kind = #tpu.reduction_kind<sum>} : vector<16xi1> -> vector<16xi32>
            %add3A_401 = arith.addi %scan3A_376, %all_reduce_population_count3A_400 : vector<16xi32>
            %all_reduce_population_count3A_402 = tpu.all_reduce %or3A {dim = 0 : i64, kind = #tpu.reduction_kind<sum>} : vector<16xi1> -> vector<16xi32>
            %add3A_403 = arith.addi %scan3A_377, %all_reduce_population_count3A_402 : vector<16xi32>
            scf.yield %add3A_401, %add3A_403 : vector<16xi32>, vector<16xi32>
          }
          %scan3A_374 = arith.constant 525 : i32
        } else {
        }
      } else {
      }
      %broadcast_in_dim3A_182 = arith.constant -1 : i32
      %broadcast_in_dim3A_183 = vector.broadcast %broadcast_in_dim3A_182 : i32 to vector<16xi32>
      %swap3A_184 = arith.constant 48 : index
      %swap3A_185 = tpu.vector_load %arg6[%swap3A_184] {strides = array<i32>} : memref<128xi32, #tpu.memory_space<vmem>>, vector<16xi32>,
      tpu.vector_store %arg6[%swap3A_184], %broadcast_in_dim3A_183 {strides = array<i32>} : memref<128xi32, #tpu.memory_space<vmem>>, vector<16xi32>,
      %slice3A_186 = vector.extract_strided_slice %parallel_loop3A_130#3 {offsets = [0], sizes = [1], strides = [1]} : vector<16xi32> to vector<1xi32>
      %squeeze3A_187 = vector.extract %slice3A_186[0] : i32 from vector<1xi32>
      %sub3A_188 = arith.constant 3072 : i32
      %sub3A_189 = arith.subi %squeeze3A_187, %sub3A_188 : i32
      %broadcast_in_dim3A_190 = vector.broadcast %sub3A_189 : i32 to vector<16xi32>
      %le3A_191 = arith.constant 1008 : i32
      %le3A_192 = arith.cmpi sle, %sub3A_189, %le3A_191 : i32
      %convert_element_type3A_193 = arith.extui %le3A_192 : i1 to i32
      %cond3A_194 = arith.constant 0 : i32
      %cond3A_195 = arith.cmpi ne, %convert_element_type3A_193, %cond3A_194 : i32
      scf.if %cond3A_195 {
        %add3A_344 = arith.constant 3072 : i32
        %add3A_345 = arith.addi %add3A_344, %sub3A_189 : i32
        %swap3A_346 = arith.index_cast %add3A_345 : i32 to index
        %swap3A_347 = tpu.vector_load %arg5[%swap3A_346] {strides = array<i32>} : memref<8192xi32, #tpu.memory_space<vmem>>, vector<16xi32>,
        tpu.vector_store %arg5[%swap3A_346], %broadcast_in_dim3A_5 {strides = array<i32>} : memref<8192xi32, #tpu.memory_space<vmem>>, vector<16xi32>,
        %add3A_348 = arith.constant 15 : i32
        %add3A_349 = arith.addi %sub3A_189, %add3A_348 : i32
        %jit3A = arith.constant 16 : i32
        %div3A = arith.divsi %add3A_349, %jit3A : i32
        %sign3A = arith.constant 0 : i32
        %sign3A_350 = arith.cmpi sgt, %add3A_349, %sign3A : i32
        %sign3A_351 = arith.extui %sign3A_350 : i1 to i32
        %sign3A_352 = arith.constant 0 : i32
        %sign3A_353 = arith.cmpi slt, %add3A_349, %sign3A_352 : i32
        %sign3A_354 = arith.extui %sign3A_353 : i1 to i32
        %sign3A_355 = arith.subi %sign3A_351, %sign3A_354 : i32
        %sign3A_356 = arith.constant 0 : i32
        %sign3A_357 = arith.cmpi sgt, %jit3A, %sign3A_356 : i32
        %sign3A_358 = arith.extui %sign3A_357 : i1 to i32
        %sign3A_359 = arith.constant 0 : i32
        %sign3A_360 = arith.cmpi slt, %jit3A, %sign3A_359 : i32
        %sign3A_361 = arith.extui %sign3A_360 : i1 to i32
        %sign3A_362 = arith.subi %sign3A_358, %sign3A_361 : i32
        %ne3A = arith.cmpi ne, %sign3A_355, %sign3A_362 : i32
        %rem3A = arith.remsi %add3A_349, %jit3A : i32
        %ne3A_363 = arith.constant 0 : i32
        %ne3A_364 = arith.cmpi ne, %rem3A, %ne3A_363 : i32
        %and3A = arith.andi %ne3A, %ne3A_364 : i1
        %sub3A_365 = arith.constant 1 : i32
        %sub3A_366 = arith.subi %div3A, %sub3A_365 : i32
        %select_n3A = arith.select %and3A, %sub3A_366, %div3A : i32
        %broadcast_in_dim3A_367 = arith.constant -3.000000e+38 : f32
        %broadcast_in_dim3A_368 = vector.broadcast %broadcast_in_dim3A_367 : f32 to vector<16xf32>
        %while3A = arith.constant 0 : i32
        %while3A_369 = arith.subi %select_n3A, %while3A : i32
        %while3A_370 = arith.addi %while3A, %while3A_369 : i32
        %while3A_371 = arith.constant 1 : i32
        %while3A_372 = arith.divsi %while3A_369, %while3A_371 : i32
        %while3A_373 = arith.muli %while3A_372, %while3A_371 : i32
        %while3A_374 = arith.addi %while3A, %while3A_373 : i32
        %while3A_375 = arith.constant 1 : i32
        %while3A_376 = scf.for %while3A_394 = %while3A to %while3A_374 step %while3A_375 iter_args(%while3A_395 = %broadcast_in_dim3A_368) -> (vector<16xf32>)  : i32 {
          %mul3A_396 = arith.constant 16 : i32
          %mul3A_397 = arith.muli %while3A_394, %mul3A_396 : i32
          %add3A_398 = arith.constant 3072 : i32
          %add3A_399 = arith.addi %add3A_398, %mul3A_397 : i32
          %get3A_400 = arith.index_cast %add3A_399 : i32 to index
          %get3A_401 = tpu.vector_load %arg5[%get3A_400] {strides = array<i32>} : memref<8192xi32, #tpu.memory_space<vmem>>, vector<16xi32>,
          %broadcast_in_dim3A_402 = arith.constant 3 : i32
          %broadcast_in_dim3A_403 = vector.broadcast %broadcast_in_dim3A_402 : i32 to vector<16xi32>
          %gather3A = tpu.vector_load_idx %arg4[%broadcast_in_dim3A_403, %get3A_401] : memref<8x8400xf32, #tpu.memory_space<vmem>>[vector<16xi32>, vector<16xi32>], vector<16xf32>,
          %mul3A_404 = arith.constant 16 : i32
          %mul3A_405 = arith.muli %while3A_394, %mul3A_404 : i32
          %add3A_406 = vector.broadcast %mul3A_405 : i32 to vector<16xi32>
          %add3A_407 = arith.addi %iota3A, %add3A_406 : vector<16xi32>
          %lt3A = arith.cmpi slt, %add3A_407, %broadcast_in_dim3A_190 : vector<16xi32>
          %jit3A_408 = arith.constant -1.000000e+00 : f32
          %broadcast_in_dim3A_409 = vector.broadcast %jit3A_408 : f32 to vector<16xf32>
          %select_n3A_410 = arith.select %lt3A, %gather3A, %broadcast_in_dim3A_409 : vector<16xi1>, vector<16xf32>
          %masked_sort3A_411 = arith.constant dense<true> : vector<16xi1>
          %masked_sort3A_412, %masked_sort3A_413, %masked_sort3A_414 = tpu.sort %select_n3A_410, %get3A_401 masked %masked_sort3A_411 : (vector<16xf32>, vector<16xi32>, vector<16xi1>) -> (vector<16xi1>, vector<16xf32>, vector<16xi32>)
          %max3A = arith.maximumf %while3A_395, %masked_sort3A_413 : vector<16xf32>
          %masked_sort3A_415 = arith.constant dense<true> : vector<16xi1>
          %masked_sort3A_416, %masked_sort3A_417, %masked_sort3A_418 = tpu.sort %max3A, %iota3A masked %masked_sort3A_415 {descending = true} : (vector<16xf32>, vector<16xi32>, vector<16xi1>) -> (vector<16xi1>, vector<16xf32>, vector<16xi32>)
          scf.yield %masked_sort3A_417 : vector<16xf32>
        }
        %while3A_377 = arith.constant 1 : i32
        %while3A_378 = scf.for %while3A_394 = %while3A_374 to %while3A_370 step %while3A_377 iter_args(%while3A_395 = %while3A_376) -> (vector<16xf32>)  : i32 {
          %mul3A_396 = arith.constant 16 : i32
          %mul3A_397 = arith.muli %while3A_394, %mul3A_396 : i32
          %add3A_398 = arith.constant 3072 : i32
          %add3A_399 = arith.addi %add3A_398, %mul3A_397 : i32
          %get3A_400 = arith.index_cast %add3A_399 : i32 to index
          %get3A_401 = tpu.vector_load %arg5[%get3A_400] {strides = array<i32>} : memref<8192xi32, #tpu.memory_space<vmem>>, vector<16xi32>,
          %broadcast_in_dim3A_402 = arith.constant 3 : i32
          %broadcast_in_dim3A_403 = vector.broadcast %broadcast_in_dim3A_402 : i32 to vector<16xi32>
          %gather3A = tpu.vector_load_idx %arg4[%broadcast_in_dim3A_403, %get3A_401] : memref<8x8400xf32, #tpu.memory_space<vmem>>[vector<16xi32>, vector<16xi32>], vector<16xf32>,
          %mul3A_404 = arith.constant 16 : i32
          %mul3A_405 = arith.muli %while3A_394, %mul3A_404 : i32
          %add3A_406 = vector.broadcast %mul3A_405 : i32 to vector<16xi32>
          %add3A_407 = arith.addi %iota3A, %add3A_406 : vector<16xi32>
          %lt3A = arith.cmpi slt, %add3A_407, %broadcast_in_dim3A_190 : vector<16xi32>
          %jit3A_408 = arith.constant -1.000000e+00 : f32
          %broadcast_in_dim3A_409 = vector.broadcast %jit3A_408 : f32 to vector<16xf32>
          %select_n3A_410 = arith.select %lt3A, %gather3A, %broadcast_in_dim3A_409 : vector<16xi1>, vector<16xf32>
          %masked_sort3A_411 = arith.constant dense<true> : vector<16xi1>
          %masked_sort3A_412, %masked_sort3A_413, %masked_sort3A_414 = tpu.sort %select_n3A_410, %get3A_401 masked %masked_sort3A_411 : (vector<16xf32>, vector<16xi32>, vector<16xi1>) -> (vector<16xi1>, vector<16xf32>, vector<16xi32>)
          %max3A = arith.maximumf %while3A_395, %masked_sort3A_413 : vector<16xf32>
          %masked_sort3A_415 = arith.constant dense<true> : vector<16xi1>
          %masked_sort3A_416, %masked_sort3A_417, %masked_sort3A_418 = tpu.sort %max3A, %iota3A masked %masked_sort3A_415 {descending = true} : (vector<16xf32>, vector<16xi32>, vector<16xi1>) -> (vector<16xi1>, vector<16xf32>, vector<16xi32>)
          scf.yield %masked_sort3A_417 : vector<16xf32>
        }
        %slice3A_379 = vector.extract_strided_slice %while3A_378 {offsets = [12], sizes = [1], strides = [1]} : vector<16xf32> to vector<1xf32>
        %squeeze3A_380 = vector.extract %slice3A_379[0] : f32 from vector<1xf32>
        %slice3A_381 = vector.extract_strided_slice %while3A_378 {offsets = [0], sizes = [1], strides = [1]} : vector<16xf32> to vector<1xf32>
        %squeeze3A_382 = vector.extract %slice3A_381[0] : f32 from vector<1xf32>
        %gt3A_383 = vector.broadcast %squeeze3A_380 : f32 to vector<16xf32>
        %gt3A_384 = arith.cmpf ogt, %while3A_378, %gt3A_383 : vector<16xf32>
        %all_reduce_population_count3A = tpu.all_reduce %gt3A_384 {dim = 0 : i64, kind = #tpu.reduction_kind<sum>} : vector<16xi1> -> vector<16xi32>
        %sub3A_385 = arith.constant 13 : i32
        %sub3A_386 = vector.broadcast %sub3A_385 : i32 to vector<16xi32>
        %sub3A_387 = arith.subi %sub3A_386, %all_reduce_population_count3A : vector<16xi32>
        %broadcast_in_dim3A_388 = vector.broadcast %squeeze3A_380 : f32 to vector<16xf32>
        %gt3A_389 = arith.constant 9.99999971E-10 : f32
        %gt3A_390 = arith.cmpf ogt, %squeeze3A_382, %gt3A_389 : f32
        %convert_element_type3A_391 = arith.extui %gt3A_390 : i1 to i32
        %cond3A_392 = arith.constant 0 : i32
        %cond3A_393 = arith.cmpi ne, %convert_element_type3A_391, %cond3A_392 : i32
        scf.if %cond3A_393 {
          %broadcast_in_dim3A_394 = arith.constant 48 : i32
          %broadcast_in_dim3A_395 = vector.broadcast %broadcast_in_dim3A_394 : i32 to vector<16xi32>
          %while3A_396 = arith.constant 0 : i32
          %while3A_397 = arith.subi %select_n3A, %while3A_396 : i32
          %while3A_398 = arith.addi %while3A_396, %while3A_397 : i32
          %while3A_399 = arith.constant 1 : i32
          %while3A_400 = arith.divsi %while3A_397, %while3A_399 : i32
          %while3A_401 = arith.muli %while3A_400, %while3A_399 : i32
          %while3A_402 = arith.addi %while3A_396, %while3A_401 : i32
          %while3A_403 = arith.constant 1 : i32
          %while3A_404:2 = scf.for %while3A_407 = %while3A_396 to %while3A_402 step %while3A_403 iter_args(%while3A_408 = %broadcast_in_dim3A_5, %while3A_409 = %broadcast_in_dim3A_395) -> (vector<16xi32>, vector<16xi32>)  : i32 {
            %mul3A_410 = arith.constant 16 : i32
            %mul3A_411 = arith.muli %while3A_407, %mul3A_410 : i32
            %add3A_412 = arith.constant 3072 : i32
            %add3A_413 = arith.addi %add3A_412, %mul3A_411 : i32
            %get3A_414 = arith.index_cast %add3A_413 : i32 to index
            %get3A_415 = tpu.vector_load %arg5[%get3A_414] {strides = array<i32>} : memref<8192xi32, #tpu.memory_space<vmem>>, vector<16xi32>,
            %broadcast_in_dim3A_416 = arith.constant 3 : i32
            %broadcast_in_dim3A_417 = vector.broadcast %broadcast_in_dim3A_416 : i32 to vector<16xi32>
            %gather3A = tpu.vector_load_idx %arg4[%broadcast_in_dim3A_417, %get3A_415] : memref<8x8400xf32, #tpu.memory_space<vmem>>[vector<16xi32>, vector<16xi32>], vector<16xf32>,
            %mul3A_418 = arith.constant 16 : i32
            %mul3A_419 = arith.muli %while3A_407, %mul3A_418 : i32
            %add3A_420 = vector.broadcast %mul3A_419 : i32 to vector<16xi32>
            %add3A_421 = arith.addi %iota3A, %add3A_420 : vector<16xi32>
            %lt3A = arith.cmpi slt, %add3A_421, %broadcast_in_dim3A_190 : vector<16xi32>
            %jit3A_422 = arith.constant -1.000000e+00 : f32
            %broadcast_in_dim3A_423 = vector.broadcast %jit3A_422 : f32 to vector<16xf32>
            %select_n3A_424 = arith.select %lt3A, %gather3A, %broadcast_in_dim3A_423 : vector<16xi1>, vector<16xf32>
            %gt3A_425 = arith.cmpf ogt, %select_n3A_424, %broadcast_in_dim3A_388 : vector<16xf32>
            %eq3A = arith.cmpf oeq, %select_n3A_424, %broadcast_in_dim3A_388 : vector<16xf32>
            %convert_element_type3A_426 = arith.extui %eq3A : vector<16xi1> to vector<16xi32>
            %broadcast_in_dim3A_427 = arith.constant true
            %broadcast_in_dim3A_428 = vector.broadcast %broadcast_in_dim3A_427 : i1 to vector<16xi1>
            %masked_cumsum3A = tpu.scan <sum>, %convert_element_type3A_426 masked %broadcast_in_dim3A_428 : vector<16xi32>, vector<16xi1> -> vector<16xi32>
            %sub3A_429 = arith.subi %masked_cumsum3A, %convert_element_type3A_426 : vector<16xi32>
            %add3A_430 = arith.addi %sub3A_429, %while3A_408 : vector<16xi32>
            %lt3A_431 = arith.cmpi slt, %add3A_430, %sub3A_387 : vector<16xi32>
            %and3A_432 = arith.andi %eq3A, %lt3A_431 : vector<16xi1>
            %or3A = arith.ori %gt3A_425, %and3A_432 : vector<16xi1>
            %convert_element_type3A_433 = arith.extui %or3A : vector<16xi1> to vector<16xi32>
            %broadcast_in_dim3A_434 = arith.constant true
            %broadcast_in_dim3A_435 = vector.broadcast %broadcast_in_dim3A_434 : i1 to vector<16xi1>
            %masked_cumsum3A_436 = tpu.scan <sum>, %convert_element_type3A_433 masked %broadcast_in_dim3A_435 : vector<16xi32>, vector<16xi1> -> vector<16xi32>
            %sub3A_437 = arith.subi %masked_cumsum3A_436, %convert_element_type3A_433 : vector<16xi32>
            %add3A_438 = arith.addi %while3A_409, %sub3A_437 : vector<16xi32>
            tpu.vector_store_idx %arg6[%add3A_438], %get3A_415 masked %or3A : memref<128xi32, #tpu.memory_space<vmem>>[vector<16xi32>], vector<16xi32>, vector<16xi1>
            %all_reduce_population_count3A_439 = tpu.all_reduce %eq3A {dim = 0 : i64, kind = #tpu.reduction_kind<sum>} : vector<16xi1> -> vector<16xi32>
            %add3A_440 = arith.addi %while3A_408, %all_reduce_population_count3A_439 : vector<16xi32>
            %all_reduce_population_count3A_441 = tpu.all_reduce %or3A {dim = 0 : i64, kind = #tpu.reduction_kind<sum>} : vector<16xi1> -> vector<16xi32>
            %add3A_442 = arith.addi %while3A_409, %all_reduce_population_count3A_441 : vector<16xi32>
            scf.yield %add3A_440, %add3A_442 : vector<16xi32>, vector<16xi32>
          }
          %while3A_405 = arith.constant 1 : i32
          %while3A_406:2 = scf.for %while3A_407 = %while3A_402 to %while3A_398 step %while3A_405 iter_args(%while3A_408 = %while3A_404#0, %while3A_409 = %while3A_404#1) -> (vector<16xi32>, vector<16xi32>)  : i32 {
            %mul3A_410 = arith.constant 16 : i32
            %mul3A_411 = arith.muli %while3A_407, %mul3A_410 : i32
            %add3A_412 = arith.constant 3072 : i32
            %add3A_413 = arith.addi %add3A_412, %mul3A_411 : i32
            %get3A_414 = arith.index_cast %add3A_413 : i32 to index
            %get3A_415 = tpu.vector_load %arg5[%get3A_414] {strides = array<i32>} : memref<8192xi32, #tpu.memory_space<vmem>>, vector<16xi32>,
            %broadcast_in_dim3A_416 = arith.constant 3 : i32
            %broadcast_in_dim3A_417 = vector.broadcast %broadcast_in_dim3A_416 : i32 to vector<16xi32>
            %gather3A = tpu.vector_load_idx %arg4[%broadcast_in_dim3A_417, %get3A_415] : memref<8x8400xf32, #tpu.memory_space<vmem>>[vector<16xi32>, vector<16xi32>], vector<16xf32>,
            %mul3A_418 = arith.constant 16 : i32
            %mul3A_419 = arith.muli %while3A_407, %mul3A_418 : i32
            %add3A_420 = vector.broadcast %mul3A_419 : i32 to vector<16xi32>
            %add3A_421 = arith.addi %iota3A, %add3A_420 : vector<16xi32>
            %lt3A = arith.cmpi slt, %add3A_421, %broadcast_in_dim3A_190 : vector<16xi32>
            %jit3A_422 = arith.constant -1.000000e+00 : f32
            %broadcast_in_dim3A_423 = vector.broadcast %jit3A_422 : f32 to vector<16xf32>
            %select_n3A_424 = arith.select %lt3A, %gather3A, %broadcast_in_dim3A_423 : vector<16xi1>, vector<16xf32>
            %gt3A_425 = arith.cmpf ogt, %select_n3A_424, %broadcast_in_dim3A_388 : vector<16xf32>
            %eq3A = arith.cmpf oeq, %select_n3A_424, %broadcast_in_dim3A_388 : vector<16xf32>
            %convert_element_type3A_426 = arith.extui %eq3A : vector<16xi1> to vector<16xi32>
            %broadcast_in_dim3A_427 = arith.constant true
            %broadcast_in_dim3A_428 = vector.broadcast %broadcast_in_dim3A_427 : i1 to vector<16xi1>
            %masked_cumsum3A = tpu.scan <sum>, %convert_element_type3A_426 masked %broadcast_in_dim3A_428 : vector<16xi32>, vector<16xi1> -> vector<16xi32>
            %sub3A_429 = arith.subi %masked_cumsum3A, %convert_element_type3A_426 : vector<16xi32>
            %add3A_430 = arith.addi %sub3A_429, %while3A_408 : vector<16xi32>
            %lt3A_431 = arith.cmpi slt, %add3A_430, %sub3A_387 : vector<16xi32>
            %and3A_432 = arith.andi %eq3A, %lt3A_431 : vector<16xi1>
            %or3A = arith.ori %gt3A_425, %and3A_432 : vector<16xi1>
            %convert_element_type3A_433 = arith.extui %or3A : vector<16xi1> to vector<16xi32>
            %broadcast_in_dim3A_434 = arith.constant true
            %broadcast_in_dim3A_435 = vector.broadcast %broadcast_in_dim3A_434 : i1 to vector<16xi1>
            %masked_cumsum3A_436 = tpu.scan <sum>, %convert_element_type3A_433 masked %broadcast_in_dim3A_435 : vector<16xi32>, vector<16xi1> -> vector<16xi32>
            %sub3A_437 = arith.subi %masked_cumsum3A_436, %convert_element_type3A_433 : vector<16xi32>
            %add3A_438 = arith.addi %while3A_409, %sub3A_437 : vector<16xi32>
            tpu.vector_store_idx %arg6[%add3A_438], %get3A_415 masked %or3A : memref<128xi32, #tpu.memory_space<vmem>>[vector<16xi32>], vector<16xi32>, vector<16xi1>
            %all_reduce_population_count3A_439 = tpu.all_reduce %eq3A {dim = 0 : i64, kind = #tpu.reduction_kind<sum>} : vector<16xi1> -> vector<16xi32>
            %add3A_440 = arith.addi %while3A_408, %all_reduce_population_count3A_439 : vector<16xi32>
            %all_reduce_population_count3A_441 = tpu.all_reduce %or3A {dim = 0 : i64, kind = #tpu.reduction_kind<sum>} : vector<16xi1> -> vector<16xi32>
            %add3A_442 = arith.addi %while3A_409, %all_reduce_population_count3A_441 : vector<16xi32>
            scf.yield %add3A_440, %add3A_442 : vector<16xi32>, vector<16xi32>
          }
        } else {
        }
      } else {
      }
      %gt3A_196 = arith.constant 1008 : i32
      %gt3A_197 = arith.cmpi sgt, %sub3A_189, %gt3A_196 : i32
      %convert_element_type3A_198 = arith.extui %gt3A_197 : i1 to i32
      %cond3A_199 = arith.constant 0 : i32
      %cond3A_200 = arith.cmpi ne, %convert_element_type3A_198, %cond3A_199 : i32
      scf.if %cond3A_200 {
        %broadcast_in_dim3A_344 = arith.constant -3.000000e+38 : f32
        %broadcast_in_dim3A_345 = vector.broadcast %broadcast_in_dim3A_344 : f32 to vector<16xf32>
        %scan3A_346 = arith.constant 0 : i32
        %scan3A_347 = arith.constant 525 : i32
        %scan3A_348 = arith.addi %scan3A_346, %scan3A_347 : i32
        %scan3A_349 = arith.constant 1 : i32
        %scan3A_350 = scf.for %scan3A_367 = %scan3A_346 to %scan3A_348 step %scan3A_349 iter_args(%scan3A_368 = %broadcast_in_dim3A_345) -> (vector<16xf32>)  : i32 {
          %mul3A_369 = arith.constant 16 : i32
          %mul3A_370 = arith.muli %scan3A_367, %mul3A_369 : i32
          %get3A_371 = arith.constant 3 : i32
          %get3A_372 = arith.index_cast %get3A_371 : i32 to index
          %get3A_373 = arith.index_cast %mul3A_370 : i32 to index
          %get3A_374 = tpu.vector_load %arg4[%get3A_372, %get3A_373] {strides = array<i32>} : memref<8x8400xf32, #tpu.memory_space<vmem>>, vector<16xf32>,
          %mul3A_375 = arith.constant 16 : i32
          %mul3A_376 = arith.muli %scan3A_367, %mul3A_375 : i32
          %add3A_377 = vector.broadcast %mul3A_376 : i32 to vector<16xi32>
          %add3A_378 = arith.addi %iota3A, %add3A_377 : vector<16xi32>
          %masked_sort3A_379 = arith.constant dense<true> : vector<16xi1>
          %masked_sort3A_380, %masked_sort3A_381, %masked_sort3A_382 = tpu.sort %get3A_374, %add3A_378 masked %masked_sort3A_379 : (vector<16xf32>, vector<16xi32>, vector<16xi1>) -> (vector<16xi1>, vector<16xf32>, vector<16xi32>)
          %max3A = arith.maximumf %scan3A_368, %masked_sort3A_381 : vector<16xf32>
          %masked_sort3A_383 = arith.constant dense<true> : vector<16xi1>
          %masked_sort3A_384, %masked_sort3A_385, %masked_sort3A_386 = tpu.sort %max3A, %iota3A masked %masked_sort3A_383 {descending = true} : (vector<16xf32>, vector<16xi32>, vector<16xi1>) -> (vector<16xi1>, vector<16xf32>, vector<16xi32>)
          scf.yield %masked_sort3A_385 : vector<16xf32>
        }
        %scan3A_351 = arith.constant 525 : i32
        %slice3A_352 = vector.extract_strided_slice %scan3A_350 {offsets = [12], sizes = [1], strides = [1]} : vector<16xf32> to vector<1xf32>
        %squeeze3A_353 = vector.extract %slice3A_352[0] : f32 from vector<1xf32>
        %slice3A_354 = vector.extract_strided_slice %scan3A_350 {offsets = [0], sizes = [1], strides = [1]} : vector<16xf32> to vector<1xf32>
        %squeeze3A_355 = vector.extract %slice3A_354[0] : f32 from vector<1xf32>
        %gt3A_356 = vector.broadcast %squeeze3A_353 : f32 to vector<16xf32>
        %gt3A_357 = arith.cmpf ogt, %scan3A_350, %gt3A_356 : vector<16xf32>
        %all_reduce_population_count3A = tpu.all_reduce %gt3A_357 {dim = 0 : i64, kind = #tpu.reduction_kind<sum>} : vector<16xi1> -> vector<16xi32>
        %sub3A_358 = arith.constant 13 : i32
        %sub3A_359 = vector.broadcast %sub3A_358 : i32 to vector<16xi32>
        %sub3A_360 = arith.subi %sub3A_359, %all_reduce_population_count3A : vector<16xi32>
        %broadcast_in_dim3A_361 = vector.broadcast %squeeze3A_353 : f32 to vector<16xf32>
        %gt3A_362 = arith.constant 9.99999971E-10 : f32
        %gt3A_363 = arith.cmpf ogt, %squeeze3A_355, %gt3A_362 : f32
        %convert_element_type3A_364 = arith.extui %gt3A_363 : i1 to i32
        %cond3A_365 = arith.constant 0 : i32
        %cond3A_366 = arith.cmpi ne, %convert_element_type3A_364, %cond3A_365 : i32
        scf.if %cond3A_366 {
          %broadcast_in_dim3A_367 = arith.constant 48 : i32
          %broadcast_in_dim3A_368 = vector.broadcast %broadcast_in_dim3A_367 : i32 to vector<16xi32>
          %scan3A_369 = arith.constant 0 : i32
          %scan3A_370 = arith.constant 525 : i32
          %scan3A_371 = arith.addi %scan3A_369, %scan3A_370 : i32
          %scan3A_372 = arith.constant 1 : i32
          %scan3A_373:2 = scf.for %scan3A_375 = %scan3A_369 to %scan3A_371 step %scan3A_372 iter_args(%scan3A_376 = %broadcast_in_dim3A_5, %scan3A_377 = %broadcast_in_dim3A_368) -> (vector<16xi32>, vector<16xi32>)  : i32 {
            %mul3A_378 = arith.constant 16 : i32
            %mul3A_379 = arith.muli %scan3A_375, %mul3A_378 : i32
            %get3A_380 = arith.constant 3 : i32
            %get3A_381 = arith.index_cast %get3A_380 : i32 to index
            %get3A_382 = arith.index_cast %mul3A_379 : i32 to index
            %get3A_383 = tpu.vector_load %arg4[%get3A_381, %get3A_382] {strides = array<i32>} : memref<8x8400xf32, #tpu.memory_space<vmem>>, vector<16xf32>,
            %mul3A_384 = arith.constant 16 : i32
            %mul3A_385 = arith.muli %scan3A_375, %mul3A_384 : i32
            %add3A_386 = vector.broadcast %mul3A_385 : i32 to vector<16xi32>
            %add3A_387 = arith.addi %iota3A, %add3A_386 : vector<16xi32>
            %gt3A_388 = arith.cmpf ogt, %get3A_383, %broadcast_in_dim3A_361 : vector<16xf32>
            %eq3A = arith.cmpf oeq, %get3A_383, %broadcast_in_dim3A_361 : vector<16xf32>
            %convert_element_type3A_389 = arith.extui %eq3A : vector<16xi1> to vector<16xi32>
            %broadcast_in_dim3A_390 = arith.constant true
            %broadcast_in_dim3A_391 = vector.broadcast %broadcast_in_dim3A_390 : i1 to vector<16xi1>
            %masked_cumsum3A = tpu.scan <sum>, %convert_element_type3A_389 masked %broadcast_in_dim3A_391 : vector<16xi32>, vector<16xi1> -> vector<16xi32>
            %sub3A_392 = arith.subi %masked_cumsum3A, %convert_element_type3A_389 : vector<16xi32>
            %add3A_393 = arith.addi %sub3A_392, %scan3A_376 : vector<16xi32>
            %lt3A = arith.cmpi slt, %add3A_393, %sub3A_360 : vector<16xi32>
            %and3A = arith.andi %eq3A, %lt3A : vector<16xi1>
            %or3A = arith.ori %gt3A_388, %and3A : vector<16xi1>
            %convert_element_type3A_394 = arith.extui %or3A : vector<16xi1> to vector<16xi32>
            %broadcast_in_dim3A_395 = arith.constant true
            %broadcast_in_dim3A_396 = vector.broadcast %broadcast_in_dim3A_395 : i1 to vector<16xi1>
            %masked_cumsum3A_397 = tpu.scan <sum>, %convert_element_type3A_394 masked %broadcast_in_dim3A_396 : vector<16xi32>, vector<16xi1> -> vector<16xi32>
            %sub3A_398 = arith.subi %masked_cumsum3A_397, %convert_element_type3A_394 : vector<16xi32>
            %add3A_399 = arith.addi %scan3A_377, %sub3A_398 : vector<16xi32>
            tpu.vector_store_idx %arg6[%add3A_399], %add3A_387 masked %or3A : memref<128xi32, #tpu.memory_space<vmem>>[vector<16xi32>], vector<16xi32>, vector<16xi1>
            %all_reduce_population_count3A_400 = tpu.all_reduce %eq3A {dim = 0 : i64, kind = #tpu.reduction_kind<sum>} : vector<16xi1> -> vector<16xi32>
            %add3A_401 = arith.addi %scan3A_376, %all_reduce_population_count3A_400 : vector<16xi32>
            %all_reduce_population_count3A_402 = tpu.all_reduce %or3A {dim = 0 : i64, kind = #tpu.reduction_kind<sum>} : vector<16xi1> -> vector<16xi32>
            %add3A_403 = arith.addi %scan3A_377, %all_reduce_population_count3A_402 : vector<16xi32>
            scf.yield %add3A_401, %add3A_403 : vector<16xi32>, vector<16xi32>
          }
          %scan3A_374 = arith.constant 525 : i32
        } else {
        }
      } else {
      }
      %broadcast_in_dim3A_201 = arith.constant -1 : i32
      %broadcast_in_dim3A_202 = vector.broadcast %broadcast_in_dim3A_201 : i32 to vector<16xi32>
      %swap3A_203 = arith.constant 64 : index
      %swap3A_204 = tpu.vector_load %arg6[%swap3A_203] {strides = array<i32>} : memref<128xi32, #tpu.memory_space<vmem>>, vector<16xi32>,
      tpu.vector_store %arg6[%swap3A_203], %broadcast_in_dim3A_202 {strides = array<i32>} : memref<128xi32, #tpu.memory_space<vmem>>, vector<16xi32>,
      %slice3A_205 = vector.extract_strided_slice %parallel_loop3A_130#4 {offsets = [0], sizes = [1], strides = [1]} : vector<16xi32> to vector<1xi32>
      %squeeze3A_206 = vector.extract %slice3A_205[0] : i32 from vector<1xi32>
      %sub3A_207 = arith.constant 4096 : i32
      %sub3A_208 = arith.subi %squeeze3A_206, %sub3A_207 : i32
      %broadcast_in_dim3A_209 = vector.broadcast %sub3A_208 : i32 to vector<16xi32>
      %le3A_210 = arith.constant 1008 : i32
      %le3A_211 = arith.cmpi sle, %sub3A_208, %le3A_210 : i32
      %convert_element_type3A_212 = arith.extui %le3A_211 : i1 to i32
      %cond3A_213 = arith.constant 0 : i32
      %cond3A_214 = arith.cmpi ne, %convert_element_type3A_212, %cond3A_213 : i32
      scf.if %cond3A_214 {
        %add3A_344 = arith.constant 4096 : i32
        %add3A_345 = arith.addi %add3A_344, %sub3A_208 : i32
        %swap3A_346 = arith.index_cast %add3A_345 : i32 to index
        %swap3A_347 = tpu.vector_load %arg5[%swap3A_346] {strides = array<i32>} : memref<8192xi32, #tpu.memory_space<vmem>>, vector<16xi32>,
        tpu.vector_store %arg5[%swap3A_346], %broadcast_in_dim3A_5 {strides = array<i32>} : memref<8192xi32, #tpu.memory_space<vmem>>, vector<16xi32>,
        %add3A_348 = arith.constant 15 : i32
        %add3A_349 = arith.addi %sub3A_208, %add3A_348 : i32
        %jit3A = arith.constant 16 : i32
        %div3A = arith.divsi %add3A_349, %jit3A : i32
        %sign3A = arith.constant 0 : i32
        %sign3A_350 = arith.cmpi sgt, %add3A_349, %sign3A : i32
        %sign3A_351 = arith.extui %sign3A_350 : i1 to i32
        %sign3A_352 = arith.constant 0 : i32
        %sign3A_353 = arith.cmpi slt, %add3A_349, %sign3A_352 : i32
        %sign3A_354 = arith.extui %sign3A_353 : i1 to i32
        %sign3A_355 = arith.subi %sign3A_351, %sign3A_354 : i32
        %sign3A_356 = arith.constant 0 : i32
        %sign3A_357 = arith.cmpi sgt, %jit3A, %sign3A_356 : i32
        %sign3A_358 = arith.extui %sign3A_357 : i1 to i32
        %sign3A_359 = arith.constant 0 : i32
        %sign3A_360 = arith.cmpi slt, %jit3A, %sign3A_359 : i32
        %sign3A_361 = arith.extui %sign3A_360 : i1 to i32
        %sign3A_362 = arith.subi %sign3A_358, %sign3A_361 : i32
        %ne3A = arith.cmpi ne, %sign3A_355, %sign3A_362 : i32
        %rem3A = arith.remsi %add3A_349, %jit3A : i32
        %ne3A_363 = arith.constant 0 : i32
        %ne3A_364 = arith.cmpi ne, %rem3A, %ne3A_363 : i32
        %and3A = arith.andi %ne3A, %ne3A_364 : i1
        %sub3A_365 = arith.constant 1 : i32
        %sub3A_366 = arith.subi %div3A, %sub3A_365 : i32
        %select_n3A = arith.select %and3A, %sub3A_366, %div3A : i32
        %broadcast_in_dim3A_367 = arith.constant -3.000000e+38 : f32
        %broadcast_in_dim3A_368 = vector.broadcast %broadcast_in_dim3A_367 : f32 to vector<16xf32>
        %while3A = arith.constant 0 : i32
        %while3A_369 = arith.subi %select_n3A, %while3A : i32
        %while3A_370 = arith.addi %while3A, %while3A_369 : i32
        %while3A_371 = arith.constant 1 : i32
        %while3A_372 = arith.divsi %while3A_369, %while3A_371 : i32
        %while3A_373 = arith.muli %while3A_372, %while3A_371 : i32
        %while3A_374 = arith.addi %while3A, %while3A_373 : i32
        %while3A_375 = arith.constant 1 : i32
        %while3A_376 = scf.for %while3A_394 = %while3A to %while3A_374 step %while3A_375 iter_args(%while3A_395 = %broadcast_in_dim3A_368) -> (vector<16xf32>)  : i32 {
          %mul3A_396 = arith.constant 16 : i32
          %mul3A_397 = arith.muli %while3A_394, %mul3A_396 : i32
          %add3A_398 = arith.constant 4096 : i32
          %add3A_399 = arith.addi %add3A_398, %mul3A_397 : i32
          %get3A_400 = arith.index_cast %add3A_399 : i32 to index
          %get3A_401 = tpu.vector_load %arg5[%get3A_400] {strides = array<i32>} : memref<8192xi32, #tpu.memory_space<vmem>>, vector<16xi32>,
          %broadcast_in_dim3A_402 = arith.constant 4 : i32
          %broadcast_in_dim3A_403 = vector.broadcast %broadcast_in_dim3A_402 : i32 to vector<16xi32>
          %gather3A = tpu.vector_load_idx %arg4[%broadcast_in_dim3A_403, %get3A_401] : memref<8x8400xf32, #tpu.memory_space<vmem>>[vector<16xi32>, vector<16xi32>], vector<16xf32>,
          %mul3A_404 = arith.constant 16 : i32
          %mul3A_405 = arith.muli %while3A_394, %mul3A_404 : i32
          %add3A_406 = vector.broadcast %mul3A_405 : i32 to vector<16xi32>
          %add3A_407 = arith.addi %iota3A, %add3A_406 : vector<16xi32>
          %lt3A = arith.cmpi slt, %add3A_407, %broadcast_in_dim3A_209 : vector<16xi32>
          %jit3A_408 = arith.constant -1.000000e+00 : f32
          %broadcast_in_dim3A_409 = vector.broadcast %jit3A_408 : f32 to vector<16xf32>
          %select_n3A_410 = arith.select %lt3A, %gather3A, %broadcast_in_dim3A_409 : vector<16xi1>, vector<16xf32>
          %masked_sort3A_411 = arith.constant dense<true> : vector<16xi1>
          %masked_sort3A_412, %masked_sort3A_413, %masked_sort3A_414 = tpu.sort %select_n3A_410, %get3A_401 masked %masked_sort3A_411 : (vector<16xf32>, vector<16xi32>, vector<16xi1>) -> (vector<16xi1>, vector<16xf32>, vector<16xi32>)
          %max3A = arith.maximumf %while3A_395, %masked_sort3A_413 : vector<16xf32>
          %masked_sort3A_415 = arith.constant dense<true> : vector<16xi1>
          %masked_sort3A_416, %masked_sort3A_417, %masked_sort3A_418 = tpu.sort %max3A, %iota3A masked %masked_sort3A_415 {descending = true} : (vector<16xf32>, vector<16xi32>, vector<16xi1>) -> (vector<16xi1>, vector<16xf32>, vector<16xi32>)
          scf.yield %masked_sort3A_417 : vector<16xf32>
        }
        %while3A_377 = arith.constant 1 : i32
        %while3A_378 = scf.for %while3A_394 = %while3A_374 to %while3A_370 step %while3A_377 iter_args(%while3A_395 = %while3A_376) -> (vector<16xf32>)  : i32 {
          %mul3A_396 = arith.constant 16 : i32
          %mul3A_397 = arith.muli %while3A_394, %mul3A_396 : i32
          %add3A_398 = arith.constant 4096 : i32
          %add3A_399 = arith.addi %add3A_398, %mul3A_397 : i32
          %get3A_400 = arith.index_cast %add3A_399 : i32 to index
          %get3A_401 = tpu.vector_load %arg5[%get3A_400] {strides = array<i32>} : memref<8192xi32, #tpu.memory_space<vmem>>, vector<16xi32>,
          %broadcast_in_dim3A_402 = arith.constant 4 : i32
          %broadcast_in_dim3A_403 = vector.broadcast %broadcast_in_dim3A_402 : i32 to vector<16xi32>
          %gather3A = tpu.vector_load_idx %arg4[%broadcast_in_dim3A_403, %get3A_401] : memref<8x8400xf32, #tpu.memory_space<vmem>>[vector<16xi32>, vector<16xi32>], vector<16xf32>,
          %mul3A_404 = arith.constant 16 : i32
          %mul3A_405 = arith.muli %while3A_394, %mul3A_404 : i32
          %add3A_406 = vector.broadcast %mul3A_405 : i32 to vector<16xi32>
          %add3A_407 = arith.addi %iota3A, %add3A_406 : vector<16xi32>
          %lt3A = arith.cmpi slt, %add3A_407, %broadcast_in_dim3A_209 : vector<16xi32>
          %jit3A_408 = arith.constant -1.000000e+00 : f32
          %broadcast_in_dim3A_409 = vector.broadcast %jit3A_408 : f32 to vector<16xf32>
          %select_n3A_410 = arith.select %lt3A, %gather3A, %broadcast_in_dim3A_409 : vector<16xi1>, vector<16xf32>
          %masked_sort3A_411 = arith.constant dense<true> : vector<16xi1>
          %masked_sort3A_412, %masked_sort3A_413, %masked_sort3A_414 = tpu.sort %select_n3A_410, %get3A_401 masked %masked_sort3A_411 : (vector<16xf32>, vector<16xi32>, vector<16xi1>) -> (vector<16xi1>, vector<16xf32>, vector<16xi32>)
          %max3A = arith.maximumf %while3A_395, %masked_sort3A_413 : vector<16xf32>
          %masked_sort3A_415 = arith.constant dense<true> : vector<16xi1>
          %masked_sort3A_416, %masked_sort3A_417, %masked_sort3A_418 = tpu.sort %max3A, %iota3A masked %masked_sort3A_415 {descending = true} : (vector<16xf32>, vector<16xi32>, vector<16xi1>) -> (vector<16xi1>, vector<16xf32>, vector<16xi32>)
          scf.yield %masked_sort3A_417 : vector<16xf32>
        }
        %slice3A_379 = vector.extract_strided_slice %while3A_378 {offsets = [12], sizes = [1], strides = [1]} : vector<16xf32> to vector<1xf32>
        %squeeze3A_380 = vector.extract %slice3A_379[0] : f32 from vector<1xf32>
        %slice3A_381 = vector.extract_strided_slice %while3A_378 {offsets = [0], sizes = [1], strides = [1]} : vector<16xf32> to vector<1xf32>
        %squeeze3A_382 = vector.extract %slice3A_381[0] : f32 from vector<1xf32>
        %gt3A_383 = vector.broadcast %squeeze3A_380 : f32 to vector<16xf32>
        %gt3A_384 = arith.cmpf ogt, %while3A_378, %gt3A_383 : vector<16xf32>
        %all_reduce_population_count3A = tpu.all_reduce %gt3A_384 {dim = 0 : i64, kind = #tpu.reduction_kind<sum>} : vector<16xi1> -> vector<16xi32>
        %sub3A_385 = arith.constant 13 : i32
        %sub3A_386 = vector.broadcast %sub3A_385 : i32 to vector<16xi32>
        %sub3A_387 = arith.subi %sub3A_386, %all_reduce_population_count3A : vector<16xi32>
        %broadcast_in_dim3A_388 = vector.broadcast %squeeze3A_380 : f32 to vector<16xf32>
        %gt3A_389 = arith.constant 9.99999971E-10 : f32
        %gt3A_390 = arith.cmpf ogt, %squeeze3A_382, %gt3A_389 : f32
        %convert_element_type3A_391 = arith.extui %gt3A_390 : i1 to i32
        %cond3A_392 = arith.constant 0 : i32
        %cond3A_393 = arith.cmpi ne, %convert_element_type3A_391, %cond3A_392 : i32
        scf.if %cond3A_393 {
          %broadcast_in_dim3A_394 = arith.constant 64 : i32
          %broadcast_in_dim3A_395 = vector.broadcast %broadcast_in_dim3A_394 : i32 to vector<16xi32>
          %while3A_396 = arith.constant 0 : i32
          %while3A_397 = arith.subi %select_n3A, %while3A_396 : i32
          %while3A_398 = arith.addi %while3A_396, %while3A_397 : i32
          %while3A_399 = arith.constant 1 : i32
          %while3A_400 = arith.divsi %while3A_397, %while3A_399 : i32
          %while3A_401 = arith.muli %while3A_400, %while3A_399 : i32
          %while3A_402 = arith.addi %while3A_396, %while3A_401 : i32
          %while3A_403 = arith.constant 1 : i32
          %while3A_404:2 = scf.for %while3A_407 = %while3A_396 to %while3A_402 step %while3A_403 iter_args(%while3A_408 = %broadcast_in_dim3A_5, %while3A_409 = %broadcast_in_dim3A_395) -> (vector<16xi32>, vector<16xi32>)  : i32 {
            %mul3A_410 = arith.constant 16 : i32
            %mul3A_411 = arith.muli %while3A_407, %mul3A_410 : i32
            %add3A_412 = arith.constant 4096 : i32
            %add3A_413 = arith.addi %add3A_412, %mul3A_411 : i32
            %get3A_414 = arith.index_cast %add3A_413 : i32 to index
            %get3A_415 = tpu.vector_load %arg5[%get3A_414] {strides = array<i32>} : memref<8192xi32, #tpu.memory_space<vmem>>, vector<16xi32>,
            %broadcast_in_dim3A_416 = arith.constant 4 : i32
            %broadcast_in_dim3A_417 = vector.broadcast %broadcast_in_dim3A_416 : i32 to vector<16xi32>
            %gather3A = tpu.vector_load_idx %arg4[%broadcast_in_dim3A_417, %get3A_415] : memref<8x8400xf32, #tpu.memory_space<vmem>>[vector<16xi32>, vector<16xi32>], vector<16xf32>,
            %mul3A_418 = arith.constant 16 : i32
            %mul3A_419 = arith.muli %while3A_407, %mul3A_418 : i32
            %add3A_420 = vector.broadcast %mul3A_419 : i32 to vector<16xi32>
            %add3A_421 = arith.addi %iota3A, %add3A_420 : vector<16xi32>
            %lt3A = arith.cmpi slt, %add3A_421, %broadcast_in_dim3A_209 : vector<16xi32>
            %jit3A_422 = arith.constant -1.000000e+00 : f32
            %broadcast_in_dim3A_423 = vector.broadcast %jit3A_422 : f32 to vector<16xf32>
            %select_n3A_424 = arith.select %lt3A, %gather3A, %broadcast_in_dim3A_423 : vector<16xi1>, vector<16xf32>
            %gt3A_425 = arith.cmpf ogt, %select_n3A_424, %broadcast_in_dim3A_388 : vector<16xf32>
            %eq3A = arith.cmpf oeq, %select_n3A_424, %broadcast_in_dim3A_388 : vector<16xf32>
            %convert_element_type3A_426 = arith.extui %eq3A : vector<16xi1> to vector<16xi32>
            %broadcast_in_dim3A_427 = arith.constant true
            %broadcast_in_dim3A_428 = vector.broadcast %broadcast_in_dim3A_427 : i1 to vector<16xi1>
            %masked_cumsum3A = tpu.scan <sum>, %convert_element_type3A_426 masked %broadcast_in_dim3A_428 : vector<16xi32>, vector<16xi1> -> vector<16xi32>
            %sub3A_429 = arith.subi %masked_cumsum3A, %convert_element_type3A_426 : vector<16xi32>
            %add3A_430 = arith.addi %sub3A_429, %while3A_408 : vector<16xi32>
            %lt3A_431 = arith.cmpi slt, %add3A_430, %sub3A_387 : vector<16xi32>
            %and3A_432 = arith.andi %eq3A, %lt3A_431 : vector<16xi1>
            %or3A = arith.ori %gt3A_425, %and3A_432 : vector<16xi1>
            %convert_element_type3A_433 = arith.extui %or3A : vector<16xi1> to vector<16xi32>
            %broadcast_in_dim3A_434 = arith.constant true
            %broadcast_in_dim3A_435 = vector.broadcast %broadcast_in_dim3A_434 : i1 to vector<16xi1>
            %masked_cumsum3A_436 = tpu.scan <sum>, %convert_element_type3A_433 masked %broadcast_in_dim3A_435 : vector<16xi32>, vector<16xi1> -> vector<16xi32>
            %sub3A_437 = arith.subi %masked_cumsum3A_436, %convert_element_type3A_433 : vector<16xi32>
            %add3A_438 = arith.addi %while3A_409, %sub3A_437 : vector<16xi32>
            tpu.vector_store_idx %arg6[%add3A_438], %get3A_415 masked %or3A : memref<128xi32, #tpu.memory_space<vmem>>[vector<16xi32>], vector<16xi32>, vector<16xi1>
            %all_reduce_population_count3A_439 = tpu.all_reduce %eq3A {dim = 0 : i64, kind = #tpu.reduction_kind<sum>} : vector<16xi1> -> vector<16xi32>
            %add3A_440 = arith.addi %while3A_408, %all_reduce_population_count3A_439 : vector<16xi32>
            %all_reduce_population_count3A_441 = tpu.all_reduce %or3A {dim = 0 : i64, kind = #tpu.reduction_kind<sum>} : vector<16xi1> -> vector<16xi32>
            %add3A_442 = arith.addi %while3A_409, %all_reduce_population_count3A_441 : vector<16xi32>
            scf.yield %add3A_440, %add3A_442 : vector<16xi32>, vector<16xi32>
          }
          %while3A_405 = arith.constant 1 : i32
          %while3A_406:2 = scf.for %while3A_407 = %while3A_402 to %while3A_398 step %while3A_405 iter_args(%while3A_408 = %while3A_404#0, %while3A_409 = %while3A_404#1) -> (vector<16xi32>, vector<16xi32>)  : i32 {
            %mul3A_410 = arith.constant 16 : i32
            %mul3A_411 = arith.muli %while3A_407, %mul3A_410 : i32
            %add3A_412 = arith.constant 4096 : i32
            %add3A_413 = arith.addi %add3A_412, %mul3A_411 : i32
            %get3A_414 = arith.index_cast %add3A_413 : i32 to index
            %get3A_415 = tpu.vector_load %arg5[%get3A_414] {strides = array<i32>} : memref<8192xi32, #tpu.memory_space<vmem>>, vector<16xi32>,
            %broadcast_in_dim3A_416 = arith.constant 4 : i32
            %broadcast_in_dim3A_417 = vector.broadcast %broadcast_in_dim3A_416 : i32 to vector<16xi32>
            %gather3A = tpu.vector_load_idx %arg4[%broadcast_in_dim3A_417, %get3A_415] : memref<8x8400xf32, #tpu.memory_space<vmem>>[vector<16xi32>, vector<16xi32>], vector<16xf32>,
            %mul3A_418 = arith.constant 16 : i32
            %mul3A_419 = arith.muli %while3A_407, %mul3A_418 : i32
            %add3A_420 = vector.broadcast %mul3A_419 : i32 to vector<16xi32>
            %add3A_421 = arith.addi %iota3A, %add3A_420 : vector<16xi32>
            %lt3A = arith.cmpi slt, %add3A_421, %broadcast_in_dim3A_209 : vector<16xi32>
            %jit3A_422 = arith.constant -1.000000e+00 : f32
            %broadcast_in_dim3A_423 = vector.broadcast %jit3A_422 : f32 to vector<16xf32>
            %select_n3A_424 = arith.select %lt3A, %gather3A, %broadcast_in_dim3A_423 : vector<16xi1>, vector<16xf32>
            %gt3A_425 = arith.cmpf ogt, %select_n3A_424, %broadcast_in_dim3A_388 : vector<16xf32>
            %eq3A = arith.cmpf oeq, %select_n3A_424, %broadcast_in_dim3A_388 : vector<16xf32>
            %convert_element_type3A_426 = arith.extui %eq3A : vector<16xi1> to vector<16xi32>
            %broadcast_in_dim3A_427 = arith.constant true
            %broadcast_in_dim3A_428 = vector.broadcast %broadcast_in_dim3A_427 : i1 to vector<16xi1>
            %masked_cumsum3A = tpu.scan <sum>, %convert_element_type3A_426 masked %broadcast_in_dim3A_428 : vector<16xi32>, vector<16xi1> -> vector<16xi32>
            %sub3A_429 = arith.subi %masked_cumsum3A, %convert_element_type3A_426 : vector<16xi32>
            %add3A_430 = arith.addi %sub3A_429, %while3A_408 : vector<16xi32>
            %lt3A_431 = arith.cmpi slt, %add3A_430, %sub3A_387 : vector<16xi32>
            %and3A_432 = arith.andi %eq3A, %lt3A_431 : vector<16xi1>
            %or3A = arith.ori %gt3A_425, %and3A_432 : vector<16xi1>
            %convert_element_type3A_433 = arith.extui %or3A : vector<16xi1> to vector<16xi32>
            %broadcast_in_dim3A_434 = arith.constant true
            %broadcast_in_dim3A_435 = vector.broadcast %broadcast_in_dim3A_434 : i1 to vector<16xi1>
            %masked_cumsum3A_436 = tpu.scan <sum>, %convert_element_type3A_433 masked %broadcast_in_dim3A_435 : vector<16xi32>, vector<16xi1> -> vector<16xi32>
            %sub3A_437 = arith.subi %masked_cumsum3A_436, %convert_element_type3A_433 : vector<16xi32>
            %add3A_438 = arith.addi %while3A_409, %sub3A_437 : vector<16xi32>
            tpu.vector_store_idx %arg6[%add3A_438], %get3A_415 masked %or3A : memref<128xi32, #tpu.memory_space<vmem>>[vector<16xi32>], vector<16xi32>, vector<16xi1>
            %all_reduce_population_count3A_439 = tpu.all_reduce %eq3A {dim = 0 : i64, kind = #tpu.reduction_kind<sum>} : vector<16xi1> -> vector<16xi32>
            %add3A_440 = arith.addi %while3A_408, %all_reduce_population_count3A_439 : vector<16xi32>
            %all_reduce_population_count3A_441 = tpu.all_reduce %or3A {dim = 0 : i64, kind = #tpu.reduction_kind<sum>} : vector<16xi1> -> vector<16xi32>
            %add3A_442 = arith.addi %while3A_409, %all_reduce_population_count3A_441 : vector<16xi32>
            scf.yield %add3A_440, %add3A_442 : vector<16xi32>, vector<16xi32>
          }
        } else {
        }
      } else {
      }
      %gt3A_215 = arith.constant 1008 : i32
      %gt3A_216 = arith.cmpi sgt, %sub3A_208, %gt3A_215 : i32
      %convert_element_type3A_217 = arith.extui %gt3A_216 : i1 to i32
      %cond3A_218 = arith.constant 0 : i32
      %cond3A_219 = arith.cmpi ne, %convert_element_type3A_217, %cond3A_218 : i32
      scf.if %cond3A_219 {
        %broadcast_in_dim3A_344 = arith.constant -3.000000e+38 : f32
        %broadcast_in_dim3A_345 = vector.broadcast %broadcast_in_dim3A_344 : f32 to vector<16xf32>
        %scan3A_346 = arith.constant 0 : i32
        %scan3A_347 = arith.constant 525 : i32
        %scan3A_348 = arith.addi %scan3A_346, %scan3A_347 : i32
        %scan3A_349 = arith.constant 1 : i32
        %scan3A_350 = scf.for %scan3A_367 = %scan3A_346 to %scan3A_348 step %scan3A_349 iter_args(%scan3A_368 = %broadcast_in_dim3A_345) -> (vector<16xf32>)  : i32 {
          %mul3A_369 = arith.constant 16 : i32
          %mul3A_370 = arith.muli %scan3A_367, %mul3A_369 : i32
          %get3A_371 = arith.constant 4 : i32
          %get3A_372 = arith.index_cast %get3A_371 : i32 to index
          %get3A_373 = arith.index_cast %mul3A_370 : i32 to index
          %get3A_374 = tpu.vector_load %arg4[%get3A_372, %get3A_373] {strides = array<i32>} : memref<8x8400xf32, #tpu.memory_space<vmem>>, vector<16xf32>,
          %mul3A_375 = arith.constant 16 : i32
          %mul3A_376 = arith.muli %scan3A_367, %mul3A_375 : i32
          %add3A_377 = vector.broadcast %mul3A_376 : i32 to vector<16xi32>
          %add3A_378 = arith.addi %iota3A, %add3A_377 : vector<16xi32>
          %masked_sort3A_379 = arith.constant dense<true> : vector<16xi1>
          %masked_sort3A_380, %masked_sort3A_381, %masked_sort3A_382 = tpu.sort %get3A_374, %add3A_378 masked %masked_sort3A_379 : (vector<16xf32>, vector<16xi32>, vector<16xi1>) -> (vector<16xi1>, vector<16xf32>, vector<16xi32>)
          %max3A = arith.maximumf %scan3A_368, %masked_sort3A_381 : vector<16xf32>
          %masked_sort3A_383 = arith.constant dense<true> : vector<16xi1>
          %masked_sort3A_384, %masked_sort3A_385, %masked_sort3A_386 = tpu.sort %max3A, %iota3A masked %masked_sort3A_383 {descending = true} : (vector<16xf32>, vector<16xi32>, vector<16xi1>) -> (vector<16xi1>, vector<16xf32>, vector<16xi32>)
          scf.yield %masked_sort3A_385 : vector<16xf32>
        }
        %scan3A_351 = arith.constant 525 : i32
        %slice3A_352 = vector.extract_strided_slice %scan3A_350 {offsets = [12], sizes = [1], strides = [1]} : vector<16xf32> to vector<1xf32>
        %squeeze3A_353 = vector.extract %slice3A_352[0] : f32 from vector<1xf32>
        %slice3A_354 = vector.extract_strided_slice %scan3A_350 {offsets = [0], sizes = [1], strides = [1]} : vector<16xf32> to vector<1xf32>
        %squeeze3A_355 = vector.extract %slice3A_354[0] : f32 from vector<1xf32>
        %gt3A_356 = vector.broadcast %squeeze3A_353 : f32 to vector<16xf32>
        %gt3A_357 = arith.cmpf ogt, %scan3A_350, %gt3A_356 : vector<16xf32>
        %all_reduce_population_count3A = tpu.all_reduce %gt3A_357 {dim = 0 : i64, kind = #tpu.reduction_kind<sum>} : vector<16xi1> -> vector<16xi32>
        %sub3A_358 = arith.constant 13 : i32
        %sub3A_359 = vector.broadcast %sub3A_358 : i32 to vector<16xi32>
        %sub3A_360 = arith.subi %sub3A_359, %all_reduce_population_count3A : vector<16xi32>
        %broadcast_in_dim3A_361 = vector.broadcast %squeeze3A_353 : f32 to vector<16xf32>
        %gt3A_362 = arith.constant 9.99999971E-10 : f32
        %gt3A_363 = arith.cmpf ogt, %squeeze3A_355, %gt3A_362 : f32
        %convert_element_type3A_364 = arith.extui %gt3A_363 : i1 to i32
        %cond3A_365 = arith.constant 0 : i32
        %cond3A_366 = arith.cmpi ne, %convert_element_type3A_364, %cond3A_365 : i32
        scf.if %cond3A_366 {
          %broadcast_in_dim3A_367 = arith.constant 64 : i32
          %broadcast_in_dim3A_368 = vector.broadcast %broadcast_in_dim3A_367 : i32 to vector<16xi32>
          %scan3A_369 = arith.constant 0 : i32
          %scan3A_370 = arith.constant 525 : i32
          %scan3A_371 = arith.addi %scan3A_369, %scan3A_370 : i32
          %scan3A_372 = arith.constant 1 : i32
          %scan3A_373:2 = scf.for %scan3A_375 = %scan3A_369 to %scan3A_371 step %scan3A_372 iter_args(%scan3A_376 = %broadcast_in_dim3A_5, %scan3A_377 = %broadcast_in_dim3A_368) -> (vector<16xi32>, vector<16xi32>)  : i32 {
            %mul3A_378 = arith.constant 16 : i32
            %mul3A_379 = arith.muli %scan3A_375, %mul3A_378 : i32
            %get3A_380 = arith.constant 4 : i32
            %get3A_381 = arith.index_cast %get3A_380 : i32 to index
            %get3A_382 = arith.index_cast %mul3A_379 : i32 to index
            %get3A_383 = tpu.vector_load %arg4[%get3A_381, %get3A_382] {strides = array<i32>} : memref<8x8400xf32, #tpu.memory_space<vmem>>, vector<16xf32>,
            %mul3A_384 = arith.constant 16 : i32
            %mul3A_385 = arith.muli %scan3A_375, %mul3A_384 : i32
            %add3A_386 = vector.broadcast %mul3A_385 : i32 to vector<16xi32>
            %add3A_387 = arith.addi %iota3A, %add3A_386 : vector<16xi32>
            %gt3A_388 = arith.cmpf ogt, %get3A_383, %broadcast_in_dim3A_361 : vector<16xf32>
            %eq3A = arith.cmpf oeq, %get3A_383, %broadcast_in_dim3A_361 : vector<16xf32>
            %convert_element_type3A_389 = arith.extui %eq3A : vector<16xi1> to vector<16xi32>
            %broadcast_in_dim3A_390 = arith.constant true
            %broadcast_in_dim3A_391 = vector.broadcast %broadcast_in_dim3A_390 : i1 to vector<16xi1>
            %masked_cumsum3A = tpu.scan <sum>, %convert_element_type3A_389 masked %broadcast_in_dim3A_391 : vector<16xi32>, vector<16xi1> -> vector<16xi32>
            %sub3A_392 = arith.subi %masked_cumsum3A, %convert_element_type3A_389 : vector<16xi32>
            %add3A_393 = arith.addi %sub3A_392, %scan3A_376 : vector<16xi32>
            %lt3A = arith.cmpi slt, %add3A_393, %sub3A_360 : vector<16xi32>
            %and3A = arith.andi %eq3A, %lt3A : vector<16xi1>
            %or3A = arith.ori %gt3A_388, %and3A : vector<16xi1>
            %convert_element_type3A_394 = arith.extui %or3A : vector<16xi1> to vector<16xi32>
            %broadcast_in_dim3A_395 = arith.constant true
            %broadcast_in_dim3A_396 = vector.broadcast %broadcast_in_dim3A_395 : i1 to vector<16xi1>
            %masked_cumsum3A_397 = tpu.scan <sum>, %convert_element_type3A_394 masked %broadcast_in_dim3A_396 : vector<16xi32>, vector<16xi1> -> vector<16xi32>
            %sub3A_398 = arith.subi %masked_cumsum3A_397, %convert_element_type3A_394 : vector<16xi32>
            %add3A_399 = arith.addi %scan3A_377, %sub3A_398 : vector<16xi32>
            tpu.vector_store_idx %arg6[%add3A_399], %add3A_387 masked %or3A : memref<128xi32, #tpu.memory_space<vmem>>[vector<16xi32>], vector<16xi32>, vector<16xi1>
            %all_reduce_population_count3A_400 = tpu.all_reduce %eq3A {dim = 0 : i64, kind = #tpu.reduction_kind<sum>} : vector<16xi1> -> vector<16xi32>
            %add3A_401 = arith.addi %scan3A_376, %all_reduce_population_count3A_400 : vector<16xi32>
            %all_reduce_population_count3A_402 = tpu.all_reduce %or3A {dim = 0 : i64, kind = #tpu.reduction_kind<sum>} : vector<16xi1> -> vector<16xi32>
            %add3A_403 = arith.addi %scan3A_377, %all_reduce_population_count3A_402 : vector<16xi32>
            scf.yield %add3A_401, %add3A_403 : vector<16xi32>, vector<16xi32>
          }
          %scan3A_374 = arith.constant 525 : i32
        } else {
        }
      } else {
      }
      %broadcast_in_dim3A_220 = arith.constant -1 : i32
      %broadcast_in_dim3A_221 = vector.broadcast %broadcast_in_dim3A_220 : i32 to vector<16xi32>
      %swap3A_222 = arith.constant 80 : index
      %swap3A_223 = tpu.vector_load %arg6[%swap3A_222] {strides = array<i32>} : memref<128xi32, #tpu.memory_space<vmem>>, vector<16xi32>,
      tpu.vector_store %arg6[%swap3A_222], %broadcast_in_dim3A_221 {strides = array<i32>} : memref<128xi32, #tpu.memory_space<vmem>>, vector<16xi32>,
      %slice3A_224 = vector.extract_strided_slice %parallel_loop3A_130#5 {offsets = [0], sizes = [1], strides = [1]} : vector<16xi32> to vector<1xi32>
      %squeeze3A_225 = vector.extract %slice3A_224[0] : i32 from vector<1xi32>
      %sub3A_226 = arith.constant 5120 : i32
      %sub3A_227 = arith.subi %squeeze3A_225, %sub3A_226 : i32
      %broadcast_in_dim3A_228 = vector.broadcast %sub3A_227 : i32 to vector<16xi32>
      %le3A_229 = arith.constant 1008 : i32
      %le3A_230 = arith.cmpi sle, %sub3A_227, %le3A_229 : i32
      %convert_element_type3A_231 = arith.extui %le3A_230 : i1 to i32
      %cond3A_232 = arith.constant 0 : i32
      %cond3A_233 = arith.cmpi ne, %convert_element_type3A_231, %cond3A_232 : i32
      scf.if %cond3A_233 {
        %add3A_344 = arith.constant 5120 : i32
        %add3A_345 = arith.addi %add3A_344, %sub3A_227 : i32
        %swap3A_346 = arith.index_cast %add3A_345 : i32 to index
        %swap3A_347 = tpu.vector_load %arg5[%swap3A_346] {strides = array<i32>} : memref<8192xi32, #tpu.memory_space<vmem>>, vector<16xi32>,
        tpu.vector_store %arg5[%swap3A_346], %broadcast_in_dim3A_5 {strides = array<i32>} : memref<8192xi32, #tpu.memory_space<vmem>>, vector<16xi32>,
        %add3A_348 = arith.constant 15 : i32
        %add3A_349 = arith.addi %sub3A_227, %add3A_348 : i32
        %jit3A = arith.constant 16 : i32
        %div3A = arith.divsi %add3A_349, %jit3A : i32
        %sign3A = arith.constant 0 : i32
        %sign3A_350 = arith.cmpi sgt, %add3A_349, %sign3A : i32
        %sign3A_351 = arith.extui %sign3A_350 : i1 to i32
        %sign3A_352 = arith.constant 0 : i32
        %sign3A_353 = arith.cmpi slt, %add3A_349, %sign3A_352 : i32
        %sign3A_354 = arith.extui %sign3A_353 : i1 to i32
        %sign3A_355 = arith.subi %sign3A_351, %sign3A_354 : i32
        %sign3A_356 = arith.constant 0 : i32
        %sign3A_357 = arith.cmpi sgt, %jit3A, %sign3A_356 : i32
        %sign3A_358 = arith.extui %sign3A_357 : i1 to i32
        %sign3A_359 = arith.constant 0 : i32
        %sign3A_360 = arith.cmpi slt, %jit3A, %sign3A_359 : i32
        %sign3A_361 = arith.extui %sign3A_360 : i1 to i32
        %sign3A_362 = arith.subi %sign3A_358, %sign3A_361 : i32
        %ne3A = arith.cmpi ne, %sign3A_355, %sign3A_362 : i32
        %rem3A = arith.remsi %add3A_349, %jit3A : i32
        %ne3A_363 = arith.constant 0 : i32
        %ne3A_364 = arith.cmpi ne, %rem3A, %ne3A_363 : i32
        %and3A = arith.andi %ne3A, %ne3A_364 : i1
        %sub3A_365 = arith.constant 1 : i32
        %sub3A_366 = arith.subi %div3A, %sub3A_365 : i32
        %select_n3A = arith.select %and3A, %sub3A_366, %div3A : i32
        %broadcast_in_dim3A_367 = arith.constant -3.000000e+38 : f32
        %broadcast_in_dim3A_368 = vector.broadcast %broadcast_in_dim3A_367 : f32 to vector<16xf32>
        %while3A = arith.constant 0 : i32
        %while3A_369 = arith.subi %select_n3A, %while3A : i32
        %while3A_370 = arith.addi %while3A, %while3A_369 : i32
        %while3A_371 = arith.constant 1 : i32
        %while3A_372 = arith.divsi %while3A_369, %while3A_371 : i32
        %while3A_373 = arith.muli %while3A_372, %while3A_371 : i32
        %while3A_374 = arith.addi %while3A, %while3A_373 : i32
        %while3A_375 = arith.constant 1 : i32
        %while3A_376 = scf.for %while3A_394 = %while3A to %while3A_374 step %while3A_375 iter_args(%while3A_395 = %broadcast_in_dim3A_368) -> (vector<16xf32>)  : i32 {
          %mul3A_396 = arith.constant 16 : i32
          %mul3A_397 = arith.muli %while3A_394, %mul3A_396 : i32
          %add3A_398 = arith.constant 5120 : i32
          %add3A_399 = arith.addi %add3A_398, %mul3A_397 : i32
          %get3A_400 = arith.index_cast %add3A_399 : i32 to index
          %get3A_401 = tpu.vector_load %arg5[%get3A_400] {strides = array<i32>} : memref<8192xi32, #tpu.memory_space<vmem>>, vector<16xi32>,
          %broadcast_in_dim3A_402 = arith.constant 5 : i32
          %broadcast_in_dim3A_403 = vector.broadcast %broadcast_in_dim3A_402 : i32 to vector<16xi32>
          %gather3A = tpu.vector_load_idx %arg4[%broadcast_in_dim3A_403, %get3A_401] : memref<8x8400xf32, #tpu.memory_space<vmem>>[vector<16xi32>, vector<16xi32>], vector<16xf32>,
          %mul3A_404 = arith.constant 16 : i32
          %mul3A_405 = arith.muli %while3A_394, %mul3A_404 : i32
          %add3A_406 = vector.broadcast %mul3A_405 : i32 to vector<16xi32>
          %add3A_407 = arith.addi %iota3A, %add3A_406 : vector<16xi32>
          %lt3A = arith.cmpi slt, %add3A_407, %broadcast_in_dim3A_228 : vector<16xi32>
          %jit3A_408 = arith.constant -1.000000e+00 : f32
          %broadcast_in_dim3A_409 = vector.broadcast %jit3A_408 : f32 to vector<16xf32>
          %select_n3A_410 = arith.select %lt3A, %gather3A, %broadcast_in_dim3A_409 : vector<16xi1>, vector<16xf32>
          %masked_sort3A_411 = arith.constant dense<true> : vector<16xi1>
          %masked_sort3A_412, %masked_sort3A_413, %masked_sort3A_414 = tpu.sort %select_n3A_410, %get3A_401 masked %masked_sort3A_411 : (vector<16xf32>, vector<16xi32>, vector<16xi1>) -> (vector<16xi1>, vector<16xf32>, vector<16xi32>)
          %max3A = arith.maximumf %while3A_395, %masked_sort3A_413 : vector<16xf32>
          %masked_sort3A_415 = arith.constant dense<true> : vector<16xi1>
          %masked_sort3A_416, %masked_sort3A_417, %masked_sort3A_418 = tpu.sort %max3A, %iota3A masked %masked_sort3A_415 {descending = true} : (vector<16xf32>, vector<16xi32>, vector<16xi1>) -> (vector<16xi1>, vector<16xf32>, vector<16xi32>)
          scf.yield %masked_sort3A_417 : vector<16xf32>
        }
        %while3A_377 = arith.constant 1 : i32
        %while3A_378 = scf.for %while3A_394 = %while3A_374 to %while3A_370 step %while3A_377 iter_args(%while3A_395 = %while3A_376) -> (vector<16xf32>)  : i32 {
          %mul3A_396 = arith.constant 16 : i32
          %mul3A_397 = arith.muli %while3A_394, %mul3A_396 : i32
          %add3A_398 = arith.constant 5120 : i32
          %add3A_399 = arith.addi %add3A_398, %mul3A_397 : i32
          %get3A_400 = arith.index_cast %add3A_399 : i32 to index
          %get3A_401 = tpu.vector_load %arg5[%get3A_400] {strides = array<i32>} : memref<8192xi32, #tpu.memory_space<vmem>>, vector<16xi32>,
          %broadcast_in_dim3A_402 = arith.constant 5 : i32
          %broadcast_in_dim3A_403 = vector.broadcast %broadcast_in_dim3A_402 : i32 to vector<16xi32>
          %gather3A = tpu.vector_load_idx %arg4[%broadcast_in_dim3A_403, %get3A_401] : memref<8x8400xf32, #tpu.memory_space<vmem>>[vector<16xi32>, vector<16xi32>], vector<16xf32>,
          %mul3A_404 = arith.constant 16 : i32
          %mul3A_405 = arith.muli %while3A_394, %mul3A_404 : i32
          %add3A_406 = vector.broadcast %mul3A_405 : i32 to vector<16xi32>
          %add3A_407 = arith.addi %iota3A, %add3A_406 : vector<16xi32>
          %lt3A = arith.cmpi slt, %add3A_407, %broadcast_in_dim3A_228 : vector<16xi32>
          %jit3A_408 = arith.constant -1.000000e+00 : f32
          %broadcast_in_dim3A_409 = vector.broadcast %jit3A_408 : f32 to vector<16xf32>
          %select_n3A_410 = arith.select %lt3A, %gather3A, %broadcast_in_dim3A_409 : vector<16xi1>, vector<16xf32>
          %masked_sort3A_411 = arith.constant dense<true> : vector<16xi1>
          %masked_sort3A_412, %masked_sort3A_413, %masked_sort3A_414 = tpu.sort %select_n3A_410, %get3A_401 masked %masked_sort3A_411 : (vector<16xf32>, vector<16xi32>, vector<16xi1>) -> (vector<16xi1>, vector<16xf32>, vector<16xi32>)
          %max3A = arith.maximumf %while3A_395, %masked_sort3A_413 : vector<16xf32>
          %masked_sort3A_415 = arith.constant dense<true> : vector<16xi1>
          %masked_sort3A_416, %masked_sort3A_417, %masked_sort3A_418 = tpu.sort %max3A, %iota3A masked %masked_sort3A_415 {descending = true} : (vector<16xf32>, vector<16xi32>, vector<16xi1>) -> (vector<16xi1>, vector<16xf32>, vector<16xi32>)
          scf.yield %masked_sort3A_417 : vector<16xf32>
        }
        %slice3A_379 = vector.extract_strided_slice %while3A_378 {offsets = [12], sizes = [1], strides = [1]} : vector<16xf32> to vector<1xf32>
        %squeeze3A_380 = vector.extract %slice3A_379[0] : f32 from vector<1xf32>
        %slice3A_381 = vector.extract_strided_slice %while3A_378 {offsets = [0], sizes = [1], strides = [1]} : vector<16xf32> to vector<1xf32>
        %squeeze3A_382 = vector.extract %slice3A_381[0] : f32 from vector<1xf32>
        %gt3A_383 = vector.broadcast %squeeze3A_380 : f32 to vector<16xf32>
        %gt3A_384 = arith.cmpf ogt, %while3A_378, %gt3A_383 : vector<16xf32>
        %all_reduce_population_count3A = tpu.all_reduce %gt3A_384 {dim = 0 : i64, kind = #tpu.reduction_kind<sum>} : vector<16xi1> -> vector<16xi32>
        %sub3A_385 = arith.constant 13 : i32
        %sub3A_386 = vector.broadcast %sub3A_385 : i32 to vector<16xi32>
        %sub3A_387 = arith.subi %sub3A_386, %all_reduce_population_count3A : vector<16xi32>
        %broadcast_in_dim3A_388 = vector.broadcast %squeeze3A_380 : f32 to vector<16xf32>
        %gt3A_389 = arith.constant 9.99999971E-10 : f32
        %gt3A_390 = arith.cmpf ogt, %squeeze3A_382, %gt3A_389 : f32
        %convert_element_type3A_391 = arith.extui %gt3A_390 : i1 to i32
        %cond3A_392 = arith.constant 0 : i32
        %cond3A_393 = arith.cmpi ne, %convert_element_type3A_391, %cond3A_392 : i32
        scf.if %cond3A_393 {
          %broadcast_in_dim3A_394 = arith.constant 80 : i32
          %broadcast_in_dim3A_395 = vector.broadcast %broadcast_in_dim3A_394 : i32 to vector<16xi32>
          %while3A_396 = arith.constant 0 : i32
          %while3A_397 = arith.subi %select_n3A, %while3A_396 : i32
          %while3A_398 = arith.addi %while3A_396, %while3A_397 : i32
          %while3A_399 = arith.constant 1 : i32
          %while3A_400 = arith.divsi %while3A_397, %while3A_399 : i32
          %while3A_401 = arith.muli %while3A_400, %while3A_399 : i32
          %while3A_402 = arith.addi %while3A_396, %while3A_401 : i32
          %while3A_403 = arith.constant 1 : i32
          %while3A_404:2 = scf.for %while3A_407 = %while3A_396 to %while3A_402 step %while3A_403 iter_args(%while3A_408 = %broadcast_in_dim3A_5, %while3A_409 = %broadcast_in_dim3A_395) -> (vector<16xi32>, vector<16xi32>)  : i32 {
            %mul3A_410 = arith.constant 16 : i32
            %mul3A_411 = arith.muli %while3A_407, %mul3A_410 : i32
            %add3A_412 = arith.constant 5120 : i32
            %add3A_413 = arith.addi %add3A_412, %mul3A_411 : i32
            %get3A_414 = arith.index_cast %add3A_413 : i32 to index
            %get3A_415 = tpu.vector_load %arg5[%get3A_414] {strides = array<i32>} : memref<8192xi32, #tpu.memory_space<vmem>>, vector<16xi32>,
            %broadcast_in_dim3A_416 = arith.constant 5 : i32
            %broadcast_in_dim3A_417 = vector.broadcast %broadcast_in_dim3A_416 : i32 to vector<16xi32>
            %gather3A = tpu.vector_load_idx %arg4[%broadcast_in_dim3A_417, %get3A_415] : memref<8x8400xf32, #tpu.memory_space<vmem>>[vector<16xi32>, vector<16xi32>], vector<16xf32>,
            %mul3A_418 = arith.constant 16 : i32
            %mul3A_419 = arith.muli %while3A_407, %mul3A_418 : i32
            %add3A_420 = vector.broadcast %mul3A_419 : i32 to vector<16xi32>
            %add3A_421 = arith.addi %iota3A, %add3A_420 : vector<16xi32>
            %lt3A = arith.cmpi slt, %add3A_421, %broadcast_in_dim3A_228 : vector<16xi32>
            %jit3A_422 = arith.constant -1.000000e+00 : f32
            %broadcast_in_dim3A_423 = vector.broadcast %jit3A_422 : f32 to vector<16xf32>
            %select_n3A_424 = arith.select %lt3A, %gather3A, %broadcast_in_dim3A_423 : vector<16xi1>, vector<16xf32>
            %gt3A_425 = arith.cmpf ogt, %select_n3A_424, %broadcast_in_dim3A_388 : vector<16xf32>
            %eq3A = arith.cmpf oeq, %select_n3A_424, %broadcast_in_dim3A_388 : vector<16xf32>
            %convert_element_type3A_426 = arith.extui %eq3A : vector<16xi1> to vector<16xi32>
            %broadcast_in_dim3A_427 = arith.constant true
            %broadcast_in_dim3A_428 = vector.broadcast %broadcast_in_dim3A_427 : i1 to vector<16xi1>
            %masked_cumsum3A = tpu.scan <sum>, %convert_element_type3A_426 masked %broadcast_in_dim3A_428 : vector<16xi32>, vector<16xi1> -> vector<16xi32>
            %sub3A_429 = arith.subi %masked_cumsum3A, %convert_element_type3A_426 : vector<16xi32>
            %add3A_430 = arith.addi %sub3A_429, %while3A_408 : vector<16xi32>
            %lt3A_431 = arith.cmpi slt, %add3A_430, %sub3A_387 : vector<16xi32>
            %and3A_432 = arith.andi %eq3A, %lt3A_431 : vector<16xi1>
            %or3A = arith.ori %gt3A_425, %and3A_432 : vector<16xi1>
            %convert_element_type3A_433 = arith.extui %or3A : vector<16xi1> to vector<16xi32>
            %broadcast_in_dim3A_434 = arith.constant true
            %broadcast_in_dim3A_435 = vector.broadcast %broadcast_in_dim3A_434 : i1 to vector<16xi1>
            %masked_cumsum3A_436 = tpu.scan <sum>, %convert_element_type3A_433 masked %broadcast_in_dim3A_435 : vector<16xi32>, vector<16xi1> -> vector<16xi32>
            %sub3A_437 = arith.subi %masked_cumsum3A_436, %convert_element_type3A_433 : vector<16xi32>
            %add3A_438 = arith.addi %while3A_409, %sub3A_437 : vector<16xi32>
            tpu.vector_store_idx %arg6[%add3A_438], %get3A_415 masked %or3A : memref<128xi32, #tpu.memory_space<vmem>>[vector<16xi32>], vector<16xi32>, vector<16xi1>
            %all_reduce_population_count3A_439 = tpu.all_reduce %eq3A {dim = 0 : i64, kind = #tpu.reduction_kind<sum>} : vector<16xi1> -> vector<16xi32>
            %add3A_440 = arith.addi %while3A_408, %all_reduce_population_count3A_439 : vector<16xi32>
            %all_reduce_population_count3A_441 = tpu.all_reduce %or3A {dim = 0 : i64, kind = #tpu.reduction_kind<sum>} : vector<16xi1> -> vector<16xi32>
            %add3A_442 = arith.addi %while3A_409, %all_reduce_population_count3A_441 : vector<16xi32>
            scf.yield %add3A_440, %add3A_442 : vector<16xi32>, vector<16xi32>
          }
          %while3A_405 = arith.constant 1 : i32
          %while3A_406:2 = scf.for %while3A_407 = %while3A_402 to %while3A_398 step %while3A_405 iter_args(%while3A_408 = %while3A_404#0, %while3A_409 = %while3A_404#1) -> (vector<16xi32>, vector<16xi32>)  : i32 {
            %mul3A_410 = arith.constant 16 : i32
            %mul3A_411 = arith.muli %while3A_407, %mul3A_410 : i32
            %add3A_412 = arith.constant 5120 : i32
            %add3A_413 = arith.addi %add3A_412, %mul3A_411 : i32
            %get3A_414 = arith.index_cast %add3A_413 : i32 to index
            %get3A_415 = tpu.vector_load %arg5[%get3A_414] {strides = array<i32>} : memref<8192xi32, #tpu.memory_space<vmem>>, vector<16xi32>,
            %broadcast_in_dim3A_416 = arith.constant 5 : i32
            %broadcast_in_dim3A_417 = vector.broadcast %broadcast_in_dim3A_416 : i32 to vector<16xi32>
            %gather3A = tpu.vector_load_idx %arg4[%broadcast_in_dim3A_417, %get3A_415] : memref<8x8400xf32, #tpu.memory_space<vmem>>[vector<16xi32>, vector<16xi32>], vector<16xf32>,
            %mul3A_418 = arith.constant 16 : i32
            %mul3A_419 = arith.muli %while3A_407, %mul3A_418 : i32
            %add3A_420 = vector.broadcast %mul3A_419 : i32 to vector<16xi32>
            %add3A_421 = arith.addi %iota3A, %add3A_420 : vector<16xi32>
            %lt3A = arith.cmpi slt, %add3A_421, %broadcast_in_dim3A_228 : vector<16xi32>
            %jit3A_422 = arith.constant -1.000000e+00 : f32
            %broadcast_in_dim3A_423 = vector.broadcast %jit3A_422 : f32 to vector<16xf32>
            %select_n3A_424 = arith.select %lt3A, %gather3A, %broadcast_in_dim3A_423 : vector<16xi1>, vector<16xf32>
            %gt3A_425 = arith.cmpf ogt, %select_n3A_424, %broadcast_in_dim3A_388 : vector<16xf32>
            %eq3A = arith.cmpf oeq, %select_n3A_424, %broadcast_in_dim3A_388 : vector<16xf32>
            %convert_element_type3A_426 = arith.extui %eq3A : vector<16xi1> to vector<16xi32>
            %broadcast_in_dim3A_427 = arith.constant true
            %broadcast_in_dim3A_428 = vector.broadcast %broadcast_in_dim3A_427 : i1 to vector<16xi1>
            %masked_cumsum3A = tpu.scan <sum>, %convert_element_type3A_426 masked %broadcast_in_dim3A_428 : vector<16xi32>, vector<16xi1> -> vector<16xi32>
            %sub3A_429 = arith.subi %masked_cumsum3A, %convert_element_type3A_426 : vector<16xi32>
            %add3A_430 = arith.addi %sub3A_429, %while3A_408 : vector<16xi32>
            %lt3A_431 = arith.cmpi slt, %add3A_430, %sub3A_387 : vector<16xi32>
            %and3A_432 = arith.andi %eq3A, %lt3A_431 : vector<16xi1>
            %or3A = arith.ori %gt3A_425, %and3A_432 : vector<16xi1>
            %convert_element_type3A_433 = arith.extui %or3A : vector<16xi1> to vector<16xi32>
            %broadcast_in_dim3A_434 = arith.constant true
            %broadcast_in_dim3A_435 = vector.broadcast %broadcast_in_dim3A_434 : i1 to vector<16xi1>
            %masked_cumsum3A_436 = tpu.scan <sum>, %convert_element_type3A_433 masked %broadcast_in_dim3A_435 : vector<16xi32>, vector<16xi1> -> vector<16xi32>
            %sub3A_437 = arith.subi %masked_cumsum3A_436, %convert_element_type3A_433 : vector<16xi32>
            %add3A_438 = arith.addi %while3A_409, %sub3A_437 : vector<16xi32>
            tpu.vector_store_idx %arg6[%add3A_438], %get3A_415 masked %or3A : memref<128xi32, #tpu.memory_space<vmem>>[vector<16xi32>], vector<16xi32>, vector<16xi1>
            %all_reduce_population_count3A_439 = tpu.all_reduce %eq3A {dim = 0 : i64, kind = #tpu.reduction_kind<sum>} : vector<16xi1> -> vector<16xi32>
            %add3A_440 = arith.addi %while3A_408, %all_reduce_population_count3A_439 : vector<16xi32>
            %all_reduce_population_count3A_441 = tpu.all_reduce %or3A {dim = 0 : i64, kind = #tpu.reduction_kind<sum>} : vector<16xi1> -> vector<16xi32>
            %add3A_442 = arith.addi %while3A_409, %all_reduce_population_count3A_441 : vector<16xi32>
            scf.yield %add3A_440, %add3A_442 : vector<16xi32>, vector<16xi32>
          }
        } else {
        }
      } else {
      }
      %gt3A_234 = arith.constant 1008 : i32
      %gt3A_235 = arith.cmpi sgt, %sub3A_227, %gt3A_234 : i32
      %convert_element_type3A_236 = arith.extui %gt3A_235 : i1 to i32
      %cond3A_237 = arith.constant 0 : i32
      %cond3A_238 = arith.cmpi ne, %convert_element_type3A_236, %cond3A_237 : i32
      scf.if %cond3A_238 {
        %broadcast_in_dim3A_344 = arith.constant -3.000000e+38 : f32
        %broadcast_in_dim3A_345 = vector.broadcast %broadcast_in_dim3A_344 : f32 to vector<16xf32>
        %scan3A_346 = arith.constant 0 : i32
        %scan3A_347 = arith.constant 525 : i32
        %scan3A_348 = arith.addi %scan3A_346, %scan3A_347 : i32
        %scan3A_349 = arith.constant 1 : i32
        %scan3A_350 = scf.for %scan3A_367 = %scan3A_346 to %scan3A_348 step %scan3A_349 iter_args(%scan3A_368 = %broadcast_in_dim3A_345) -> (vector<16xf32>)  : i32 {
          %mul3A_369 = arith.constant 16 : i32
          %mul3A_370 = arith.muli %scan3A_367, %mul3A_369 : i32
          %get3A_371 = arith.constant 5 : i32
          %get3A_372 = arith.index_cast %get3A_371 : i32 to index
          %get3A_373 = arith.index_cast %mul3A_370 : i32 to index
          %get3A_374 = tpu.vector_load %arg4[%get3A_372, %get3A_373] {strides = array<i32>} : memref<8x8400xf32, #tpu.memory_space<vmem>>, vector<16xf32>,
          %mul3A_375 = arith.constant 16 : i32
          %mul3A_376 = arith.muli %scan3A_367, %mul3A_375 : i32
          %add3A_377 = vector.broadcast %mul3A_376 : i32 to vector<16xi32>
          %add3A_378 = arith.addi %iota3A, %add3A_377 : vector<16xi32>
          %masked_sort3A_379 = arith.constant dense<true> : vector<16xi1>
          %masked_sort3A_380, %masked_sort3A_381, %masked_sort3A_382 = tpu.sort %get3A_374, %add3A_378 masked %masked_sort3A_379 : (vector<16xf32>, vector<16xi32>, vector<16xi1>) -> (vector<16xi1>, vector<16xf32>, vector<16xi32>)
          %max3A = arith.maximumf %scan3A_368, %masked_sort3A_381 : vector<16xf32>
          %masked_sort3A_383 = arith.constant dense<true> : vector<16xi1>
          %masked_sort3A_384, %masked_sort3A_385, %masked_sort3A_386 = tpu.sort %max3A, %iota3A masked %masked_sort3A_383 {descending = true} : (vector<16xf32>, vector<16xi32>, vector<16xi1>) -> (vector<16xi1>, vector<16xf32>, vector<16xi32>)
          scf.yield %masked_sort3A_385 : vector<16xf32>
        }
        %scan3A_351 = arith.constant 525 : i32
        %slice3A_352 = vector.extract_strided_slice %scan3A_350 {offsets = [12], sizes = [1], strides = [1]} : vector<16xf32> to vector<1xf32>
        %squeeze3A_353 = vector.extract %slice3A_352[0] : f32 from vector<1xf32>
        %slice3A_354 = vector.extract_strided_slice %scan3A_350 {offsets = [0], sizes = [1], strides = [1]} : vector<16xf32> to vector<1xf32>
        %squeeze3A_355 = vector.extract %slice3A_354[0] : f32 from vector<1xf32>
        %gt3A_356 = vector.broadcast %squeeze3A_353 : f32 to vector<16xf32>
        %gt3A_357 = arith.cmpf ogt, %scan3A_350, %gt3A_356 : vector<16xf32>
        %all_reduce_population_count3A = tpu.all_reduce %gt3A_357 {dim = 0 : i64, kind = #tpu.reduction_kind<sum>} : vector<16xi1> -> vector<16xi32>
        %sub3A_358 = arith.constant 13 : i32
        %sub3A_359 = vector.broadcast %sub3A_358 : i32 to vector<16xi32>
        %sub3A_360 = arith.subi %sub3A_359, %all_reduce_population_count3A : vector<16xi32>
        %broadcast_in_dim3A_361 = vector.broadcast %squeeze3A_353 : f32 to vector<16xf32>
        %gt3A_362 = arith.constant 9.99999971E-10 : f32
        %gt3A_363 = arith.cmpf ogt, %squeeze3A_355, %gt3A_362 : f32
        %convert_element_type3A_364 = arith.extui %gt3A_363 : i1 to i32
        %cond3A_365 = arith.constant 0 : i32
        %cond3A_366 = arith.cmpi ne, %convert_element_type3A_364, %cond3A_365 : i32
        scf.if %cond3A_366 {
          %broadcast_in_dim3A_367 = arith.constant 80 : i32
          %broadcast_in_dim3A_368 = vector.broadcast %broadcast_in_dim3A_367 : i32 to vector<16xi32>
          %scan3A_369 = arith.constant 0 : i32
          %scan3A_370 = arith.constant 525 : i32
          %scan3A_371 = arith.addi %scan3A_369, %scan3A_370 : i32
          %scan3A_372 = arith.constant 1 : i32
          %scan3A_373:2 = scf.for %scan3A_375 = %scan3A_369 to %scan3A_371 step %scan3A_372 iter_args(%scan3A_376 = %broadcast_in_dim3A_5, %scan3A_377 = %broadcast_in_dim3A_368) -> (vector<16xi32>, vector<16xi32>)  : i32 {
            %mul3A_378 = arith.constant 16 : i32
            %mul3A_379 = arith.muli %scan3A_375, %mul3A_378 : i32
            %get3A_380 = arith.constant 5 : i32
            %get3A_381 = arith.index_cast %get3A_380 : i32 to index
            %get3A_382 = arith.index_cast %mul3A_379 : i32 to index
            %get3A_383 = tpu.vector_load %arg4[%get3A_381, %get3A_382] {strides = array<i32>} : memref<8x8400xf32, #tpu.memory_space<vmem>>, vector<16xf32>,
            %mul3A_384 = arith.constant 16 : i32
            %mul3A_385 = arith.muli %scan3A_375, %mul3A_384 : i32
            %add3A_386 = vector.broadcast %mul3A_385 : i32 to vector<16xi32>
            %add3A_387 = arith.addi %iota3A, %add3A_386 : vector<16xi32>
            %gt3A_388 = arith.cmpf ogt, %get3A_383, %broadcast_in_dim3A_361 : vector<16xf32>
            %eq3A = arith.cmpf oeq, %get3A_383, %broadcast_in_dim3A_361 : vector<16xf32>
            %convert_element_type3A_389 = arith.extui %eq3A : vector<16xi1> to vector<16xi32>
            %broadcast_in_dim3A_390 = arith.constant true
            %broadcast_in_dim3A_391 = vector.broadcast %broadcast_in_dim3A_390 : i1 to vector<16xi1>
            %masked_cumsum3A = tpu.scan <sum>, %convert_element_type3A_389 masked %broadcast_in_dim3A_391 : vector<16xi32>, vector<16xi1> -> vector<16xi32>
            %sub3A_392 = arith.subi %masked_cumsum3A, %convert_element_type3A_389 : vector<16xi32>
            %add3A_393 = arith.addi %sub3A_392, %scan3A_376 : vector<16xi32>
            %lt3A = arith.cmpi slt, %add3A_393, %sub3A_360 : vector<16xi32>
            %and3A = arith.andi %eq3A, %lt3A : vector<16xi1>
            %or3A = arith.ori %gt3A_388, %and3A : vector<16xi1>
            %convert_element_type3A_394 = arith.extui %or3A : vector<16xi1> to vector<16xi32>
            %broadcast_in_dim3A_395 = arith.constant true
            %broadcast_in_dim3A_396 = vector.broadcast %broadcast_in_dim3A_395 : i1 to vector<16xi1>
            %masked_cumsum3A_397 = tpu.scan <sum>, %convert_element_type3A_394 masked %broadcast_in_dim3A_396 : vector<16xi32>, vector<16xi1> -> vector<16xi32>
            %sub3A_398 = arith.subi %masked_cumsum3A_397, %convert_element_type3A_394 : vector<16xi32>
            %add3A_399 = arith.addi %scan3A_377, %sub3A_398 : vector<16xi32>
            tpu.vector_store_idx %arg6[%add3A_399], %add3A_387 masked %or3A : memref<128xi32, #tpu.memory_space<vmem>>[vector<16xi32>], vector<16xi32>, vector<16xi1>
            %all_reduce_population_count3A_400 = tpu.all_reduce %eq3A {dim = 0 : i64, kind = #tpu.reduction_kind<sum>} : vector<16xi1> -> vector<16xi32>
            %add3A_401 = arith.addi %scan3A_376, %all_reduce_population_count3A_400 : vector<16xi32>
            %all_reduce_population_count3A_402 = tpu.all_reduce %or3A {dim = 0 : i64, kind = #tpu.reduction_kind<sum>} : vector<16xi1> -> vector<16xi32>
            %add3A_403 = arith.addi %scan3A_377, %all_reduce_population_count3A_402 : vector<16xi32>
            scf.yield %add3A_401, %add3A_403 : vector<16xi32>, vector<16xi32>
          }
          %scan3A_374 = arith.constant 525 : i32
        } else {
        }
      } else {
      }
      %broadcast_in_dim3A_239 = arith.constant -1 : i32
      %broadcast_in_dim3A_240 = vector.broadcast %broadcast_in_dim3A_239 : i32 to vector<16xi32>
      %swap3A_241 = arith.constant 96 : index
      %swap3A_242 = tpu.vector_load %arg6[%swap3A_241] {strides = array<i32>} : memref<128xi32, #tpu.memory_space<vmem>>, vector<16xi32>,
      tpu.vector_store %arg6[%swap3A_241], %broadcast_in_dim3A_240 {strides = array<i32>} : memref<128xi32, #tpu.memory_space<vmem>>, vector<16xi32>,
      %slice3A_243 = vector.extract_strided_slice %parallel_loop3A_130#6 {offsets = [0], sizes = [1], strides = [1]} : vector<16xi32> to vector<1xi32>
      %squeeze3A_244 = vector.extract %slice3A_243[0] : i32 from vector<1xi32>
      %sub3A_245 = arith.constant 6144 : i32
      %sub3A_246 = arith.subi %squeeze3A_244, %sub3A_245 : i32
      %broadcast_in_dim3A_247 = vector.broadcast %sub3A_246 : i32 to vector<16xi32>
      %le3A_248 = arith.constant 1008 : i32
      %le3A_249 = arith.cmpi sle, %sub3A_246, %le3A_248 : i32
      %convert_element_type3A_250 = arith.extui %le3A_249 : i1 to i32
      %cond3A_251 = arith.constant 0 : i32
      %cond3A_252 = arith.cmpi ne, %convert_element_type3A_250, %cond3A_251 : i32
      scf.if %cond3A_252 {
        %add3A_344 = arith.constant 6144 : i32
        %add3A_345 = arith.addi %add3A_344, %sub3A_246 : i32
        %swap3A_346 = arith.index_cast %add3A_345 : i32 to index
        %swap3A_347 = tpu.vector_load %arg5[%swap3A_346] {strides = array<i32>} : memref<8192xi32, #tpu.memory_space<vmem>>, vector<16xi32>,
        tpu.vector_store %arg5[%swap3A_346], %broadcast_in_dim3A_5 {strides = array<i32>} : memref<8192xi32, #tpu.memory_space<vmem>>, vector<16xi32>,
        %add3A_348 = arith.constant 15 : i32
        %add3A_349 = arith.addi %sub3A_246, %add3A_348 : i32
        %jit3A = arith.constant 16 : i32
        %div3A = arith.divsi %add3A_349, %jit3A : i32
        %sign3A = arith.constant 0 : i32
        %sign3A_350 = arith.cmpi sgt, %add3A_349, %sign3A : i32
        %sign3A_351 = arith.extui %sign3A_350 : i1 to i32
        %sign3A_352 = arith.constant 0 : i32
        %sign3A_353 = arith.cmpi slt, %add3A_349, %sign3A_352 : i32
        %sign3A_354 = arith.extui %sign3A_353 : i1 to i32
        %sign3A_355 = arith.subi %sign3A_351, %sign3A_354 : i32
        %sign3A_356 = arith.constant 0 : i32
        %sign3A_357 = arith.cmpi sgt, %jit3A, %sign3A_356 : i32
        %sign3A_358 = arith.extui %sign3A_357 : i1 to i32
        %sign3A_359 = arith.constant 0 : i32
        %sign3A_360 = arith.cmpi slt, %jit3A, %sign3A_359 : i32
        %sign3A_361 = arith.extui %sign3A_360 : i1 to i32
        %sign3A_362 = arith.subi %sign3A_358, %sign3A_361 : i32
        %ne3A = arith.cmpi ne, %sign3A_355, %sign3A_362 : i32
        %rem3A = arith.remsi %add3A_349, %jit3A : i32
        %ne3A_363 = arith.constant 0 : i32
        %ne3A_364 = arith.cmpi ne, %rem3A, %ne3A_363 : i32
        %and3A = arith.andi %ne3A, %ne3A_364 : i1
        %sub3A_365 = arith.constant 1 : i32
        %sub3A_366 = arith.subi %div3A, %sub3A_365 : i32
        %select_n3A = arith.select %and3A, %sub3A_366, %div3A : i32
        %broadcast_in_dim3A_367 = arith.constant -3.000000e+38 : f32
        %broadcast_in_dim3A_368 = vector.broadcast %broadcast_in_dim3A_367 : f32 to vector<16xf32>
        %while3A = arith.constant 0 : i32
        %while3A_369 = arith.subi %select_n3A, %while3A : i32
        %while3A_370 = arith.addi %while3A, %while3A_369 : i32
        %while3A_371 = arith.constant 1 : i32
        %while3A_372 = arith.divsi %while3A_369, %while3A_371 : i32
        %while3A_373 = arith.muli %while3A_372, %while3A_371 : i32
        %while3A_374 = arith.addi %while3A, %while3A_373 : i32
        %while3A_375 = arith.constant 1 : i32
        %while3A_376 = scf.for %while3A_394 = %while3A to %while3A_374 step %while3A_375 iter_args(%while3A_395 = %broadcast_in_dim3A_368) -> (vector<16xf32>)  : i32 {
          %mul3A_396 = arith.constant 16 : i32
          %mul3A_397 = arith.muli %while3A_394, %mul3A_396 : i32
          %add3A_398 = arith.constant 6144 : i32
          %add3A_399 = arith.addi %add3A_398, %mul3A_397 : i32
          %get3A_400 = arith.index_cast %add3A_399 : i32 to index
          %get3A_401 = tpu.vector_load %arg5[%get3A_400] {strides = array<i32>} : memref<8192xi32, #tpu.memory_space<vmem>>, vector<16xi32>,
          %broadcast_in_dim3A_402 = arith.constant 6 : i32
          %broadcast_in_dim3A_403 = vector.broadcast %broadcast_in_dim3A_402 : i32 to vector<16xi32>
          %gather3A = tpu.vector_load_idx %arg4[%broadcast_in_dim3A_403, %get3A_401] : memref<8x8400xf32, #tpu.memory_space<vmem>>[vector<16xi32>, vector<16xi32>], vector<16xf32>,
          %mul3A_404 = arith.constant 16 : i32
          %mul3A_405 = arith.muli %while3A_394, %mul3A_404 : i32
          %add3A_406 = vector.broadcast %mul3A_405 : i32 to vector<16xi32>
          %add3A_407 = arith.addi %iota3A, %add3A_406 : vector<16xi32>
          %lt3A = arith.cmpi slt, %add3A_407, %broadcast_in_dim3A_247 : vector<16xi32>
          %jit3A_408 = arith.constant -1.000000e+00 : f32
          %broadcast_in_dim3A_409 = vector.broadcast %jit3A_408 : f32 to vector<16xf32>
          %select_n3A_410 = arith.select %lt3A, %gather3A, %broadcast_in_dim3A_409 : vector<16xi1>, vector<16xf32>
          %masked_sort3A_411 = arith.constant dense<true> : vector<16xi1>
          %masked_sort3A_412, %masked_sort3A_413, %masked_sort3A_414 = tpu.sort %select_n3A_410, %get3A_401 masked %masked_sort3A_411 : (vector<16xf32>, vector<16xi32>, vector<16xi1>) -> (vector<16xi1>, vector<16xf32>, vector<16xi32>)
          %max3A = arith.maximumf %while3A_395, %masked_sort3A_413 : vector<16xf32>
          %masked_sort3A_415 = arith.constant dense<true> : vector<16xi1>
          %masked_sort3A_416, %masked_sort3A_417, %masked_sort3A_418 = tpu.sort %max3A, %iota3A masked %masked_sort3A_415 {descending = true} : (vector<16xf32>, vector<16xi32>, vector<16xi1>) -> (vector<16xi1>, vector<16xf32>, vector<16xi32>)
          scf.yield %masked_sort3A_417 : vector<16xf32>
        }
        %while3A_377 = arith.constant 1 : i32
        %while3A_378 = scf.for %while3A_394 = %while3A_374 to %while3A_370 step %while3A_377 iter_args(%while3A_395 = %while3A_376) -> (vector<16xf32>)  : i32 {
          %mul3A_396 = arith.constant 16 : i32
          %mul3A_397 = arith.muli %while3A_394, %mul3A_396 : i32
          %add3A_398 = arith.constant 6144 : i32
          %add3A_399 = arith.addi %add3A_398, %mul3A_397 : i32
          %get3A_400 = arith.index_cast %add3A_399 : i32 to index
          %get3A_401 = tpu.vector_load %arg5[%get3A_400] {strides = array<i32>} : memref<8192xi32, #tpu.memory_space<vmem>>, vector<16xi32>,
          %broadcast_in_dim3A_402 = arith.constant 6 : i32
          %broadcast_in_dim3A_403 = vector.broadcast %broadcast_in_dim3A_402 : i32 to vector<16xi32>
          %gather3A = tpu.vector_load_idx %arg4[%broadcast_in_dim3A_403, %get3A_401] : memref<8x8400xf32, #tpu.memory_space<vmem>>[vector<16xi32>, vector<16xi32>], vector<16xf32>,
          %mul3A_404 = arith.constant 16 : i32
          %mul3A_405 = arith.muli %while3A_394, %mul3A_404 : i32
          %add3A_406 = vector.broadcast %mul3A_405 : i32 to vector<16xi32>
          %add3A_407 = arith.addi %iota3A, %add3A_406 : vector<16xi32>
          %lt3A = arith.cmpi slt, %add3A_407, %broadcast_in_dim3A_247 : vector<16xi32>
          %jit3A_408 = arith.constant -1.000000e+00 : f32
          %broadcast_in_dim3A_409 = vector.broadcast %jit3A_408 : f32 to vector<16xf32>
          %select_n3A_410 = arith.select %lt3A, %gather3A, %broadcast_in_dim3A_409 : vector<16xi1>, vector<16xf32>
          %masked_sort3A_411 = arith.constant dense<true> : vector<16xi1>
          %masked_sort3A_412, %masked_sort3A_413, %masked_sort3A_414 = tpu.sort %select_n3A_410, %get3A_401 masked %masked_sort3A_411 : (vector<16xf32>, vector<16xi32>, vector<16xi1>) -> (vector<16xi1>, vector<16xf32>, vector<16xi32>)
          %max3A = arith.maximumf %while3A_395, %masked_sort3A_413 : vector<16xf32>
          %masked_sort3A_415 = arith.constant dense<true> : vector<16xi1>
          %masked_sort3A_416, %masked_sort3A_417, %masked_sort3A_418 = tpu.sort %max3A, %iota3A masked %masked_sort3A_415 {descending = true} : (vector<16xf32>, vector<16xi32>, vector<16xi1>) -> (vector<16xi1>, vector<16xf32>, vector<16xi32>)
          scf.yield %masked_sort3A_417 : vector<16xf32>
        }
        %slice3A_379 = vector.extract_strided_slice %while3A_378 {offsets = [12], sizes = [1], strides = [1]} : vector<16xf32> to vector<1xf32>
        %squeeze3A_380 = vector.extract %slice3A_379[0] : f32 from vector<1xf32>
        %slice3A_381 = vector.extract_strided_slice %while3A_378 {offsets = [0], sizes = [1], strides = [1]} : vector<16xf32> to vector<1xf32>
        %squeeze3A_382 = vector.extract %slice3A_381[0] : f32 from vector<1xf32>
        %gt3A_383 = vector.broadcast %squeeze3A_380 : f32 to vector<16xf32>
        %gt3A_384 = arith.cmpf ogt, %while3A_378, %gt3A_383 : vector<16xf32>
        %all_reduce_population_count3A = tpu.all_reduce %gt3A_384 {dim = 0 : i64, kind = #tpu.reduction_kind<sum>} : vector<16xi1> -> vector<16xi32>
        %sub3A_385 = arith.constant 13 : i32
        %sub3A_386 = vector.broadcast %sub3A_385 : i32 to vector<16xi32>
        %sub3A_387 = arith.subi %sub3A_386, %all_reduce_population_count3A : vector<16xi32>
        %broadcast_in_dim3A_388 = vector.broadcast %squeeze3A_380 : f32 to vector<16xf32>
        %gt3A_389 = arith.constant 9.99999971E-10 : f32
        %gt3A_390 = arith.cmpf ogt, %squeeze3A_382, %gt3A_389 : f32
        %convert_element_type3A_391 = arith.extui %gt3A_390 : i1 to i32
        %cond3A_392 = arith.constant 0 : i32
        %cond3A_393 = arith.cmpi ne, %convert_element_type3A_391, %cond3A_392 : i32
        scf.if %cond3A_393 {
          %broadcast_in_dim3A_394 = arith.constant 96 : i32
          %broadcast_in_dim3A_395 = vector.broadcast %broadcast_in_dim3A_394 : i32 to vector<16xi32>
          %while3A_396 = arith.constant 0 : i32
          %while3A_397 = arith.subi %select_n3A, %while3A_396 : i32
          %while3A_398 = arith.addi %while3A_396, %while3A_397 : i32
          %while3A_399 = arith.constant 1 : i32
          %while3A_400 = arith.divsi %while3A_397, %while3A_399 : i32
          %while3A_401 = arith.muli %while3A_400, %while3A_399 : i32
          %while3A_402 = arith.addi %while3A_396, %while3A_401 : i32
          %while3A_403 = arith.constant 1 : i32
          %while3A_404:2 = scf.for %while3A_407 = %while3A_396 to %while3A_402 step %while3A_403 iter_args(%while3A_408 = %broadcast_in_dim3A_5, %while3A_409 = %broadcast_in_dim3A_395) -> (vector<16xi32>, vector<16xi32>)  : i32 {
            %mul3A_410 = arith.constant 16 : i32
            %mul3A_411 = arith.muli %while3A_407, %mul3A_410 : i32
            %add3A_412 = arith.constant 6144 : i32
            %add3A_413 = arith.addi %add3A_412, %mul3A_411 : i32
            %get3A_414 = arith.index_cast %add3A_413 : i32 to index
            %get3A_415 = tpu.vector_load %arg5[%get3A_414] {strides = array<i32>} : memref<8192xi32, #tpu.memory_space<vmem>>, vector<16xi32>,
            %broadcast_in_dim3A_416 = arith.constant 6 : i32
            %broadcast_in_dim3A_417 = vector.broadcast %broadcast_in_dim3A_416 : i32 to vector<16xi32>
            %gather3A = tpu.vector_load_idx %arg4[%broadcast_in_dim3A_417, %get3A_415] : memref<8x8400xf32, #tpu.memory_space<vmem>>[vector<16xi32>, vector<16xi32>], vector<16xf32>,
            %mul3A_418 = arith.constant 16 : i32
            %mul3A_419 = arith.muli %while3A_407, %mul3A_418 : i32
            %add3A_420 = vector.broadcast %mul3A_419 : i32 to vector<16xi32>
            %add3A_421 = arith.addi %iota3A, %add3A_420 : vector<16xi32>
            %lt3A = arith.cmpi slt, %add3A_421, %broadcast_in_dim3A_247 : vector<16xi32>
            %jit3A_422 = arith.constant -1.000000e+00 : f32
            %broadcast_in_dim3A_423 = vector.broadcast %jit3A_422 : f32 to vector<16xf32>
            %select_n3A_424 = arith.select %lt3A, %gather3A, %broadcast_in_dim3A_423 : vector<16xi1>, vector<16xf32>
            %gt3A_425 = arith.cmpf ogt, %select_n3A_424, %broadcast_in_dim3A_388 : vector<16xf32>
            %eq3A = arith.cmpf oeq, %select_n3A_424, %broadcast_in_dim3A_388 : vector<16xf32>
            %convert_element_type3A_426 = arith.extui %eq3A : vector<16xi1> to vector<16xi32>
            %broadcast_in_dim3A_427 = arith.constant true
            %broadcast_in_dim3A_428 = vector.broadcast %broadcast_in_dim3A_427 : i1 to vector<16xi1>
            %masked_cumsum3A = tpu.scan <sum>, %convert_element_type3A_426 masked %broadcast_in_dim3A_428 : vector<16xi32>, vector<16xi1> -> vector<16xi32>
            %sub3A_429 = arith.subi %masked_cumsum3A, %convert_element_type3A_426 : vector<16xi32>
            %add3A_430 = arith.addi %sub3A_429, %while3A_408 : vector<16xi32>
            %lt3A_431 = arith.cmpi slt, %add3A_430, %sub3A_387 : vector<16xi32>
            %and3A_432 = arith.andi %eq3A, %lt3A_431 : vector<16xi1>
            %or3A = arith.ori %gt3A_425, %and3A_432 : vector<16xi1>
            %convert_element_type3A_433 = arith.extui %or3A : vector<16xi1> to vector<16xi32>
            %broadcast_in_dim3A_434 = arith.constant true
            %broadcast_in_dim3A_435 = vector.broadcast %broadcast_in_dim3A_434 : i1 to vector<16xi1>
            %masked_cumsum3A_436 = tpu.scan <sum>, %convert_element_type3A_433 masked %broadcast_in_dim3A_435 : vector<16xi32>, vector<16xi1> -> vector<16xi32>
            %sub3A_437 = arith.subi %masked_cumsum3A_436, %convert_element_type3A_433 : vector<16xi32>
            %add3A_438 = arith.addi %while3A_409, %sub3A_437 : vector<16xi32>
            tpu.vector_store_idx %arg6[%add3A_438], %get3A_415 masked %or3A : memref<128xi32, #tpu.memory_space<vmem>>[vector<16xi32>], vector<16xi32>, vector<16xi1>
            %all_reduce_population_count3A_439 = tpu.all_reduce %eq3A {dim = 0 : i64, kind = #tpu.reduction_kind<sum>} : vector<16xi1> -> vector<16xi32>
            %add3A_440 = arith.addi %while3A_408, %all_reduce_population_count3A_439 : vector<16xi32>
            %all_reduce_population_count3A_441 = tpu.all_reduce %or3A {dim = 0 : i64, kind = #tpu.reduction_kind<sum>} : vector<16xi1> -> vector<16xi32>
            %add3A_442 = arith.addi %while3A_409, %all_reduce_population_count3A_441 : vector<16xi32>
            scf.yield %add3A_440, %add3A_442 : vector<16xi32>, vector<16xi32>
          }
          %while3A_405 = arith.constant 1 : i32
          %while3A_406:2 = scf.for %while3A_407 = %while3A_402 to %while3A_398 step %while3A_405 iter_args(%while3A_408 = %while3A_404#0, %while3A_409 = %while3A_404#1) -> (vector<16xi32>, vector<16xi32>)  : i32 {
            %mul3A_410 = arith.constant 16 : i32
            %mul3A_411 = arith.muli %while3A_407, %mul3A_410 : i32
            %add3A_412 = arith.constant 6144 : i32
            %add3A_413 = arith.addi %add3A_412, %mul3A_411 : i32
            %get3A_414 = arith.index_cast %add3A_413 : i32 to index
            %get3A_415 = tpu.vector_load %arg5[%get3A_414] {strides = array<i32>} : memref<8192xi32, #tpu.memory_space<vmem>>, vector<16xi32>,
            %broadcast_in_dim3A_416 = arith.constant 6 : i32
            %broadcast_in_dim3A_417 = vector.broadcast %broadcast_in_dim3A_416 : i32 to vector<16xi32>
            %gather3A = tpu.vector_load_idx %arg4[%broadcast_in_dim3A_417, %get3A_415] : memref<8x8400xf32, #tpu.memory_space<vmem>>[vector<16xi32>, vector<16xi32>], vector<16xf32>,
            %mul3A_418 = arith.constant 16 : i32
            %mul3A_419 = arith.muli %while3A_407, %mul3A_418 : i32
            %add3A_420 = vector.broadcast %mul3A_419 : i32 to vector<16xi32>
            %add3A_421 = arith.addi %iota3A, %add3A_420 : vector<16xi32>
            %lt3A = arith.cmpi slt, %add3A_421, %broadcast_in_dim3A_247 : vector<16xi32>
            %jit3A_422 = arith.constant -1.000000e+00 : f32
            %broadcast_in_dim3A_423 = vector.broadcast %jit3A_422 : f32 to vector<16xf32>
            %select_n3A_424 = arith.select %lt3A, %gather3A, %broadcast_in_dim3A_423 : vector<16xi1>, vector<16xf32>
            %gt3A_425 = arith.cmpf ogt, %select_n3A_424, %broadcast_in_dim3A_388 : vector<16xf32>
            %eq3A = arith.cmpf oeq, %select_n3A_424, %broadcast_in_dim3A_388 : vector<16xf32>
            %convert_element_type3A_426 = arith.extui %eq3A : vector<16xi1> to vector<16xi32>
            %broadcast_in_dim3A_427 = arith.constant true
            %broadcast_in_dim3A_428 = vector.broadcast %broadcast_in_dim3A_427 : i1 to vector<16xi1>
            %masked_cumsum3A = tpu.scan <sum>, %convert_element_type3A_426 masked %broadcast_in_dim3A_428 : vector<16xi32>, vector<16xi1> -> vector<16xi32>
            %sub3A_429 = arith.subi %masked_cumsum3A, %convert_element_type3A_426 : vector<16xi32>
            %add3A_430 = arith.addi %sub3A_429, %while3A_408 : vector<16xi32>
            %lt3A_431 = arith.cmpi slt, %add3A_430, %sub3A_387 : vector<16xi32>
            %and3A_432 = arith.andi %eq3A, %lt3A_431 : vector<16xi1>
            %or3A = arith.ori %gt3A_425, %and3A_432 : vector<16xi1>
            %convert_element_type3A_433 = arith.extui %or3A : vector<16xi1> to vector<16xi32>
            %broadcast_in_dim3A_434 = arith.constant true
            %broadcast_in_dim3A_435 = vector.broadcast %broadcast_in_dim3A_434 : i1 to vector<16xi1>
            %masked_cumsum3A_436 = tpu.scan <sum>, %convert_element_type3A_433 masked %broadcast_in_dim3A_435 : vector<16xi32>, vector<16xi1> -> vector<16xi32>
            %sub3A_437 = arith.subi %masked_cumsum3A_436, %convert_element_type3A_433 : vector<16xi32>
            %add3A_438 = arith.addi %while3A_409, %sub3A_437 : vector<16xi32>
            tpu.vector_store_idx %arg6[%add3A_438], %get3A_415 masked %or3A : memref<128xi32, #tpu.memory_space<vmem>>[vector<16xi32>], vector<16xi32>, vector<16xi1>
            %all_reduce_population_count3A_439 = tpu.all_reduce %eq3A {dim = 0 : i64, kind = #tpu.reduction_kind<sum>} : vector<16xi1> -> vector<16xi32>
            %add3A_440 = arith.addi %while3A_408, %all_reduce_population_count3A_439 : vector<16xi32>
            %all_reduce_population_count3A_441 = tpu.all_reduce %or3A {dim = 0 : i64, kind = #tpu.reduction_kind<sum>} : vector<16xi1> -> vector<16xi32>
            %add3A_442 = arith.addi %while3A_409, %all_reduce_population_count3A_441 : vector<16xi32>
            scf.yield %add3A_440, %add3A_442 : vector<16xi32>, vector<16xi32>
          }
        } else {
        }
      } else {
      }
      %gt3A_253 = arith.constant 1008 : i32
      %gt3A_254 = arith.cmpi sgt, %sub3A_246, %gt3A_253 : i32
      %convert_element_type3A_255 = arith.extui %gt3A_254 : i1 to i32
      %cond3A_256 = arith.constant 0 : i32
      %cond3A_257 = arith.cmpi ne, %convert_element_type3A_255, %cond3A_256 : i32
      scf.if %cond3A_257 {
        %broadcast_in_dim3A_344 = arith.constant -3.000000e+38 : f32
        %broadcast_in_dim3A_345 = vector.broadcast %broadcast_in_dim3A_344 : f32 to vector<16xf32>
        %scan3A_346 = arith.constant 0 : i32
        %scan3A_347 = arith.constant 525 : i32
        %scan3A_348 = arith.addi %scan3A_346, %scan3A_347 : i32
        %scan3A_349 = arith.constant 1 : i32
        %scan3A_350 = scf.for %scan3A_367 = %scan3A_346 to %scan3A_348 step %scan3A_349 iter_args(%scan3A_368 = %broadcast_in_dim3A_345) -> (vector<16xf32>)  : i32 {
          %mul3A_369 = arith.constant 16 : i32
          %mul3A_370 = arith.muli %scan3A_367, %mul3A_369 : i32
          %get3A_371 = arith.constant 6 : i32
          %get3A_372 = arith.index_cast %get3A_371 : i32 to index
          %get3A_373 = arith.index_cast %mul3A_370 : i32 to index
          %get3A_374 = tpu.vector_load %arg4[%get3A_372, %get3A_373] {strides = array<i32>} : memref<8x8400xf32, #tpu.memory_space<vmem>>, vector<16xf32>,
          %mul3A_375 = arith.constant 16 : i32
          %mul3A_376 = arith.muli %scan3A_367, %mul3A_375 : i32
          %add3A_377 = vector.broadcast %mul3A_376 : i32 to vector<16xi32>
          %add3A_378 = arith.addi %iota3A, %add3A_377 : vector<16xi32>
          %masked_sort3A_379 = arith.constant dense<true> : vector<16xi1>
          %masked_sort3A_380, %masked_sort3A_381, %masked_sort3A_382 = tpu.sort %get3A_374, %add3A_378 masked %masked_sort3A_379 : (vector<16xf32>, vector<16xi32>, vector<16xi1>) -> (vector<16xi1>, vector<16xf32>, vector<16xi32>)
          %max3A = arith.maximumf %scan3A_368, %masked_sort3A_381 : vector<16xf32>
          %masked_sort3A_383 = arith.constant dense<true> : vector<16xi1>
          %masked_sort3A_384, %masked_sort3A_385, %masked_sort3A_386 = tpu.sort %max3A, %iota3A masked %masked_sort3A_383 {descending = true} : (vector<16xf32>, vector<16xi32>, vector<16xi1>) -> (vector<16xi1>, vector<16xf32>, vector<16xi32>)
          scf.yield %masked_sort3A_385 : vector<16xf32>
        }
        %scan3A_351 = arith.constant 525 : i32
        %slice3A_352 = vector.extract_strided_slice %scan3A_350 {offsets = [12], sizes = [1], strides = [1]} : vector<16xf32> to vector<1xf32>
        %squeeze3A_353 = vector.extract %slice3A_352[0] : f32 from vector<1xf32>
        %slice3A_354 = vector.extract_strided_slice %scan3A_350 {offsets = [0], sizes = [1], strides = [1]} : vector<16xf32> to vector<1xf32>
        %squeeze3A_355 = vector.extract %slice3A_354[0] : f32 from vector<1xf32>
        %gt3A_356 = vector.broadcast %squeeze3A_353 : f32 to vector<16xf32>
        %gt3A_357 = arith.cmpf ogt, %scan3A_350, %gt3A_356 : vector<16xf32>
        %all_reduce_population_count3A = tpu.all_reduce %gt3A_357 {dim = 0 : i64, kind = #tpu.reduction_kind<sum>} : vector<16xi1> -> vector<16xi32>
        %sub3A_358 = arith.constant 13 : i32
        %sub3A_359 = vector.broadcast %sub3A_358 : i32 to vector<16xi32>
        %sub3A_360 = arith.subi %sub3A_359, %all_reduce_population_count3A : vector<16xi32>
        %broadcast_in_dim3A_361 = vector.broadcast %squeeze3A_353 : f32 to vector<16xf32>
        %gt3A_362 = arith.constant 9.99999971E-10 : f32
        %gt3A_363 = arith.cmpf ogt, %squeeze3A_355, %gt3A_362 : f32
        %convert_element_type3A_364 = arith.extui %gt3A_363 : i1 to i32
        %cond3A_365 = arith.constant 0 : i32
        %cond3A_366 = arith.cmpi ne, %convert_element_type3A_364, %cond3A_365 : i32
        scf.if %cond3A_366 {
          %broadcast_in_dim3A_367 = arith.constant 96 : i32
          %broadcast_in_dim3A_368 = vector.broadcast %broadcast_in_dim3A_367 : i32 to vector<16xi32>
          %scan3A_369 = arith.constant 0 : i32
          %scan3A_370 = arith.constant 525 : i32
          %scan3A_371 = arith.addi %scan3A_369, %scan3A_370 : i32
          %scan3A_372 = arith.constant 1 : i32
          %scan3A_373:2 = scf.for %scan3A_375 = %scan3A_369 to %scan3A_371 step %scan3A_372 iter_args(%scan3A_376 = %broadcast_in_dim3A_5, %scan3A_377 = %broadcast_in_dim3A_368) -> (vector<16xi32>, vector<16xi32>)  : i32 {
            %mul3A_378 = arith.constant 16 : i32
            %mul3A_379 = arith.muli %scan3A_375, %mul3A_378 : i32
            %get3A_380 = arith.constant 6 : i32
            %get3A_381 = arith.index_cast %get3A_380 : i32 to index
            %get3A_382 = arith.index_cast %mul3A_379 : i32 to index
            %get3A_383 = tpu.vector_load %arg4[%get3A_381, %get3A_382] {strides = array<i32>} : memref<8x8400xf32, #tpu.memory_space<vmem>>, vector<16xf32>,
            %mul3A_384 = arith.constant 16 : i32
            %mul3A_385 = arith.muli %scan3A_375, %mul3A_384 : i32
            %add3A_386 = vector.broadcast %mul3A_385 : i32 to vector<16xi32>
            %add3A_387 = arith.addi %iota3A, %add3A_386 : vector<16xi32>
            %gt3A_388 = arith.cmpf ogt, %get3A_383, %broadcast_in_dim3A_361 : vector<16xf32>
            %eq3A = arith.cmpf oeq, %get3A_383, %broadcast_in_dim3A_361 : vector<16xf32>
            %convert_element_type3A_389 = arith.extui %eq3A : vector<16xi1> to vector<16xi32>
            %broadcast_in_dim3A_390 = arith.constant true
            %broadcast_in_dim3A_391 = vector.broadcast %broadcast_in_dim3A_390 : i1 to vector<16xi1>
            %masked_cumsum3A = tpu.scan <sum>, %convert_element_type3A_389 masked %broadcast_in_dim3A_391 : vector<16xi32>, vector<16xi1> -> vector<16xi32>
            %sub3A_392 = arith.subi %masked_cumsum3A, %convert_element_type3A_389 : vector<16xi32>
            %add3A_393 = arith.addi %sub3A_392, %scan3A_376 : vector<16xi32>
            %lt3A = arith.cmpi slt, %add3A_393, %sub3A_360 : vector<16xi32>
            %and3A = arith.andi %eq3A, %lt3A : vector<16xi1>
            %or3A = arith.ori %gt3A_388, %and3A : vector<16xi1>
            %convert_element_type3A_394 = arith.extui %or3A : vector<16xi1> to vector<16xi32>
            %broadcast_in_dim3A_395 = arith.constant true
            %broadcast_in_dim3A_396 = vector.broadcast %broadcast_in_dim3A_395 : i1 to vector<16xi1>
            %masked_cumsum3A_397 = tpu.scan <sum>, %convert_element_type3A_394 masked %broadcast_in_dim3A_396 : vector<16xi32>, vector<16xi1> -> vector<16xi32>
            %sub3A_398 = arith.subi %masked_cumsum3A_397, %convert_element_type3A_394 : vector<16xi32>
            %add3A_399 = arith.addi %scan3A_377, %sub3A_398 : vector<16xi32>
            tpu.vector_store_idx %arg6[%add3A_399], %add3A_387 masked %or3A : memref<128xi32, #tpu.memory_space<vmem>>[vector<16xi32>], vector<16xi32>, vector<16xi1>
            %all_reduce_population_count3A_400 = tpu.all_reduce %eq3A {dim = 0 : i64, kind = #tpu.reduction_kind<sum>} : vector<16xi1> -> vector<16xi32>
            %add3A_401 = arith.addi %scan3A_376, %all_reduce_population_count3A_400 : vector<16xi32>
            %all_reduce_population_count3A_402 = tpu.all_reduce %or3A {dim = 0 : i64, kind = #tpu.reduction_kind<sum>} : vector<16xi1> -> vector<16xi32>
            %add3A_403 = arith.addi %scan3A_377, %all_reduce_population_count3A_402 : vector<16xi32>
            scf.yield %add3A_401, %add3A_403 : vector<16xi32>, vector<16xi32>
          }
          %scan3A_374 = arith.constant 525 : i32
        } else {
        }
      } else {
      }
      %broadcast_in_dim3A_258 = arith.constant -1 : i32
      %broadcast_in_dim3A_259 = vector.broadcast %broadcast_in_dim3A_258 : i32 to vector<16xi32>
      %swap3A_260 = arith.constant 112 : index
      %swap3A_261 = tpu.vector_load %arg6[%swap3A_260] {strides = array<i32>} : memref<128xi32, #tpu.memory_space<vmem>>, vector<16xi32>,
      tpu.vector_store %arg6[%swap3A_260], %broadcast_in_dim3A_259 {strides = array<i32>} : memref<128xi32, #tpu.memory_space<vmem>>, vector<16xi32>,
      %slice3A_262 = vector.extract_strided_slice %parallel_loop3A_130#7 {offsets = [0], sizes = [1], strides = [1]} : vector<16xi32> to vector<1xi32>
      %squeeze3A_263 = vector.extract %slice3A_262[0] : i32 from vector<1xi32>
      %sub3A_264 = arith.constant 7168 : i32
      %sub3A_265 = arith.subi %squeeze3A_263, %sub3A_264 : i32
      %broadcast_in_dim3A_266 = vector.broadcast %sub3A_265 : i32 to vector<16xi32>
      %le3A_267 = arith.constant 1008 : i32
      %le3A_268 = arith.cmpi sle, %sub3A_265, %le3A_267 : i32
      %convert_element_type3A_269 = arith.extui %le3A_268 : i1 to i32
      %cond3A_270 = arith.constant 0 : i32
      %cond3A_271 = arith.cmpi ne, %convert_element_type3A_269, %cond3A_270 : i32
      scf.if %cond3A_271 {
        %add3A_344 = arith.constant 7168 : i32
        %add3A_345 = arith.addi %add3A_344, %sub3A_265 : i32
        %swap3A_346 = arith.index_cast %add3A_345 : i32 to index
        %swap3A_347 = tpu.vector_load %arg5[%swap3A_346] {strides = array<i32>} : memref<8192xi32, #tpu.memory_space<vmem>>, vector<16xi32>,
        tpu.vector_store %arg5[%swap3A_346], %broadcast_in_dim3A_5 {strides = array<i32>} : memref<8192xi32, #tpu.memory_space<vmem>>, vector<16xi32>,
        %add3A_348 = arith.constant 15 : i32
        %add3A_349 = arith.addi %sub3A_265, %add3A_348 : i32
        %jit3A = arith.constant 16 : i32
        %div3A = arith.divsi %add3A_349, %jit3A : i32
        %sign3A = arith.constant 0 : i32
        %sign3A_350 = arith.cmpi sgt, %add3A_349, %sign3A : i32
        %sign3A_351 = arith.extui %sign3A_350 : i1 to i32
        %sign3A_352 = arith.constant 0 : i32
        %sign3A_353 = arith.cmpi slt, %add3A_349, %sign3A_352 : i32
        %sign3A_354 = arith.extui %sign3A_353 : i1 to i32
        %sign3A_355 = arith.subi %sign3A_351, %sign3A_354 : i32
        %sign3A_356 = arith.constant 0 : i32
        %sign3A_357 = arith.cmpi sgt, %jit3A, %sign3A_356 : i32
        %sign3A_358 = arith.extui %sign3A_357 : i1 to i32
        %sign3A_359 = arith.constant 0 : i32
        %sign3A_360 = arith.cmpi slt, %jit3A, %sign3A_359 : i32
        %sign3A_361 = arith.extui %sign3A_360 : i1 to i32
        %sign3A_362 = arith.subi %sign3A_358, %sign3A_361 : i32
        %ne3A = arith.cmpi ne, %sign3A_355, %sign3A_362 : i32
        %rem3A = arith.remsi %add3A_349, %jit3A : i32
        %ne3A_363 = arith.constant 0 : i32
        %ne3A_364 = arith.cmpi ne, %rem3A, %ne3A_363 : i32
        %and3A = arith.andi %ne3A, %ne3A_364 : i1
        %sub3A_365 = arith.constant 1 : i32
        %sub3A_366 = arith.subi %div3A, %sub3A_365 : i32
        %select_n3A = arith.select %and3A, %sub3A_366, %div3A : i32
        %broadcast_in_dim3A_367 = arith.constant -3.000000e+38 : f32
        %broadcast_in_dim3A_368 = vector.broadcast %broadcast_in_dim3A_367 : f32 to vector<16xf32>
        %while3A = arith.constant 0 : i32
        %while3A_369 = arith.subi %select_n3A, %while3A : i32
        %while3A_370 = arith.addi %while3A, %while3A_369 : i32
        %while3A_371 = arith.constant 1 : i32
        %while3A_372 = arith.divsi %while3A_369, %while3A_371 : i32
        %while3A_373 = arith.muli %while3A_372, %while3A_371 : i32
        %while3A_374 = arith.addi %while3A, %while3A_373 : i32
        %while3A_375 = arith.constant 1 : i32
        %while3A_376 = scf.for %while3A_394 = %while3A to %while3A_374 step %while3A_375 iter_args(%while3A_395 = %broadcast_in_dim3A_368) -> (vector<16xf32>)  : i32 {
          %mul3A_396 = arith.constant 16 : i32
          %mul3A_397 = arith.muli %while3A_394, %mul3A_396 : i32
          %add3A_398 = arith.constant 7168 : i32
          %add3A_399 = arith.addi %add3A_398, %mul3A_397 : i32
          %get3A_400 = arith.index_cast %add3A_399 : i32 to index
          %get3A_401 = tpu.vector_load %arg5[%get3A_400] {strides = array<i32>} : memref<8192xi32, #tpu.memory_space<vmem>>, vector<16xi32>,
          %broadcast_in_dim3A_402 = arith.constant 7 : i32
          %broadcast_in_dim3A_403 = vector.broadcast %broadcast_in_dim3A_402 : i32 to vector<16xi32>
          %gather3A = tpu.vector_load_idx %arg4[%broadcast_in_dim3A_403, %get3A_401] : memref<8x8400xf32, #tpu.memory_space<vmem>>[vector<16xi32>, vector<16xi32>], vector<16xf32>,
          %mul3A_404 = arith.constant 16 : i32
          %mul3A_405 = arith.muli %while3A_394, %mul3A_404 : i32
          %add3A_406 = vector.broadcast %mul3A_405 : i32 to vector<16xi32>
          %add3A_407 = arith.addi %iota3A, %add3A_406 : vector<16xi32>
          %lt3A = arith.cmpi slt, %add3A_407, %broadcast_in_dim3A_266 : vector<16xi32>
          %jit3A_408 = arith.constant -1.000000e+00 : f32
          %broadcast_in_dim3A_409 = vector.broadcast %jit3A_408 : f32 to vector<16xf32>
          %select_n3A_410 = arith.select %lt3A, %gather3A, %broadcast_in_dim3A_409 : vector<16xi1>, vector<16xf32>
          %masked_sort3A_411 = arith.constant dense<true> : vector<16xi1>
          %masked_sort3A_412, %masked_sort3A_413, %masked_sort3A_414 = tpu.sort %select_n3A_410, %get3A_401 masked %masked_sort3A_411 : (vector<16xf32>, vector<16xi32>, vector<16xi1>) -> (vector<16xi1>, vector<16xf32>, vector<16xi32>)
          %max3A = arith.maximumf %while3A_395, %masked_sort3A_413 : vector<16xf32>
          %masked_sort3A_415 = arith.constant dense<true> : vector<16xi1>
          %masked_sort3A_416, %masked_sort3A_417, %masked_sort3A_418 = tpu.sort %max3A, %iota3A masked %masked_sort3A_415 {descending = true} : (vector<16xf32>, vector<16xi32>, vector<16xi1>) -> (vector<16xi1>, vector<16xf32>, vector<16xi32>)
          scf.yield %masked_sort3A_417 : vector<16xf32>
        }
        %while3A_377 = arith.constant 1 : i32
        %while3A_378 = scf.for %while3A_394 = %while3A_374 to %while3A_370 step %while3A_377 iter_args(%while3A_395 = %while3A_376) -> (vector<16xf32>)  : i32 {
          %mul3A_396 = arith.constant 16 : i32
          %mul3A_397 = arith.muli %while3A_394, %mul3A_396 : i32
          %add3A_398 = arith.constant 7168 : i32
          %add3A_399 = arith.addi %add3A_398, %mul3A_397 : i32
          %get3A_400 = arith.index_cast %add3A_399 : i32 to index
          %get3A_401 = tpu.vector_load %arg5[%get3A_400] {strides = array<i32>} : memref<8192xi32, #tpu.memory_space<vmem>>, vector<16xi32>,
          %broadcast_in_dim3A_402 = arith.constant 7 : i32
          %broadcast_in_dim3A_403 = vector.broadcast %broadcast_in_dim3A_402 : i32 to vector<16xi32>
          %gather3A = tpu.vector_load_idx %arg4[%broadcast_in_dim3A_403, %get3A_401] : memref<8x8400xf32, #tpu.memory_space<vmem>>[vector<16xi32>, vector<16xi32>], vector<16xf32>,
          %mul3A_404 = arith.constant 16 : i32
          %mul3A_405 = arith.muli %while3A_394, %mul3A_404 : i32
          %add3A_406 = vector.broadcast %mul3A_405 : i32 to vector<16xi32>
          %add3A_407 = arith.addi %iota3A, %add3A_406 : vector<16xi32>
          %lt3A = arith.cmpi slt, %add3A_407, %broadcast_in_dim3A_266 : vector<16xi32>
          %jit3A_408 = arith.constant -1.000000e+00 : f32
          %broadcast_in_dim3A_409 = vector.broadcast %jit3A_408 : f32 to vector<16xf32>
          %select_n3A_410 = arith.select %lt3A, %gather3A, %broadcast_in_dim3A_409 : vector<16xi1>, vector<16xf32>
          %masked_sort3A_411 = arith.constant dense<true> : vector<16xi1>
          %masked_sort3A_412, %masked_sort3A_413, %masked_sort3A_414 = tpu.sort %select_n3A_410, %get3A_401 masked %masked_sort3A_411 : (vector<16xf32>, vector<16xi32>, vector<16xi1>) -> (vector<16xi1>, vector<16xf32>, vector<16xi32>)
          %max3A = arith.maximumf %while3A_395, %masked_sort3A_413 : vector<16xf32>
          %masked_sort3A_415 = arith.constant dense<true> : vector<16xi1>
          %masked_sort3A_416, %masked_sort3A_417, %masked_sort3A_418 = tpu.sort %max3A, %iota3A masked %masked_sort3A_415 {descending = true} : (vector<16xf32>, vector<16xi32>, vector<16xi1>) -> (vector<16xi1>, vector<16xf32>, vector<16xi32>)
          scf.yield %masked_sort3A_417 : vector<16xf32>
        }
        %slice3A_379 = vector.extract_strided_slice %while3A_378 {offsets = [12], sizes = [1], strides = [1]} : vector<16xf32> to vector<1xf32>
        %squeeze3A_380 = vector.extract %slice3A_379[0] : f32 from vector<1xf32>
        %slice3A_381 = vector.extract_strided_slice %while3A_378 {offsets = [0], sizes = [1], strides = [1]} : vector<16xf32> to vector<1xf32>
        %squeeze3A_382 = vector.extract %slice3A_381[0] : f32 from vector<1xf32>
        %gt3A_383 = vector.broadcast %squeeze3A_380 : f32 to vector<16xf32>
        %gt3A_384 = arith.cmpf ogt, %while3A_378, %gt3A_383 : vector<16xf32>
        %all_reduce_population_count3A = tpu.all_reduce %gt3A_384 {dim = 0 : i64, kind = #tpu.reduction_kind<sum>} : vector<16xi1> -> vector<16xi32>
        %sub3A_385 = arith.constant 13 : i32
        %sub3A_386 = vector.broadcast %sub3A_385 : i32 to vector<16xi32>
        %sub3A_387 = arith.subi %sub3A_386, %all_reduce_population_count3A : vector<16xi32>
        %broadcast_in_dim3A_388 = vector.broadcast %squeeze3A_380 : f32 to vector<16xf32>
        %gt3A_389 = arith.constant 9.99999971E-10 : f32
        %gt3A_390 = arith.cmpf ogt, %squeeze3A_382, %gt3A_389 : f32
        %convert_element_type3A_391 = arith.extui %gt3A_390 : i1 to i32
        %cond3A_392 = arith.constant 0 : i32
        %cond3A_393 = arith.cmpi ne, %convert_element_type3A_391, %cond3A_392 : i32
        scf.if %cond3A_393 {
          %broadcast_in_dim3A_394 = arith.constant 112 : i32
          %broadcast_in_dim3A_395 = vector.broadcast %broadcast_in_dim3A_394 : i32 to vector<16xi32>
          %while3A_396 = arith.constant 0 : i32
          %while3A_397 = arith.subi %select_n3A, %while3A_396 : i32
          %while3A_398 = arith.addi %while3A_396, %while3A_397 : i32
          %while3A_399 = arith.constant 1 : i32
          %while3A_400 = arith.divsi %while3A_397, %while3A_399 : i32
          %while3A_401 = arith.muli %while3A_400, %while3A_399 : i32
          %while3A_402 = arith.addi %while3A_396, %while3A_401 : i32
          %while3A_403 = arith.constant 1 : i32
          %while3A_404:2 = scf.for %while3A_407 = %while3A_396 to %while3A_402 step %while3A_403 iter_args(%while3A_408 = %broadcast_in_dim3A_5, %while3A_409 = %broadcast_in_dim3A_395) -> (vector<16xi32>, vector<16xi32>)  : i32 {
            %mul3A_410 = arith.constant 16 : i32
            %mul3A_411 = arith.muli %while3A_407, %mul3A_410 : i32
            %add3A_412 = arith.constant 7168 : i32
            %add3A_413 = arith.addi %add3A_412, %mul3A_411 : i32
            %get3A_414 = arith.index_cast %add3A_413 : i32 to index
            %get3A_415 = tpu.vector_load %arg5[%get3A_414] {strides = array<i32>} : memref<8192xi32, #tpu.memory_space<vmem>>, vector<16xi32>,
            %broadcast_in_dim3A_416 = arith.constant 7 : i32
            %broadcast_in_dim3A_417 = vector.broadcast %broadcast_in_dim3A_416 : i32 to vector<16xi32>
            %gather3A = tpu.vector_load_idx %arg4[%broadcast_in_dim3A_417, %get3A_415] : memref<8x8400xf32, #tpu.memory_space<vmem>>[vector<16xi32>, vector<16xi32>], vector<16xf32>,
            %mul3A_418 = arith.constant 16 : i32
            %mul3A_419 = arith.muli %while3A_407, %mul3A_418 : i32
            %add3A_420 = vector.broadcast %mul3A_419 : i32 to vector<16xi32>
            %add3A_421 = arith.addi %iota3A, %add3A_420 : vector<16xi32>
            %lt3A = arith.cmpi slt, %add3A_421, %broadcast_in_dim3A_266 : vector<16xi32>
            %jit3A_422 = arith.constant -1.000000e+00 : f32
            %broadcast_in_dim3A_423 = vector.broadcast %jit3A_422 : f32 to vector<16xf32>
            %select_n3A_424 = arith.select %lt3A, %gather3A, %broadcast_in_dim3A_423 : vector<16xi1>, vector<16xf32>
            %gt3A_425 = arith.cmpf ogt, %select_n3A_424, %broadcast_in_dim3A_388 : vector<16xf32>
            %eq3A = arith.cmpf oeq, %select_n3A_424, %broadcast_in_dim3A_388 : vector<16xf32>
            %convert_element_type3A_426 = arith.extui %eq3A : vector<16xi1> to vector<16xi32>
            %broadcast_in_dim3A_427 = arith.constant true
            %broadcast_in_dim3A_428 = vector.broadcast %broadcast_in_dim3A_427 : i1 to vector<16xi1>
            %masked_cumsum3A = tpu.scan <sum>, %convert_element_type3A_426 masked %broadcast_in_dim3A_428 : vector<16xi32>, vector<16xi1> -> vector<16xi32>
            %sub3A_429 = arith.subi %masked_cumsum3A, %convert_element_type3A_426 : vector<16xi32>
            %add3A_430 = arith.addi %sub3A_429, %while3A_408 : vector<16xi32>
            %lt3A_431 = arith.cmpi slt, %add3A_430, %sub3A_387 : vector<16xi32>
            %and3A_432 = arith.andi %eq3A, %lt3A_431 : vector<16xi1>
            %or3A = arith.ori %gt3A_425, %and3A_432 : vector<16xi1>
            %convert_element_type3A_433 = arith.extui %or3A : vector<16xi1> to vector<16xi32>
            %broadcast_in_dim3A_434 = arith.constant true
            %broadcast_in_dim3A_435 = vector.broadcast %broadcast_in_dim3A_434 : i1 to vector<16xi1>
            %masked_cumsum3A_436 = tpu.scan <sum>, %convert_element_type3A_433 masked %broadcast_in_dim3A_435 : vector<16xi32>, vector<16xi1> -> vector<16xi32>
            %sub3A_437 = arith.subi %masked_cumsum3A_436, %convert_element_type3A_433 : vector<16xi32>
            %add3A_438 = arith.addi %while3A_409, %sub3A_437 : vector<16xi32>
            tpu.vector_store_idx %arg6[%add3A_438], %get3A_415 masked %or3A : memref<128xi32, #tpu.memory_space<vmem>>[vector<16xi32>], vector<16xi32>, vector<16xi1>
            %all_reduce_population_count3A_439 = tpu.all_reduce %eq3A {dim = 0 : i64, kind = #tpu.reduction_kind<sum>} : vector<16xi1> -> vector<16xi32>
            %add3A_440 = arith.addi %while3A_408, %all_reduce_population_count3A_439 : vector<16xi32>
            %all_reduce_population_count3A_441 = tpu.all_reduce %or3A {dim = 0 : i64, kind = #tpu.reduction_kind<sum>} : vector<16xi1> -> vector<16xi32>
            %add3A_442 = arith.addi %while3A_409, %all_reduce_population_count3A_441 : vector<16xi32>
            scf.yield %add3A_440, %add3A_442 : vector<16xi32>, vector<16xi32>
          }
          %while3A_405 = arith.constant 1 : i32
          %while3A_406:2 = scf.for %while3A_407 = %while3A_402 to %while3A_398 step %while3A_405 iter_args(%while3A_408 = %while3A_404#0, %while3A_409 = %while3A_404#1) -> (vector<16xi32>, vector<16xi32>)  : i32 {
            %mul3A_410 = arith.constant 16 : i32
            %mul3A_411 = arith.muli %while3A_407, %mul3A_410 : i32
            %add3A_412 = arith.constant 7168 : i32
            %add3A_413 = arith.addi %add3A_412, %mul3A_411 : i32
            %get3A_414 = arith.index_cast %add3A_413 : i32 to index
            %get3A_415 = tpu.vector_load %arg5[%get3A_414] {strides = array<i32>} : memref<8192xi32, #tpu.memory_space<vmem>>, vector<16xi32>,
            %broadcast_in_dim3A_416 = arith.constant 7 : i32
            %broadcast_in_dim3A_417 = vector.broadcast %broadcast_in_dim3A_416 : i32 to vector<16xi32>
            %gather3A = tpu.vector_load_idx %arg4[%broadcast_in_dim3A_417, %get3A_415] : memref<8x8400xf32, #tpu.memory_space<vmem>>[vector<16xi32>, vector<16xi32>], vector<16xf32>,
            %mul3A_418 = arith.constant 16 : i32
            %mul3A_419 = arith.muli %while3A_407, %mul3A_418 : i32
            %add3A_420 = vector.broadcast %mul3A_419 : i32 to vector<16xi32>
            %add3A_421 = arith.addi %iota3A, %add3A_420 : vector<16xi32>
            %lt3A = arith.cmpi slt, %add3A_421, %broadcast_in_dim3A_266 : vector<16xi32>
            %jit3A_422 = arith.constant -1.000000e+00 : f32
            %broadcast_in_dim3A_423 = vector.broadcast %jit3A_422 : f32 to vector<16xf32>
            %select_n3A_424 = arith.select %lt3A, %gather3A, %broadcast_in_dim3A_423 : vector<16xi1>, vector<16xf32>
            %gt3A_425 = arith.cmpf ogt, %select_n3A_424, %broadcast_in_dim3A_388 : vector<16xf32>
            %eq3A = arith.cmpf oeq, %select_n3A_424, %broadcast_in_dim3A_388 : vector<16xf32>
            %convert_element_type3A_426 = arith.extui %eq3A : vector<16xi1> to vector<16xi32>
            %broadcast_in_dim3A_427 = arith.constant true
            %broadcast_in_dim3A_428 = vector.broadcast %broadcast_in_dim3A_427 : i1 to vector<16xi1>
            %masked_cumsum3A = tpu.scan <sum>, %convert_element_type3A_426 masked %broadcast_in_dim3A_428 : vector<16xi32>, vector<16xi1> -> vector<16xi32>
            %sub3A_429 = arith.subi %masked_cumsum3A, %convert_element_type3A_426 : vector<16xi32>
            %add3A_430 = arith.addi %sub3A_429, %while3A_408 : vector<16xi32>
            %lt3A_431 = arith.cmpi slt, %add3A_430, %sub3A_387 : vector<16xi32>
            %and3A_432 = arith.andi %eq3A, %lt3A_431 : vector<16xi1>
            %or3A = arith.ori %gt3A_425, %and3A_432 : vector<16xi1>
            %convert_element_type3A_433 = arith.extui %or3A : vector<16xi1> to vector<16xi32>
            %broadcast_in_dim3A_434 = arith.constant true
            %broadcast_in_dim3A_435 = vector.broadcast %broadcast_in_dim3A_434 : i1 to vector<16xi1>
            %masked_cumsum3A_436 = tpu.scan <sum>, %convert_element_type3A_433 masked %broadcast_in_dim3A_435 : vector<16xi32>, vector<16xi1> -> vector<16xi32>
            %sub3A_437 = arith.subi %masked_cumsum3A_436, %convert_element_type3A_433 : vector<16xi32>
            %add3A_438 = arith.addi %while3A_409, %sub3A_437 : vector<16xi32>
            tpu.vector_store_idx %arg6[%add3A_438], %get3A_415 masked %or3A : memref<128xi32, #tpu.memory_space<vmem>>[vector<16xi32>], vector<16xi32>, vector<16xi1>
            %all_reduce_population_count3A_439 = tpu.all_reduce %eq3A {dim = 0 : i64, kind = #tpu.reduction_kind<sum>} : vector<16xi1> -> vector<16xi32>
            %add3A_440 = arith.addi %while3A_408, %all_reduce_population_count3A_439 : vector<16xi32>
            %all_reduce_population_count3A_441 = tpu.all_reduce %or3A {dim = 0 : i64, kind = #tpu.reduction_kind<sum>} : vector<16xi1> -> vector<16xi32>
            %add3A_442 = arith.addi %while3A_409, %all_reduce_population_count3A_441 : vector<16xi32>
            scf.yield %add3A_440, %add3A_442 : vector<16xi32>, vector<16xi32>
          }
        } else {
        }
      } else {
      }
      %gt3A_272 = arith.constant 1008 : i32
      %gt3A_273 = arith.cmpi sgt, %sub3A_265, %gt3A_272 : i32
      %convert_element_type3A_274 = arith.extui %gt3A_273 : i1 to i32
      %cond3A_275 = arith.constant 0 : i32
      %cond3A_276 = arith.cmpi ne, %convert_element_type3A_274, %cond3A_275 : i32
      scf.if %cond3A_276 {
        %broadcast_in_dim3A_344 = arith.constant -3.000000e+38 : f32
        %broadcast_in_dim3A_345 = vector.broadcast %broadcast_in_dim3A_344 : f32 to vector<16xf32>
        %scan3A_346 = arith.constant 0 : i32
        %scan3A_347 = arith.constant 525 : i32
        %scan3A_348 = arith.addi %scan3A_346, %scan3A_347 : i32
        %scan3A_349 = arith.constant 1 : i32
        %scan3A_350 = scf.for %scan3A_367 = %scan3A_346 to %scan3A_348 step %scan3A_349 iter_args(%scan3A_368 = %broadcast_in_dim3A_345) -> (vector<16xf32>)  : i32 {
          %mul3A_369 = arith.constant 16 : i32
          %mul3A_370 = arith.muli %scan3A_367, %mul3A_369 : i32
          %get3A_371 = arith.constant 7 : i32
          %get3A_372 = arith.index_cast %get3A_371 : i32 to index
          %get3A_373 = arith.index_cast %mul3A_370 : i32 to index
          %get3A_374 = tpu.vector_load %arg4[%get3A_372, %get3A_373] {strides = array<i32>} : memref<8x8400xf32, #tpu.memory_space<vmem>>, vector<16xf32>,
          %mul3A_375 = arith.constant 16 : i32
          %mul3A_376 = arith.muli %scan3A_367, %mul3A_375 : i32
          %add3A_377 = vector.broadcast %mul3A_376 : i32 to vector<16xi32>
          %add3A_378 = arith.addi %iota3A, %add3A_377 : vector<16xi32>
          %masked_sort3A_379 = arith.constant dense<true> : vector<16xi1>
          %masked_sort3A_380, %masked_sort3A_381, %masked_sort3A_382 = tpu.sort %get3A_374, %add3A_378 masked %masked_sort3A_379 : (vector<16xf32>, vector<16xi32>, vector<16xi1>) -> (vector<16xi1>, vector<16xf32>, vector<16xi32>)
          %max3A = arith.maximumf %scan3A_368, %masked_sort3A_381 : vector<16xf32>
          %masked_sort3A_383 = arith.constant dense<true> : vector<16xi1>
          %masked_sort3A_384, %masked_sort3A_385, %masked_sort3A_386 = tpu.sort %max3A, %iota3A masked %masked_sort3A_383 {descending = true} : (vector<16xf32>, vector<16xi32>, vector<16xi1>) -> (vector<16xi1>, vector<16xf32>, vector<16xi32>)
          scf.yield %masked_sort3A_385 : vector<16xf32>
        }
        %scan3A_351 = arith.constant 525 : i32
        %slice3A_352 = vector.extract_strided_slice %scan3A_350 {offsets = [12], sizes = [1], strides = [1]} : vector<16xf32> to vector<1xf32>
        %squeeze3A_353 = vector.extract %slice3A_352[0] : f32 from vector<1xf32>
        %slice3A_354 = vector.extract_strided_slice %scan3A_350 {offsets = [0], sizes = [1], strides = [1]} : vector<16xf32> to vector<1xf32>
        %squeeze3A_355 = vector.extract %slice3A_354[0] : f32 from vector<1xf32>
        %gt3A_356 = vector.broadcast %squeeze3A_353 : f32 to vector<16xf32>
        %gt3A_357 = arith.cmpf ogt, %scan3A_350, %gt3A_356 : vector<16xf32>
        %all_reduce_population_count3A = tpu.all_reduce %gt3A_357 {dim = 0 : i64, kind = #tpu.reduction_kind<sum>} : vector<16xi1> -> vector<16xi32>
        %sub3A_358 = arith.constant 13 : i32
        %sub3A_359 = vector.broadcast %sub3A_358 : i32 to vector<16xi32>
        %sub3A_360 = arith.subi %sub3A_359, %all_reduce_population_count3A : vector<16xi32>
        %broadcast_in_dim3A_361 = vector.broadcast %squeeze3A_353 : f32 to vector<16xf32>
        %gt3A_362 = arith.constant 9.99999971E-10 : f32
        %gt3A_363 = arith.cmpf ogt, %squeeze3A_355, %gt3A_362 : f32
        %convert_element_type3A_364 = arith.extui %gt3A_363 : i1 to i32
        %cond3A_365 = arith.constant 0 : i32
        %cond3A_366 = arith.cmpi ne, %convert_element_type3A_364, %cond3A_365 : i32
        scf.if %cond3A_366 {
          %broadcast_in_dim3A_367 = arith.constant 112 : i32
          %broadcast_in_dim3A_368 = vector.broadcast %broadcast_in_dim3A_367 : i32 to vector<16xi32>
          %scan3A_369 = arith.constant 0 : i32
          %scan3A_370 = arith.constant 525 : i32
          %scan3A_371 = arith.addi %scan3A_369, %scan3A_370 : i32
          %scan3A_372 = arith.constant 1 : i32
          %scan3A_373:2 = scf.for %scan3A_375 = %scan3A_369 to %scan3A_371 step %scan3A_372 iter_args(%scan3A_376 = %broadcast_in_dim3A_5, %scan3A_377 = %broadcast_in_dim3A_368) -> (vector<16xi32>, vector<16xi32>)  : i32 {
            %mul3A_378 = arith.constant 16 : i32
            %mul3A_379 = arith.muli %scan3A_375, %mul3A_378 : i32
            %get3A_380 = arith.constant 7 : i32
            %get3A_381 = arith.index_cast %get3A_380 : i32 to index
            %get3A_382 = arith.index_cast %mul3A_379 : i32 to index
            %get3A_383 = tpu.vector_load %arg4[%get3A_381, %get3A_382] {strides = array<i32>} : memref<8x8400xf32, #tpu.memory_space<vmem>>, vector<16xf32>,
            %mul3A_384 = arith.constant 16 : i32
            %mul3A_385 = arith.muli %scan3A_375, %mul3A_384 : i32
            %add3A_386 = vector.broadcast %mul3A_385 : i32 to vector<16xi32>
            %add3A_387 = arith.addi %iota3A, %add3A_386 : vector<16xi32>
            %gt3A_388 = arith.cmpf ogt, %get3A_383, %broadcast_in_dim3A_361 : vector<16xf32>
            %eq3A = arith.cmpf oeq, %get3A_383, %broadcast_in_dim3A_361 : vector<16xf32>
            %convert_element_type3A_389 = arith.extui %eq3A : vector<16xi1> to vector<16xi32>
            %broadcast_in_dim3A_390 = arith.constant true
            %broadcast_in_dim3A_391 = vector.broadcast %broadcast_in_dim3A_390 : i1 to vector<16xi1>
            %masked_cumsum3A = tpu.scan <sum>, %convert_element_type3A_389 masked %broadcast_in_dim3A_391 : vector<16xi32>, vector<16xi1> -> vector<16xi32>
            %sub3A_392 = arith.subi %masked_cumsum3A, %convert_element_type3A_389 : vector<16xi32>
            %add3A_393 = arith.addi %sub3A_392, %scan3A_376 : vector<16xi32>
            %lt3A = arith.cmpi slt, %add3A_393, %sub3A_360 : vector<16xi32>
            %and3A = arith.andi %eq3A, %lt3A : vector<16xi1>
            %or3A = arith.ori %gt3A_388, %and3A : vector<16xi1>
            %convert_element_type3A_394 = arith.extui %or3A : vector<16xi1> to vector<16xi32>
            %broadcast_in_dim3A_395 = arith.constant true
            %broadcast_in_dim3A_396 = vector.broadcast %broadcast_in_dim3A_395 : i1 to vector<16xi1>
            %masked_cumsum3A_397 = tpu.scan <sum>, %convert_element_type3A_394 masked %broadcast_in_dim3A_396 : vector<16xi32>, vector<16xi1> -> vector<16xi32>
            %sub3A_398 = arith.subi %masked_cumsum3A_397, %convert_element_type3A_394 : vector<16xi32>
            %add3A_399 = arith.addi %scan3A_377, %sub3A_398 : vector<16xi32>
            tpu.vector_store_idx %arg6[%add3A_399], %add3A_387 masked %or3A : memref<128xi32, #tpu.memory_space<vmem>>[vector<16xi32>], vector<16xi32>, vector<16xi1>
            %all_reduce_population_count3A_400 = tpu.all_reduce %eq3A {dim = 0 : i64, kind = #tpu.reduction_kind<sum>} : vector<16xi1> -> vector<16xi32>
            %add3A_401 = arith.addi %scan3A_376, %all_reduce_population_count3A_400 : vector<16xi32>
            %all_reduce_population_count3A_402 = tpu.all_reduce %or3A {dim = 0 : i64, kind = #tpu.reduction_kind<sum>} : vector<16xi1> -> vector<16xi32>
            %add3A_403 = arith.addi %scan3A_377, %all_reduce_population_count3A_402 : vector<16xi32>
            scf.yield %add3A_401, %add3A_403 : vector<16xi32>, vector<16xi32>
          }
          %scan3A_374 = arith.constant 525 : i32
        } else {
        }
      } else {
      }
      %parallel_loop3A_277 = arith.constant 0 : i32
      %parallel_loop3A_278 = arith.constant 525 : i32
      %parallel_loop3A_279 = arith.constant 1 : i32
      scf.for %parallel_loop3A_344 = %parallel_loop3A_277 to %parallel_loop3A_278 step %parallel_loop3A_279  : i32 {
        %parallel_loop3A_345 = arith.constant 16 : i32
        %parallel_loop3A_346 = arith.muli %parallel_loop3A_344, %parallel_loop3A_345 : i32
        %parallel_loop3A_347 = arith.constant 0 : i32
        %parallel_loop3A_348 = arith.index_cast %parallel_loop3A_347 : i32 to index
        %parallel_loop3A_349 = arith.index_cast %parallel_loop3A_346 : i32 to index
        %parallel_loop3A_350 = tpu.vector_load %arg4[%parallel_loop3A_348, %parallel_loop3A_349] {strides = array<i32>} : memref<8x8400xf32, #tpu.memory_space<vmem>>, vector<16xf32>,
        tpu.vector_store %arg4[%parallel_loop3A_348, %parallel_loop3A_349], %broadcast_in_dim3A_3 {strides = array<i32>} : memref<8x8400xf32, #tpu.memory_space<vmem>>, vector<16xf32>,
        %parallel_loop3A_351 = arith.constant 1 : i32
        %parallel_loop3A_352 = arith.index_cast %parallel_loop3A_351 : i32 to index
        %parallel_loop3A_353 = arith.index_cast %parallel_loop3A_346 : i32 to index
        %parallel_loop3A_354 = tpu.vector_load %arg4[%parallel_loop3A_352, %parallel_loop3A_353] {strides = array<i32>} : memref<8x8400xf32, #tpu.memory_space<vmem>>, vector<16xf32>,
        tpu.vector_store %arg4[%parallel_loop3A_352, %parallel_loop3A_353], %broadcast_in_dim3A_3 {strides = array<i32>} : memref<8x8400xf32, #tpu.memory_space<vmem>>, vector<16xf32>,
        %parallel_loop3A_355 = arith.constant 2 : i32
        %parallel_loop3A_356 = arith.index_cast %parallel_loop3A_355 : i32 to index
        %parallel_loop3A_357 = arith.index_cast %parallel_loop3A_346 : i32 to index
        %parallel_loop3A_358 = tpu.vector_load %arg4[%parallel_loop3A_356, %parallel_loop3A_357] {strides = array<i32>} : memref<8x8400xf32, #tpu.memory_space<vmem>>, vector<16xf32>,
        tpu.vector_store %arg4[%parallel_loop3A_356, %parallel_loop3A_357], %broadcast_in_dim3A_3 {strides = array<i32>} : memref<8x8400xf32, #tpu.memory_space<vmem>>, vector<16xf32>,
        %parallel_loop3A_359 = arith.constant 3 : i32
        %parallel_loop3A_360 = arith.index_cast %parallel_loop3A_359 : i32 to index
        %parallel_loop3A_361 = arith.index_cast %parallel_loop3A_346 : i32 to index
        %parallel_loop3A_362 = tpu.vector_load %arg4[%parallel_loop3A_360, %parallel_loop3A_361] {strides = array<i32>} : memref<8x8400xf32, #tpu.memory_space<vmem>>, vector<16xf32>,
        tpu.vector_store %arg4[%parallel_loop3A_360, %parallel_loop3A_361], %broadcast_in_dim3A_3 {strides = array<i32>} : memref<8x8400xf32, #tpu.memory_space<vmem>>, vector<16xf32>,
        %parallel_loop3A_363 = arith.constant 4 : i32
        %parallel_loop3A_364 = arith.index_cast %parallel_loop3A_363 : i32 to index
        %parallel_loop3A_365 = arith.index_cast %parallel_loop3A_346 : i32 to index
        %parallel_loop3A_366 = tpu.vector_load %arg4[%parallel_loop3A_364, %parallel_loop3A_365] {strides = array<i32>} : memref<8x8400xf32, #tpu.memory_space<vmem>>, vector<16xf32>,
        tpu.vector_store %arg4[%parallel_loop3A_364, %parallel_loop3A_365], %broadcast_in_dim3A_3 {strides = array<i32>} : memref<8x8400xf32, #tpu.memory_space<vmem>>, vector<16xf32>,
        %parallel_loop3A_367 = arith.constant 5 : i32
        %parallel_loop3A_368 = arith.index_cast %parallel_loop3A_367 : i32 to index
        %parallel_loop3A_369 = arith.index_cast %parallel_loop3A_346 : i32 to index
        %parallel_loop3A_370 = tpu.vector_load %arg4[%parallel_loop3A_368, %parallel_loop3A_369] {strides = array<i32>} : memref<8x8400xf32, #tpu.memory_space<vmem>>, vector<16xf32>,
        tpu.vector_store %arg4[%parallel_loop3A_368, %parallel_loop3A_369], %broadcast_in_dim3A_3 {strides = array<i32>} : memref<8x8400xf32, #tpu.memory_space<vmem>>, vector<16xf32>,
        %parallel_loop3A_371 = arith.constant 6 : i32
        %parallel_loop3A_372 = arith.index_cast %parallel_loop3A_371 : i32 to index
        %parallel_loop3A_373 = arith.index_cast %parallel_loop3A_346 : i32 to index
        %parallel_loop3A_374 = tpu.vector_load %arg4[%parallel_loop3A_372, %parallel_loop3A_373] {strides = array<i32>} : memref<8x8400xf32, #tpu.memory_space<vmem>>, vector<16xf32>,
        tpu.vector_store %arg4[%parallel_loop3A_372, %parallel_loop3A_373], %broadcast_in_dim3A_3 {strides = array<i32>} : memref<8x8400xf32, #tpu.memory_space<vmem>>, vector<16xf32>,
        %parallel_loop3A_375 = arith.constant 7 : i32
        %parallel_loop3A_376 = arith.index_cast %parallel_loop3A_375 : i32 to index
        %parallel_loop3A_377 = arith.index_cast %parallel_loop3A_346 : i32 to index
        %parallel_loop3A_378 = tpu.vector_load %arg4[%parallel_loop3A_376, %parallel_loop3A_377] {strides = array<i32>} : memref<8x8400xf32, #tpu.memory_space<vmem>>, vector<16xf32>,
        tpu.vector_store %arg4[%parallel_loop3A_376, %parallel_loop3A_377], %broadcast_in_dim3A_3 {strides = array<i32>} : memref<8x8400xf32, #tpu.memory_space<vmem>>, vector<16xf32>,
      } {sc.loop_unroll_factor = 2 : i64, sc.parallel_access}
      %get3A = arith.constant 0 : index
      %get3A_280 = tpu.vector_load %arg6[%get3A] {strides = array<i32>} : memref<128xi32, #tpu.memory_space<vmem>>, vector<16xi32>,
      %ge3A = arith.constant 0 : i32
      %ge3A_281 = vector.broadcast %ge3A : i32 to vector<16xi32>
      %ge3A_282 = arith.cmpi sge, %get3A_280, %ge3A_281 : vector<16xi32>
      %broadcast_in_dim3A_283 = arith.constant 0 : i32
      %broadcast_in_dim3A_284 = vector.broadcast %broadcast_in_dim3A_283 : i32 to vector<16xi32>
      tpu.vector_store_idx %arg4[%broadcast_in_dim3A_284, %get3A_280], %broadcast_in_dim3A_1 masked %ge3A_282 : memref<8x8400xf32, #tpu.memory_space<vmem>>[vector<16xi32>, vector<16xi32>], vector<16xf32>, vector<16xi1>
      %get3A_285 = arith.constant 16 : index
      %get3A_286 = tpu.vector_load %arg6[%get3A_285] {strides = array<i32>} : memref<128xi32, #tpu.memory_space<vmem>>, vector<16xi32>,
      %ge3A_287 = arith.constant 0 : i32
      %ge3A_288 = vector.broadcast %ge3A_287 : i32 to vector<16xi32>
      %ge3A_289 = arith.cmpi sge, %get3A_286, %ge3A_288 : vector<16xi32>
      %broadcast_in_dim3A_290 = arith.constant 1 : i32
      %broadcast_in_dim3A_291 = vector.broadcast %broadcast_in_dim3A_290 : i32 to vector<16xi32>
      tpu.vector_store_idx %arg4[%broadcast_in_dim3A_291, %get3A_286], %broadcast_in_dim3A_1 masked %ge3A_289 : memref<8x8400xf32, #tpu.memory_space<vmem>>[vector<16xi32>, vector<16xi32>], vector<16xf32>, vector<16xi1>
      %get3A_292 = arith.constant 32 : index
      %get3A_293 = tpu.vector_load %arg6[%get3A_292] {strides = array<i32>} : memref<128xi32, #tpu.memory_space<vmem>>, vector<16xi32>,
      %ge3A_294 = arith.constant 0 : i32
      %ge3A_295 = vector.broadcast %ge3A_294 : i32 to vector<16xi32>
      %ge3A_296 = arith.cmpi sge, %get3A_293, %ge3A_295 : vector<16xi32>
      %broadcast_in_dim3A_297 = arith.constant 2 : i32
      %broadcast_in_dim3A_298 = vector.broadcast %broadcast_in_dim3A_297 : i32 to vector<16xi32>
      tpu.vector_store_idx %arg4[%broadcast_in_dim3A_298, %get3A_293], %broadcast_in_dim3A_1 masked %ge3A_296 : memref<8x8400xf32, #tpu.memory_space<vmem>>[vector<16xi32>, vector<16xi32>], vector<16xf32>, vector<16xi1>
      %get3A_299 = arith.constant 48 : index
      %get3A_300 = tpu.vector_load %arg6[%get3A_299] {strides = array<i32>} : memref<128xi32, #tpu.memory_space<vmem>>, vector<16xi32>,
      %ge3A_301 = arith.constant 0 : i32
      %ge3A_302 = vector.broadcast %ge3A_301 : i32 to vector<16xi32>
      %ge3A_303 = arith.cmpi sge, %get3A_300, %ge3A_302 : vector<16xi32>
      %broadcast_in_dim3A_304 = arith.constant 3 : i32
      %broadcast_in_dim3A_305 = vector.broadcast %broadcast_in_dim3A_304 : i32 to vector<16xi32>
      tpu.vector_store_idx %arg4[%broadcast_in_dim3A_305, %get3A_300], %broadcast_in_dim3A_1 masked %ge3A_303 : memref<8x8400xf32, #tpu.memory_space<vmem>>[vector<16xi32>, vector<16xi32>], vector<16xf32>, vector<16xi1>
      %get3A_306 = arith.constant 64 : index
      %get3A_307 = tpu.vector_load %arg6[%get3A_306] {strides = array<i32>} : memref<128xi32, #tpu.memory_space<vmem>>, vector<16xi32>,
      %ge3A_308 = arith.constant 0 : i32
      %ge3A_309 = vector.broadcast %ge3A_308 : i32 to vector<16xi32>
      %ge3A_310 = arith.cmpi sge, %get3A_307, %ge3A_309 : vector<16xi32>
      %broadcast_in_dim3A_311 = arith.constant 4 : i32
      %broadcast_in_dim3A_312 = vector.broadcast %broadcast_in_dim3A_311 : i32 to vector<16xi32>
      tpu.vector_store_idx %arg4[%broadcast_in_dim3A_312, %get3A_307], %broadcast_in_dim3A_1 masked %ge3A_310 : memref<8x8400xf32, #tpu.memory_space<vmem>>[vector<16xi32>, vector<16xi32>], vector<16xf32>, vector<16xi1>
      %get3A_313 = arith.constant 80 : index
      %get3A_314 = tpu.vector_load %arg6[%get3A_313] {strides = array<i32>} : memref<128xi32, #tpu.memory_space<vmem>>, vector<16xi32>,
      %ge3A_315 = arith.constant 0 : i32
      %ge3A_316 = vector.broadcast %ge3A_315 : i32 to vector<16xi32>
      %ge3A_317 = arith.cmpi sge, %get3A_314, %ge3A_316 : vector<16xi32>
      %broadcast_in_dim3A_318 = arith.constant 5 : i32
      %broadcast_in_dim3A_319 = vector.broadcast %broadcast_in_dim3A_318 : i32 to vector<16xi32>
      tpu.vector_store_idx %arg4[%broadcast_in_dim3A_319, %get3A_314], %broadcast_in_dim3A_1 masked %ge3A_317 : memref<8x8400xf32, #tpu.memory_space<vmem>>[vector<16xi32>, vector<16xi32>], vector<16xf32>, vector<16xi1>
      %get3A_320 = arith.constant 96 : index
      %get3A_321 = tpu.vector_load %arg6[%get3A_320] {strides = array<i32>} : memref<128xi32, #tpu.memory_space<vmem>>, vector<16xi32>,
      %ge3A_322 = arith.constant 0 : i32
      %ge3A_323 = vector.broadcast %ge3A_322 : i32 to vector<16xi32>
      %ge3A_324 = arith.cmpi sge, %get3A_321, %ge3A_323 : vector<16xi32>
      %broadcast_in_dim3A_325 = arith.constant 6 : i32
      %broadcast_in_dim3A_326 = vector.broadcast %broadcast_in_dim3A_325 : i32 to vector<16xi32>
      tpu.vector_store_idx %arg4[%broadcast_in_dim3A_326, %get3A_321], %broadcast_in_dim3A_1 masked %ge3A_324 : memref<8x8400xf32, #tpu.memory_space<vmem>>[vector<16xi32>, vector<16xi32>], vector<16xf32>, vector<16xi1>
      %get3A_327 = arith.constant 112 : index
      %get3A_328 = tpu.vector_load %arg6[%get3A_327] {strides = array<i32>} : memref<128xi32, #tpu.memory_space<vmem>>, vector<16xi32>,
      %ge3A_329 = arith.constant 0 : i32
      %ge3A_330 = vector.broadcast %ge3A_329 : i32 to vector<16xi32>
      %ge3A_331 = arith.cmpi sge, %get3A_328, %ge3A_330 : vector<16xi32>
      %broadcast_in_dim3A_332 = arith.constant 7 : i32
      %broadcast_in_dim3A_333 = vector.broadcast %broadcast_in_dim3A_332 : i32 to vector<16xi32>
      tpu.vector_store_idx %arg4[%broadcast_in_dim3A_333, %get3A_328], %broadcast_in_dim3A_1 masked %ge3A_331 : memref<8x8400xf32, #tpu.memory_space<vmem>>[vector<16xi32>, vector<16xi32>], vector<16xf32>, vector<16xi1>
      %mul3A_334 = arith.constant 8 : i32
      %mul3A_335 = arith.muli %mul3A_334, %add3A_14 : i32
      %dma_start3A_336 = arith.constant 0 : i32
      %dma_start3A_337 = tpu.memref_slice %arg3[%mul3A_335, %dma_start3A_336] : memref<512x8400xf32, #tpu.memory_space<hbm>> -> memref<8x8400xf32, #tpu.memory_space<hbm>>
      %dma_start3A_338 = arith.constant 0 : i32
      %dma_start3A_339 = tpu.memref_slice %arg3[%mul3A_335, %dma_start3A_338] : memref<512x8400xf32, #tpu.memory_space<hbm>> -> memref<8x8400xf32, #tpu.memory_space<hbm>>
      tpu.enqueue_dma source(%arg4 : memref<8x8400xf32, #tpu.memory_space<vmem>>) target(%dma_start3A_339 : memref<8x8400xf32, #tpu.memory_space<hbm>>) target_semaphore(%arg7 : memref<!tpu.dma_semaphore, #tpu.memory_space<semaphore_mem>>)
      %dma_wait3A_340 = arith.constant 0 : i32
      %dma_wait3A_341 = tpu.memref_slice %arg3[%mul3A_335, %dma_wait3A_340] : memref<512x8400xf32, #tpu.memory_space<hbm>> -> memref<8x8400xf32, #tpu.memory_space<hbm>>
      %dma_wait3A_342 = arith.constant 0 : i32
      %dma_wait3A_343 = tpu.memref_slice %arg3[%mul3A_335, %dma_wait3A_342] : memref<512x8400xf32, #tpu.memory_space<hbm>> -> memref<8x8400xf32, #tpu.memory_space<hbm>>
      tpu.wait_dma2 semaphore(%arg7 : memref<!tpu.dma_semaphore, #tpu.memory_space<semaphore_mem>>) src(%arg4 : memref<8x8400xf32, #tpu.memory_space<vmem>>) dst(%dma_wait3A_343 : memref<8x8400xf32, #tpu.memory_space<hbm>>)
    }
    %scan3A_10 = arith.constant 2 : i32
    return
  }
}

</mosaic_0001>

<sc_bundles>
// kernel: kernel.3.cloned.1.call-start
scs
__scs_entry_jumppad:
0x0: {  	(pc) =	sbr.rel $0x88, $3  }
0x1: {  	(tag) =	ssettag $0x0;
	lr =	simm.s32 $0x1  }
0x2: {  	[smem:$0x3FA0] =	sst lr;
	_ =	strace $0xD0000000  }
0x3: {  	_ = 	snop  }
0x4: {  	_ = 	snop  }
0x5: {  	_ = 	snop  }
0x6: {  	_ = 	snop  }
0x7: {  	_ = 	snop  }
__scs_overlays_trampoline_lowered:
0x8: {  	[smem:$0x3FAF] =	sst s0  }
0x9: {  	[smem:$0x3FB0] =	sst s1  }
0xa: {  	[smem:$0x3FB1] =	sst s2  }
0xb: {  	[smem:$0x3FB2] =	sst s3  }
0xc: {  	[smem:$0x3FB3] =	sst s4  }
0xd: {  	[smem:$0x3FB4] =	sst s5  }
0xe: {  	[smem:$0x3FB5] =	sst s6  }
0xf: {  	[smem:$0x3FB6] =	sst s7  }
0x10: {  	[smem:$0x3FB7] =	sst s8  }
0x11: {  	[smem:$0x3FB8] =	sst s9;
	s0 =	simm.s32 @!p0 $0x0  }
0x12: {  	s1 =	sld [smem:$0x3F9E];
	s0 =	simm.s32 @p0 $0x1  }
0x13: {  	[smem:$0x3FB9] =	sst s0;
	s0 =	simm.s32 @!p1 $0x0  }
0x14: {  	s2 =	sld [smem:$0x3F9D];
	s0 =	simm.s32 @p1 $0x1  }
0x15: {  	[smem:$0x3FBA] =	sst s0;
	s0 =	simm.s32 @!p2 $0x0  }
0x16: {  	s3 =	sld [smem:$0x3FDB];
	s0 =	simm.s32 @p2 $0x1  }
0x17: {  	s4 =	simm.s32 $0x1BF5;
	[smem:$0x3FBC] =	sst s0  }
0x18: {  	s0 =	sld [smem:$0x3F9F];
	_ =	swait.ge [sflag:s4], $0x0  }
0x19: {  	s7 =	sld [smem:$0x3FA0]  }
0x1a: {  	s8 =	sadd.s32 $0xFFFFE003, lr  }
0x1b: {  	s9 =	sadd.s32 $0xFFFFFEF7, lr;
	s5 =	simm.s32 $0xFFFFFFFF;
	p2 =	slt.u32 s8, $0xFFFFF086  }
0x1c: {  	p1 =	slt.u32 s9, $0xF7A;
	s5 =	simm.s32 @!p2 $0x0  }
0x1d: {  	s5 =	simm.s32 @p1 $0x1;
	p0 =	seq.s32 s7, s2  }
0x1e: {  	s7 =	smul.u32 @!p0 $0xF7A, s2;
	p2 =	seq.s32 @!p0 s5, $0x0  }
0x1f: {  	s9 =	smul.u32 $0xF7A, s1;
	s8 =	simm.s32 @!p0 $0x1BF5;
	p2 =	por !p2, p0  }
0x20: {  	[sflag:s8] =	ssyncset.s32 @!p0 $0xFFFFF086;
	s6 =	sadd.s32 @!p0 s3, s7;
	s7 =	simm.s32 @!p0 $0x108  }
0x21: {  	s3 =	sadd.s32 s3, s9;
	s6 =	sadd.s32 @!p0 $0x88, s6;
	s7 =	simm.s32 @p2 $0x1082  }
0x22: {  	[simem:s7], [sflag:s8] =	dma.local @!p0 [hbm:s6], $0xF7A  }
0x23: {  	s9 =	sor.u32 $0xD0000000, s2;
	s6 =	simm.s32 $0x108;
	_ =	swait.ge @!p0 [sflag:s8], $0x0  }
0x24: {  	s3 =	sadd.s32 $0x88, s3;
	s6 =	simm.s32 @!p1 $0x1082;
	[sflag:s4] =	ssyncset.s32 $0xFFFFF086  }
0x25: {  	[simem:s6], [sflag:s4] =	dma.local [hbm:s3], $0xF7A  }
0x26: {  	[smem:$0x3FA0] =	sst s1;
	(tag) =	ssettag s2;
	_ =	strace s9  }
0x27: {  	s1 =	sld [smem:$0x3FB0]  }
0x28: {  	s2 =	sld [smem:$0x3FB1]  }
0x29: {  	s4 =	sld [smem:$0x3FB3]  }
0x2a: {  	p0 =	seq.s32 s5, $0x0;
	s5 =	sld [smem:$0x3FB4]  }
0x2b: {  	s6 =	sld [smem:$0x3FB5]  }
0x2c: {  	s7 =	sld [smem:$0x3FB6]  }
0x2d: {  	s3 =	simm.s32 $0x108;
	s8 =	sld [smem:$0x3FB7]  }
0x2e: {  	s3 =	simm.s32 @!p0 $0x1082;
	s9 =	sld [smem:$0x3FB8]  }
0x2f: {  	lr =	sadd.s32 s0, s3;
	s0 =	sld [smem:$0x3FAF]  }
0x30: {  	s3 =	sld [smem:$0x3FB2]  }
0x31: {  	[smem:$0x3FBB] =	sst s10  }
0x32: {  	s10 =	sld [smem:$0x3FB9];
	_ =	sdelay $0x3  }
0x33: {  	p0 =	seq.s32 s10, $0x1;
	s10 =	sld [smem:$0x3FBB];
	_ =	sdelay $0x3  }
0x34: {  	[smem:$0x3FBB] =	sst s10  }
0x35: {  	s10 =	sld [smem:$0x3FBA];
	_ =	sdelay $0x3  }
0x36: {  	p1 =	seq.s32 s10, $0x1;
	s10 =	sld [smem:$0x3FBB];
	_ =	sdelay $0x3  }
0x37: {  	[smem:$0x3FBB] =	sst s10  }
0x38: {  	s10 =	sld [smem:$0x3FBC]  }
0x39: {  	_ = 	snop;
	(pc) =	sbr.ind lr, $3  }
0x3a: {  	_ = 	snop  }
0x3b: {  	_ = 	snop  }
0x3c: {  	p2 =	seq.s32 s10, $0x1;
	s10 =	sld [smem:$0x3FBB]  }
0x3d: {  	_ =	shalt  }
0x3e: {  	_ =	shalt  }
0x3f: {  	_ =	shalt  }
0x40: {  	_ =	shalt  }
0x41: {  	_ =	shalt  }
0x42: {  	_ =	shalt  }
0x43: {  	_ =	shalt  }
0x44: {  	_ =	shalt  }
0x45: {  	_ =	shalt  }
0x46: {  	_ =	shalt  }
0x47: {  	_ =	shalt  }
0x48: {  	_ =	shalt  }
0x49: {  	_ =	shalt  }
0x4a: {  	_ =	shalt  }
0x4b: {  	_ =	shalt  }
0x4c: {  	_ =	shalt  }
0x4d: {  	_ =	shalt  }
0x4e: {  	_ =	shalt  }
0x4f: {  	_ =	shalt  }
0x50: {  	_ =	shalt  }
0x51: {  	_ =	shalt  }
0x52: {  	_ =	shalt  }
0x53: {  	_ =	shalt  }
0x54: {  	_ =	shalt  }
0x55: {  	_ =	shalt  }
0x56: {  	_ =	shalt  }
0x57: {  	_ =	shalt  }
0x58: {  	_ =	shalt  }
0x59: {  	_ =	shalt  }
0x5a: {  	_ =	shalt  }
0x5b: {  	_ =	shalt  }
0x5c: {  	_ =	shalt  }
0x5d: {  	_ =	shalt  }
0x5e: {  	_ =	shalt  }
0x5f: {  	_ =	shalt  }
0x60: {  	_ =	shalt  }
0x61: {  	_ =	shalt  }
0x62: {  	_ =	shalt  }
0x63: {  	_ =	shalt  }
0x64: {  	_ =	shalt  }
0x65: {  	_ =	shalt  }
0x66: {  	_ =	shalt  }
0x67: {  	_ =	shalt  }
0x68: {  	_ =	shalt  }
0x69: {  	_ =	shalt  }
0x6a: {  	_ =	shalt  }
0x6b: {  	_ =	shalt  }
0x6c: {  	_ =	shalt  }
0x6d: {  	_ =	shalt  }
0x6e: {  	_ =	shalt  }
0x6f: {  	_ =	shalt  }
0x70: {  	_ =	shalt  }
0x71: {  	_ =	shalt  }
0x72: {  	_ =	shalt  }
0x73: {  	_ =	shalt  }
0x74: {  	_ =	shalt  }
0x75: {  	_ =	shalt  }
0x76: {  	_ =	shalt  }
0x77: {  	_ =	shalt  }
0x78: {  	_ =	shalt  }
0x79: {  	_ =	shalt  }
0x7a: {  	_ =	shalt  }
0x7b: {  	_ =	shalt  }
0x7c: {  	_ =	shalt  }
0x7d: {  	_ =	shalt  }
0x7e: {  	_ =	shalt  }
0x7f: {  	_ =	shalt  }
0x80: {  	_ =	shalt  }
0x81: {  	_ =	shalt  }
0x82: {  	_ =	shalt  }
0x83: {  	_ =	shalt  }
0x84: {  	_ =	shalt  }
0x85: {  	_ =	shalt  }
0x86: {  	_ =	shalt  }
0x87: {  	_ =	shalt  }
.Lfunc_end0:
.L_simem_size_0:
called_computation_lowered:
.L_overlay_start_0:
0x88: {  	s2 =	sld [smem:$0x3FD9]  }
0x89: {  	s3 =	sld [smem:$0x3FFE];
	_ =	sdelay $0x1  }
0x8a: {  	s1 =	srdreg.scid  }
0x8b: {  	s0 =	sand.u32 $0x1, s1  }
0x8c: {  	s18 =	sshll.u32 s0, $0xA;
	s2 =	sadd.s32 s3, s2  }
0x8d: {  	s2 =	sadd.s32 s2, s18  }
0x8e: {  	[smem:$0x3FC7] =	sst s2  }
0x8f: {  	_ = 	snop  }
0x90: {  	s2 =	sld [smem:$0x3FC9]  }
0x91: {  	s19 =	sld [smem:$0x3FD0];
	(tm) =	ssettm $0x1  }
0x92: {  	s4 =	sld [smem:$0x3FFB];
	_ =	sdelay $0x3  }
0x93: {  	_ =	strace s4  }
0x94: {  	s4 =	sld [smem:$0x3FFC];
	_ =	sdelay $0x3  }
0x95: {  	_ =	strace s4  }
0x96: {  	s4 =	sld [smem:$0x3FFD];
	_ =	sdelay $0x3  }
0x97: {  	_ =	strace s4  }
0x98: {  	_ =	strace $0x8FFFFFFF  }
0x99: {  	s20 =	sld [smem:$0x3FDB];
	_ =	sdelay $0x1  }
0x9a: {  	s5 =	simm.s32 $_scs_section_size  }
0x9b: {  	s6 =	simm.s32 $_size__tile_overlayer_lowered;
	s7 =	simm.s32 $_tile_overlayer_lowered  }
0x9c: {  	s23 =	simm.s32 $0x1BFF;
	s22 =	sshll.u32 s7, $0x1;
	s4 =	sadd.s32 s5, s20  }
0x9d: {  	s8 =	simm.s32 $0x0;
	s21 =	sshll.u32 s6, $0x1;
	s6 =	sadd.s32 s22, s4  }
0x9e: {  	[timem:s8], [sflag:s23] =	dma.local [hbm:s6], s21  }
0x9f: {  	_ =	swait.ge [sflag:s23], s21  }
0xa0: {  	s5 =	ssub.s32 $0x0, s21;
	[sflag:s23] =	ssyncset.done $0x0  }
0xa1: {  	[sflag:s23] =	ssyncadd.s32 s5;
	_ =	sdelay $0x1  }
0xa2: {  	s24 =	simm.s32 $0x1B8B  }
0xa3: {  	_ =	swait.ge [sflag:s24], $0x1  }
0xa4: {  	[sflag:s24] =	ssyncset.done $0x0  }
0xa5: {  	s25 =	simm.s32 $0x1B8E;
	[sflag:s24] =	ssyncadd.s32 $0xFFFFFFFF  }
0xa6: {  	s26 =	simm.s32 $execute0_lowered;
	[smem:$0x3FD2] =	sst s25  }
0xa7: {  	s5 =	sshll.u32 s26, $0x1;
	_ =	strace $0x80000046;
	[dreg:$0x1] =	wrdreg $0xFFFFFFFF  }
0xa8: {  	s28 =	simm.s32 $_size_execute0_lowered;
	s4 =	sadd.s32 s4, s5;
	[dreg:$0x0] =	wrdreg $0x0  }
0xa9: {  	s5 =	sshll.u32 s28, $0x1;
	[dreg:$0x2] =	wrdreg s4  }
0xaa: {  	[dreg:$0x3] =	wrdreg s5  }
0xab: {  	[dreg:$0x4] =	wrdreg $0xC0  }
0xac: {  	_ =	task [dreg:s8], $0x5FFFF  }
0xad: {  	[dreg:$0x1] =	wrdreg $0xFFFFFFFF  }
0xae: {  	[dreg:$0x0] =	wrdreg $0x60  }
0xaf: {  	[dreg:$0x2] =	wrdreg s2  }
0xb0: {  	[dreg:$0x3] =	wrdreg s19  }
0xb1: {  	[dreg:$0x4] =	wrdreg $0x9  }
0xb2: {  	_ =	task.clear_ibuf [dreg:s8], $0x5FFFF;
	_ =	strace $0x90000046  }
0xb3: {  	s29 =	simm.s32 $0x9;
	_ =	strace $0x80000048  }
0xb4: {  	_ =	swait.ge [sflag:s29], $0x1  }
0xb5: {  	[sflag:s29] =	ssyncadd.s32 $0xFFFFFFFF  }
0xb6: {  	_ =	strace $0x90000048  }
0xb7: {  	_ =	sfence  }
0xb8: {  	s30 =	sld [smem:$0x0];
	_ =	sdelay $0x2  }
0xb9: {  	s31 =	sshll.u32 s1, $0xD;
	s1 =	sshrl.u32 s1, $0x2  }
0xba: {  	s3 =	sand.u32 $0x4000, s31;
	s1 =	sadd.s32 s1, s30  }
0xbb: {  	s0 =	sor.u32 s3, s0;
	s1 =	sshll.u32 s1, $0x11  }
0xbc: {  	s0 =	sor.u32 s1, s0  }
0xbd: {  	s0 =	sadd.s32 $0x8F2B, s0  }
0xbe: {  	[sflag:s0] =	ssyncadd.remote.s32 $0x1  }
0xbf: {  	_ =	sfence.sel $0xFFFF  }
0xc0: {  	[dreg:$0x0] =	wrdreg $0xFFFFFFFF;
	(pc) =	sbr.abs _section_cstart, $3  }
0xc1: {  	[dreg:$0x1] =	wrdreg $0xFFFFFFFF  }
0xc2: {  	_ =	task.clear_ibuf [dreg:s8], $0x2FFFF;
	_ =	strace $0x9FFFFFFF  }
0xc3: {  	(tm) =	ssettm $0x7FFFFFFF  }
tec
execute0_lowered:
.L_overlay_start_1:
0x0: {  	(tag) =	ssettag $0x1  }
0x1: {  	s1 =	rddreg [dreg:$0x0]  }
0x2: {  	s2 =	rddreg [dreg:$0x1];
	s4 =	srdreg.scid  }
0x3: {  	s0 =	rddreg [dreg:$0x2];
	s3 =	simm.s32 $0x0;
	s8 =	simm.s32 $0x10800  }
.Ltmp0:
0x4: {  	s9 =	simm.s32 $0x12800;
	s5 =	sand.u32 $0x1, s4;
	(pc) =	sbr.rel .LBB2_1-.Ltmp0, $4  }
0x5: {  	s10 =	simm.s32 $0x0;
	[smem:$0x7FF] =	sst s3;
	s6 =	ssub.s32 $0x2, s5  }
0x6: {  	s4 =	stileid.u32;
	_ =	strace $0x80000047;
	s7 =	sshrl.u32 s6, $0x1  }
0x7: {  	v0 =	vlaneseq.u32;
	v1 =	vimm.s32 $0x0;
	s31 =	sshll.u32 s4, $0x2;
	s5 =	sshll.u32 s5, $0x1;
	s6 =	ssub.s32 s6, s7  }
0x8: {  	v2 =	vimm.s32 $0xFFFFFFFF;
	v3 =	vimm.f32 $0.0e+00;
	v4 =	vimm.f32 $1.000000000e+00;
	s5 =	sor.u32 s5, s31;
	s7 =	simm.s32 $0x1;
	s6 =	smax.u32 s6, $0x1  }
.LBB2_185:
0x9: {  	s10 =	sadd.s32 $0x1, s10  }
0xa: {  	p0 =	sne.s32 s10, s6  }
.Ltmp1:
0xb: {  	_ = 	snop;
	(pc) =	sbr.rel @!p0 .LBB2_186-.Ltmp1, $1  }
0xc: {  	_ =	sdelay $0x3  }
.LBB2_1:
0xd: {  	p1 =	por $0x1, $0x1;
	s11 =	simm.s32 $0x0  }
.LBB2_2:
0xe: {  	s11 =	sor.u32 s5, s11  }
0xf: {  	s11 =	smul.u32 $0x2100, s11;
	_ =	sdelay $0x1  }
0x10: {  	s12 =	simm.s32 $0x0;
	s13 =	sadd.s32 s1, s11  }
0x11: {  	[tilespmem:s12], [sflag:$0x1] =	stream.linear.gather [hbm4b:s13+s12], $0x10800, $0x38;
	[tilespmem:$0x12880] =	vst v63  }
0x12: {  	_ =	swait.ge [sflag:s7], $0x10800  }
0x13: {  	s29 =	sand.u32 $0x60, s12;
	s14 =	sand.u32 $0x1FC00, s12;
	[sflag:s7] =	ssyncset.done $0x0  }
0x14: {  	s13 =	sor.u32 s29, s14;
	[sflag:s7] =	ssyncadd.s32 $0xFFFEF800  }
0x15: {  	v5 =	vld [tilespmem:s13+$0x10]  }
0x16: {  	v6 =	vld [tilespmem:s13+$0x90]  }
0x17: {  	v7 =	vld [tilespmem:s13+$0x110]  }
0x18: {  	v9 =	vld [tilespmem:s13+$0x190]  }
0x19: {  	v12 =	vld [tilespmem:s13+$0x210]  }
0x1a: {  	v17 =	vld [tilespmem:s13+$0x290]  }
0x1b: {  	v22 =	vld [tilespmem:s13+$0x0]  }
0x1c: {  	v21 =	vld [tilespmem:s13+$0x80]  }
0x1d: {  	s30 =	sand.u32 $0x3, s12;
	v29 =	vld [tilespmem:s13+$0x100]  }
0x1e: {  	s14 =	sshll.u32 s30, $0x5;
	v13 =	vld [tilespmem:s13+$0x180]  }
0x1f: {  	s14 =	sadd.s32 $0x0, s14;
	v26 =	vld [tilespmem:s13+$0x200]  }
0x20: {  	v20 =	vimm.f32 $-3.000000010e+38;
	v8 =	vimm.f32 $-3.000000010e+38;
	p0 =	por p1, p1;
	s15 =	sor.u32 $0x300, s14;
	v19 =	vld [tilespmem:s13+$0x280]  }
0x21: {  	v28 =	vimm.f32 $-3.000000010e+38;
	v11 =	vimm.f32 $-3.000000010e+38;
	v25 =	vimm.f32 $-3.000000010e+38;
	s31 =	sor.u32 $0x380, s14;
	s18 =	sadd.s32 $0x10, s14;
	s14 =	simm.s32 $0x100;
	v15 =	vld [tilespmem:s15+$0x0]  }
0x22: {  	v18 =	vimm.f32 $-3.000000010e+38;
	v14 =	vimm.f32 $-3.000000010e+38;
	v10 =	vimm.f32 $-3.000000010e+38;
	s19 =	sor.u32 $0x300, s18;
	s13 =	simm.s32 $0x0;
	v16 =	vld [tilespmem:s31+$0x0];
	s15 =	simm.s32 $0x20  }
.LBB2_3:
0x23: {  	s16 =	sand.u32 $0x60, s15;
	s17 =	sand.u32 $0x1FC00, s14;
	v23 =	vld [tilespmem:s19+$0x0];
	s18 =	sor.u32 $0x380, s18  }
0x24: {  	v20 =	vmax.f32 v20, v22;
	v8 =	vmax.f32 v8, v21;
	s16 =	sor.u32 s16, s17;
	v21 =	vld [tilespmem:s18+$0x0]  }
0x25: {  	v20 =	vmax.f32 v20, v5;
	v8 =	vmax.f32 v8, v6;
	v5 =	vld [tilespmem:s16+$0x10]  }
0x26: {  	v22 =	vmax.f32 v28, v29;
	v11 =	vmax.f32 v11, v13;
	v13 =	vmax.f32 v25, v26;
	v6 =	vld [tilespmem:s16+$0x90]  }
0x27: {  	v28 =	vmax.f32 v22, v7;
	v11 =	vmax.f32 v11, v9;
	v25 =	vmax.f32 v13, v12;
	v7 =	vld [tilespmem:s16+$0x110]  }
0x28: {  	v13 =	vmax.f32 v18, v19;
	v14 =	vmax.f32 v14, v15;
	v10 =	vmax.f32 v10, v16;
	v9 =	vld [tilespmem:s16+$0x190]  }
0x29: {  	v18 =	vmax.f32 v13, v17;
	v14 =	vmax.f32 v14, v23;
	v12 =	vld [tilespmem:s16+$0x210];
	v10 =	vmax.f32 v10, v21  }
0x2a: {  	v17 =	vld [tilespmem:s16+$0x290]  }
0x2b: {  	v22 =	vld [tilespmem:s16+$0x0]  }
0x2c: {  	s12 =	sadd.s32 $0x1, s12;
	s13 =	sadd.s32 $0x2, s13;
	v21 =	vld [tilespmem:s16+$0x80]  }
0x2d: {  	s17 =	sand.u32 $0x3, s12;
	p1 =	slt.u32 s13, $0x20A;
	v29 =	vld [tilespmem:s16+$0x100]  }
.Ltmp2:
0x2e: {  	s17 =	sshll.u32 s17, $0x5;
	v13 =	vld [tilespmem:s16+$0x180];
	(pc) =	sbr.rel @p1 .LBB2_3-.Ltmp2, $4  }
0x2f: {  	s17 =	sadd.s32 s17, s14;
	v26 =	vld [tilespmem:s16+$0x200]  }
0x30: {  	v19 =	vld [tilespmem:s16+$0x280];
	s16 =	sor.u32 $0x300, s17  }
0x31: {  	s18 =	sadd.s32 $0x10, s17;
	v15 =	vld [tilespmem:s16+$0x0];
	s16 =	sor.u32 $0x380, s17  }
0x32: {  	s15 =	sadd.s32 $0x20, s15;
	s14 =	sadd.s32 $0x100, s14;
	s19 =	sor.u32 $0x300, s18;
	v16 =	vld [tilespmem:s16+$0x0]  }
0x33: {  	v23 =	vld [tilespmem:$0x10440];
	_ =	sdelay $0x2  }
0x34: {  	v20 =	vmax.f32 v20, v22  }
0x35: {  	v5 =	vmax.f32 v20, v5  }
0x36: {  	v5 =	vmax.f32 v5, v23  }
0x37: {  	(xrf1) =	vsort.dscd.msk.f32 $0xffff, v5, v0;
	_ =	sdelay $0x8  }
0x38: {  	s15 =	simm.s32 $0x0;
	s12 =	simm.s32 $0x10  }
0x39: {  	s13 =	simm.s32 $0x0;
	s14 =	sand.u32 $0x1FC00, s15;
	s16 =	sand.u32 $0x70, s12  }
0x3a: {  	s17 =	sand.u32 $0x60, s13;
	s16 =	sor.u32 s16, s14  }
0x3b: {  	s17 =	sor.u32 s17, s14;
	v20 =	vld [tilespmem:s16+$0x0]  }
0x3c: {  	v22 =	vld [tilespmem:s17+$0x0]  }
0x3d: {  	v5, _, _ =	vpop (xrf1)  }
0x3e: {  	v5 =	vbroadcast v5, $0xC  }
0x3f: {  	v23 =	vld [tilespmem:$0x104C0]  }
0x40: {  	vm1 =	vge.f32 v20, v5  }
0x41: {  	vm0 =	vge.f32 v22, v5;
	v20 =	vsel vm1, $0x1, v1  }
0x42: {  	v8 =	vmax.f32 v8, v21;
	v21 =	vsel vm0, $0x1, v1;
	(xrf0) =	vadd.scan.msk.s32 $0xffff, v20  }
0x43: {  	v6 =	vmax.f32 v8, v6;
	(xrf0) =	vadd.scan.msk.s32 $0xffff, v21  }
0x44: {  	v6 =	vmax.f32 v6, v23  }
0x45: {  	(xrf1) =	vsort.dscd.msk.f32 $0xffff, v6, v0;
	v6 =	vmpcnt.ones.xlane vm0  }
0x46: {  	v8 =	vimm.s32 $0x0;
	v22 =	vsel vm0, $0xFFFFFFFF, v1  }
0x47: {  	v30 =	vadd.s32 v8, v6;
	v6 =	vsel vm1, $0xFFFFFFFF, v1  }
0x48: {  	v6 =	vadd.s32 v6, v30;
	v23, _, _ =	vpop (xrf0)  }
0x49: {  	v31 =	vld [tilespmem:$0x10540];
	v8 =	vadd.s32 v22, v8;
	v6 =	vadd.s32 v23, v6;
	v22, _, _ =	vpop (xrf0)  }
0x4a: {  	v32 =	vld [tilespmem:$0x105C0];
	v8 =	vadd.s32 v22, v8;
	vm2 =	vlt.s32 v6, $0x3FF  }
0x4b: {  	v33 =	vld [tilespmem:$0x10640];
	vm3 =	vlt.s32 v8, $0x3FF;
	v6 =	vnsel vm2, $0x3FF, v6  }
0x4c: {  	v27 =	vld [tilespmem:$0x106C0];
	v34 =	vnsel vm3, $0x3FF, v8  }
0x4d: {  	s18 =	sor.u32 $0x380, s18;
	v24 =	vld [tilespmem:$0x10740]  }
0x4e: {  	v20 =	vld [tilespmem:s18+$0x0]  }
0x4f: {  	v21 =	vld [tilespmem:s19+$0x0];
	v8 =	vor.u32 s12, v0  }
0x50: {  	v23 =	vld [tilespmem:$0x107C0];
	v22 =	vor.u32 s13, v0;
	[tilespmem:v6+s8+$0x0] =	vst.idx.msk vm1, v8  }
0x51: {  	[tilespmem:v34+s8+$0x0] =	vst.idx.msk vm0, v22;
	v46 =	vld [tilespmem:s16+$0x80]  }
0x52: {  	v35 =	vld [tilespmem:s17+$0x80]  }
0x53: {  	v6, _, _ =	vpop (xrf1)  }
0x54: {  	v28 =	vmax.f32 v28, v29;
	v6 =	vbroadcast v6, $0xC  }
0x55: {  	v7 =	vmax.f32 v28, v7  }
0x56: {  	v7 =	vmax.f32 v7, v31;
	vm0 =	vge.f32 v46, v6  }
0x57: {  	(xrf1) =	vsort.dscd.msk.f32 $0xffff, v7, v0;
	vm2 =	vge.f32 v35, v6;
	v34 =	vsel vm0, $0x1, v1  }
0x58: {  	v29 =	vsel vm2, $0x1, v1;
	(xrf0) =	vadd.scan.msk.s32 $0xffff, v34  }
0x59: {  	v7 =	vmpcnt.ones.xlane vm2;
	(xrf0) =	vadd.scan.msk.s32 $0xffff, v29  }
0x5a: {  	v28 =	vimm.s32 $0x400  }
0x5b: {  	v29 =	vsel vm0, $0xFFFFFFFF, v1;
	v31 =	vadd.s32 v28, v7  }
0x5c: {  	v7 =	vadd.s32 v29, v31;
	v29 =	vsel vm2, $0xFFFFFFFF, v1;
	_ =	sdelay $0x1  }
0x5d: {  	v34, _, _ =	vpop (xrf0)  }
0x5e: {  	v28 =	vadd.s32 v29, v28;
	v7 =	vadd.s32 v34, v7;
	v29, _, _ =	vpop (xrf0)  }
0x5f: {  	v28 =	vadd.s32 v29, v28;
	vm3 =	vlt.s32 v7, $0x7FF  }
0x60: {  	vm4 =	vlt.s32 v28, $0x7FF;
	v7 =	vnsel vm3, $0x7FF, v7  }
0x61: {  	v28 =	vnsel vm4, $0x7FF, v28;
	_ =	sdelay $0x3  }
0x62: {  	[tilespmem:v7+s8+$0x0] =	vst.idx.msk vm0, v8  }
0x63: {  	[tilespmem:v28+s8+$0x0] =	vst.idx.msk vm2, v22;
	v28 =	vld [tilespmem:s16+$0x100];
	_ =	sdelay $0x1  }
0x64: {  	s20 =	simm.s32 $0x30;
	s19 =	simm.s32 $0x100;
	v7, _, _ =	vpop (xrf1);
	v29 =	vld [tilespmem:s17+$0x100]  }
0x65: {  	s22 =	sand.u32 $0x70, s20;
	s13 =	sand.u32 $0x1FC00, s19;
	v7 =	vbroadcast v7, $0xC  }
0x66: {  	s21 =	simm.s32 $0x20;
	s18 =	sor.u32 s22, s13  }
0x67: {  	s23 =	sand.u32 $0x60, s21;
	vm2 =	vge.f32 v28, v7;
	v28 =	vld [tilespmem:s18+$0x0]  }
0x68: {  	s19 =	sor.u32 s23, s13  }
0x69: {  	v47 =	vld [tilespmem:s19+$0x0];
	vm3 =	vge.f32 v29, v7;
	v29 =	vsel vm2, $0x1, v1  }
0x6a: {  	v11 =	vmax.f32 v11, v13;
	v13 =	vsel vm3, $0x1, v1;
	(xrf0) =	vadd.scan.msk.s32 $0xffff, v29  }
0x6b: {  	v9 =	vmax.f32 v11, v9;
	(xrf0) =	vadd.scan.msk.s32 $0xffff, v13  }
0x6c: {  	v9 =	vmax.f32 v9, v32;
	vm4 =	vge.f32 v28, v5  }
0x6d: {  	(xrf1) =	vsort.dscd.msk.f32 $0xffff, v9, v0;
	v9 =	vmpcnt.ones.xlane vm3;
	v13 =	vsel vm4, $0x1, v1  }
0x6e: {  	v11 =	vimm.s32 $0x800;
	vm5 =	vge.f32 v47, v5;
	(xrf0) =	vadd.scan.msk.s32 $0xffff, v13;
	v13 =	vsel vm3, $0xFFFFFFFF, v1  }
0x6f: {  	v29 =	vadd.s32 v11, v9;
	v9 =	vsel vm2, $0xFFFFFFFF, v1;
	v28 =	vsel vm5, $0x1, v1  }
0x70: {  	v9 =	vadd.s32 v9, v29;
	v48, _, _ =	vpop (xrf0);
	(xrf0) =	vadd.scan.msk.s32 $0xffff, v28  }
0x71: {  	v28 =	vmpcnt.ones.xlane vm1;
	v11 =	vadd.s32 v13, v11;
	v9 =	vadd.s32 v48, v9;
	v13, _, _ =	vpop (xrf0)  }
0x72: {  	vm1 =	vlt.s32 v9, $0xBFF;
	v11 =	vadd.s32 v13, v11;
	v13 =	vmpcnt.ones.xlane vm5  }
0x73: {  	v30 =	vadd.s32 v30, v28;
	v9 =	vnsel vm1, $0xBFF, v9  }
0x74: {  	vm6 =	vlt.s32 v11, $0xBFF;
	v28 =	vadd.s32 v30, v13;
	v13 =	vsel vm4, $0xFFFFFFFF, v1  }
0x75: {  	v49 =	vsel vm5, $0xFFFFFFFF, v1;
	v11 =	vnsel vm6, $0xBFF, v11;
	v50, _, _ =	vpop (xrf0);
	v13 =	vadd.s32 v13, v28  }
0x76: {  	v30 =	vadd.s32 v49, v30;
	v51, _, _ =	vpop (xrf0);
	v13 =	vadd.s32 v50, v13  }
0x77: {  	v30 =	vadd.s32 v51, v30;
	vm1 =	vlt.s32 v13, $0x3FF  }
0x78: {  	vm6 =	vlt.s32 v30, $0x3FF;
	v52 =	vnsel vm1, $0x3FF, v13  }
0x79: {  	[tilespmem:v9+s8+$0x0] =	vst.idx.msk vm2, v8;
	v30 =	vnsel vm6, $0x3FF, v30  }
0x7a: {  	v53 =	vld [tilespmem:s16+$0x180];
	[tilespmem:v11+s8+$0x0] =	vst.idx.msk vm3, v22  }
0x7b: {  	v54 =	vld [tilespmem:s17+$0x180]  }
0x7c: {  	v9, _, _ =	vpop (xrf1);
	v11 =	vor.u32 s20, v0  }
0x7d: {  	v9 =	vbroadcast v9, $0xC;
	v13 =	vor.u32 s21, v0;
	[tilespmem:v52+s8+$0x0] =	vst.idx.msk vm4, v11  }
0x7e: {  	[tilespmem:v30+s8+$0x0] =	vst.idx.msk vm5, v13;
	v30 =	vld [tilespmem:s18+$0x80]  }
0x7f: {  	vm3 =	vge.f32 v53, v9  }
0x80: {  	v55 =	vsel vm3, $0x1, v1;
	vm5 =	vge.f32 v54, v9  }
0x81: {  	v25 =	vmax.f32 v25, v26;
	v56 =	vld [tilespmem:s19+$0x80];
	(xrf0) =	vadd.scan.msk.s32 $0xffff, v55;
	v26 =	vsel vm5, $0x1, v1  }
0x82: {  	v12 =	vmax.f32 v25, v12;
	(xrf0) =	vadd.scan.msk.s32 $0xffff, v26  }
0x83: {  	v12 =	vmax.f32 v12, v33;
	vm1 =	vge.f32 v30, v6  }
0x84: {  	(xrf1) =	vsort.dscd.msk.f32 $0xffff, v12, v0;
	v12 =	vmpcnt.ones.xlane vm5;
	v30 =	vsel vm1, $0x1, v1  }
0x85: {  	v25 =	vimm.s32 $0xC00;
	(xrf0) =	vadd.scan.msk.s32 $0xffff, v30;
	v30 =	vsel vm5, $0xFFFFFFFF, v1  }
0x86: {  	v26 =	vadd.s32 v25, v12;
	v12 =	vsel vm3, $0xFFFFFFFF, v1;
	vm6 =	vge.f32 v56, v6  }
0x87: {  	v12 =	vadd.s32 v12, v26;
	v57 =	vsel vm6, $0x1, v1;
	v58, _, _ =	vpop (xrf0)  }
0x88: {  	v59 =	vmpcnt.ones.xlane vm0;
	(xrf0) =	vadd.scan.msk.s32 $0xffff, v57;
	v25 =	vadd.s32 v30, v25;
	v12 =	vadd.s32 v58, v12;
	v30, _, _ =	vpop (xrf0)  }
0x89: {  	v60 =	vmpcnt.ones.xlane vm6;
	vm0 =	vlt.s32 v12, $0xFFF;
	v30 =	vadd.s32 v30, v25  }
0x8a: {  	v31 =	vadd.s32 v31, v59;
	v12 =	vnsel vm0, $0xFFF, v12;
	vm7 =	vlt.s32 v30, $0xFFF  }
0x8b: {  	v61 =	vsel vm1, $0xFFFFFFFF, v1;
	v25 =	vadd.s32 v31, v60;
	v30 =	vnsel vm7, $0xFFF, v30  }
0x8c: {  	v32 =	vadd.s32 v61, v25;
	v63, _, _ =	vpop (xrf0)  }
0x8d: {  	v62 =	vsel vm6, $0xFFFFFFFF, v1;
	v32 =	vadd.s32 v63, v32  }
0x8e: {  	v31 =	vadd.s32 v62, v31;
	v36, _, _ =	vpop (xrf0);
	vm0 =	vlt.s32 v32, $0x7FF  }
0x8f: {  	v31 =	vadd.s32 v36, v31;
	[tilespmem:v12+s8+$0x0] =	vst.idx.msk vm3, v8;
	v32 =	vnsel vm0, $0x7FF, v32  }
0x90: {  	vm7 =	vlt.s32 v31, $0x7FF;
	[tilespmem:v30+s8+$0x0] =	vst.idx.msk vm5, v22;
	v30 =	vld [tilespmem:s16+$0x200]  }
0x91: {  	s12 =	simm.s32 $0x200;
	s21 =	simm.s32 $0x40;
	v31 =	vnsel vm7, $0x7FF, v31  }
0x92: {  	s24 =	sand.u32 $0x1FC00, s12;
	s22 =	sand.u32 $0x60, s21;
	v12, _, _ =	vpop (xrf1);
	v37 =	vld [tilespmem:s17+$0x200]  }
0x93: {  	s14 =	sor.u32 s22, s24;
	v12 =	vbroadcast v12, $0xC  }
0x94: {  	v39 =	vld [tilespmem:s14+$0x0];
	[tilespmem:v32+s8+$0x0] =	vst.idx.msk vm1, v11  }
0x95: {  	vm0 =	vge.f32 v30, v12;
	v30 =	vld [tilespmem:s18+$0x100]  }
0x96: {  	[tilespmem:v31+s8+$0x0] =	vst.idx.msk vm6, v13  }
0x97: {  	v18 =	vmax.f32 v18, v19;
	s20 =	simm.s32 $0x50;
	v38 =	vld [tilespmem:s19+$0x100];
	vm5 =	vge.f32 v37, v12;
	v31 =	vsel vm0, $0x1, v1  }
0x98: {  	v17 =	vmax.f32 v18, v17;
	s25 =	sand.u32 $0x70, s20;
	v19 =	vsel vm5, $0x1, v1;
	(xrf0) =	vadd.scan.msk.s32 $0xffff, v31  }
0x99: {  	v18 =	vimm.s32 $0x1000;
	v14 =	vmax.f32 v14, v15;
	v17 =	vmax.f32 v17, v27;
	s13 =	sor.u32 s25, s24;
	(xrf0) =	vadd.scan.msk.s32 $0xffff, v19  }
0x9a: {  	v27 =	vld [tilespmem:s13+$0x0];
	vm7 =	vge.f32 v39, v5;
	v19 =	vmpcnt.ones.xlane vm2;
	vm2 =	vge.f32 v30, v7  }
0x9b: {  	v10 =	vmax.f32 v10, v16;
	(xrf1) =	vsort.dscd.msk.f32 $0xffff, v17, v0;
	v45 =	vsel vm7, $0x1, v1;
	v30 =	vsel vm2, $0x1, v1  }
0x9c: {  	v17 =	vmpcnt.ones.xlane vm5;
	vm6 =	vge.f32 v38, v7;
	(xrf0) =	vadd.scan.msk.s32 $0xffff, v30;
	v30 =	vsel vm5, $0xFFFFFFFF, v1  }
0x9d: {  	v48 =	vmpcnt.ones.xlane vm7;
	v31 =	vmpcnt.ones.xlane vm4;
	v40 =	vsel vm6, $0x1, v1  }
0x9e: {  	v29 =	vadd.s32 v29, v19;
	v19 =	vadd.s32 v18, v17;
	v17 =	vsel vm0, $0xFFFFFFFF, v1;
	v41, _, _ =	vpop (xrf0);
	(xrf0) =	vadd.scan.msk.s32 $0xffff, v40  }
0x9f: {  	vm4 =	vge.f32 v27, v5;
	v17 =	vadd.s32 v17, v19;
	v18 =	vadd.s32 v30, v18;
	v30, _, _ =	vpop (xrf0)  }
0xa0: {  	v42 =	vmpcnt.ones.xlane vm6;
	v18 =	vadd.s32 v30, v18;
	v30 =	vsel vm4, $0x1, v1  }
0xa1: {  	v44 =	vsel vm2, $0xFFFFFFFF, v1;
	v17 =	vadd.s32 v41, v17;
	vm8 =	vlt.s32 v18, $0x13FF;
	(xrf0) =	vadd.scan.msk.s32 $0xffff, v30  }
0xa2: {  	v27 =	vadd.s32 v29, v42;
	vm14 =	vlt.s32 v17, $0x13FF;
	v18 =	vnsel vm8, $0x13FF, v18;
	v46, _, _ =	vpop (xrf0);
	(xrf0) =	vadd.scan.msk.s32 $0xffff, v45  }
0xa3: {  	v43 =	vsel vm6, $0xFFFFFFFF, v1;
	v17 =	vnsel vm14, $0x13FF, v17;
	v30 =	vadd.s32 v44, v27  }
0xa4: {  	v15 =	vsel vm4, $0xFFFFFFFF, v1;
	v29 =	vadd.s32 v43, v29;
	v30 =	vadd.s32 v46, v30;
	v47, _, _ =	vpop (xrf0)  }
0xa5: {  	v28 =	vadd.s32 v28, v31;
	v29 =	vadd.s32 v47, v29;
	vm15 =	vlt.s32 v30, $0xBFF  }
0xa6: {  	v31 =	vadd.s32 v28, v48;
	vm9 =	vlt.s32 v29, $0xBFF;
	v30 =	vnsel vm15, $0xBFF, v30  }
0xa7: {  	v16 =	vsel vm7, $0xFFFFFFFF, v1;
	v15 =	vadd.s32 v15, v31;
	v29 =	vnsel vm9, $0xBFF, v29;
	[tilespmem:v18+s8+$0x0] =	vst.idx.msk vm5, v22;
	v49, _, _ =	vpop (xrf0)  }
0xa8: {  	v16 =	vadd.s32 v16, v28;
	[tilespmem:v17+s8+$0x0] =	vst.idx.msk vm0, v8;
	v18 =	vld [tilespmem:s17+$0x280];
	v15 =	vadd.s32 v49, v15;
	v17, _, _ =	vpop (xrf0)  }
0xa9: {  	v28 =	vld [tilespmem:s16+$0x280];
	v16 =	vadd.s32 v17, v16;
	vm5 =	vlt.s32 v15, $0x3FF  }
0xaa: {  	v21 =	vmax.f32 v14, v21;
	v14, _, _ =	vpop (xrf1);
	vm12 =	vlt.s32 v16, $0x3FF;
	v15 =	vnsel vm5, $0x3FF, v15  }
0xab: {  	v14 =	vbroadcast v14, $0xC;
	[tilespmem:v30+s8+$0x0] =	vst.idx.msk vm2, v11;
	v16 =	vnsel vm12, $0x3FF, v16  }
0xac: {  	v10 =	vmax.f32 v10, v20;
	v17 =	vmax.f32 v21, v24;
	[tilespmem:v29+s8+$0x0] =	vst.idx.msk vm6, v13;
	v29 =	vld [tilespmem:s18+$0x180]  }
0xad: {  	v10 =	vmax.f32 v10, v23;
	v21 =	vmpcnt.ones.xlane vm3;
	(xrf1) =	vsort.dscd.msk.f32 $0xffff, v17, v0;
	v20 =	vld [tilespmem:s19+$0x180];
	vm13 =	vge.f32 v18, v14  }
0xae: {  	(xrf1) =	vsort.dscd.msk.f32 $0xffff, v10, v0;
	vm3 =	vge.f32 v28, v14;
	v18 =	vor.u32 s20, v0;
	v10 =	vsel vm13, $0x1, v1  }
0xaf: {  	v17 =	vor.u32 s21, v0;
	(xrf0) =	vadd.scan.msk.s32 $0xffff, v10;
	v10 =	vsel vm3, $0x1, v1;
	[tilespmem:v15+s8+$0x0] =	vst.idx.msk vm4, v18  }
0xb0: {  	(xrf0) =	vadd.scan.msk.s32 $0xffff, v10;
	[tilespmem:v16+s8+$0x0] =	vst.idx.msk vm7, v17;
	v10 =	vld [tilespmem:s13+$0x80]  }
0xb1: {  	vm5 =	vge.f32 v29, v9;
	v23 =	vld [tilespmem:s14+$0x80]  }
0xb2: {  	v21 =	vadd.s32 v26, v21;
	vm7 =	vge.f32 v20, v9;
	v15 =	vsel vm5, $0x1, v1  }
0xb3: {  	v26 =	vsel vm13, $0xFFFFFFFF, v1;
	v20 =	vmpcnt.ones.xlane vm13;
	v24 =	vsel vm7, $0x1, v1;
	(xrf0) =	vadd.scan.msk.s32 $0xffff, v15  }
0xb4: {  	v16 =	vimm.s32 $0x1400;
	v15 =	vmpcnt.ones.xlane vm1;
	v28 =	vmpcnt.ones.xlane vm7;
	(xrf0) =	vadd.scan.msk.s32 $0xffff, v24  }
0xb5: {  	v29 =	vsel vm7, $0xFFFFFFFF, v1;
	v24 =	vsel vm3, $0xFFFFFFFF, v1;
	vm1 =	vge.f32 v10, v6  }
0xb6: {  	v20 =	vadd.s32 v16, v20;
	vm6 =	vge.f32 v23, v6;
	v23 =	vsel vm1, $0x1, v1  }
0xb7: {  	v16 =	vadd.s32 v26, v16;
	v24 =	vadd.s32 v24, v20;
	v28 =	vadd.s32 v21, v28;
	v26, _, _ =	vpop (xrf0)  }
0xb8: {  	v21 =	vadd.s32 v29, v21;
	v16 =	vadd.s32 v26, v16;
	v10, _, _ =	vpop (xrf0);
	v26 =	vsel vm5, $0xFFFFFFFF, v1  }
0xb9: {  	vm14 =	vlt.s32 v16, $0x17FF;
	v26 =	vadd.s32 v26, v28;
	v30 =	vsel vm6, $0x1, v1;
	(xrf0) =	vadd.scan.msk.s32 $0xffff, v23;
	v23, _, _ =	vpop (xrf0)  }
0xba: {  	v10 =	vadd.s32 v10, v24;
	v29 =	vnsel vm14, $0x17FF, v16;
	v16 =	vadd.s32 v23, v26;
	v23, _, _ =	vpop (xrf0)  }
0xbb: {  	vm12 =	vlt.s32 v10, $0x17FF;
	(xrf0) =	vadd.scan.msk.s32 $0xffff, v30;
	v21 =	vadd.s32 v23, v21;
	v23 =	vmpcnt.ones.xlane vm6  }
0xbc: {  	v25 =	vadd.s32 v25, v15;
	v30 =	vnsel vm12, $0x17FF, v10  }
0xbd: {  	v26 =	vsel vm1, $0xFFFFFFFF, v1;
	vm15 =	vlt.s32 v16, $0xFFF;
	v23 =	vadd.s32 v25, v23  }
0xbe: {  	s26 =	sand.u32 $0x3, s15;
	v24 =	vnsel vm15, $0xFFF, v16;
	v10 =	vadd.s32 v26, v23;
	v26 =	vsel vm6, $0xFFFFFFFF, v1  }
0xbf: {  	s16 =	sshll.u32 s26, $0x5;
	vm10 =	vlt.s32 v21, $0xFFF  }
0xc0: {  	s28 =	sadd.s32 $0x0, s16;
	v21 =	vnsel vm10, $0xFFF, v21;
	[tilespmem:v29+s8+$0x0] =	vst.idx.msk vm13, v22;
	v29, _, _ =	vpop (xrf0)  }
0xc1: {  	s16 =	sor.u32 $0x300, s28;
	v25 =	vadd.s32 v26, v25;
	v10 =	vadd.s32 v29, v10;
	v26, _, _ =	vpop (xrf0)  }
0xc2: {  	v50 =	vld [tilespmem:s16+$0x0];
	vm13 =	vlt.s32 v10, $0x7FF;
	v25 =	vadd.s32 v26, v25  }
0xc3: {  	s15 =	sand.u32 $0x7, s15;
	[tilespmem:v24+s8+$0x0] =	vst.idx.msk vm5, v11;
	v24 =	vmpcnt.ones.xlane vm2;
	v51 =	vnsel vm13, $0x7FF, v10;
	vm2 =	vlt.s32 v25, $0x7FF  }
0xc4: {  	s15 =	sshll.u32 s15, $0x4;
	v54 =	vmpcnt.ones.xlane vm5;
	v16, _, _ =	vpop (xrf1);
	v25 =	vnsel vm2, $0x7FF, v25  }
0xc5: {  	s29 =	sadd.s32 $0x10, s15;
	v36 =	vmpcnt.ones.xlane vm1;
	v16 =	vbroadcast v16, $0xC;
	[tilespmem:v21+s8+$0x0] =	vst.idx.msk vm7, v13;
	v21 =	vld [tilespmem:s18+$0x200]  }
0xc6: {  	s15 =	sor.u32 $0x300, s29;
	[tilespmem:v30+s8+$0x0] =	vst.idx.msk vm3, v8;
	v30 =	vmpcnt.ones.xlane vm3;
	v26 =	vmpcnt.ones.xlane vm4;
	v52 =	vld [tilespmem:s19+$0x200]  }
0xc7: {  	v53 =	vld [tilespmem:s15+$0x0];
	v24 =	vadd.s32 v27, v24;
	v27 =	vmpcnt.ones.xlane vm0;
	vm0 =	vge.f32 v50, v16  }
0xc8: {  	v31 =	vadd.s32 v31, v26;
	v26 =	vadd.s32 v20, v30;
	v20 =	vsel vm0, $0x1, v1;
	[tilespmem:v51+s8+$0x0] =	vst.idx.msk vm1, v18  }
0xc9: {  	v28 =	vadd.s32 v28, v54;
	v15, _, _ =	vpop (xrf1);
	(xrf0) =	vadd.scan.msk.s32 $0xffff, v20;
	v20 =	vld [tilespmem:s13+$0x100];
	[tilespmem:v25+s8+$0x0] =	vst.idx.msk vm6, v17  }
0xca: {  	v23 =	vadd.s32 v23, v36;
	v15 =	vbroadcast v15, $0xC;
	vm1 =	vge.f32 v21, v12;
	v25 =	vld [tilespmem:s14+$0x100]  }
0xcb: {  	v29 =	vimm.s32 $0x1800;
	vm3 =	vge.f32 v52, v12;
	v21 =	vsel vm1, $0x1, v1  }
0xcc: {  	v10 =	vimm.s32 $0x1C00;
	vm2 =	vge.f32 v53, v16;
	v30 =	vsel vm3, $0x1, v1;
	(xrf0) =	vadd.scan.msk.s32 $0xffff, v21  }
0xcd: {  	v56 =	vsel vm0, $0xFFFFFFFF, v1;
	v19 =	vadd.s32 v19, v27;
	v57 =	vsel vm2, $0xFFFFFFFF, v1;
	(xrf0) =	vadd.scan.msk.s32 $0xffff, v30  }
0xce: {  	s30 =	simm.s32 $0x70;
	s15 =	simm.s32 $0x300;
	v55 =	vmpcnt.ones.xlane vm3;
	v30 =	vsel vm2, $0x1, v1;
	vm4 =	vge.f32 v20, v7  }
0xcf: {  	s23 =	simm.s32 $0x60;
	s25 =	sand.u32 $0x70, s30;
	s31 =	sand.u32 $0x1FC00, s15;
	v21 =	vmpcnt.ones.xlane vm0;
	(xrf0) =	vadd.scan.msk.s32 $0xffff, v30;
	vm7 =	vge.f32 v25, v7;
	v25 =	vsel vm4, $0x1, v1  }
0xd0: {  	s24 =	sand.u32 $0x60, s23;
	s16 =	sor.u32 s25, s31;
	v58 =	vadd.s32 v56, v29;
	v59 =	vmpcnt.ones.xlane vm2;
	v27 =	vadd.s32 v19, v55  }
0xd1: {  	s17 =	sor.u32 s24, s31;
	v61 =	vld [tilespmem:s16+$0x0];
	v30 =	vsel vm1, $0xFFFFFFFF, v1;
	v60, _, _ =	vpop (xrf0);
	v21 =	vadd.s32 v29, v21;
	v20 =	vsel vm3, $0xFFFFFFFF, v1  }
0xd2: {  	v62 =	vld [tilespmem:s17+$0x0];
	v30 =	vadd.s32 v30, v27;
	v32 =	vadd.s32 v60, v58;
	v29 =	vadd.s32 v57, v21;
	(xrf0) =	vadd.scan.msk.s32 $0xffff, v25;
	v25, _, _ =	vpop (xrf0)  }
0xd3: {  	v19 =	vadd.s32 v20, v19;
	v38 =	vsel vm7, $0x1, v1;
	v20 =	vadd.s32 v25, v30;
	v25, _, _ =	vpop (xrf0)  }
0xd4: {  	(xrf0) =	vadd.scan.msk.s32 $0xffff, v38;
	v30 =	vmpcnt.ones.xlane vm7;
	v19 =	vadd.s32 v25, v19;
	vm5 =	vlt.s32 v20, $0x13FF  }
0xd5: {  	v63 =	vsel vm4, $0xFFFFFFFF, v1;
	v25, _, _ =	vpop (xrf0);
	vm6 =	vlt.s32 v19, $0x13FF;
	v20 =	vnsel vm5, $0x13FF, v20  }
0xd6: {  	v25 =	vadd.s32 v25, v29;
	vm5 =	vge.f32 v61, v5;
	v29 =	vadd.s32 v24, v30  }
0xd7: {  	v19 =	vnsel vm6, $0x13FF, v19;
	vm6 =	vge.f32 v62, v5;
	v30 =	vsel vm5, $0x1, v1  }
0xd8: {  	v43 =	vmpcnt.ones.xlane vm4;
	v41, _, _ =	vpop (xrf0);
	v40 =	vsel vm6, $0x1, v1;
	(xrf0) =	vadd.scan.msk.s32 $0xffff, v30;
	v30 =	vadd.s32 v63, v29  }
0xd9: {  	v37 =	vsel vm7, $0xFFFFFFFF, v1;
	vm14 =	vlt.s32 v25, $0x1BFF;
	(xrf0) =	vadd.scan.msk.s32 $0xffff, v40;
	v30 =	vadd.s32 v41, v30  }
0xda: {  	v24 =	vadd.s32 v37, v24;
	v45 =	vnsel vm14, $0x1BFF, v25;
	v42, _, _ =	vpop (xrf0);
	vm15 =	vlt.s32 v30, $0xBFF  }
0xdb: {  	v44 =	vmpcnt.ones.xlane vm6;
	v24 =	vadd.s32 v42, v24;
	v30 =	vnsel vm15, $0xBFF, v30;
	[tilespmem:v20+s8+$0x0] =	vst.idx.msk vm1, v11  }
0xdc: {  	v35 =	vsel vm6, $0xFFFFFFFF, v1;
	v25 =	vsel vm5, $0xFFFFFFFF, v1;
	vm12 =	vlt.s32 v24, $0xBFF;
	[tilespmem:v19+s8+$0x0] =	vst.idx.msk vm3, v13;
	v46 =	vld [tilespmem:s18+$0x280]  }
0xdd: {  	v36 =	vadd.s32 v31, v44;
	v19 =	vnsel vm12, $0xBFF, v24;
	v24 =	vadd.s32 v29, v43;
	v20 =	vld [tilespmem:s19+$0x280]  }
0xde: {  	vm3 =	vlt.s32 v32, $0x1BFF;
	v29 =	vadd.s32 v25, v36;
	v25 =	vadd.s32 v21, v59;
	v47, _, _ =	vpop (xrf0)  }
0xdf: {  	s26 =	sor.u32 $0x380, s29;
	v21 =	vadd.s32 v35, v31;
	v32 =	vnsel vm3, $0x1BFF, v32;
	[tilespmem:v45+s8+$0x0] =	vst.idx.msk vm2, v8;
	v31 =	vadd.s32 v47, v29;
	v48, _, _ =	vpop (xrf0)  }
0xe0: {  	v52 =	vld [tilespmem:s26+$0x0];
	v29 =	vmpcnt.ones.xlane vm1;
	v21 =	vadd.s32 v48, v21;
	vm1 =	vlt.s32 v31, $0x3FF;
	[tilespmem:v30+s8+$0x0] =	vst.idx.msk vm4, v18  }
0xe1: {  	v49 =	vmpcnt.ones.xlane vm5;
	vm4 =	vlt.s32 v21, $0x3FF;
	v30 =	vnsel vm1, $0x3FF, v31;
	v31 =	vld [tilespmem:s13+$0x180]  }
0xe2: {  	[tilespmem:v19+s8+$0x0] =	vst.idx.msk vm7, v17;
	vm1 =	vge.f32 v46, v14;
	vm3 =	vge.f32 v20, v14;
	v50 =	vnsel vm4, $0x3FF, v21  }
0xe3: {  	v51 =	vld [tilespmem:s14+$0x180];
	v21 =	vsel vm1, $0x1, v1;
	v54 =	vsel vm1, $0xFFFFFFFF, v1;
	v19 =	vsel vm3, $0x1, v1  }
0xe4: {  	[tilespmem:v32+s8+$0x0] =	vst.idx.msk vm0, v22;
	v37 =	vmpcnt.ones.xlane vm1;
	v20 =	vmpcnt.ones.xlane vm3;
	(xrf0) =	vadd.scan.msk.s32 $0xffff, v19  }
0xe5: {  	v53 =	vsel vm3, $0xFFFFFFFF, v1;
	vm0 =	vge.f32 v52, v15;
	(xrf0) =	vadd.scan.msk.s32 $0xffff, v21;
	v21 =	vor.u32 s30, v0  }
0xe6: {  	v19 =	vadd.s32 v36, v49;
	v61 =	vsel vm0, $0x1, v1;
	[tilespmem:v30+s8+$0x0] =	vst.idx.msk vm5, v21;
	vm7 =	vge.f32 v31, v9  }
0xe7: {  	v55 =	vadd.s32 v26, v20;
	v20 =	vor.u32 s23, v0;
	v31 =	vld [tilespmem:s16+$0x80];
	v56 =	vsel vm7, $0x1, v1  }
0xe8: {  	v63 =	vsel vm0, $0xFFFFFFFF, v1;
	[tilespmem:v50+s8+$0x0] =	vst.idx.msk vm6, v20;
	vm2 =	vge.f32 v51, v9;
	(xrf0) =	vadd.scan.msk.s32 $0xffff, v56  }
0xe9: {  	v26 =	vadd.s32 v53, v26;
	v53 =	vmpcnt.ones.xlane vm0;
	v57 =	vld [tilespmem:s17+$0x80];
	v40 =	vsel vm2, $0x1, v1  }
0xea: {  	s28 =	sor.u32 $0x380, s28;
	v30 =	vadd.s32 v54, v55;
	v39 =	vsel vm2, $0xFFFFFFFF, v1;
	v41 =	vmpcnt.ones.xlane vm2;
	(xrf0) =	vadd.scan.msk.s32 $0xffff, v40  }
0xeb: {  	v58 =	vld [tilespmem:s28+$0x0];
	v36 =	vmpcnt.ones.xlane vm7;
	v62 =	vsel vm7, $0xFFFFFFFF, v1;
	v39 =	vadd.s32 v39, v28;
	v59, _, _ =	vpop (xrf0)  }
0xec: {  	v28 =	vadd.s32 v28, v41;
	v26 =	vadd.s32 v59, v26;
	v60, _, _ =	vpop (xrf0);
	vm4 =	vge.f32 v31, v6  }
0xed: {  	(xrf0) =	vadd.scan.msk.s32 $0xffff, v61;
	vm6 =	vlt.s32 v26, $0x17FF;
	v30 =	vadd.s32 v60, v30;
	v44 =	vsel vm4, $0x1, v1  }
0xee: {  	v31 =	vadd.s32 v62, v28;
	v28 =	vadd.s32 v28, v36;
	vm5 =	vge.f32 v57, v6;
	(xrf0) =	vadd.scan.msk.s32 $0xffff, v44;
	v46, _, _ =	vpop (xrf0)  }
0xef: {  	v26 =	vnsel vm6, $0x17FF, v26;
	v38 =	vsel vm5, $0x1, v1;
	v31 =	vadd.s32 v46, v31  }
0xf0: {  	s19 =	simm.s32 $0x1;
	vm6 =	vge.f32 v58, v15;
	v47 =	vsel vm4, $0xFFFFFFFF, v1;
	(xrf0) =	vadd.scan.msk.s32 $0xffff, v38;
	v48, _, _ =	vpop (xrf0);
	vm13 =	vlt.s32 v31, $0xFFF  }
0xf1: {  	s29 =	sand.u32 $0x3, s19;
	v45 =	vmpcnt.ones.xlane vm5;
	v34 =	vadd.s32 v48, v39;
	v31 =	vnsel vm13, $0xFFF, v31  }
0xf2: {  	s18 =	sshll.u32 s29, $0x5;
	vm15 =	vlt.s32 v30, $0x17FF;
	v49 =	vsel vm6, $0x1, v1;
	vm14 =	vlt.s32 v34, $0xFFF  }
0xf3: {  	s21 =	sadd.s32 $0x100, s18;
	v50 =	vsel vm5, $0xFFFFFFFF, v1;
	v40 =	vadd.s32 v23, v45;
	(xrf0) =	vadd.scan.msk.s32 $0xffff, v49;
	v51, _, _ =	vpop (xrf0);
	v34 =	vnsel vm14, $0xFFF, v34  }
0xf4: {  	s30 =	sor.u32 $0x300, s21;
	v30 =	vnsel vm15, $0x17FF, v30;
	v42 =	vmpcnt.ones.xlane vm6;
	v35 =	vadd.s32 v47, v40;
	[tilespmem:v26+s8+$0x0] =	vst.idx.msk vm3, v13;
	v44, _, _ =	vpop (xrf0)  }
0xf5: {  	s18 =	simm.s32 $0x2;
	v43 =	vmpcnt.ones.xlane vm4;
	v23 =	vadd.s32 v50, v23;
	v45 =	vld [tilespmem:s30+$0x0];
	v35 =	vadd.s32 v44, v35  }
0xf6: {  	s31 =	sand.u32 $0x7, s18;
	v26 =	vadd.s32 v55, v37;
	v55 =	vadd.s32 v10, v42;
	v54, _, _ =	vpop (xrf0);
	vm3 =	vlt.s32 v35, $0x7FF;
	[tilespmem:v31+s8+$0x0] =	vst.idx.msk vm7, v18  }
0xf7: {  	s20 =	sshll.u32 s31, $0x4;
	v33 =	vadd.s32 v63, v55;
	v23 =	vadd.s32 v54, v23;
	v35 =	vnsel vm3, $0x7FF, v35;
	v57 =	vld [tilespmem:s13+$0x200]  }
0xf8: {  	s23 =	sadd.s32 $0x110, s20;
	v52 =	vsel vm6, $0xFFFFFFFF, v1;
	v39 =	vadd.s32 v51, v33;
	vm7 =	vlt.s32 v23, $0x7FF;
	[tilespmem:v34+s8+$0x0] =	vst.idx.msk vm2, v17  }
0xf9: {  	s20 =	sor.u32 $0x300, s23;
	[tilespmem:v30+s8+$0x0] =	vst.idx.msk vm1, v11;
	v33 =	vadd.s32 v27, v29;
	v31 =	vadd.s32 v52, v10;
	v56, _, _ =	vpop (xrf0);
	v58 =	vnsel vm7, $0x7FF, v23;
	v59 =	vld [tilespmem:s14+$0x200]  }
0xfa: {  	v60 =	vld [tilespmem:s20+$0x0];
	v10 =	vadd.s32 v40, v43;
	v23 =	vadd.s32 v56, v31;
	vm3 =	vge.f32 v45, v16  }
0xfb: {  	vm1 =	vlt.s32 v23, $0x1FFF;
	v61 =	vsel vm3, $0x1, v1;
	v30 =	vmpcnt.ones.xlane vm3  }
0xfc: {  	v62 =	vnsel vm1, $0x1FFF, v23;
	(xrf0) =	vadd.scan.msk.s32 $0xffff, v61;
	[tilespmem:v35+s8+$0x0] =	vst.idx.msk vm4, v21;
	vm4 =	vge.f32 v57, v12  }
0xfd: {  	v31 =	vsel vm3, $0xFFFFFFFF, v1;
	vm1 =	vlt.s32 v39, $0x1FFF;
	v27 =	vsel vm4, $0x1, v1  }
0xfe: {  	[tilespmem:v58+s8+$0x0] =	vst.idx.msk vm5, v20;
	vm5 =	vge.f32 v59, v12;
	v34 =	vld [tilespmem:s16+$0x100];
	(xrf0) =	vadd.scan.msk.s32 $0xffff, v27;
	v27 =	vnsel vm1, $0x1FFF, v39  }
0xff: {  	vm2 =	vge.f32 v60, v16;
	v29 =	vsel vm5, $0x1, v1;
	v63 =	vmpcnt.ones.xlane vm5;
	v35 =	vld [tilespmem:s17+$0x100]  }
0x100: {  	s22 =	simm.s32 $0x6;
	v23 =	vadd.s32 v55, v53;
	v32 =	vsel vm2, $0xFFFFFFFF, v1;
	(xrf0) =	vadd.scan.msk.s32 $0xffff, v29;
	v29 =	vsel vm2, $0x1, v1  }
0x101: {  	s24 =	simm.s32 $0x400;
	s25 =	simm.s32 $0x90;
	s20 =	simm.s32 $0x110;
	v36 =	vsel vm4, $0xFFFFFFFF, v1;
	[tilespmem:v62+s8+$0x0] =	vst.idx.msk vm6, v22;
	v22 =	vadd.s32 v33, v63;
	(xrf0) =	vadd.scan.msk.s32 $0xffff, v29  }
.LBB2_5:
0x102: {  	s26 =	sadd.s32 $0xFFFFFFF0, s25;
	s28 =	sand.u32 $0x1FC00, s24;
	s29 =	sand.u32 $0x70, s25;
	v29 =	vadd.s32 v31, v25;
	v31 =	vmpcnt.ones.xlane vm2;
	v37, _, _ =	vpop (xrf0)  }
0x103: {  	s22 =	sadd.s32 $0x2, s22;
	v36 =	vadd.s32 v36, v22;
	s30 =	sand.u32 $0x60, s26;
	s29 =	sor.u32 s29, s28;
	vm1 =	vge.f32 v34, v7;
	v34 =	vsel vm5, $0xFFFFFFFF, v1;
	[tilespmem:v27+s8+$0x0] =	vst.idx.msk vm0, v8  }
0x104: {  	p1 =	slt.u32 s22, $0x20A;
	v29 =	vadd.s32 v37, v29;
	v8 =	vmovc v11;
	v11 =	vmovc v18;
	s28 =	sor.u32 s30, s28;
	v27 =	vld [tilespmem:s29+$0x0];
	vm6 =	vge.f32 v35, v7;
	v39 =	vsel vm1, $0x1, v1  }
0x105: {  	v25 =	vadd.s32 v25, v30;
	v37 =	vld [tilespmem:s28+$0x0];
	v38 =	vsel vm6, $0xFFFFFFFF, v1;
	v40 =	vsel vm6, $0x1, v1;
	(xrf0) =	vadd.scan.msk.s32 $0xffff, v39;
	v35, _, _ =	vpop (xrf0)  }
0x106: {  	v32 =	vadd.s32 v32, v25;
	v39 =	vadd.s32 v34, v33;
	(xrf0) =	vadd.scan.msk.s32 $0xffff, v40;
	v30 =	vadd.s32 v35, v36;
	v33, _, _ =	vpop (xrf0)  }
0x107: {  	v34 =	vmpcnt.ones.xlane vm6;
	v33 =	vadd.s32 v33, v39;
	vm0 =	vlt.s32 v30, $0x13FF;
	v18, _, _ =	vpop (xrf0)  }
0x108: {  	vm8 =	vlt.s32 v33, $0x13FF;
	v30 =	vnsel vm0, $0x13FF, v30;
	v32 =	vadd.s32 v18, v32;
	v18 =	vmovc v21  }
0x109: {  	v21 =	vadd.s32 v24, v34;
	vm7 =	vge.f32 v27, v5;
	v27 =	vnsel vm8, $0x13FF, v33  }
0x10a: {  	vm0 =	vge.f32 v37, v5;
	v33 =	vsel vm7, $0x1, v1;
	v37 =	vsel vm1, $0xFFFFFFFF, v1  }
0x10b: {  	v35 =	vsel vm0, $0xFFFFFFFF, v1;
	v36 =	vsel vm0, $0x1, v1;
	(xrf0) =	vadd.scan.msk.s32 $0xffff, v33;
	v33 =	vadd.s32 v37, v21;
	v34, _, _ =	vpop (xrf0)  }
0x10c: {  	v24 =	vadd.s32 v38, v24;
	vm8 =	vlt.s32 v32, $0x1BFF;
	(xrf0) =	vadd.scan.msk.s32 $0xffff, v36;
	v33 =	vadd.s32 v34, v33;
	v34, _, _ =	vpop (xrf0)  }
0x10d: {  	v24 =	vadd.s32 v34, v24;
	vm9 =	vlt.s32 v33, $0xBFF;
	v34 =	vmpcnt.ones.xlane vm1;
	[tilespmem:v30+s8+$0x0] =	vst.idx.msk vm4, v11  }
0x10e: {  	v30 =	vmpcnt.ones.xlane vm0;
	vm10 =	vlt.s32 v24, $0xBFF;
	v33 =	vnsel vm9, $0xBFF, v33;
	[tilespmem:v27+s8+$0x0] =	vst.idx.msk vm5, v17;
	v36 =	vld [tilespmem:s13+$0x280];
	s13 =	smov.u32 s16;
	s16 =	smov.u32 s29  }
0x10f: {  	v32 =	vnsel vm8, $0x1BFF, v32;
	v37 =	vnsel vm10, $0xBFF, v24;
	v24 =	vadd.s32 v21, v34;
	v21 =	vld [tilespmem:s14+$0x280];
	s14 =	smov.u32 s17;
	s17 =	smov.u32 s28  }
0x110: {  	v27 =	vsel vm7, $0xFFFFFFFF, v1;
	vm5 =	vlt.s32 v29, $0x1BFF;
	v30 =	vadd.s32 v19, v30  }
0x111: {  	v25 =	vadd.s32 v25, v31;
	v29 =	vnsel vm5, $0x1BFF, v29;
	v27 =	vadd.s32 v27, v30;
	v34, _, _ =	vpop (xrf0)  }
0x112: {  	v19 =	vadd.s32 v35, v19;
	v31 =	vadd.s32 v34, v27;
	v34, _, _ =	vpop (xrf0);
	v27 =	vmpcnt.ones.xlane vm4  }
0x113: {  	v19 =	vadd.s32 v34, v19;
	vm4 =	vlt.s32 v31, $0x3FF;
	v34 =	vmpcnt.ones.xlane vm7;
	[tilespmem:v33+s8+$0x0] =	vst.idx.msk vm1, v18  }
0x114: {  	vm1 =	vlt.s32 v19, $0x3FF;
	v31 =	vnsel vm4, $0x3FF, v31;
	[tilespmem:v37+s8+$0x0] =	vst.idx.msk vm6, v20;
	v33 =	vld [tilespmem:s13+$0x180];
	vm4 =	vge.f32 v21, v14  }
0x115: {  	s23 =	sor.u32 $0x380, s23;
	v35 =	vnsel vm1, $0x3FF, v19;
	v37 =	vld [tilespmem:s14+$0x180];
	v21 =	vsel vm4, $0x1, v1;
	vm1 =	vge.f32 v36, v14;
	[tilespmem:v32+s8+$0x0] =	vst.idx.msk vm2, v8  }
0x116: {  	v19 =	vadd.s32 v30, v34;
	v30 =	vmpcnt.ones.xlane vm4;
	v32 =	vsel vm1, $0x1, v1;
	(xrf0) =	vadd.scan.msk.s32 $0xffff, v21;
	v34 =	vld [tilespmem:s23+$0x0]  }
0x117: {  	s21 =	sor.u32 $0x380, s21;
	v36 =	vsel vm4, $0xFFFFFFFF, v1;
	v38 =	vsel vm1, $0xFFFFFFFF, v1;
	(xrf0) =	vadd.scan.msk.s32 $0xffff, v32;
	[tilespmem:v29+s8+$0x0] =	vst.idx.msk vm3, v13  }
0x118: {  	v21 =	vor.u32 s25, v0;
	v30 =	vadd.s32 v26, v30;
	v32 =	vmpcnt.ones.xlane vm1;
	v39 =	vld [tilespmem:s21+$0x0]  }
0x119: {  	v29 =	vor.u32 s26, v0;
	[tilespmem:v31+s8+$0x0] =	vst.idx.msk vm7, v21;
	vm7 =	vge.f32 v33, v9;
	v31 =	vadd.s32 v38, v30  }
0x11a: {  	[tilespmem:v35+s8+$0x0] =	vst.idx.msk vm0, v29;
	v33 =	vld [tilespmem:s16+$0x80];
	vm3 =	vge.f32 v37, v9;
	v35 =	vsel vm7, $0x1, v1;
	v37 =	vmpcnt.ones.xlane vm7  }
0x11b: {  	v38 =	vld [tilespmem:s17+$0x80];
	v40 =	vsel vm3, $0xFFFFFFFF, v1;
	v41 =	vsel vm3, $0x1, v1;
	v42 =	vmpcnt.ones.xlane vm3;
	(xrf0) =	vadd.scan.msk.s32 $0xffff, v35  }
0x11c: {  	v26 =	vadd.s32 v36, v26;
	vm0 =	vge.f32 v34, v15;
	v35 =	vadd.s32 v40, v28;
	(xrf0) =	vadd.scan.msk.s32 $0xffff, v41;
	v36, _, _ =	vpop (xrf0)  }
0x11d: {  	v28 =	vadd.s32 v28, v42;
	v26 =	vadd.s32 v36, v26;
	v34, _, _ =	vpop (xrf0);
	v36 =	vsel vm0, $0x1, v1  }
0x11e: {  	v40 =	vsel vm7, $0xFFFFFFFF, v1;
	vm6 =	vlt.s32 v26, $0x17FF;
	v31 =	vadd.s32 v34, v31;
	(xrf0) =	vadd.scan.msk.s32 $0xffff, v36  }
0x11f: {  	v34 =	vsel vm0, $0xFFFFFFFF, v1;
	vm5 =	vge.f32 v33, v6;
	v33 =	vadd.s32 v40, v28  }
0x120: {  	s19 =	sadd.s32 $0x1, s19;
	v26 =	vnsel vm6, $0x17FF, v26;
	vm2 =	vge.f32 v38, v6;
	v41 =	vsel vm5, $0x1, v1  }
0x121: {  	vm6 =	vge.f32 v39, v15;
	v38 =	vsel vm2, $0x1, v1;
	v40 =	vmpcnt.ones.xlane vm2;
	(xrf0) =	vadd.scan.msk.s32 $0xffff, v41;
	v36, _, _ =	vpop (xrf0)  }
0x122: {  	v39 =	vsel vm5, $0xFFFFFFFF, v1;
	v41 =	vsel vm6, $0x1, v1;
	(xrf0) =	vadd.scan.msk.s32 $0xffff, v38;
	v33 =	vadd.s32 v36, v33;
	v36, _, _ =	vpop (xrf0)  }
0x123: {  	s18 =	sadd.s32 $0x2, s18;
	s21 =	sand.u32 $0x3, s19;
	v40 =	vadd.s32 v10, v40;
	v35 =	vadd.s32 v36, v35;
	vm8 =	vlt.s32 v33, $0xFFF;
	(xrf0) =	vadd.scan.msk.s32 $0xffff, v41  }
0x124: {  	s21 =	sshll.u32 s21, $0x5;
	v36 =	vadd.s32 v39, v40;
	vm9 =	vlt.s32 v35, $0xFFF;
	v33 =	vnsel vm8, $0xFFF, v33;
	v38, _, _ =	vpop (xrf0)  }
0x125: {  	s20 =	sadd.s32 $0x100, s20;
	s21 =	sadd.s32 s21, s12;
	s12 =	smov.u32 s15;
	v39 =	vsel vm2, $0xFFFFFFFF, v1;
	vm8 =	vlt.s32 v31, $0x17FF;
	v35 =	vnsel vm9, $0xFFF, v35  }
0x126: {  	s15 =	smov.u32 s24;
	s23 =	sor.u32 $0x300, s21;
	v42 =	vmpcnt.ones.xlane vm6;
	v41 =	vsel vm6, $0xFFFFFFFF, v1;
	v31 =	vnsel vm8, $0x17FF, v31;
	[tilespmem:v26+s8+$0x0] =	vst.idx.msk vm4, v17  }
0x127: {  	v43 =	vmpcnt.ones.xlane vm5;
	v26 =	vadd.s32 v30, v32;
	v32 =	vmpcnt.ones.xlane vm0;
	v44, _, _ =	vpop (xrf0);
	v45 =	vld [tilespmem:s23+$0x0]  }
0x128: {  	v10 =	vadd.s32 v39, v10;
	v39 =	vadd.s32 v23, v42;
	s23 =	sand.u32 $0x7, s18;
	v30 =	vadd.s32 v44, v36;
	v36, _, _ =	vpop (xrf0)  }
0x129: {  	v23 =	vadd.s32 v41, v23;
	s23 =	sshll.u32 s23, $0x4;
	v36 =	vadd.s32 v36, v10;
	vm4 =	vlt.s32 v30, $0x7FF;
	[tilespmem:v33+s8+$0x0] =	vst.idx.msk vm7, v18;
	v33, _, _ =	vpop (xrf0)  }
0x12a: {  	v10 =	vadd.s32 v40, v43;
	s23 =	sadd.s32 s23, s20;
	vm7 =	vlt.s32 v36, $0x7FF;
	v41 =	vnsel vm4, $0x7FF, v30;
	[tilespmem:v35+s8+$0x0] =	vst.idx.msk vm3, v20;
	v35 =	vld [tilespmem:s13+$0x200]  }
0x12b: {  	v28 =	vadd.s32 v28, v37;
	s26 =	sor.u32 $0x300, s23;
	v23 =	vadd.s32 v33, v23;
	v36 =	vnsel vm7, $0x7FF, v36;
	v40 =	vld [tilespmem:s14+$0x200];
	[tilespmem:v31+s8+$0x0] =	vst.idx.msk vm1, v11  }
0x12c: {  	v33 =	vadd.s32 v34, v39;
	vm1 =	vlt.s32 v23, $0x1FFF;
	vm3 =	vge.f32 v45, v16;
	v37 =	vld [tilespmem:s26+$0x0]  }
0x12d: {  	v42 =	vnsel vm1, $0x1FFF, v23;
	v34 =	vsel vm3, $0x1, v1;
	v30 =	vmpcnt.ones.xlane vm3  }
0x12e: {  	v38 =	vadd.s32 v38, v33;
	v23 =	vadd.s32 v39, v32;
	v31 =	vsel vm3, $0xFFFFFFFF, v1;
	(xrf0) =	vadd.scan.msk.s32 $0xffff, v34  }
.Ltmp3:
0x12f: {  	v33 =	vadd.s32 v22, v27;
	vm1 =	vlt.s32 v38, $0x1FFF;
	[tilespmem:v41+s8+$0x0] =	vst.idx.msk vm5, v21;
	vm4 =	vge.f32 v35, v12;
	(pc) =	sbr.rel @p1 .LBB2_5-.Ltmp3, $4  }
0x130: {  	v27 =	vnsel vm1, $0x1FFF, v38;
	[tilespmem:v36+s8+$0x0] =	vst.idx.msk vm2, v29;
	v34 =	vld [tilespmem:s16+$0x100];
	vm5 =	vge.f32 v40, v12;
	v22 =	vsel vm4, $0x1, v1  }
0x131: {  	v35 =	vld [tilespmem:s17+$0x100];
	v32 =	vsel vm5, $0x1, v1;
	v36 =	vmpcnt.ones.xlane vm5;
	(xrf0) =	vadd.scan.msk.s32 $0xffff, v22;
	vm2 =	vge.f32 v37, v16  }
0x132: {  	(xrf0) =	vadd.scan.msk.s32 $0xffff, v32;
	v32 =	vsel vm2, $0xFFFFFFFF, v1;
	v37 =	vsel vm2, $0x1, v1;
	[tilespmem:v42+s8+$0x0] =	vst.idx.msk vm6, v13;
	v13 =	vmovc v17  }
0x133: {  	s25 =	sadd.s32 $0x20, s25;
	s24 =	sadd.s32 $0x100, s24;
	v17 =	vmovc v20;
	v20 =	vmov v29;
	v22 =	vadd.s32 v33, v36;
	v36 =	vsel vm4, $0xFFFFFFFF, v1;
	(xrf0) =	vadd.scan.msk.s32 $0xffff, v37  }
0x134: {  	_ = 	snop  }
0x135: {  	vm1 =	vge.f32 v34, v7  }
0x136: {  	vm6 =	vge.f32 v35, v7;
	v29 =	vsel vm1, $0x1, v1  }
0x137: {  	v43 =	vsel vm6, $0x1, v1;
	(xrf0) =	vadd.scan.msk.s32 $0xffff, v29  }
0x138: {  	(xrf0) =	vadd.scan.msk.s32 $0xffff, v43  }
0x139: {  	v44, _, _ =	vpop (xrf0)  }
0x13a: {  	v45 =	vsel vm5, $0xFFFFFFFF, v1;
	v46 =	vadd.s32 v36, v22;
	v47, _, _ =	vpop (xrf0);
	v37 =	vmpcnt.ones.xlane vm6  }
0x13b: {  	v51 =	vsel vm1, $0xFFFFFFFF, v1;
	v38 =	vsel vm6, $0xFFFFFFFF, v1;
	v29 =	vadd.s32 v45, v33;
	v49, _, _ =	vpop (xrf0)  }
0x13c: {  	v48 =	vadd.s32 v47, v46;
	v35 =	vadd.s32 v49, v29;
	v50, _, _ =	vpop (xrf0);
	v29 =	vadd.s32 v24, v37  }
0x13d: {  	v52 =	vadd.s32 v38, v24;
	vm7 =	vlt.s32 v35, $0x13FF;
	v37 =	vadd.s32 v51, v29;
	v53, _, _ =	vpop (xrf0)  }
0x13e: {  	vm8 =	vlt.s32 v48, $0x13FF;
	v35 =	vnsel vm7, $0x13FF, v35;
	v37 =	vadd.s32 v53, v37;
	v54, _, _ =	vpop (xrf0)  }
0x13f: {  	v33 =	vnsel vm8, $0x13FF, v48;
	v24 =	vadd.s32 v54, v52;
	vm7 =	vlt.s32 v37, $0xBFF  }
0x140: {  	vm8 =	vlt.s32 v24, $0xBFF;
	v37 =	vnsel vm7, $0xBFF, v37  }
0x141: {  	v24 =	vnsel vm8, $0xBFF, v24;
	_ =	sdelay $0x1  }
0x142: {  	[tilespmem:v35+s8+$0x0] =	vst.idx.msk vm5, v17  }
0x143: {  	[tilespmem:v33+s8+$0x0] =	vst.idx.msk vm4, v18;
	v55 =	vld [tilespmem:s14+$0x280]  }
0x144: {  	v56 =	vld [tilespmem:s13+$0x280];
	[tilespmem:v37+s8+$0x0] =	vst.idx.msk vm1, v21  }
0x145: {  	[tilespmem:v24+s8+$0x0] =	vst.idx.msk vm6, v20;
	v57 =	vld [tilespmem:s16+$0x180]  }
0x146: {  	v58 =	vld [tilespmem:s17+$0x180];
	_ =	sdelay $0x1  }
0x147: {  	vm9 =	vge.f32 v55, v14  }
0x148: {  	vm6 =	vge.f32 v56, v14;
	v33 =	vsel vm9, $0x1, v1  }
0x149: {  	v35 =	vsel vm6, $0x1, v1;
	(xrf0) =	vadd.scan.msk.s32 $0xffff, v33;
	vm7 =	vge.f32 v57, v9  }
0x14a: {  	(xrf0) =	vadd.scan.msk.s32 $0xffff, v35;
	vm5 =	vge.f32 v58, v9;
	v24 =	vsel vm7, $0x1, v1  }
0x14b: {  	v33 =	vadd.s32 v25, v30;
	v59 =	vsel vm5, $0x1, v1;
	(xrf0) =	vadd.scan.msk.s32 $0xffff, v24  }
0x14c: {  	v61 =	vadd.s32 v32, v33;
	(xrf0) =	vadd.scan.msk.s32 $0xffff, v59  }
0x14d: {  	v60 =	vadd.s32 v31, v25;
	v40 =	vsel vm9, $0xFFFFFFFF, v1;
	v25 =	vadd.s32 v50, v61  }
0x14e: {  	vm8 =	vlt.s32 v25, $0x1BFF;
	v24 =	vadd.s32 v44, v60;
	v62 =	vmpcnt.ones.xlane vm5  }
0x14f: {  	v42 =	vadd.s32 v40, v26;
	v25 =	vnsel vm8, $0x1BFF, v25;
	vm10 =	vlt.s32 v24, $0x1BFF;
	v41, _, _ =	vpop (xrf0)  }
0x150: {  	v44 =	vsel vm7, $0xFFFFFFFF, v1;
	v63 =	vnsel vm10, $0x1BFF, v24;
	v24 =	vadd.s32 v28, v62;
	v43, _, _ =	vpop (xrf0)  }
0x151: {  	v45 =	vsel vm5, $0xFFFFFFFF, v1;
	v32 =	vadd.s32 v41, v42;
	v46 =	vadd.s32 v44, v24;
	v47, _, _ =	vpop (xrf0)  }
0x152: {  	v48 =	vadd.s32 v45, v28;
	vm8 =	vlt.s32 v32, $0x17FF;
	v34 =	vadd.s32 v47, v46;
	v49, _, _ =	vpop (xrf0)  }
0x153: {  	v32 =	vnsel vm8, $0x17FF, v32;
	v28 =	vadd.s32 v49, v48;
	vm8 =	vlt.s32 v34, $0xFFF  }
0x154: {  	s28 =	sadd.s32 $0x1, s19;
	vm14 =	vlt.s32 v28, $0xFFF;
	v34 =	vnsel vm8, $0xFFF, v34  }
0x155: {  	s29 =	sand.u32 $0x3, s28;
	v28 =	vnsel vm14, $0xFFF, v28  }
0x156: {  	s30 =	sor.u32 $0x380, s23;
	s14 =	sshll.u32 s29, $0x5;
	[tilespmem:v25+s8+$0x0] =	vst.idx.msk vm2, v11  }
0x157: {  	s31 =	sor.u32 $0x380, s21;
	s12 =	sadd.s32 s14, s12;
	v25 =	vld [tilespmem:s30+$0x0];
	[tilespmem:v63+s8+$0x0] =	vst.idx.msk vm3, v13  }
0x158: {  	s14 =	sor.u32 $0x300, s12;
	v31 =	vld [tilespmem:s31+$0x0];
	[tilespmem:v32+s8+$0x0] =	vst.idx.msk vm9, v17  }
0x159: {  	v32 =	vld [tilespmem:s14+$0x0];
	[tilespmem:v34+s8+$0x0] =	vst.idx.msk vm7, v21  }
0x15a: {  	[tilespmem:v28+s8+$0x0] =	vst.idx.msk vm5, v20;
	v50 =	vld [tilespmem:s16+$0x200]  }
0x15b: {  	v51 =	vld [tilespmem:s17+$0x200]  }
0x15c: {  	vm3 =	vge.f32 v25, v15  }
0x15d: {  	v25 =	vsel vm3, $0x1, v1;
	vm5 =	vge.f32 v31, v15  }
0x15e: {  	(xrf0) =	vadd.scan.msk.s32 $0xffff, v25;
	vm15 =	vge.f32 v32, v16;
	v52 =	vsel vm5, $0x1, v1  }
0x15f: {  	v53 =	vsel vm15, $0x1, v1;
	(xrf0) =	vadd.scan.msk.s32 $0xffff, v52;
	vm8 =	vge.f32 v50, v12  }
0x160: {  	(xrf0) =	vadd.scan.msk.s32 $0xffff, v53;
	vm11 =	vge.f32 v51, v12;
	v54 =	vsel vm8, $0x1, v1  }
0x161: {  	v55 =	vmpcnt.ones.xlane vm9;
	v56 =	vsel vm11, $0x1, v1;
	(xrf0) =	vadd.scan.msk.s32 $0xffff, v54  }
0x162: {  	(xrf0) =	vadd.scan.msk.s32 $0xffff, v56  }
0x163: {  	v57 =	vsel vm6, $0xFFFFFFFF, v1;
	v58 =	vadd.s32 v26, v55  }
0x164: {  	v25 =	vadd.s32 v57, v58;
	v28, _, _ =	vpop (xrf0)  }
0x165: {  	v59 =	vmpcnt.ones.xlane vm4;
	v25 =	vadd.s32 v43, v25;
	v30, _, _ =	vpop (xrf0)  }
0x166: {  	vm4 =	vlt.s32 v25, $0x17FF;
	v60 =	vmpcnt.ones.xlane vm11;
	v61, _, _ =	vpop (xrf0)  }
0x167: {  	v25 =	vnsel vm4, $0x17FF, v25;
	v31 =	vadd.s32 v22, v59;
	v62 =	vsel vm11, $0xFFFFFFFF, v1;
	v63, _, _ =	vpop (xrf0)  }
0x168: {  	s21 =	sadd.s32 $0x2, s18;
	v37 =	vsel vm8, $0xFFFFFFFF, v1;
	v22 =	vadd.s32 v31, v60;
	v31 =	vadd.s32 v62, v31;
	v38, _, _ =	vpop (xrf0)  }
0x169: {  	s22 =	sand.u32 $0x7, s21;
	v32 =	vadd.s32 v37, v22;
	v31 =	vadd.s32 v38, v31  }
0x16a: {  	s23 =	sadd.s32 $0x100, s20;
	s19 =	sshll.u32 s22, $0x4;
	v32 =	vadd.s32 v63, v32;
	vm4 =	vlt.s32 v31, $0x13FF  }
0x16b: {  	s19 =	sadd.s32 s19, s23;
	vm12 =	vlt.s32 v32, $0x13FF;
	v31 =	vnsel vm4, $0x13FF, v31  }
0x16c: {  	s24 =	sor.u32 $0x300, s19;
	[tilespmem:v25+s8+$0x0] =	vst.idx.msk vm6, v18;
	v39 =	vnsel vm12, $0x13FF, v32  }
0x16d: {  	v40 =	vld [tilespmem:s24+$0x0];
	_ =	sdelay $0x2  }
0x16e: {  	[tilespmem:v31+s8+$0x0] =	vst.idx.msk vm11, v20  }
0x16f: {  	[tilespmem:v39+s8+$0x0] =	vst.idx.msk vm8, v21;
	v41 =	vld [tilespmem:s17+$0x280]  }
0x170: {  	vm13 =	vge.f32 v40, v16;
	v42 =	vld [tilespmem:s16+$0x280]  }
0x171: {  	v32 =	vsel vm13, $0x1, v1  }
0x172: {  	(xrf0) =	vadd.scan.msk.s32 $0xffff, v32;
	_ =	sdelay $0x1  }
0x173: {  	v43 =	vmpcnt.ones.xlane vm2;
	vm2 =	vge.f32 v41, v14  }
0x174: {  	v44 =	vmpcnt.ones.xlane vm15;
	vm9 =	vge.f32 v42, v14;
	v45 =	vsel vm2, $0x1, v1  }
0x175: {  	v46 =	vadd.s32 v33, v43;
	v47 =	vsel vm9, $0x1, v1;
	(xrf0) =	vadd.scan.msk.s32 $0xffff, v45  }
0x176: {  	v48 =	vmpcnt.ones.xlane vm6;
	v50 =	vadd.s32 v46, v44;
	v49 =	vsel vm13, $0xFFFFFFFF, v1;
	(xrf0) =	vadd.scan.msk.s32 $0xffff, v47  }
0x177: {  	v25 =	vadd.s32 v49, v50;
	v51, _, _ =	vpop (xrf0)  }
0x178: {  	v26 =	vadd.s32 v58, v48;
	v52 =	vsel vm15, $0xFFFFFFFF, v1;
	v25 =	vadd.s32 v51, v25  }
0x179: {  	v31 =	vadd.s32 v52, v46;
	vm4 =	vlt.s32 v25, $0x1BFF;
	v53 =	vmpcnt.ones.xlane vm2  }
0x17a: {  	v31 =	vadd.s32 v61, v31;
	v54 =	vnsel vm4, $0x1BFF, v25;
	v55 =	vsel vm2, $0xFFFFFFFF, v1  }
0x17b: {  	v56 =	vsel vm9, $0xFFFFFFFF, v1;
	v25 =	vadd.s32 v26, v53;
	v26 =	vadd.s32 v55, v26;
	v57, _, _ =	vpop (xrf0)  }
0x17c: {  	vm4 =	vlt.s32 v31, $0x1BFF;
	v58 =	vadd.s32 v56, v25;
	v26 =	vadd.s32 v57, v26;
	v59, _, _ =	vpop (xrf0)  }
0x17d: {  	v31 =	vnsel vm4, $0x1BFF, v31;
	vm4 =	vlt.s32 v26, $0x17FF;
	v32 =	vadd.s32 v59, v58  }
0x17e: {  	v26 =	vnsel vm4, $0x17FF, v26;
	vm4 =	vlt.s32 v32, $0x17FF  }
0x17f: {  	s13 =	sadd.s32 $0x1, s28;
	v32 =	vnsel vm4, $0x17FF, v32  }
0x180: {  	s26 =	sadd.s32 $0x100, s23;
	s13 =	sand.u32 $0x3, s13;
	s14 =	sadd.s32 $0x2, s21  }
0x181: {  	s25 =	sor.u32 $0x380, s19;
	s13 =	sshll.u32 s13, $0x5;
	s14 =	sand.u32 $0x7, s14;
	[tilespmem:v54+s8+$0x0] =	vst.idx.msk vm13, v18  }
0x182: {  	s12 =	sor.u32 $0x380, s12;
	s13 =	sadd.s32 s13, s15;
	s14 =	sshll.u32 s14, $0x4;
	v33 =	vld [tilespmem:s25+$0x0];
	[tilespmem:v31+s8+$0x0] =	vst.idx.msk vm15, v17  }
0x183: {  	s28 =	sor.u32 $0x300, s13;
	s14 =	sadd.s32 s14, s26;
	v31 =	vld [tilespmem:s12+$0x0];
	[tilespmem:v26+s8+$0x0] =	vst.idx.msk vm2, v20  }
0x184: {  	s29 =	sor.u32 $0x300, s14;
	v26 =	vld [tilespmem:s28+$0x0];
	[tilespmem:v32+s8+$0x0] =	vst.idx.msk vm9, v21  }
0x185: {  	v32 =	vld [tilespmem:s29+$0x0];
	_ =	sdelay $0x1  }
0x186: {  	vm2 =	vge.f32 v33, v15  }
0x187: {  	vm4 =	vge.f32 v31, v15;
	v33 =	vsel vm2, $0x1, v1  }
0x188: {  	v31 =	vsel vm4, $0x1, v1;
	(xrf0) =	vadd.scan.msk.s32 $0xffff, v33;
	vm6 =	vge.f32 v26, v16  }
0x189: {  	(xrf0) =	vadd.scan.msk.s32 $0xffff, v31;
	v26 =	vsel vm6, $0x1, v1;
	vm10 =	vge.f32 v32, v16  }
0x18a: {  	(xrf0) =	vadd.scan.msk.s32 $0xffff, v26;
	v60 =	vsel vm10, $0x1, v1  }
0x18b: {  	(xrf0) =	vadd.scan.msk.s32 $0xffff, v60;
	_ =	sdelay $0x1  }
0x18c: {  	v61 =	vmpcnt.ones.xlane vm13  }
0x18d: {  	v63 =	vmpcnt.ones.xlane vm6;
	v62, _, _ =	vpop (xrf0)  }
0x18e: {  	v40 =	vadd.s32 v50, v61;
	v41, _, _ =	vpop (xrf0)  }
0x18f: {  	v42 =	vsel vm10, $0xFFFFFFFF, v1;
	v26 =	vadd.s32 v40, v63;
	v43, _, _ =	vpop (xrf0)  }
0x190: {  	v44 =	vsel vm6, $0xFFFFFFFF, v1;
	v35 =	vadd.s32 v42, v26;
	v45, _, _ =	vpop (xrf0)  }
0x191: {  	v32 =	vadd.s32 v44, v40;
	v46 =	vadd.s32 v45, v35  }
0x192: {  	v32 =	vadd.s32 v43, v32;
	vm14 =	vlt.s32 v46, $0x1BFF  }
0x193: {  	vm15 =	vlt.s32 v32, $0x1BFF;
	v33 =	vnsel vm14, $0x1BFF, v46  }
0x194: {  	v32 =	vnsel vm15, $0x1BFF, v32;
	_ =	sdelay $0x3  }
0x195: {  	s30 =	sor.u32 $0x380, s14;
	[tilespmem:v33+s8+$0x0] =	vst.idx.msk vm10, v21  }
0x196: {  	s31 =	sor.u32 $0x380, s13;
	v48 =	vmpcnt.ones.xlane vm5;
	[tilespmem:v32+s8+$0x0] =	vst.idx.msk vm6, v20;
	v33 =	vld [tilespmem:s30+$0x0]  }
0x197: {  	v32 =	vld [tilespmem:s31+$0x0]  }
0x198: {  	v49 =	vsel vm3, $0xFFFFFFFF, v1;
	v51 =	vadd.s32 v23, v48  }
0x199: {  	v50 =	vmpcnt.ones.xlane vm3;
	v52 =	vadd.s32 v49, v51  }
0x19a: {  	v28 =	vadd.s32 v28, v52;
	v47 =	vsel vm5, $0xFFFFFFFF, v1;
	v54 =	vsel vm4, $0xFFFFFFFF, v1  }
0x19b: {  	v55 =	vmpcnt.ones.xlane vm4;
	v35 =	vadd.s32 v47, v23;
	vm11 =	vge.f32 v33, v15  }
0x19c: {  	v30 =	vadd.s32 v30, v35;
	vm6 =	vge.f32 v32, v15;
	v33 =	vsel vm11, $0x1, v1  }
0x19d: {  	v56 =	vsel vm2, $0xFFFFFFFF, v1;
	vm12 =	vlt.s32 v30, $0x1FFF;
	v53 =	vsel vm6, $0x1, v1;
	(xrf0) =	vadd.scan.msk.s32 $0xffff, v33  }
0x19e: {  	v23 =	vadd.s32 v51, v50;
	v30 =	vnsel vm12, $0x1FFF, v30;
	vm12 =	vlt.s32 v28, $0x1FFF;
	(xrf0) =	vadd.scan.msk.s32 $0xffff, v53  }
0x19f: {  	v57 =	vmpcnt.ones.xlane vm2;
	v28 =	vnsel vm12, $0x1FFF, v28;
	v32 =	vadd.s32 v54, v23  }
0x1a0: {  	v23 =	vadd.s32 v23, v55;
	v32 =	vadd.s32 v41, v32;
	v58 =	vmpcnt.ones.xlane vm6  }
0x1a1: {  	v60 =	vsel vm6, $0xFFFFFFFF, v1;
	v33 =	vadd.s32 v56, v23;
	v23 =	vadd.s32 v23, v57  }
0x1a2: {  	vm12 =	vlt.s32 v32, $0x1FFF;
	v61 =	vsel vm11, $0xFFFFFFFF, v1;
	v35 =	vadd.s32 v23, v58  }
0x1a3: {  	v32 =	vnsel vm12, $0x1FFF, v32;
	v31 =	vadd.s32 v62, v33;
	v63 =	vadd.s32 v61, v35;
	v59, _, _ =	vpop (xrf0)  }
0x1a4: {  	v23 =	vadd.s32 v60, v23;
	vm12 =	vlt.s32 v31, $0x1FFF;
	v62, _, _ =	vpop (xrf0);
	v33 =	vadd.s32 v59, v63  }
0x1a5: {  	[tilespmem:v27+s8+$0x0] =	vst.idx.msk vm0, v8;
	v31 =	vnsel vm12, $0x1FFF, v31;
	v23 =	vadd.s32 v62, v23;
	vm0 =	vlt.s32 v33, $0x1FFF  }
0x1a6: {  	[tilespmem:v30+s8+$0x0] =	vst.idx.msk vm5, v13;
	vm12 =	vlt.s32 v23, $0x1FFF;
	v13 =	vnsel vm0, $0x1FFF, v33  }
0x1a7: {  	v8 =	vnsel vm12, $0x1FFF, v23  }
0x1a8: {  	[tilespmem:v28+s8+$0x0] =	vst.idx.msk vm3, v11  }
0x1a9: {  	[tilespmem:v32+s8+$0x0] =	vst.idx.msk vm4, v17  }
0x1aa: {  	[tilespmem:v31+s8+$0x0] =	vst.idx.msk vm2, v18  }
0x1ab: {  	[tilespmem:v13+s8+$0x0] =	vst.idx.msk vm11, v21  }
0x1ac: {  	[tilespmem:v8+s8+$0x0] =	vst.idx.msk vm6, v20  }
0x1ad: {  	v8 =	vld [tilespmem:$0x10440];
	_ =	sdelay $0x4  }
0x1ae: {  	vm0 =	vge.f32 v8, v5  }
0x1af: {  	v5 =	vsel vm0, $0x1, v1  }
0x1b0: {  	(xrf0) =	vadd.scan.msk.s32 $0xffff, v5;
	_ =	sdelay $0x4  }
0x1b1: {  	v5 =	vsel vm0, $0xFFFFFFFF, v1  }
0x1b2: {  	v5 =	vadd.s32 v5, v19;
	v8, _, _ =	vpop (xrf0)  }
0x1b3: {  	v5 =	vadd.s32 v8, v5  }
0x1b4: {  	vm2 =	vlt.s32 v5, $0x3FF  }
0x1b5: {  	v5 =	vnsel vm2, $0x3FF, v5;
	_ =	sdelay $0x3  }
0x1b6: {  	v13 =	vor.u32 $0x20C0, v0  }
0x1b7: {  	[tilespmem:v5+s8+$0x0] =	vst.idx.msk vm0, v13  }
0x1b8: {  	v5 =	vld [tilespmem:$0x104C0];
	_ =	sdelay $0x4  }
0x1b9: {  	vm6 =	vge.f32 v5, v6  }
0x1ba: {  	v5 =	vsel vm6, $0x1, v1  }
0x1bb: {  	(xrf0) =	vadd.scan.msk.s32 $0xffff, v5;
	_ =	sdelay $0x4  }
0x1bc: {  	v5 =	vsel vm6, $0xFFFFFFFF, v1  }
0x1bd: {  	v5 =	vadd.s32 v5, v10;
	v6, _, _ =	vpop (xrf0)  }
0x1be: {  	v5 =	vadd.s32 v6, v5  }
0x1bf: {  	vm2 =	vlt.s32 v5, $0x7FF  }
0x1c0: {  	v5 =	vnsel vm2, $0x7FF, v5;
	_ =	sdelay $0x4  }
0x1c1: {  	[tilespmem:v5+s8+$0x0] =	vst.idx.msk vm6, v13  }
0x1c2: {  	v5 =	vld [tilespmem:$0x10540];
	_ =	sdelay $0x4  }
0x1c3: {  	vm5 =	vge.f32 v5, v7  }
0x1c4: {  	v5 =	vsel vm5, $0x1, v1  }
0x1c5: {  	(xrf0) =	vadd.scan.msk.s32 $0xffff, v5;
	_ =	sdelay $0x2  }
0x1c6: {  	v5 =	vmpcnt.ones.xlane vm1;
	_ =	sdelay $0x1  }
0x1c7: {  	v11 =	vadd.s32 v29, v5;
	v5 =	vsel vm5, $0xFFFFFFFF, v1  }
0x1c8: {  	v5 =	vadd.s32 v5, v11;
	v6, _, _ =	vpop (xrf0)  }
0x1c9: {  	v5 =	vadd.s32 v6, v5  }
0x1ca: {  	vm1 =	vlt.s32 v5, $0xBFF  }
0x1cb: {  	v5 =	vnsel vm1, $0xBFF, v5;
	_ =	sdelay $0x4  }
0x1cc: {  	[tilespmem:v5+s8+$0x0] =	vst.idx.msk vm5, v13  }
0x1cd: {  	v5 =	vld [tilespmem:$0x105C0];
	_ =	sdelay $0x4  }
0x1ce: {  	vm4 =	vge.f32 v5, v9  }
0x1cf: {  	v5 =	vsel vm4, $0x1, v1  }
0x1d0: {  	(xrf0) =	vadd.scan.msk.s32 $0xffff, v5;
	_ =	sdelay $0x2  }
0x1d1: {  	v5 =	vmpcnt.ones.xlane vm7;
	_ =	sdelay $0x1  }
0x1d2: {  	v9 =	vadd.s32 v24, v5;
	v5 =	vsel vm4, $0xFFFFFFFF, v1  }
0x1d3: {  	v5 =	vadd.s32 v5, v9;
	v6, _, _ =	vpop (xrf0)  }
0x1d4: {  	v5 =	vadd.s32 v6, v5  }
0x1d5: {  	vm1 =	vlt.s32 v5, $0xFFF  }
0x1d6: {  	v5 =	vnsel vm1, $0xFFF, v5;
	_ =	sdelay $0x4  }
0x1d7: {  	[tilespmem:v5+s8+$0x0] =	vst.idx.msk vm4, v13  }
0x1d8: {  	v5 =	vld [tilespmem:$0x10640];
	_ =	sdelay $0x4  }
0x1d9: {  	vm3 =	vge.f32 v5, v12  }
0x1da: {  	v5 =	vsel vm3, $0x1, v1  }
0x1db: {  	(xrf0) =	vadd.scan.msk.s32 $0xffff, v5;
	_ =	sdelay $0x2  }
0x1dc: {  	v5 =	vmpcnt.ones.xlane vm8;
	_ =	sdelay $0x1  }
0x1dd: {  	v8 =	vadd.s32 v22, v5;
	v5 =	vsel vm3, $0xFFFFFFFF, v1  }
0x1de: {  	v5 =	vadd.s32 v5, v8;
	v6, _, _ =	vpop (xrf0)  }
0x1df: {  	v5 =	vadd.s32 v6, v5  }
0x1e0: {  	vm1 =	vlt.s32 v5, $0x13FF  }
0x1e1: {  	v5 =	vnsel vm1, $0x13FF, v5;
	_ =	sdelay $0x4  }
0x1e2: {  	[tilespmem:v5+s8+$0x0] =	vst.idx.msk vm3, v13  }
0x1e3: {  	v5 =	vld [tilespmem:$0x106C0];
	_ =	sdelay $0x4  }
0x1e4: {  	vm2 =	vge.f32 v5, v14  }
0x1e5: {  	v5 =	vsel vm2, $0x1, v1  }
0x1e6: {  	(xrf0) =	vadd.scan.msk.s32 $0xffff, v5;
	_ =	sdelay $0x2  }
0x1e7: {  	v5 =	vmpcnt.ones.xlane vm9;
	_ =	sdelay $0x1  }
0x1e8: {  	v7 =	vadd.s32 v25, v5;
	v5 =	vsel vm2, $0xFFFFFFFF, v1  }
0x1e9: {  	v5 =	vadd.s32 v5, v7;
	v6, _, _ =	vpop (xrf0)  }
0x1ea: {  	v5 =	vadd.s32 v6, v5  }
0x1eb: {  	vm1 =	vlt.s32 v5, $0x17FF  }
0x1ec: {  	v5 =	vnsel vm1, $0x17FF, v5;
	_ =	sdelay $0x4  }
0x1ed: {  	[tilespmem:v5+s8+$0x0] =	vst.idx.msk vm2, v13  }
0x1ee: {  	v5 =	vld [tilespmem:$0x10740];
	_ =	sdelay $0x4  }
0x1ef: {  	vm1 =	vge.f32 v5, v16  }
0x1f0: {  	v5 =	vsel vm1, $0x1, v1  }
0x1f1: {  	(xrf0) =	vadd.scan.msk.s32 $0xffff, v5;
	_ =	sdelay $0x2  }
0x1f2: {  	v5 =	vmpcnt.ones.xlane vm10;
	_ =	sdelay $0x1  }
0x1f3: {  	v6 =	vadd.s32 v26, v5;
	v5 =	vsel vm1, $0xFFFFFFFF, v1  }
0x1f4: {  	v5 =	vadd.s32 v5, v6;
	v12, _, _ =	vpop (xrf0)  }
0x1f5: {  	v5 =	vadd.s32 v12, v5  }
0x1f6: {  	vm7 =	vlt.s32 v5, $0x1BFF  }
0x1f7: {  	v5 =	vnsel vm7, $0x1BFF, v5;
	_ =	sdelay $0x3  }
0x1f8: {  	v12 =	vmpcnt.ones.xlane vm0  }
0x1f9: {  	[tilespmem:v5+s8+$0x0] =	vst.idx.msk vm1, v13  }
0x1fa: {  	v12 =	vadd.s32 v19, v12;
	v5 =	vld [tilespmem:$0x107C0]  }
0x1fb: {  	(v2sf) =	vpush v12, $0x0;
	_ =	sdelay $0x3  }
0x1fc: {  	vm0 =	vge.f32 v5, v15  }
0x1fd: {  	v5 =	vsel vm0, $0x1, v1  }
0x1fe: {  	(xrf0) =	vadd.scan.msk.s32 $0xffff, v5;
	_ =	sdelay $0x2  }
0x1ff: {  	v5 =	vmpcnt.ones.xlane vm11;
	_ =	sdelay $0x1  }
0x200: {  	v14 =	vsel vm0, $0xFFFFFFFF, v1;
	v5 =	vadd.s32 v35, v5  }
0x201: {  	v14 =	vadd.s32 v14, v5;
	v15, _, _ =	vpop (xrf0)  }
0x202: {  	v14 =	vadd.s32 v15, v14  }
0x203: {  	vm7 =	vlt.s32 v14, $0x1FFF  }
0x204: {  	s13 =	spop (v2sf);
	v14 =	vnsel vm7, $0x1FFF, v14  }
0x205: {  	p1 =	sgt.s32 s13, $0x3F0  }
.Ltmp4:
0x206: {  	_ = 	snop;
	(pc) =	sbr.rel @p1 .LBB2_7-.Ltmp4, $3  }
0x207: {  	_ =	sdelay $0x1  }
0x208: {  	[tilespmem:v14+s8+$0x0] =	vst.idx.msk vm0, v13  }
0x209: {  	[tilespmem:$0x12800] =	vst v2  }
0x20a: {  	s12 =	sadd.s32 $0xF, s13  }
0x20b: {  	s14 =	sand.u32 $0xF, s12  }
0x20c: {  	p2 =	slt.s32 s13, $0xFFFFFFF2;
	s31 =	sshra.s32 s12, $0x1F;
	p1 =	sne.s32 s14, $0x0  }
0x20d: {  	s14 =	sshrl.u32 s31, $0x1C;
	p1 =	por !p2, !p1  }
0x20e: {  	s12 =	sadd.s32 s14, s12;
	s14 =	simm.s32 $0x1;
	p1 =	por !p1, !p1  }
0x20f: {  	s12 =	sshra.s32 s12, $0x4;
	s14 =	simm.s32 @!p1 $0x0  }
0x210: {  	s12 =	ssub.s32 s12, s14  }
0x211: {  	p1 =	slt.s32 s12, $0x1  }
.Ltmp5:
0x212: {  	_ = 	snop;
	(pc) =	sbr.rel @p1 .LBB2_25-.Ltmp5, $2  }
0x213: {  	_ =	sdelay $0x2  }
0x214: {  	v12 =	vbroadcast v12, $0x0;
	[tilespmem:s13+$0x10800] =	vst v1;
	v13 =	vimm.f32 $-3.000000010e+38  }
0x215: {  	p4 =	sne.s32 s12, $0x1  }
.Ltmp6:
0x216: {  	_ = 	snop;
	(pc) =	sbr.rel @!p4 .LBB2_15-.Ltmp6, $3  }
0x217: {  	_ =	sdelay $0x1  }
0x218: {  	s15 =	simm.s32 $0x10800;
	s13 =	simm.s32 $0x0;
	s14 =	sadd.s32 $0xFFFFFFFF, s12  }
0x219: {  	p1 =	por $0x0, $0x0;
	p2 =	por $0x0, $0x0;
	p3 =	por $0x0, $0x0;
	v18 =	vld [tilespmem:s15+$0x0]  }
0x21a: {  	_ =	sdelay $0x3  }
0x21b: {  	v14 =	vshll.u32 v18, $0x3  }
0x21c: {  	v15 =	vand.u32 $0x7F, v18;
	v14 =	vand.u32 $0xFFFFFC00, v14  }
0x21d: {  	v14 =	vor.u32 v15, v14  }
0x21e: {  	p4 =	sne.s32 s14, $0x1  }
.Ltmp7:
0x21f: {  	_ = 	snop;
	(pc) =	sbr.rel @!p4 .LBB2_17-.Ltmp7, $3  }
0x220: {  	_ =	sdelay $0x1  }
0x221: {  	s15 =	simm.s32 $0x10810;
	v16 =	vld.idx.msk [tilespmem:v14+s3+$0x0], $0xffff;
	v14 =	vor.u32 s13, v0  }
0x222: {  	p1 =	por $0x1, $0x1;
	v15 =	vld [tilespmem:s15+$0x0];
	s15 =	sadd.s32 $0xFFFFFFFF, s14;
	vm7 =	vlt.s32 v14, v12  }
0x223: {  	_ =	sdelay $0x2  }
0x224: {  	v14 =	vnsel vm7, $0xBF800000, v16  }
0x225: {  	(xrf1) =	vsort.ascd.msk.f32 $0xffff, v14, v18;
	_ =	sdelay $0x3  }
0x226: {  	v14 =	vshll.u32 v15, $0x3  }
0x227: {  	v16 =	vand.u32 $0x7F, v15;
	v14 =	vand.u32 $0xFFFFFC00, v14  }
0x228: {  	v14 =	vor.u32 v16, v14;
	_ =	sdelay $0x2  }
0x229: {  	p4 =	sne.s32 s15, $0x1;
	s16 =	simm.s32 $0x10820  }
.Ltmp8:
0x22a: {  	s14 =	simm.s32 $0x10;
	v17 =	vld [tilespmem:s16+$0x0];
	(pc) =	sbr.rel @!p4 .LBB2_19-.Ltmp8, $2  }
0x22b: {  	v16 =	vld.idx.msk [tilespmem:v14+s3+$0x0], $0xffff;
	v14 =	vor.u32 s14, v0;
	_ =	sdelay $0x2  }
0x22c: {  	p2 =	por $0x1, $0x1;
	s16 =	sadd.s32 $0xFFFFFFFF, s15;
	vm7 =	vlt.s32 v14, v12;
	v14, _, _ =	vpop (xrf1)  }
0x22d: {  	_ = 	snop  }
0x22e: {  	v16 =	vnsel vm7, $0xBF800000, v16  }
0x22f: {  	v18 =	vmax.f32 v13, v14;
	(xrf1) =	vsort.ascd.msk.f32 $0xffff, v16, v15  }
0x230: {  	(xrf1) =	vsort.dscd.msk.f32 $0xffff, v18, v0;
	_ =	sdelay $0x1  }
0x231: {  	v15 =	vshll.u32 v17, $0x3  }
0x232: {  	v16 =	vand.u32 $0x7F, v17;
	v15 =	vand.u32 $0xFFFFFC00, v15  }
0x233: {  	v15 =	vor.u32 v16, v15;
	_ =	sdelay $0x3  }
0x234: {  	p4 =	sne.s32 s16, $0x1  }
.Ltmp9:
0x235: {  	s14 =	simm.s32 $0x20;
	v16 =	vld.idx.msk [tilespmem:v15+s3+$0x0], $0xffff;
	(pc) =	sbr.rel @!p4 .LBB2_21-.Ltmp9, $4  }
0x236: {  	v19 =	vor.u32 s14, v0  }
0x237: {  	s15 =	simm.s32 $0x10830  }
0x238: {  	v15 =	vld [tilespmem:s15+$0x0]  }
0x239: {  	s16 =	sadd.s32 $0xFFFFFFFF, s16;
	p3 =	por $0x1, $0x1;
	vm7 =	vlt.s32 v19, v12;
	v19, _, _ =	vpop (xrf1)  }
.LBB2_22:
0x23a: {  	p4 =	sne.s32 s16, $0x1;
	v16 =	vnsel vm7, $0xBF800000, v16;
	v18, _, _ =	vpop (xrf1)  }
0x23b: {  	(xrf1) =	vsort.ascd.msk.f32 $0xffff, v16, v17;
	v16 =	vmax.f32 v18, v19  }
0x23c: {  	(xrf1) =	vsort.dscd.msk.f32 $0xffff, v16, v0  }
0x23d: {  	v16 =	vshll.u32 v15, $0x3;
	v17 =	vmov v15  }
0x23e: {  	v15 =	vand.u32 $0x7F, v17;
	v16 =	vand.u32 $0xFFFFFC00, v16  }
0x23f: {  	v15 =	vor.u32 v15, v16;
	_ =	sdelay $0x4  }
0x240: {  	v16 =	vld.idx.msk [tilespmem:v15+s3+$0x0], $0xffff  }
.Ltmp10:
0x241: {  	(pc) =	sbr.rel @p4 .LBB2_22-.Ltmp10, $4  }
0x242: {  	_ = 	snop  }
0x243: {  	s15 =	sadd.s32 $0x10, s15;
	s14 =	sadd.s32 $0x10, s14  }
0x244: {  	v18 =	vor.u32 s14, v0;
	v15 =	vld [tilespmem:s15+$0x0]  }
0x245: {  	s16 =	sadd.s32 $0xFFFFFFFF, s16;
	vm7 =	vlt.s32 v18, v12;
	v19, _, _ =	vpop (xrf1)  }
0x246: {  	v18 =	vmov v17  }
.LBB2_24:
0x247: {  	v17, _, _ =	vpop @p3 (xrf1)  }
0x248: {  	v16 =	vnsel @p1 vm7, $0xBF800000, v16;
	v17 =	vpsel p3, v17, v13  }
0x249: {  	(xrf1) =	vsort.ascd.msk.f32 @p1 $0xffff, v16, v18;
	v16 =	vmax.f32 @p2 v17, v19  }
0x24a: {  	(xrf1) =	vsort.dscd.msk.f32 @p2 $0xffff, v16, v0;
	_ =	sdelay $0x2  }
0x24b: {  	v61 =	vshll.u32 v15, $0x3  }
0x24c: {  	v62 =	vand.u32 $0x7F, v15;
	v16 =	vand.u32 $0xFFFFFC00, v61  }
0x24d: {  	v16 =	vor.u32 v62, v16;
	_ =	sdelay $0x4  }
0x24e: {  	v16 =	vld.idx.msk [tilespmem:v16+s3+$0x0], $0xffff  }
0x24f: {  	s14 =	sadd.s32 @p1 $0x10, s14  }
0x250: {  	s13 =	smov.u32 @p1 s14  }
0x251: {  	v63 =	vor.u32 s13, v0;
	v18, _, _ =	vpop @p1 (xrf1)  }
0x252: {  	vm7 =	vlt.s32 v63, v12;
	v17, _, _ =	vpop @p2 (xrf1)  }
0x253: {  	v16 =	vnsel vm7, $0xBF800000, v16;
	v14 =	vpsel p1, v18, v14;
	v17 =	vpsel p2, v17, v13  }
0x254: {  	(xrf1) =	vsort.ascd.msk.f32 $0xffff, v16, v15;
	v14 =	vmax.f32 @p1 v17, v14  }
0x255: {  	(xrf1) =	vsort.dscd.msk.f32 @p1 $0xffff, v14, v0;
	_ =	sdelay $0xc  }
0x256: {  	v14, _, _ =	vpop (xrf1)  }
0x257: {  	v15, _, _ =	vpop @p1 (xrf1)  }
0x258: {  	v13 =	vpsel p1, v15, v13  }
0x259: {  	v13 =	vmax.f32 v13, v14  }
0x25a: {  	(xrf1) =	vsort.dscd.msk.f32 $0xffff, v13, v0;
	_ =	sdelay $0xd  }
0x25b: {  	v13, _, _ =	vpop (xrf1)  }
.LBB2_25:
0x25c: {  	(v2sf) =	vpush v13, $0x0;
	_ =	sdelay $0xe  }
0x25d: {  	s13 =	spop (v2sf)  }
0x25e: {  	p1 =	sgt.f32 s13, $9.999999710e-10;
	_ =	sdelay $0x1  }
0x25f: {  	p2 =	slt.s32 @p1 s12, $0x1  }
0x260: {  	p1 =	por !p1, p2  }
.Ltmp11:
0x261: {  	_ = 	snop;
	(pc) =	sbr.rel @p1 .LBB2_28-.Ltmp11, $1  }
0x262: {  	_ =	sdelay $0x3  }
0x263: {  	v14 =	vbroadcast v13, $0xC;
	_ =	sdelay $0x1  }
0x264: {  	vm7 =	vgt.f32 v13, v14  }
0x265: {  	v13 =	vmpcnt.ones.xlane vm7;
	_ =	sdelay $0x1  }
0x266: {  	v15 =	vimm.s32 $0x0;
	s13 =	simm.s32 $0x10800;
	s14 =	simm.s32 $0x0;
	v16 =	vimm.s32 $0x0;
	v13 =	vsub.s32 $0xD, v13  }
.LBB2_27:
0x267: {  	v17 =	vld [tilespmem:s13+$0x0];
	_ =	sdelay $0x4  }
0x268: {  	v18 =	vshll.u32 v17, $0x3  }
0x269: {  	v19 =	vand.u32 $0x7F, v17;
	v18 =	vand.u32 $0xFFFFFC00, v18  }
0x26a: {  	v18 =	vor.u32 v19, v18;
	_ =	sdelay $0x4  }
0x26b: {  	v18 =	vld.idx.msk [tilespmem:v18+s3+$0x0], $0xffff;
	_ =	sdelay $0x2  }
0x26c: {  	v19 =	vor.u32 s14, v0  }
0x26d: {  	vm7 =	vlt.s32 v19, v12  }
0x26e: {  	v18 =	vnsel vm7, $0xBF800000, v18  }
0x26f: {  	vm7 =	veq.f32 v18, v14  }
0x270: {  	v19 =	vsel vm7, $0x1, v1  }
0x271: {  	(xrf0) =	vadd.scan.msk.s32 $0xffff, v19;
	_ =	sdelay $0x4  }
0x272: {  	v19 =	vsel vm7, $0xFFFFFFFF, v1  }
0x273: {  	v19 =	vadd.s32 v19, v16;
	v20, _, _ =	vpop (xrf0)  }
0x274: {  	v19 =	vadd.s32 v20, v19  }
0x275: {  	vm8 =	vlt.s32 v19, v13  }
0x276: {  	vm9 =	vgt.f32 v18, v14;
	vm8 =	vmand vm7, vm8  }
0x277: {  	vm8 =	vmor vm9, vm8  }
0x278: {  	v18 =	vsel vm8, $0x1, v1  }
0x279: {  	(xrf0) =	vadd.scan.msk.s32 $0xffff, v18;
	_ =	sdelay $0x4  }
0x27a: {  	v18 =	vsel vm8, $0xFFFFFFFF, v1  }
0x27b: {  	v18 =	vadd.s32 v18, v15;
	v19, _, _ =	vpop (xrf0)  }
0x27c: {  	p1 =	seq.s32 s12, $0x1;
	v18 =	vadd.s32 v19, v18  }
.Ltmp12:
0x27d: {  	_ = 	snop;
	(pc) =	sbr.rel @!p1 .LBB2_27-.Ltmp12, $3  }
0x27e: {  	_ = 	snop  }
0x27f: {  	v63 =	vmpcnt.ones.xlane vm8;
	v19 =	vmpcnt.ones.xlane vm7;
	_ =	sdelay $0x1  }
0x280: {  	s13 =	sadd.s32 $0x10, s13;
	s12 =	sadd.s32 $0xFFFFFFFF, s12;
	s14 =	sadd.s32 $0x10, s14;
	v15 =	vadd.s32 v15, v63;
	v16 =	vadd.s32 v16, v19;
	[tilespmem:v18+s9+$0x0] =	vst.idx.msk vm8, v17  }
.Ltmp13:
0x281: {  	_ = 	snop;
	(pc) =	sbr.rel .LBB2_28-.Ltmp13, $1  }
0x282: {  	_ =	sdelay $0x3  }
.LBB2_7:
0x283: {  	s12 =	simm.s32 $0x0  }
0x284: {  	s13 =	sand.u32 $0x70, s12;
	s14 =	sand.u32 $0x1FC00, s12  }
0x285: {  	s13 =	sor.u32 s13, s14  }
0x286: {  	v13 =	vld [tilespmem:s13+$0x0];
	_ =	sdelay $0x3  }
0x287: {  	v14 =	vor.u32 s12, v0  }
0x288: {  	(xrf1) =	vsort.ascd.msk.f32 $0xffff, v13, v14;
	_ =	sdelay $0x6  }
0x289: {  	s28 =	simm.s32 $0x10;
	s29 =	simm.s32 $0x80  }
0x28a: {  	s30 =	sand.u32 $0x70, s28;
	s12 =	sand.u32 $0x1FC00, s29  }
0x28b: {  	s12 =	sor.u32 s30, s12  }
0x28c: {  	v63 =	vld [tilespmem:s12+$0x0];
	_ =	sdelay $0x3  }
0x28d: {  	v12 =	vimm.f32 $-3.000000010e+38;
	v15 =	vor.u32 s28, v0;
	v14, _, _ =	vpop (xrf1)  }
0x28e: {  	(xrf1) =	vsort.ascd.msk.f32 $0xffff, v63, v15;
	v12 =	vmax.f32 v12, v14  }
0x28f: {  	(xrf1) =	vsort.dscd.msk.f32 $0xffff, v12, v0;
	_ =	sdelay $0x6  }
0x290: {  	s12 =	simm.s32 $0x20;
	s13 =	simm.s32 $0x100  }
0x291: {  	s31 =	sand.u32 $0x70, s12;
	s15 =	sand.u32 $0x1FC00, s13  }
0x292: {  	s14 =	simm.s32 $0x30;
	s15 =	sor.u32 s31, s15  }
.LBB2_8:
0x293: {  	p1 =	sne.s32 s14, $0x20C0;
	v12 =	vld [tilespmem:s15+$0x0];
	_ =	sdelay $0x2  }
0x294: {  	v13, _, _ =	vpop (xrf1)  }
0x295: {  	v14 =	vor.u32 s12, v0;
	s12 =	smov.u32 s14;
	v15, _, _ =	vpop (xrf1)  }
0x296: {  	(xrf1) =	vsort.ascd.msk.f32 $0xffff, v12, v14;
	v12 =	vmax.f32 v15, v13  }
0x297: {  	(xrf1) =	vsort.dscd.msk.f32 $0xffff, v12, v0;
	_ =	sdelay $0x4  }
.Ltmp14:
0x298: {  	(pc) =	sbr.rel @p1 .LBB2_8-.Ltmp14, $4  }
0x299: {  	_ = 	snop  }
0x29a: {  	s13 =	sadd.s32 $0x80, s13  }
0x29b: {  	s15 =	sand.u32 $0x70, s14;
	s16 =	sand.u32 $0x1FC00, s13  }
0x29c: {  	s14 =	sadd.s32 $0x10, s14;
	s15 =	sor.u32 s15, s16  }
0x29d: {  	v12 =	vld [tilespmem:s15+$0x0];
	_ =	sdelay $0x2  }
0x29e: {  	v13, _, _ =	vpop (xrf1)  }
0x29f: {  	v14 =	vor.u32 s12, v0;
	v15, _, _ =	vpop (xrf1)  }
0x2a0: {  	(xrf1) =	vsort.ascd.msk.f32 $0xffff, v12, v14;
	v12 =	vmax.f32 v15, v13  }
0x2a1: {  	(xrf1) =	vsort.dscd.msk.f32 $0xffff, v12, v0;
	_ =	sdelay $0xc  }
0x2a2: {  	v12, _, _ =	vpop (xrf1)  }
0x2a3: {  	v13, _, _ =	vpop (xrf1)  }
0x2a4: {  	v12 =	vmax.f32 v13, v12  }
0x2a5: {  	(xrf1) =	vsort.dscd.msk.f32 $0xffff, v12, v0;
	_ =	sdelay $0xd  }
0x2a6: {  	v13, _, _ =	vpop (xrf1)  }
0x2a7: {  	(v2sf) =	vpush v13, $0x0;
	_ =	sdelay $0xe  }
0x2a8: {  	s31 =	spop (v2sf)  }
0x2a9: {  	p1 =	sgt.f32 s31, $9.999999710e-10  }
.Ltmp15:
0x2aa: {  	_ = 	snop;
	(pc) =	sbr.rel @!p1 .LBB2_28-.Ltmp15, $1  }
0x2ab: {  	_ =	sdelay $0x3  }
0x2ac: {  	s17 =	simm.s32 $0x0  }
0x2ad: {  	s12 =	sand.u32 $0x70, s17;
	s13 =	sand.u32 $0x1FC00, s17  }
0x2ae: {  	s12 =	sor.u32 s12, s13  }
0x2af: {  	v14 =	vld [tilespmem:s12+$0x0];
	_ =	sdelay $0x2  }
0x2b0: {  	v12 =	vbroadcast v13, $0xC;
	_ =	sdelay $0x1  }
0x2b1: {  	vm8 =	veq.f32 v14, v12  }
0x2b2: {  	v15 =	vsel vm8, $0x1, v1  }
0x2b3: {  	(xrf0) =	vadd.scan.msk.s32 $0xffff, v15;
	_ =	sdelay $0x3  }
0x2b4: {  	vm7 =	vgt.f32 v13, v12  }
0x2b5: {  	v17 =	vimm.s32 $0x0;
	v13 =	vmpcnt.ones.xlane vm7;
	v15 =	vsel vm8, $0xFFFFFFFF, v1  }
0x2b6: {  	v15 =	vadd.s32 v15, v17;
	v16, _, _ =	vpop (xrf0)  }
0x2b7: {  	v13 =	vsub.s32 $0xD, v13;
	v15 =	vadd.s32 v16, v15  }
0x2b8: {  	vm7 =	vlt.s32 v15, v13  }
0x2b9: {  	vm9 =	vgt.f32 v14, v12;
	vm7 =	vmand vm8, vm7  }
0x2ba: {  	vm7 =	vmor vm9, vm7  }
0x2bb: {  	v14 =	vsel vm7, $0x1, v1  }
0x2bc: {  	(xrf0) =	vadd.scan.msk.s32 $0xffff, v14;
	_ =	sdelay $0x3  }
0x2bd: {  	v16 =	vmpcnt.ones.xlane vm7;
	v14 =	vmpcnt.ones.xlane vm8  }
0x2be: {  	v18 =	vsel vm7, $0xFFFFFFFF, v1  }
0x2bf: {  	v16 =	vadd.s32 v17, v16;
	v15 =	vadd.s32 v17, v14;
	v14 =	vadd.s32 v18, v17;
	v17, _, _ =	vpop (xrf0)  }
0x2c0: {  	v18 =	vadd.s32 v17, v14;
	_ =	sdelay $0x2  }
0x2c1: {  	s13 =	simm.s32 $0x80;
	s12 =	simm.s32 $0x10  }
0x2c2: {  	s14 =	simm.s32 $0x20;
	v19 =	vor.u32 s17, v0;
	s16 =	sand.u32 $0x1FC00, s13;
	s15 =	sand.u32 $0x70, s12;
	v17 =	vmov v15;
	v14 =	vmov v16  }
.LBB2_11:
0x2c3: {  	p1 =	sne.s32 s14, $0x20C0;
	s15 =	sor.u32 s15, s16;
	[tilespmem:v18+s9+$0x0] =	vst.idx.msk vm7, v19;
	s17 =	smov.u32 s12  }
0x2c4: {  	s12 =	smov.u32 s14;
	v18 =	vld [tilespmem:s15+$0x0];
	_ =	sdelay $0x4  }
0x2c5: {  	vm7 =	veq.f32 v18, v12  }
0x2c6: {  	v19 =	vsel vm7, $0x1, v1;
	v20 =	vmpcnt.ones.xlane vm7  }
0x2c7: {  	(xrf0) =	vadd.scan.msk.s32 $0xffff, v19  }
0x2c8: {  	v15 =	vadd.s32 v15, v20;
	_ =	sdelay $0x3  }
0x2c9: {  	v19 =	vsel vm7, $0xFFFFFFFF, v1  }
0x2ca: {  	v19 =	vadd.s32 v19, v17;
	v17 =	vmov v15;
	v20, _, _ =	vpop (xrf0)  }
0x2cb: {  	v19 =	vadd.s32 v20, v19  }
0x2cc: {  	vm8 =	vlt.s32 v19, v13  }
0x2cd: {  	vm9 =	vgt.f32 v18, v12;
	vm7 =	vmand vm7, vm8  }
0x2ce: {  	vm7 =	vmor vm9, vm7  }
0x2cf: {  	v18 =	vsel vm7, $0x1, v1;
	v19 =	vmpcnt.ones.xlane vm7  }
0x2d0: {  	(xrf0) =	vadd.scan.msk.s32 $0xffff, v18  }
0x2d1: {  	v16 =	vadd.s32 v16, v19;
	_ =	sdelay $0x3  }
0x2d2: {  	v18 =	vsel vm7, $0xFFFFFFFF, v1  }
0x2d3: {  	v18 =	vadd.s32 v18, v14;
	v14 =	vmov v16;
	v19, _, _ =	vpop (xrf0)  }
.Ltmp16:
0x2d4: {  	v18 =	vadd.s32 v19, v18;
	(pc) =	sbr.rel @p1 .LBB2_11-.Ltmp16, $3  }
0x2d5: {  	_ =	sdelay $0x1  }
0x2d6: {  	s13 =	sadd.s32 $0x80, s13  }
0x2d7: {  	s14 =	sadd.s32 $0x10, s14;
	s15 =	sand.u32 $0x70, s12;
	s16 =	sand.u32 $0x1FC00, s13;
	v19 =	vor.u32 s17, v0  }
0x2d8: {  	_ =	sdelay $0x4  }
0x2d9: {  	s13 =	sor.u32 s15, s16;
	[tilespmem:v18+s9+$0x0] =	vst.idx.msk vm7, v19  }
0x2da: {  	v15 =	vld [tilespmem:s13+$0x0];
	_ =	sdelay $0x4  }
0x2db: {  	vm7 =	veq.f32 v15, v12  }
0x2dc: {  	v16 =	vsel vm7, $0x1, v1  }
0x2dd: {  	(xrf0) =	vadd.scan.msk.s32 $0xffff, v16;
	_ =	sdelay $0x4  }
0x2de: {  	v58 =	vsel vm7, $0xFFFFFFFF, v1  }
0x2df: {  	v16 =	vadd.s32 v58, v17;
	v59, _, _ =	vpop (xrf0)  }
0x2e0: {  	v16 =	vadd.s32 v59, v16  }
0x2e1: {  	vm8 =	vlt.s32 v16, v13  }
0x2e2: {  	vm9 =	vgt.f32 v15, v12;
	vm7 =	vmand vm7, vm8  }
0x2e3: {  	vm7 =	vmor vm9, vm7  }
0x2e4: {  	v60 =	vsel vm7, $0x1, v1  }
0x2e5: {  	(xrf0) =	vadd.scan.msk.s32 $0xffff, v60;
	_ =	sdelay $0x4  }
0x2e6: {  	v61 =	vsel vm7, $0xFFFFFFFF, v1  }
0x2e7: {  	v12 =	vadd.s32 v61, v14;
	v62, _, _ =	vpop (xrf0)  }
0x2e8: {  	v12 =	vadd.s32 v62, v12;
	_ =	sdelay $0x3  }
0x2e9: {  	v63 =	vor.u32 s12, v0  }
0x2ea: {  	[tilespmem:v12+s9+$0x0] =	vst.idx.msk vm7, v63  }
.LBB2_28:
0x2eb: {  	v12 =	vmpcnt.ones.xlane vm6;
	_ =	sdelay $0x1  }
0x2ec: {  	v10 =	vadd.s32 v10, v12  }
0x2ed: {  	(v2sf) =	vpush v10, $0x0;
	_ =	sdelay $0xe  }
0x2ee: {  	s13 =	spop (v2sf)  }
0x2ef: {  	s14 =	sadd.s32 $0xFFFFFC00, s13  }
0x2f0: {  	p1 =	sgt.s32 s14, $0x3F0  }
.Ltmp17:
0x2f1: {  	_ = 	snop;
	(pc) =	sbr.rel @p1 .LBB2_29-.Ltmp17, $2  }
0x2f2: {  	_ =	sdelay $0x2  }
0x2f3: {  	[tilespmem:$0x12810] =	vst v2  }
0x2f4: {  	s12 =	sadd.s32 $0xFFFFFC0F, s13  }
0x2f5: {  	s15 =	sand.u32 $0xF, s12  }
0x2f6: {  	p2 =	slt.s32 s13, $0x3F2;
	s31 =	sshra.s32 s12, $0x1F;
	p1 =	sne.s32 s15, $0x0  }
0x2f7: {  	s15 =	sshrl.u32 s31, $0x1C;
	p1 =	por !p2, !p1  }
0x2f8: {  	s12 =	sadd.s32 s15, s12;
	s15 =	simm.s32 $0x1;
	p1 =	por !p1, !p1  }
0x2f9: {  	s12 =	sshra.s32 s12, $0x4;
	s15 =	simm.s32 @!p1 $0x0  }
0x2fa: {  	s12 =	ssub.s32 s12, s15  }
0x2fb: {  	p1 =	slt.s32 s12, $0x1  }
.Ltmp18:
0x2fc: {  	_ = 	snop;
	(pc) =	sbr.rel @p1 .LBB2_47-.Ltmp18, $2  }
0x2fd: {  	_ =	sdelay $0x2  }
0x2fe: {  	v10 =	vmov s14;
	[tilespmem:s13+$0x10800] =	vst v1;
	v12 =	vimm.f32 $-3.000000010e+38;
	s13 =	simm.s32 $0x0  }
0x2ff: {  	p4 =	sne.s32 s12, $0x1  }
.Ltmp19:
0x300: {  	_ = 	snop;
	(pc) =	sbr.rel @!p4 .LBB2_37-.Ltmp19, $3  }
0x301: {  	_ =	sdelay $0x1  }
0x302: {  	s14 =	sand.u32 $0xFFFFFFF0, s13;
	s15 =	sadd.s32 $0xFFFFFFFF, s12  }
0x303: {  	p1 =	por $0x0, $0x0;
	p2 =	por $0x0, $0x0;
	p3 =	por $0x0, $0x0;
	v16 =	vld [tilespmem:s14+$0x10C00]  }
0x304: {  	_ =	sdelay $0x3  }
0x305: {  	v13 =	vshll.u32 v16, $0x3  }
0x306: {  	v14 =	vand.u32 $0x7F, v16;
	v13 =	vand.u32 $0xFFFFFC00, v13  }
0x307: {  	v13 =	vor.u32 v13, v14  }
0x308: {  	v13 =	vor.u32 $0x80, v13  }
0x309: {  	p4 =	sne.s32 s15, $0x1  }
.Ltmp20:
0x30a: {  	_ = 	snop;
	(pc) =	sbr.rel @!p4 .LBB2_39-.Ltmp20, $4  }
0x30b: {  	_ = 	snop  }
0x30c: {  	s14 =	simm.s32 $0x10  }
0x30d: {  	s16 =	sand.u32 $0xFFFFFFF0, s14;
	v14 =	vld.idx.msk [tilespmem:v13+s3+$0x0], $0xffff  }
0x30e: {  	s15 =	sadd.s32 $0xFFFFFFFF, s15;
	p1 =	por $0x1, $0x1;
	v13 =	vld [tilespmem:s16+$0x10C00]  }
0x30f: {  	_ =	sdelay $0x3  }
0x310: {  	v15 =	vshll.u32 v13, $0x3  }
0x311: {  	v17 =	vand.u32 $0x7F, v13;
	v15 =	vand.u32 $0xFFFFFC00, v15  }
0x312: {  	v15 =	vor.u32 v15, v17  }
0x313: {  	v15 =	vor.u32 $0x80, v15;
	_ =	sdelay $0x1  }
0x314: {  	p4 =	sne.s32 s15, $0x1  }
.Ltmp21:
0x315: {  	v17 =	vor.u32 s13, v0;
	(pc) =	sbr.rel @!p4 .LBB2_41-.Ltmp21, $4  }
0x316: {  	s13 =	simm.s32 $0x20;
	vm6 =	vlt.s32 v17, v10  }
0x317: {  	s16 =	sand.u32 $0xFFFFFFF0, s13;
	v17 =	vnsel vm6, $0xBF800000, v14;
	v14 =	vld.idx.msk [tilespmem:v15+s3+$0x0], $0xffff  }
0x318: {  	v15 =	vld [tilespmem:s16+$0x10C00]  }
0x319: {  	s15 =	sadd.s32 $0xFFFFFFFF, s15;
	p2 =	por $0x1, $0x1;
	(xrf1) =	vsort.ascd.msk.f32 $0xffff, v17, v16  }
0x31a: {  	_ =	sdelay $0x7  }
0x31b: {  	v16 =	vshll.u32 v15, $0x3  }
0x31c: {  	v17 =	vand.u32 $0x7F, v15;
	v16 =	vand.u32 $0xFFFFFC00, v16  }
0x31d: {  	v16 =	vor.u32 v16, v17;
	v17 =	vor.u32 s14, v0;
	_ =	sdelay $0x1  }
0x31e: {  	vm6 =	vlt.s32 v17, v10  }
0x31f: {  	v14 =	vnsel vm6, $0xBF800000, v14;
	v17, _, _ =	vpop (xrf1)  }
0x320: {  	(xrf1) =	vsort.ascd.msk.f32 $0xffff, v14, v13;
	v13 =	vmax.f32 v12, v17  }
0x321: {  	(xrf1) =	vsort.dscd.msk.f32 $0xffff, v13, v0;
	_ =	sdelay $0x3  }
0x322: {  	v16 =	vor.u32 $0x80, v16;
	_ =	sdelay $0x1  }
0x323: {  	p4 =	sne.s32 s15, $0x1  }
.Ltmp22:
0x324: {  	_ = 	snop;
	(pc) =	sbr.rel @!p4 .LBB2_43-.Ltmp22, $4  }
0x325: {  	_ = 	snop  }
0x326: {  	s14 =	simm.s32 $0x30;
	v14 =	vld.idx.msk [tilespmem:v16+s3+$0x0], $0xffff  }
0x327: {  	s16 =	sand.u32 $0xFFFFFFF0, s14  }
0x328: {  	s15 =	sadd.s32 $0xFFFFFFFF, s15;
	p3 =	por $0x1, $0x1;
	v13 =	vld [tilespmem:s16+$0x10C00]  }
.LBB2_44:
0x329: {  	p4 =	sne.s32 s15, $0x1;
	v18 =	vor.u32 s13, v0;
	s13 =	smov.u32 s14  }
0x32a: {  	vm6 =	vlt.s32 v18, v10;
	v16, _, _ =	vpop (xrf1)  }
0x32b: {  	v14 =	vnsel vm6, $0xBF800000, v14;
	v17, _, _ =	vpop (xrf1)  }
0x32c: {  	(xrf1) =	vsort.ascd.msk.f32 $0xffff, v14, v15;
	v14 =	vmax.f32 v17, v16  }
0x32d: {  	v16 =	vshll.u32 v13, $0x3;
	(xrf1) =	vsort.dscd.msk.f32 $0xffff, v14, v0;
	v15 =	vmov v13  }
0x32e: {  	v13 =	vand.u32 $0x7F, v15;
	v14 =	vand.u32 $0xFFFFFC00, v16  }
0x32f: {  	v13 =	vor.u32 v14, v13  }
0x330: {  	v13 =	vor.u32 $0x80, v13;
	_ =	sdelay $0x3  }
.Ltmp23:
0x331: {  	(pc) =	sbr.rel @p4 .LBB2_44-.Ltmp23, $4  }
0x332: {  	v14 =	vld.idx.msk [tilespmem:v13+s3+$0x0], $0xffff  }
0x333: {  	s14 =	sadd.s32 $0x10, s14  }
0x334: {  	s16 =	sand.u32 $0xFFFFFFF0, s14  }
0x335: {  	s15 =	sadd.s32 $0xFFFFFFFF, s15;
	v13 =	vld [tilespmem:s16+$0x10C00]  }
0x336: {  	v16 =	vmov v15  }
.LBB2_46:
0x337: {  	v15 =	vor.u32 @p1 s13, v0;
	_ =	sdelay $0x1  }
0x338: {  	v17, _, _ =	vpop @p2 (xrf1)  }
0x339: {  	vm6 =	vlt.s32 @p1 v15, v10;
	v15, _, _ =	vpop @p3 (xrf1)  }
0x33a: {  	v14 =	vnsel @p1 vm6, $0xBF800000, v14;
	v15 =	vpsel p3, v15, v12  }
0x33b: {  	(xrf1) =	vsort.ascd.msk.f32 @p1 $0xffff, v14, v16;
	v14 =	vmax.f32 @p2 v15, v17  }
0x33c: {  	(xrf1) =	vsort.dscd.msk.f32 @p2 $0xffff, v14, v0;
	_ =	sdelay $0x1  }
0x33d: {  	v14 =	vshll.u32 v13, $0x3  }
0x33e: {  	v15 =	vand.u32 $0x7F, v13;
	v14 =	vand.u32 $0xFFFFFC00, v14  }
0x33f: {  	v14 =	vor.u32 v14, v15  }
0x340: {  	v14 =	vor.u32 $0x80, v14;
	_ =	sdelay $0x4  }
0x341: {  	v14 =	vld.idx.msk [tilespmem:v14+s3+$0x0], $0xffff  }
0x342: {  	v15 =	vor.u32 s14, v0;
	_ =	sdelay $0x1  }
0x343: {  	v16, _, _ =	vpop @p1 (xrf1)  }
0x344: {  	vm6 =	vlt.s32 v15, v10;
	v15, _, _ =	vpop @p2 (xrf1)  }
0x345: {  	v14 =	vnsel vm6, $0xBF800000, v14;
	v15 =	vpsel p2, v15, v12  }
0x346: {  	(xrf1) =	vsort.ascd.msk.f32 $0xffff, v14, v13;
	v13 =	vmax.f32 @p1 v15, v16  }
0x347: {  	(xrf1) =	vsort.dscd.msk.f32 @p1 $0xffff, v13, v0;
	_ =	sdelay $0xc  }
0x348: {  	v13, _, _ =	vpop (xrf1)  }
0x349: {  	v14, _, _ =	vpop @p1 (xrf1)  }
0x34a: {  	v12 =	vpsel p1, v14, v12  }
0x34b: {  	v12 =	vmax.f32 v12, v13  }
0x34c: {  	(xrf1) =	vsort.dscd.msk.f32 $0xffff, v12, v0;
	_ =	sdelay $0xd  }
0x34d: {  	v12, _, _ =	vpop (xrf1)  }
.LBB2_47:
0x34e: {  	(v2sf) =	vpush v12, $0x0;
	_ =	sdelay $0xe  }
0x34f: {  	s13 =	spop (v2sf)  }
0x350: {  	p1 =	sgt.f32 s13, $9.999999710e-10;
	_ =	sdelay $0x1  }
0x351: {  	p2 =	slt.s32 @p1 s12, $0x1  }
0x352: {  	p1 =	por !p1, p2  }
.Ltmp24:
0x353: {  	_ = 	snop;
	(pc) =	sbr.rel @p1 .LBB2_50-.Ltmp24, $1  }
0x354: {  	_ =	sdelay $0x3  }
0x355: {  	v13 =	vbroadcast v12, $0xC;
	_ =	sdelay $0x1  }
0x356: {  	vm6 =	vgt.f32 v12, v13  }
0x357: {  	v12 =	vmpcnt.ones.xlane vm6;
	_ =	sdelay $0x1  }
0x358: {  	v14 =	vimm.s32 $0x0;
	v15 =	vimm.s32 $0x10;
	s13 =	simm.s32 $0x0;
	v12 =	vsub.s32 $0xD, v12  }
.LBB2_49:
0x359: {  	s14 =	sand.u32 $0xFFFFFFF0, s13  }
0x35a: {  	v16 =	vld [tilespmem:s14+$0x10C00];
	_ =	sdelay $0x4  }
0x35b: {  	v17 =	vshll.u32 v16, $0x3  }
0x35c: {  	v18 =	vand.u32 $0x7F, v16;
	v17 =	vand.u32 $0xFFFFFC00, v17  }
0x35d: {  	v17 =	vor.u32 v17, v18  }
0x35e: {  	v17 =	vor.u32 $0x80, v17;
	_ =	sdelay $0x4  }
0x35f: {  	v17 =	vld.idx.msk [tilespmem:v17+s3+$0x0], $0xffff;
	_ =	sdelay $0x2  }
0x360: {  	v58 =	vor.u32 s13, v0  }
0x361: {  	vm6 =	vlt.s32 v58, v10  }
0x362: {  	v17 =	vnsel vm6, $0xBF800000, v17  }
0x363: {  	vm6 =	veq.f32 v17, v13  }
0x364: {  	v59 =	vsel vm6, $0x1, v1  }
0x365: {  	(xrf0) =	vadd.scan.msk.s32 $0xffff, v59;
	_ =	sdelay $0x4  }
0x366: {  	v60 =	vsel vm6, $0xFFFFFFFF, v1  }
0x367: {  	v18 =	vadd.s32 v60, v14;
	v19, _, _ =	vpop (xrf0)  }
0x368: {  	v18 =	vadd.s32 v19, v18  }
0x369: {  	vm7 =	vlt.s32 v18, v12  }
0x36a: {  	vm8 =	vgt.f32 v17, v13;
	vm7 =	vmand vm6, vm7  }
0x36b: {  	vm7 =	vmor vm8, vm7  }
0x36c: {  	v17 =	vsel vm7, $0x1, v1  }
0x36d: {  	(xrf0) =	vadd.scan.msk.s32 $0xffff, v17;
	_ =	sdelay $0x4  }
0x36e: {  	v17 =	vsel vm7, $0xFFFFFFFF, v1  }
0x36f: {  	v17 =	vadd.s32 v17, v15;
	v61, _, _ =	vpop (xrf0)  }
0x370: {  	p1 =	seq.s32 s12, $0x1;
	v17 =	vadd.s32 v61, v17  }
.Ltmp25:
0x371: {  	_ = 	snop;
	(pc) =	sbr.rel @!p1 .LBB2_49-.Ltmp25, $3  }
0x372: {  	_ = 	snop  }
0x373: {  	v62 =	vmpcnt.ones.xlane vm6;
	v63 =	vmpcnt.ones.xlane vm7;
	_ =	sdelay $0x1  }
0x374: {  	s13 =	sadd.s32 $0x10, s13;
	s12 =	sadd.s32 $0xFFFFFFFF, s12;
	v14 =	vadd.s32 v14, v62;
	v15 =	vadd.s32 v15, v63;
	[tilespmem:v17+s9+$0x0] =	vst.idx.msk vm7, v16  }
.Ltmp26:
0x375: {  	_ = 	snop;
	(pc) =	sbr.rel .LBB2_50-.Ltmp26, $1  }
0x376: {  	_ =	sdelay $0x3  }
.LBB2_29:
0x377: {  	s12 =	simm.s32 $0x0  }
0x378: {  	s13 =	sand.u32 $0x70, s12;
	s14 =	sand.u32 $0x1FC00, s12  }
0x379: {  	s13 =	sor.u32 s13, s14  }
0x37a: {  	v12 =	vld [tilespmem:s13+$0x80];
	_ =	sdelay $0x3  }
0x37b: {  	v13 =	vor.u32 s12, v0  }
0x37c: {  	(xrf1) =	vsort.ascd.msk.f32 $0xffff, v12, v13;
	_ =	sdelay $0x6  }
0x37d: {  	s28 =	simm.s32 $0x10;
	s29 =	simm.s32 $0x80  }
0x37e: {  	s30 =	sand.u32 $0x70, s28;
	s12 =	sand.u32 $0x1FC00, s29  }
0x37f: {  	s12 =	sor.u32 s30, s12  }
0x380: {  	v63 =	vld [tilespmem:s12+$0x80];
	_ =	sdelay $0x3  }
0x381: {  	v10 =	vimm.f32 $-3.000000010e+38;
	v14 =	vor.u32 s28, v0;
	v13, _, _ =	vpop (xrf1)  }
0x382: {  	(xrf1) =	vsort.ascd.msk.f32 $0xffff, v63, v14;
	v10 =	vmax.f32 v10, v13  }
0x383: {  	(xrf1) =	vsort.dscd.msk.f32 $0xffff, v10, v0;
	_ =	sdelay $0x6  }
0x384: {  	s12 =	simm.s32 $0x20;
	s13 =	simm.s32 $0x100  }
0x385: {  	s31 =	sand.u32 $0x70, s12;
	s15 =	sand.u32 $0x1FC00, s13  }
0x386: {  	s14 =	simm.s32 $0x30;
	s15 =	sor.u32 s31, s15  }
.LBB2_30:
0x387: {  	p1 =	sne.s32 s14, $0x20C0;
	v10 =	vld [tilespmem:s15+$0x80];
	_ =	sdelay $0x2  }
0x388: {  	v12, _, _ =	vpop (xrf1)  }
0x389: {  	v13 =	vor.u32 s12, v0;
	s12 =	smov.u32 s14;
	v14, _, _ =	vpop (xrf1)  }
0x38a: {  	(xrf1) =	vsort.ascd.msk.f32 $0xffff, v10, v13;
	v10 =	vmax.f32 v14, v12  }
0x38b: {  	(xrf1) =	vsort.dscd.msk.f32 $0xffff, v10, v0;
	_ =	sdelay $0x4  }
.Ltmp27:
0x38c: {  	(pc) =	sbr.rel @p1 .LBB2_30-.Ltmp27, $4  }
0x38d: {  	_ = 	snop  }
0x38e: {  	s13 =	sadd.s32 $0x80, s13  }
0x38f: {  	s15 =	sand.u32 $0x70, s14;
	s16 =	sand.u32 $0x1FC00, s13  }
0x390: {  	s14 =	sadd.s32 $0x10, s14;
	s15 =	sor.u32 s15, s16  }
0x391: {  	v10 =	vld [tilespmem:s15+$0x80];
	_ =	sdelay $0x2  }
0x392: {  	v12, _, _ =	vpop (xrf1)  }
0x393: {  	v13 =	vor.u32 s12, v0;
	v14, _, _ =	vpop (xrf1)  }
0x394: {  	(xrf1) =	vsort.ascd.msk.f32 $0xffff, v10, v13;
	v10 =	vmax.f32 v14, v12  }
0x395: {  	(xrf1) =	vsort.dscd.msk.f32 $0xffff, v10, v0;
	_ =	sdelay $0xc  }
0x396: {  	v10, _, _ =	vpop (xrf1)  }
0x397: {  	v12, _, _ =	vpop (xrf1)  }
0x398: {  	v10 =	vmax.f32 v12, v10  }
0x399: {  	(xrf1) =	vsort.dscd.msk.f32 $0xffff, v10, v0;
	_ =	sdelay $0xd  }
0x39a: {  	v12, _, _ =	vpop (xrf1)  }
0x39b: {  	(v2sf) =	vpush v12, $0x0;
	_ =	sdelay $0xe  }
0x39c: {  	s31 =	spop (v2sf)  }
0x39d: {  	p1 =	sgt.f32 s31, $9.999999710e-10  }
.Ltmp28:
0x39e: {  	_ = 	snop;
	(pc) =	sbr.rel @!p1 .LBB2_50-.Ltmp28, $1  }
0x39f: {  	_ =	sdelay $0x3  }
0x3a0: {  	s17 =	simm.s32 $0x0  }
0x3a1: {  	s12 =	sand.u32 $0x70, s17;
	s13 =	sand.u32 $0x1FC00, s17  }
0x3a2: {  	s12 =	sor.u32 s12, s13  }
0x3a3: {  	v13 =	vld [tilespmem:s12+$0x80];
	_ =	sdelay $0x2  }
0x3a4: {  	v10 =	vbroadcast v12, $0xC;
	_ =	sdelay $0x1  }
0x3a5: {  	vm7 =	veq.f32 v13, v10  }
0x3a6: {  	v14 =	vsel vm7, $0x1, v1  }
0x3a7: {  	(xrf0) =	vadd.scan.msk.s32 $0xffff, v14;
	_ =	sdelay $0x3  }
0x3a8: {  	vm6 =	vgt.f32 v12, v10  }
0x3a9: {  	v12 =	vmpcnt.ones.xlane vm6;
	v15 =	vsel vm7, $0xFFFFFFFF, v1;
	v14 =	vimm.s32 $0x0  }
0x3aa: {  	v15 =	vadd.s32 v15, v14;
	v16, _, _ =	vpop (xrf0)  }
0x3ab: {  	v12 =	vsub.s32 $0xD, v12;
	v15 =	vadd.s32 v16, v15  }
0x3ac: {  	vm6 =	vlt.s32 v15, v12  }
0x3ad: {  	vm8 =	vgt.f32 v13, v10;
	vm6 =	vmand vm7, vm6  }
0x3ae: {  	vm6 =	vmor vm8, vm6  }
0x3af: {  	v13 =	vsel vm6, $0x1, v1  }
0x3b0: {  	(xrf0) =	vadd.scan.msk.s32 $0xffff, v13;
	_ =	sdelay $0x2  }
0x3b1: {  	v16 =	vimm.s32 $0x10  }
0x3b2: {  	v15 =	vmpcnt.ones.xlane vm6;
	v13 =	vmpcnt.ones.xlane vm7  }
0x3b3: {  	v17 =	vsel vm6, $0xFFFFFFFF, v1  }
0x3b4: {  	v15 =	vadd.s32 v16, v15;
	v14 =	vadd.s32 v14, v13;
	v13 =	vadd.s32 v17, v16;
	v16, _, _ =	vpop (xrf0)  }
0x3b5: {  	v17 =	vadd.s32 v16, v13;
	_ =	sdelay $0x2  }
0x3b6: {  	s13 =	simm.s32 $0x80;
	s12 =	simm.s32 $0x10  }
0x3b7: {  	s14 =	simm.s32 $0x20;
	v18 =	vor.u32 s17, v0;
	s16 =	sand.u32 $0x1FC00, s13;
	s15 =	sand.u32 $0x70, s12;
	v16 =	vmov v14;
	v13 =	vmov v15  }
.LBB2_33:
0x3b8: {  	p1 =	sne.s32 s14, $0x20C0;
	s15 =	sor.u32 s15, s16;
	[tilespmem:v17+s9+$0x0] =	vst.idx.msk vm6, v18;
	s17 =	smov.u32 s12  }
0x3b9: {  	s12 =	smov.u32 s14;
	v17 =	vld [tilespmem:s15+$0x80];
	_ =	sdelay $0x4  }
0x3ba: {  	vm6 =	veq.f32 v17, v10  }
0x3bb: {  	v18 =	vsel vm6, $0x1, v1;
	v19 =	vmpcnt.ones.xlane vm6  }
0x3bc: {  	(xrf0) =	vadd.scan.msk.s32 $0xffff, v18  }
0x3bd: {  	v14 =	vadd.s32 v14, v19;
	_ =	sdelay $0x3  }
0x3be: {  	v18 =	vsel vm6, $0xFFFFFFFF, v1  }
0x3bf: {  	v18 =	vadd.s32 v18, v16;
	v16 =	vmov v14;
	v19, _, _ =	vpop (xrf0)  }
0x3c0: {  	v18 =	vadd.s32 v19, v18  }
0x3c1: {  	vm7 =	vlt.s32 v18, v12  }
0x3c2: {  	vm8 =	vgt.f32 v17, v10;
	vm6 =	vmand vm6, vm7  }
0x3c3: {  	vm6 =	vmor vm8, vm6  }
0x3c4: {  	v17 =	vsel vm6, $0x1, v1;
	v18 =	vmpcnt.ones.xlane vm6  }
0x3c5: {  	(xrf0) =	vadd.scan.msk.s32 $0xffff, v17  }
0x3c6: {  	v15 =	vadd.s32 v15, v18;
	_ =	sdelay $0x3  }
0x3c7: {  	v17 =	vsel vm6, $0xFFFFFFFF, v1  }
0x3c8: {  	v17 =	vadd.s32 v17, v13;
	v13 =	vmov v15;
	v18, _, _ =	vpop (xrf0)  }
.Ltmp29:
0x3c9: {  	v17 =	vadd.s32 v18, v17;
	(pc) =	sbr.rel @p1 .LBB2_33-.Ltmp29, $3  }
0x3ca: {  	_ =	sdelay $0x1  }
0x3cb: {  	s13 =	sadd.s32 $0x80, s13  }
0x3cc: {  	s14 =	sadd.s32 $0x10, s14;
	s15 =	sand.u32 $0x70, s12;
	s16 =	sand.u32 $0x1FC00, s13;
	v18 =	vor.u32 s17, v0  }
0x3cd: {  	_ =	sdelay $0x4  }
0x3ce: {  	s13 =	sor.u32 s15, s16;
	[tilespmem:v17+s9+$0x0] =	vst.idx.msk vm6, v18  }
0x3cf: {  	v14 =	vld [tilespmem:s13+$0x80];
	_ =	sdelay $0x4  }
0x3d0: {  	vm6 =	veq.f32 v14, v10  }
0x3d1: {  	v15 =	vsel vm6, $0x1, v1  }
0x3d2: {  	(xrf0) =	vadd.scan.msk.s32 $0xffff, v15;
	_ =	sdelay $0x4  }
0x3d3: {  	v60 =	vsel vm6, $0xFFFFFFFF, v1  }
0x3d4: {  	v15 =	vadd.s32 v60, v16;
	v61, _, _ =	vpop (xrf0)  }
0x3d5: {  	v15 =	vadd.s32 v61, v15  }
0x3d6: {  	vm7 =	vlt.s32 v15, v12  }
0x3d7: {  	vm8 =	vgt.f32 v14, v10;
	vm6 =	vmand vm6, vm7  }
0x3d8: {  	vm6 =	vmor vm8, vm6  }
0x3d9: {  	v10 =	vsel vm6, $0x1, v1  }
0x3da: {  	(xrf0) =	vadd.scan.msk.s32 $0xffff, v10;
	_ =	sdelay $0x4  }
0x3db: {  	v10 =	vsel vm6, $0xFFFFFFFF, v1  }
0x3dc: {  	v10 =	vadd.s32 v10, v13;
	v62, _, _ =	vpop (xrf0)  }
0x3dd: {  	v10 =	vadd.s32 v62, v10;
	_ =	sdelay $0x3  }
0x3de: {  	v63 =	vor.u32 s12, v0  }
0x3df: {  	[tilespmem:v10+s9+$0x0] =	vst.idx.msk vm6, v63  }
.LBB2_50:
0x3e0: {  	v10 =	vmpcnt.ones.xlane vm5;
	_ =	sdelay $0x1  }
0x3e1: {  	v10 =	vadd.s32 v11, v10  }
0x3e2: {  	(v2sf) =	vpush v10, $0x0;
	_ =	sdelay $0xe  }
0x3e3: {  	s13 =	spop (v2sf)  }
0x3e4: {  	s14 =	sadd.s32 $0xFFFFF800, s13  }
0x3e5: {  	p1 =	sgt.s32 s14, $0x3F0  }
.Ltmp30:
0x3e6: {  	_ = 	snop;
	(pc) =	sbr.rel @p1 .LBB2_51-.Ltmp30, $2  }
0x3e7: {  	_ =	sdelay $0x2  }
0x3e8: {  	[tilespmem:$0x12820] =	vst v2  }
0x3e9: {  	s12 =	sadd.s32 $0xFFFFF80F, s13  }
0x3ea: {  	s15 =	sand.u32 $0xF, s12  }
0x3eb: {  	p2 =	slt.s32 s13, $0x7F2;
	s31 =	sshra.s32 s12, $0x1F;
	p1 =	sne.s32 s15, $0x0  }
0x3ec: {  	s15 =	sshrl.u32 s31, $0x1C;
	p1 =	por !p2, !p1  }
0x3ed: {  	s12 =	sadd.s32 s15, s12;
	s15 =	simm.s32 $0x1;
	p1 =	por !p1, !p1  }
0x3ee: {  	s12 =	sshra.s32 s12, $0x4;
	s15 =	simm.s32 @!p1 $0x0  }
0x3ef: {  	s12 =	ssub.s32 s12, s15  }
0x3f0: {  	p1 =	slt.s32 s12, $0x1  }
.Ltmp31:
0x3f1: {  	_ = 	snop;
	(pc) =	sbr.rel @p1 .LBB2_69-.Ltmp31, $2  }
0x3f2: {  	_ =	sdelay $0x2  }
0x3f3: {  	v10 =	vmov s14;
	[tilespmem:s13+$0x10800] =	vst v1;
	v11 =	vimm.f32 $-3.000000010e+38;
	s13 =	simm.s32 $0x0  }
0x3f4: {  	p4 =	sne.s32 s12, $0x1  }
.Ltmp32:
0x3f5: {  	_ = 	snop;
	(pc) =	sbr.rel @!p4 .LBB2_59-.Ltmp32, $3  }
0x3f6: {  	_ =	sdelay $0x1  }
0x3f7: {  	s14 =	sand.u32 $0xFFFFFFF0, s13;
	s15 =	sadd.s32 $0xFFFFFFFF, s12  }
0x3f8: {  	p1 =	por $0x0, $0x0;
	p2 =	por $0x0, $0x0;
	p3 =	por $0x0, $0x0;
	v15 =	vld [tilespmem:s14+$0x11000]  }
0x3f9: {  	_ =	sdelay $0x3  }
0x3fa: {  	v12 =	vshll.u32 v15, $0x3  }
0x3fb: {  	v13 =	vand.u32 $0x7F, v15;
	v12 =	vand.u32 $0xFFFFFC00, v12  }
0x3fc: {  	v12 =	vor.u32 v12, v13  }
0x3fd: {  	v12 =	vor.u32 $0x100, v12  }
0x3fe: {  	p4 =	sne.s32 s15, $0x1  }
.Ltmp33:
0x3ff: {  	_ = 	snop;
	(pc) =	sbr.rel @!p4 .LBB2_61-.Ltmp33, $4  }
0x400: {  	_ = 	snop  }
0x401: {  	s14 =	simm.s32 $0x10  }
0x402: {  	s16 =	sand.u32 $0xFFFFFFF0, s14;
	v13 =	vld.idx.msk [tilespmem:v12+s3+$0x0], $0xffff  }
0x403: {  	s15 =	sadd.s32 $0xFFFFFFFF, s15;
	p1 =	por $0x1, $0x1;
	v12 =	vld [tilespmem:s16+$0x11000]  }
0x404: {  	_ =	sdelay $0x3  }
0x405: {  	v14 =	vshll.u32 v12, $0x3  }
0x406: {  	v16 =	vand.u32 $0x7F, v12;
	v14 =	vand.u32 $0xFFFFFC00, v14  }
0x407: {  	v14 =	vor.u32 v14, v16  }
0x408: {  	v14 =	vor.u32 $0x100, v14;
	_ =	sdelay $0x1  }
0x409: {  	p4 =	sne.s32 s15, $0x1  }
.Ltmp34:
0x40a: {  	v63 =	vor.u32 s13, v0;
	(pc) =	sbr.rel @!p4 .LBB2_63-.Ltmp34, $4  }
0x40b: {  	s13 =	simm.s32 $0x20;
	vm5 =	vlt.s32 v63, v10  }
0x40c: {  	s16 =	sand.u32 $0xFFFFFFF0, s13;
	v16 =	vnsel vm5, $0xBF800000, v13;
	v13 =	vld.idx.msk [tilespmem:v14+s3+$0x0], $0xffff  }
0x40d: {  	v14 =	vld [tilespmem:s16+$0x11000]  }
0x40e: {  	s15 =	sadd.s32 $0xFFFFFFFF, s15;
	p2 =	por $0x1, $0x1;
	(xrf1) =	vsort.ascd.msk.f32 $0xffff, v16, v15  }
0x40f: {  	_ =	sdelay $0xa  }
0x410: {  	v62 =	vor.u32 s14, v0  }
0x411: {  	vm5 =	vlt.s32 v62, v10  }
0x412: {  	v13 =	vnsel vm5, $0xBF800000, v13;
	v63, _, _ =	vpop (xrf1)  }
0x413: {  	(xrf1) =	vsort.ascd.msk.f32 $0xffff, v13, v12;
	v12 =	vmax.f32 v11, v63  }
0x414: {  	(xrf1) =	vsort.dscd.msk.f32 $0xffff, v12, v0  }
0x415: {  	v15 =	vshll.u32 v14, $0x3  }
0x416: {  	v16 =	vand.u32 $0x7F, v14;
	v15 =	vand.u32 $0xFFFFFC00, v15  }
0x417: {  	v15 =	vor.u32 v15, v16  }
0x418: {  	v15 =	vor.u32 $0x100, v15;
	_ =	sdelay $0x1  }
0x419: {  	p4 =	sne.s32 s15, $0x1  }
.Ltmp35:
0x41a: {  	_ = 	snop;
	(pc) =	sbr.rel @!p4 .LBB2_65-.Ltmp35, $4  }
0x41b: {  	_ = 	snop  }
0x41c: {  	s14 =	simm.s32 $0x30;
	v13 =	vld.idx.msk [tilespmem:v15+s3+$0x0], $0xffff  }
0x41d: {  	s16 =	sand.u32 $0xFFFFFFF0, s14  }
0x41e: {  	s15 =	sadd.s32 $0xFFFFFFFF, s15;
	p3 =	por $0x1, $0x1;
	v12 =	vld [tilespmem:s16+$0x11000]  }
.LBB2_66:
0x41f: {  	p4 =	sne.s32 s15, $0x1;
	v17 =	vor.u32 s13, v0;
	s13 =	smov.u32 s14  }
0x420: {  	vm5 =	vlt.s32 v17, v10;
	v15, _, _ =	vpop (xrf1)  }
0x421: {  	v13 =	vnsel vm5, $0xBF800000, v13;
	v16, _, _ =	vpop (xrf1)  }
0x422: {  	(xrf1) =	vsort.ascd.msk.f32 $0xffff, v13, v14;
	v13 =	vmax.f32 v16, v15  }
0x423: {  	v15 =	vshll.u32 v12, $0x3;
	(xrf1) =	vsort.dscd.msk.f32 $0xffff, v13, v0;
	v14 =	vmov v12  }
0x424: {  	v12 =	vand.u32 $0x7F, v14;
	v13 =	vand.u32 $0xFFFFFC00, v15  }
0x425: {  	v12 =	vor.u32 v13, v12  }
0x426: {  	v12 =	vor.u32 $0x100, v12;
	_ =	sdelay $0x3  }
.Ltmp36:
0x427: {  	(pc) =	sbr.rel @p4 .LBB2_66-.Ltmp36, $4  }
0x428: {  	v13 =	vld.idx.msk [tilespmem:v12+s3+$0x0], $0xffff  }
0x429: {  	s14 =	sadd.s32 $0x10, s14  }
0x42a: {  	s16 =	sand.u32 $0xFFFFFFF0, s14  }
0x42b: {  	s15 =	sadd.s32 $0xFFFFFFFF, s15;
	v12 =	vld [tilespmem:s16+$0x11000]  }
0x42c: {  	v15 =	vmov v14  }
.LBB2_68:
0x42d: {  	v14 =	vor.u32 @p1 s13, v0;
	_ =	sdelay $0x1  }
0x42e: {  	v16, _, _ =	vpop @p2 (xrf1)  }
0x42f: {  	vm5 =	vlt.s32 @p1 v14, v10;
	v14, _, _ =	vpop @p3 (xrf1)  }
0x430: {  	v13 =	vnsel @p1 vm5, $0xBF800000, v13;
	v14 =	vpsel p3, v14, v11  }
0x431: {  	(xrf1) =	vsort.ascd.msk.f32 @p1 $0xffff, v13, v15;
	v13 =	vmax.f32 @p2 v14, v16  }
0x432: {  	(xrf1) =	vsort.dscd.msk.f32 @p2 $0xffff, v13, v0;
	_ =	sdelay $0x1  }
0x433: {  	v60 =	vshll.u32 v12, $0x3  }
0x434: {  	v61 =	vand.u32 $0x7F, v12;
	v13 =	vand.u32 $0xFFFFFC00, v60  }
0x435: {  	v13 =	vor.u32 v13, v61  }
0x436: {  	v13 =	vor.u32 $0x100, v13;
	_ =	sdelay $0x4  }
0x437: {  	v13 =	vld.idx.msk [tilespmem:v13+s3+$0x0], $0xffff;
	_ =	sdelay $0x2  }
0x438: {  	v62 =	vor.u32 s14, v0;
	v15, _, _ =	vpop @p1 (xrf1)  }
0x439: {  	vm5 =	vlt.s32 v62, v10;
	v14, _, _ =	vpop @p2 (xrf1)  }
0x43a: {  	v13 =	vnsel vm5, $0xBF800000, v13;
	v14 =	vpsel p2, v14, v11  }
0x43b: {  	(xrf1) =	vsort.ascd.msk.f32 $0xffff, v13, v12;
	v12 =	vmax.f32 @p1 v14, v15  }
0x43c: {  	(xrf1) =	vsort.dscd.msk.f32 @p1 $0xffff, v12, v0;
	_ =	sdelay $0xc  }
0x43d: {  	v63, _, _ =	vpop (xrf1)  }
0x43e: {  	v13, _, _ =	vpop @p1 (xrf1)  }
0x43f: {  	v11 =	vpsel p1, v13, v11  }
0x440: {  	v11 =	vmax.f32 v11, v63  }
0x441: {  	(xrf1) =	vsort.dscd.msk.f32 $0xffff, v11, v0;
	_ =	sdelay $0xd  }
0x442: {  	v11, _, _ =	vpop (xrf1)  }
.LBB2_69:
0x443: {  	(v2sf) =	vpush v11, $0x0;
	_ =	sdelay $0xe  }
0x444: {  	s13 =	spop (v2sf)  }
0x445: {  	p1 =	sgt.f32 s13, $9.999999710e-10;
	_ =	sdelay $0x1  }
0x446: {  	p2 =	slt.s32 @p1 s12, $0x1  }
0x447: {  	p1 =	por !p1, p2  }
.Ltmp37:
0x448: {  	_ = 	snop;
	(pc) =	sbr.rel @p1 .LBB2_72-.Ltmp37, $1  }
0x449: {  	_ =	sdelay $0x3  }
0x44a: {  	v12 =	vbroadcast v11, $0xC;
	_ =	sdelay $0x1  }
0x44b: {  	vm5 =	vgt.f32 v11, v12  }
0x44c: {  	v11 =	vmpcnt.ones.xlane vm5;
	_ =	sdelay $0x1  }
0x44d: {  	v13 =	vimm.s32 $0x0;
	v14 =	vimm.s32 $0x20;
	s13 =	simm.s32 $0x0;
	v11 =	vsub.s32 $0xD, v11  }
.LBB2_71:
0x44e: {  	s14 =	sand.u32 $0xFFFFFFF0, s13  }
0x44f: {  	v15 =	vld [tilespmem:s14+$0x11000];
	_ =	sdelay $0x4  }
0x450: {  	v16 =	vshll.u32 v15, $0x3  }
0x451: {  	v17 =	vand.u32 $0x7F, v15;
	v16 =	vand.u32 $0xFFFFFC00, v16  }
0x452: {  	v16 =	vor.u32 v16, v17  }
0x453: {  	v16 =	vor.u32 $0x100, v16;
	_ =	sdelay $0x4  }
0x454: {  	v16 =	vld.idx.msk [tilespmem:v16+s3+$0x0], $0xffff;
	_ =	sdelay $0x2  }
0x455: {  	v56 =	vor.u32 s13, v0  }
0x456: {  	vm5 =	vlt.s32 v56, v10  }
0x457: {  	v16 =	vnsel vm5, $0xBF800000, v16  }
0x458: {  	vm5 =	veq.f32 v16, v12  }
0x459: {  	v57 =	vsel vm5, $0x1, v1  }
0x45a: {  	(xrf0) =	vadd.scan.msk.s32 $0xffff, v57;
	_ =	sdelay $0x4  }
0x45b: {  	v58 =	vsel vm5, $0xFFFFFFFF, v1  }
0x45c: {  	v17 =	vadd.s32 v58, v13;
	v18, _, _ =	vpop (xrf0)  }
0x45d: {  	v17 =	vadd.s32 v18, v17  }
0x45e: {  	vm6 =	vlt.s32 v17, v11  }
0x45f: {  	vm7 =	vgt.f32 v16, v12;
	vm6 =	vmand vm5, vm6  }
0x460: {  	vm6 =	vmor vm7, vm6  }
0x461: {  	v59 =	vsel vm6, $0x1, v1  }
0x462: {  	(xrf0) =	vadd.scan.msk.s32 $0xffff, v59;
	_ =	sdelay $0x4  }
0x463: {  	v60 =	vsel vm6, $0xFFFFFFFF, v1  }
0x464: {  	v16 =	vadd.s32 v60, v14;
	v61, _, _ =	vpop (xrf0)  }
0x465: {  	p1 =	seq.s32 s12, $0x1;
	v16 =	vadd.s32 v61, v16  }
.Ltmp38:
0x466: {  	_ = 	snop;
	(pc) =	sbr.rel @!p1 .LBB2_71-.Ltmp38, $3  }
0x467: {  	_ = 	snop  }
0x468: {  	v62 =	vmpcnt.ones.xlane vm5;
	v63 =	vmpcnt.ones.xlane vm6;
	_ =	sdelay $0x1  }
0x469: {  	s13 =	sadd.s32 $0x10, s13;
	s12 =	sadd.s32 $0xFFFFFFFF, s12;
	v13 =	vadd.s32 v13, v62;
	v14 =	vadd.s32 v14, v63;
	[tilespmem:v16+s9+$0x0] =	vst.idx.msk vm6, v15  }
.Ltmp39:
0x46a: {  	_ = 	snop;
	(pc) =	sbr.rel .LBB2_72-.Ltmp39, $1  }
0x46b: {  	_ =	sdelay $0x3  }
.LBB2_51:
0x46c: {  	s12 =	simm.s32 $0x0  }
0x46d: {  	s13 =	sand.u32 $0x70, s12;
	s14 =	sand.u32 $0x1FC00, s12  }
0x46e: {  	s13 =	sor.u32 s13, s14  }
0x46f: {  	v11 =	vld [tilespmem:s13+$0x100];
	_ =	sdelay $0x3  }
0x470: {  	v12 =	vor.u32 s12, v0  }
0x471: {  	(xrf1) =	vsort.ascd.msk.f32 $0xffff, v11, v12;
	_ =	sdelay $0x6  }
0x472: {  	s28 =	simm.s32 $0x10;
	s29 =	simm.s32 $0x80  }
0x473: {  	s30 =	sand.u32 $0x70, s28;
	s12 =	sand.u32 $0x1FC00, s29  }
0x474: {  	s12 =	sor.u32 s30, s12  }
0x475: {  	v11 =	vld [tilespmem:s12+$0x100];
	_ =	sdelay $0x3  }
0x476: {  	v10 =	vimm.f32 $-3.000000010e+38;
	v13 =	vor.u32 s28, v0;
	v12, _, _ =	vpop (xrf1)  }
0x477: {  	(xrf1) =	vsort.ascd.msk.f32 $0xffff, v11, v13;
	v10 =	vmax.f32 v10, v12  }
0x478: {  	(xrf1) =	vsort.dscd.msk.f32 $0xffff, v10, v0;
	_ =	sdelay $0x6  }
0x479: {  	s13 =	simm.s32 $0x100;
	s12 =	simm.s32 $0x20  }
0x47a: {  	s15 =	sand.u32 $0x1FC00, s13;
	s31 =	sand.u32 $0x70, s12  }
0x47b: {  	s14 =	simm.s32 $0x30;
	s15 =	sor.u32 s31, s15  }
.LBB2_52:
0x47c: {  	p1 =	sne.s32 s14, $0x20C0;
	v10 =	vld [tilespmem:s15+$0x100];
	_ =	sdelay $0x2  }
0x47d: {  	v11, _, _ =	vpop (xrf1)  }
0x47e: {  	v12 =	vor.u32 s12, v0;
	s12 =	smov.u32 s14;
	v13, _, _ =	vpop (xrf1)  }
0x47f: {  	(xrf1) =	vsort.ascd.msk.f32 $0xffff, v10, v12;
	v10 =	vmax.f32 v13, v11  }
0x480: {  	(xrf1) =	vsort.dscd.msk.f32 $0xffff, v10, v0;
	_ =	sdelay $0x4  }
.Ltmp40:
0x481: {  	(pc) =	sbr.rel @p1 .LBB2_52-.Ltmp40, $4  }
0x482: {  	_ = 	snop  }
0x483: {  	s13 =	sadd.s32 $0x80, s13  }
0x484: {  	s15 =	sand.u32 $0x70, s14;
	s16 =	sand.u32 $0x1FC00, s13  }
0x485: {  	s14 =	sadd.s32 $0x10, s14;
	s15 =	sor.u32 s15, s16  }
0x486: {  	v10 =	vld [tilespmem:s15+$0x100];
	_ =	sdelay $0x2  }
0x487: {  	v11, _, _ =	vpop (xrf1)  }
0x488: {  	v12 =	vor.u32 s12, v0;
	v13, _, _ =	vpop (xrf1)  }
0x489: {  	(xrf1) =	vsort.ascd.msk.f32 $0xffff, v10, v12;
	v10 =	vmax.f32 v13, v11  }
0x48a: {  	(xrf1) =	vsort.dscd.msk.f32 $0xffff, v10, v0;
	_ =	sdelay $0xc  }
0x48b: {  	v10, _, _ =	vpop (xrf1)  }
0x48c: {  	v11, _, _ =	vpop (xrf1)  }
0x48d: {  	v10 =	vmax.f32 v11, v10  }
0x48e: {  	(xrf1) =	vsort.dscd.msk.f32 $0xffff, v10, v0;
	_ =	sdelay $0xd  }
0x48f: {  	v11, _, _ =	vpop (xrf1)  }
0x490: {  	(v2sf) =	vpush v11, $0x0;
	_ =	sdelay $0xe  }
0x491: {  	s31 =	spop (v2sf)  }
0x492: {  	p1 =	sgt.f32 s31, $9.999999710e-10  }
.Ltmp41:
0x493: {  	_ = 	snop;
	(pc) =	sbr.rel @!p1 .LBB2_72-.Ltmp41, $1  }
0x494: {  	_ =	sdelay $0x3  }
0x495: {  	s17 =	simm.s32 $0x0  }
0x496: {  	s12 =	sand.u32 $0x70, s17;
	s13 =	sand.u32 $0x1FC00, s17  }
0x497: {  	s12 =	sor.u32 s12, s13  }
0x498: {  	v12 =	vld [tilespmem:s12+$0x100];
	_ =	sdelay $0x2  }
0x499: {  	v10 =	vbroadcast v11, $0xC;
	_ =	sdelay $0x1  }
0x49a: {  	vm6 =	veq.f32 v12, v10  }
0x49b: {  	v13 =	vsel vm6, $0x1, v1  }
0x49c: {  	(xrf0) =	vadd.scan.msk.s32 $0xffff, v13;
	_ =	sdelay $0x3  }
0x49d: {  	vm5 =	vgt.f32 v11, v10  }
0x49e: {  	v11 =	vmpcnt.ones.xlane vm5;
	v14 =	vsel vm6, $0xFFFFFFFF, v1;
	v13 =	vimm.s32 $0x0  }
0x49f: {  	v14 =	vadd.s32 v14, v13;
	v15, _, _ =	vpop (xrf0)  }
0x4a0: {  	v11 =	vsub.s32 $0xD, v11;
	v14 =	vadd.s32 v15, v14  }
0x4a1: {  	vm5 =	vlt.s32 v14, v11  }
0x4a2: {  	vm7 =	vgt.f32 v12, v10;
	vm5 =	vmand vm6, vm5  }
0x4a3: {  	vm5 =	vmor vm7, vm5  }
0x4a4: {  	v12 =	vsel vm5, $0x1, v1  }
0x4a5: {  	(xrf0) =	vadd.scan.msk.s32 $0xffff, v12;
	_ =	sdelay $0x2  }
0x4a6: {  	v15 =	vimm.s32 $0x20  }
0x4a7: {  	v14 =	vmpcnt.ones.xlane vm5;
	v12 =	vmpcnt.ones.xlane vm6  }
0x4a8: {  	v16 =	vsel vm5, $0xFFFFFFFF, v1  }
0x4a9: {  	v14 =	vadd.s32 v15, v14;
	v13 =	vadd.s32 v13, v12;
	v12 =	vadd.s32 v16, v15;
	v15, _, _ =	vpop (xrf0)  }
0x4aa: {  	v16 =	vadd.s32 v15, v12;
	_ =	sdelay $0x2  }
0x4ab: {  	s13 =	simm.s32 $0x80;
	s12 =	simm.s32 $0x10  }
0x4ac: {  	s14 =	simm.s32 $0x20;
	v17 =	vor.u32 s17, v0;
	s16 =	sand.u32 $0x1FC00, s13;
	s15 =	sand.u32 $0x70, s12;
	v15 =	vmov v13;
	v12 =	vmov v14  }
.LBB2_55:
0x4ad: {  	p1 =	sne.s32 s14, $0x20C0;
	s15 =	sor.u32 s15, s16;
	[tilespmem:v16+s9+$0x0] =	vst.idx.msk vm5, v17;
	s17 =	smov.u32 s12  }
0x4ae: {  	s12 =	smov.u32 s14;
	v16 =	vld [tilespmem:s15+$0x100];
	_ =	sdelay $0x4  }
0x4af: {  	vm5 =	veq.f32 v16, v10  }
0x4b0: {  	v17 =	vsel vm5, $0x1, v1;
	v18 =	vmpcnt.ones.xlane vm5  }
0x4b1: {  	(xrf0) =	vadd.scan.msk.s32 $0xffff, v17  }
0x4b2: {  	v13 =	vadd.s32 v13, v18;
	_ =	sdelay $0x3  }
0x4b3: {  	v17 =	vsel vm5, $0xFFFFFFFF, v1  }
0x4b4: {  	v17 =	vadd.s32 v17, v15;
	v15 =	vmov v13;
	v18, _, _ =	vpop (xrf0)  }
0x4b5: {  	v17 =	vadd.s32 v18, v17  }
0x4b6: {  	vm6 =	vlt.s32 v17, v11  }
0x4b7: {  	vm7 =	vgt.f32 v16, v10;
	vm5 =	vmand vm5, vm6  }
0x4b8: {  	vm5 =	vmor vm7, vm5  }
0x4b9: {  	v16 =	vsel vm5, $0x1, v1;
	v17 =	vmpcnt.ones.xlane vm5  }
0x4ba: {  	(xrf0) =	vadd.scan.msk.s32 $0xffff, v16  }
0x4bb: {  	v14 =	vadd.s32 v14, v17;
	_ =	sdelay $0x3  }
0x4bc: {  	v16 =	vsel vm5, $0xFFFFFFFF, v1  }
0x4bd: {  	v16 =	vadd.s32 v16, v12;
	v12 =	vmov v14;
	v17, _, _ =	vpop (xrf0)  }
.Ltmp42:
0x4be: {  	v16 =	vadd.s32 v17, v16;
	(pc) =	sbr.rel @p1 .LBB2_55-.Ltmp42, $3  }
0x4bf: {  	_ =	sdelay $0x1  }
0x4c0: {  	s13 =	sadd.s32 $0x80, s13  }
0x4c1: {  	s14 =	sadd.s32 $0x10, s14;
	s15 =	sand.u32 $0x70, s12;
	s16 =	sand.u32 $0x1FC00, s13;
	v17 =	vor.u32 s17, v0  }
0x4c2: {  	_ =	sdelay $0x4  }
0x4c3: {  	s13 =	sor.u32 s15, s16;
	[tilespmem:v16+s9+$0x0] =	vst.idx.msk vm5, v17  }
0x4c4: {  	v13 =	vld [tilespmem:s13+$0x100];
	_ =	sdelay $0x4  }
0x4c5: {  	vm5 =	veq.f32 v13, v10  }
0x4c6: {  	v14 =	vsel vm5, $0x1, v1  }
0x4c7: {  	(xrf0) =	vadd.scan.msk.s32 $0xffff, v14;
	_ =	sdelay $0x4  }
0x4c8: {  	v62 =	vsel vm5, $0xFFFFFFFF, v1  }
0x4c9: {  	v14 =	vadd.s32 v62, v15;
	v63, _, _ =	vpop (xrf0)  }
0x4ca: {  	v14 =	vadd.s32 v63, v14  }
0x4cb: {  	vm6 =	vlt.s32 v14, v11  }
0x4cc: {  	vm7 =	vgt.f32 v13, v10;
	vm5 =	vmand vm5, vm6  }
0x4cd: {  	vm5 =	vmor vm7, vm5  }
0x4ce: {  	v10 =	vsel vm5, $0x1, v1  }
0x4cf: {  	(xrf0) =	vadd.scan.msk.s32 $0xffff, v10;
	_ =	sdelay $0x4  }
0x4d0: {  	v10 =	vsel vm5, $0xFFFFFFFF, v1  }
0x4d1: {  	v10 =	vadd.s32 v10, v12;
	v11, _, _ =	vpop (xrf0)  }
0x4d2: {  	v10 =	vadd.s32 v11, v10;
	_ =	sdelay $0x3  }
0x4d3: {  	v11 =	vor.u32 s12, v0  }
0x4d4: {  	[tilespmem:v10+s9+$0x0] =	vst.idx.msk vm5, v11  }
.LBB2_72:
0x4d5: {  	v10 =	vmpcnt.ones.xlane vm4;
	_ =	sdelay $0x1  }
0x4d6: {  	v9 =	vadd.s32 v9, v10  }
0x4d7: {  	(v2sf) =	vpush v9, $0x0;
	_ =	sdelay $0xe  }
0x4d8: {  	s13 =	spop (v2sf)  }
0x4d9: {  	s14 =	sadd.s32 $0xFFFFF400, s13  }
0x4da: {  	p1 =	sgt.s32 s14, $0x3F0  }
.Ltmp43:
0x4db: {  	_ = 	snop;
	(pc) =	sbr.rel @p1 .LBB2_73-.Ltmp43, $2  }
0x4dc: {  	_ =	sdelay $0x2  }
0x4dd: {  	[tilespmem:$0x12830] =	vst v2  }
0x4de: {  	s12 =	sadd.s32 $0xFFFFF40F, s13  }
0x4df: {  	s15 =	sand.u32 $0xF, s12  }
0x4e0: {  	p2 =	slt.s32 s13, $0xBF2;
	s31 =	sshra.s32 s12, $0x1F;
	p1 =	sne.s32 s15, $0x0  }
0x4e1: {  	s15 =	sshrl.u32 s31, $0x1C;
	p1 =	por !p2, !p1  }
0x4e2: {  	s12 =	sadd.s32 s15, s12;
	s15 =	simm.s32 $0x1;
	p1 =	por !p1, !p1  }
0x4e3: {  	s12 =	sshra.s32 s12, $0x4;
	s15 =	simm.s32 @!p1 $0x0  }
0x4e4: {  	s12 =	ssub.s32 s12, s15  }
0x4e5: {  	p1 =	slt.s32 s12, $0x1  }
.Ltmp44:
0x4e6: {  	_ = 	snop;
	(pc) =	sbr.rel @p1 .LBB2_91-.Ltmp44, $2  }
0x4e7: {  	_ =	sdelay $0x2  }
0x4e8: {  	v9 =	vmov s14;
	[tilespmem:s13+$0x10800] =	vst v1;
	v10 =	vimm.f32 $-3.000000010e+38;
	s13 =	simm.s32 $0x0  }
0x4e9: {  	p4 =	sne.s32 s12, $0x1  }
.Ltmp45:
0x4ea: {  	_ = 	snop;
	(pc) =	sbr.rel @!p4 .LBB2_81-.Ltmp45, $3  }
0x4eb: {  	_ =	sdelay $0x1  }
0x4ec: {  	s14 =	sand.u32 $0xFFFFFFF0, s13;
	s15 =	sadd.s32 $0xFFFFFFFF, s12  }
0x4ed: {  	p1 =	por $0x0, $0x0;
	p2 =	por $0x0, $0x0;
	p3 =	por $0x0, $0x0;
	v14 =	vld [tilespmem:s14+$0x11400]  }
0x4ee: {  	_ =	sdelay $0x3  }
0x4ef: {  	v11 =	vshll.u32 v14, $0x3  }
0x4f0: {  	v12 =	vand.u32 $0x7F, v14;
	v11 =	vand.u32 $0xFFFFFC00, v11  }
0x4f1: {  	v11 =	vor.u32 v11, v12  }
0x4f2: {  	v11 =	vor.u32 $0x180, v11  }
0x4f3: {  	p4 =	sne.s32 s15, $0x1  }
.Ltmp46:
0x4f4: {  	_ = 	snop;
	(pc) =	sbr.rel @!p4 .LBB2_83-.Ltmp46, $4  }
0x4f5: {  	_ = 	snop  }
0x4f6: {  	s14 =	simm.s32 $0x10  }
0x4f7: {  	s16 =	sand.u32 $0xFFFFFFF0, s14;
	v12 =	vld.idx.msk [tilespmem:v11+s3+$0x0], $0xffff  }
0x4f8: {  	s15 =	sadd.s32 $0xFFFFFFFF, s15;
	p1 =	por $0x1, $0x1;
	v11 =	vld [tilespmem:s16+$0x11400]  }
0x4f9: {  	_ =	sdelay $0x3  }
0x4fa: {  	v13 =	vshll.u32 v11, $0x3  }
0x4fb: {  	v15 =	vand.u32 $0x7F, v11;
	v13 =	vand.u32 $0xFFFFFC00, v13  }
0x4fc: {  	v13 =	vor.u32 v13, v15  }
0x4fd: {  	v13 =	vor.u32 $0x180, v13;
	_ =	sdelay $0x1  }
0x4fe: {  	p4 =	sne.s32 s15, $0x1  }
.Ltmp47:
0x4ff: {  	v15 =	vor.u32 s13, v0;
	(pc) =	sbr.rel @!p4 .LBB2_85-.Ltmp47, $4  }
0x500: {  	s13 =	simm.s32 $0x20;
	vm4 =	vlt.s32 v15, v9  }
0x501: {  	s16 =	sand.u32 $0xFFFFFFF0, s13;
	v15 =	vnsel vm4, $0xBF800000, v12;
	v12 =	vld.idx.msk [tilespmem:v13+s3+$0x0], $0xffff  }
0x502: {  	v13 =	vld [tilespmem:s16+$0x11400]  }
0x503: {  	s15 =	sadd.s32 $0xFFFFFFFF, s15;
	p2 =	por $0x1, $0x1;
	(xrf1) =	vsort.ascd.msk.f32 $0xffff, v15, v14  }
0x504: {  	_ =	sdelay $0x7  }
0x505: {  	v14 =	vshll.u32 v13, $0x3  }
0x506: {  	v15 =	vand.u32 $0x7F, v13;
	v14 =	vand.u32 $0xFFFFFC00, v14  }
0x507: {  	v14 =	vor.u32 v14, v15;
	v15 =	vor.u32 s14, v0;
	_ =	sdelay $0x1  }
0x508: {  	vm4 =	vlt.s32 v15, v9  }
0x509: {  	v12 =	vnsel vm4, $0xBF800000, v12;
	v15, _, _ =	vpop (xrf1)  }
0x50a: {  	(xrf1) =	vsort.ascd.msk.f32 $0xffff, v12, v11;
	v11 =	vmax.f32 v10, v15  }
0x50b: {  	(xrf1) =	vsort.dscd.msk.f32 $0xffff, v11, v0;
	_ =	sdelay $0x3  }
0x50c: {  	v14 =	vor.u32 $0x180, v14;
	_ =	sdelay $0x1  }
0x50d: {  	p4 =	sne.s32 s15, $0x1  }
.Ltmp48:
0x50e: {  	_ = 	snop;
	(pc) =	sbr.rel @!p4 .LBB2_87-.Ltmp48, $4  }
0x50f: {  	_ = 	snop  }
0x510: {  	s14 =	simm.s32 $0x30;
	v12 =	vld.idx.msk [tilespmem:v14+s3+$0x0], $0xffff  }
0x511: {  	s16 =	sand.u32 $0xFFFFFFF0, s14  }
0x512: {  	s15 =	sadd.s32 $0xFFFFFFFF, s15;
	p3 =	por $0x1, $0x1;
	v11 =	vld [tilespmem:s16+$0x11400]  }
.LBB2_88:
0x513: {  	p4 =	sne.s32 s15, $0x1;
	v16 =	vor.u32 s13, v0;
	s13 =	smov.u32 s14  }
0x514: {  	vm4 =	vlt.s32 v16, v9;
	v14, _, _ =	vpop (xrf1)  }
0x515: {  	v12 =	vnsel vm4, $0xBF800000, v12;
	v15, _, _ =	vpop (xrf1)  }
0x516: {  	(xrf1) =	vsort.ascd.msk.f32 $0xffff, v12, v13;
	v12 =	vmax.f32 v15, v14  }
0x517: {  	v14 =	vshll.u32 v11, $0x3;
	(xrf1) =	vsort.dscd.msk.f32 $0xffff, v12, v0;
	v13 =	vmov v11  }
0x518: {  	v11 =	vand.u32 $0x7F, v13;
	v12 =	vand.u32 $0xFFFFFC00, v14  }
0x519: {  	v11 =	vor.u32 v12, v11  }
0x51a: {  	v11 =	vor.u32 $0x180, v11;
	_ =	sdelay $0x3  }
.Ltmp49:
0x51b: {  	(pc) =	sbr.rel @p4 .LBB2_88-.Ltmp49, $4  }
0x51c: {  	v12 =	vld.idx.msk [tilespmem:v11+s3+$0x0], $0xffff  }
0x51d: {  	s14 =	sadd.s32 $0x10, s14  }
0x51e: {  	s16 =	sand.u32 $0xFFFFFFF0, s14  }
0x51f: {  	s15 =	sadd.s32 $0xFFFFFFFF, s15;
	v11 =	vld [tilespmem:s16+$0x11400]  }
0x520: {  	v14 =	vmov v13  }
.LBB2_90:
0x521: {  	v13 =	vor.u32 @p1 s13, v0;
	_ =	sdelay $0x1  }
0x522: {  	v15, _, _ =	vpop @p2 (xrf1)  }
0x523: {  	vm4 =	vlt.s32 @p1 v13, v9;
	v13, _, _ =	vpop @p3 (xrf1)  }
0x524: {  	v12 =	vnsel @p1 vm4, $0xBF800000, v12;
	v13 =	vpsel p3, v13, v10  }
0x525: {  	(xrf1) =	vsort.ascd.msk.f32 @p1 $0xffff, v12, v14;
	v12 =	vmax.f32 @p2 v13, v15  }
0x526: {  	(xrf1) =	vsort.dscd.msk.f32 @p2 $0xffff, v12, v0;
	_ =	sdelay $0x1  }
0x527: {  	v61 =	vshll.u32 v11, $0x3  }
0x528: {  	v62 =	vand.u32 $0x7F, v11;
	v12 =	vand.u32 $0xFFFFFC00, v61  }
0x529: {  	v12 =	vor.u32 v12, v62  }
0x52a: {  	v12 =	vor.u32 $0x180, v12;
	_ =	sdelay $0x4  }
0x52b: {  	v12 =	vld.idx.msk [tilespmem:v12+s3+$0x0], $0xffff;
	_ =	sdelay $0x2  }
0x52c: {  	v63 =	vor.u32 s14, v0;
	v14, _, _ =	vpop @p1 (xrf1)  }
0x52d: {  	vm4 =	vlt.s32 v63, v9;
	v13, _, _ =	vpop @p2 (xrf1)  }
0x52e: {  	v12 =	vnsel vm4, $0xBF800000, v12;
	v13 =	vpsel p2, v13, v10  }
0x52f: {  	(xrf1) =	vsort.ascd.msk.f32 $0xffff, v12, v11;
	v11 =	vmax.f32 @p1 v13, v14  }
0x530: {  	(xrf1) =	vsort.dscd.msk.f32 @p1 $0xffff, v11, v0;
	_ =	sdelay $0xc  }
0x531: {  	v11, _, _ =	vpop (xrf1)  }
0x532: {  	v12, _, _ =	vpop @p1 (xrf1)  }
0x533: {  	v10 =	vpsel p1, v12, v10  }
0x534: {  	v10 =	vmax.f32 v10, v11  }
0x535: {  	(xrf1) =	vsort.dscd.msk.f32 $0xffff, v10, v0;
	_ =	sdelay $0xd  }
0x536: {  	v10, _, _ =	vpop (xrf1)  }
.LBB2_91:
0x537: {  	(v2sf) =	vpush v10, $0x0;
	_ =	sdelay $0xe  }
0x538: {  	s13 =	spop (v2sf)  }
0x539: {  	p1 =	sgt.f32 s13, $9.999999710e-10;
	_ =	sdelay $0x1  }
0x53a: {  	p2 =	slt.s32 @p1 s12, $0x1  }
0x53b: {  	p1 =	por !p1, p2  }
.Ltmp50:
0x53c: {  	_ = 	snop;
	(pc) =	sbr.rel @p1 .LBB2_94-.Ltmp50, $1  }
0x53d: {  	_ =	sdelay $0x3  }
0x53e: {  	v11 =	vbroadcast v10, $0xC;
	_ =	sdelay $0x1  }
0x53f: {  	vm4 =	vgt.f32 v10, v11  }
0x540: {  	v10 =	vmpcnt.ones.xlane vm4;
	_ =	sdelay $0x1  }
0x541: {  	v12 =	vimm.s32 $0x0;
	v13 =	vimm.s32 $0x30;
	s13 =	simm.s32 $0x0;
	v10 =	vsub.s32 $0xD, v10  }
.LBB2_93:
0x542: {  	s14 =	sand.u32 $0xFFFFFFF0, s13  }
0x543: {  	v14 =	vld [tilespmem:s14+$0x11400];
	_ =	sdelay $0x4  }
0x544: {  	v15 =	vshll.u32 v14, $0x3  }
0x545: {  	v16 =	vand.u32 $0x7F, v14;
	v15 =	vand.u32 $0xFFFFFC00, v15  }
0x546: {  	v15 =	vor.u32 v15, v16  }
0x547: {  	v15 =	vor.u32 $0x180, v15;
	_ =	sdelay $0x4  }
0x548: {  	v15 =	vld.idx.msk [tilespmem:v15+s3+$0x0], $0xffff;
	_ =	sdelay $0x2  }
0x549: {  	v58 =	vor.u32 s13, v0  }
0x54a: {  	vm4 =	vlt.s32 v58, v9  }
0x54b: {  	v15 =	vnsel vm4, $0xBF800000, v15  }
0x54c: {  	vm4 =	veq.f32 v15, v11  }
0x54d: {  	v59 =	vsel vm4, $0x1, v1  }
0x54e: {  	(xrf0) =	vadd.scan.msk.s32 $0xffff, v59;
	_ =	sdelay $0x4  }
0x54f: {  	v60 =	vsel vm4, $0xFFFFFFFF, v1  }
0x550: {  	v16 =	vadd.s32 v60, v12;
	v17, _, _ =	vpop (xrf0)  }
0x551: {  	v16 =	vadd.s32 v17, v16  }
0x552: {  	vm5 =	vlt.s32 v16, v10  }
0x553: {  	vm6 =	vgt.f32 v15, v11;
	vm5 =	vmand vm4, vm5  }
0x554: {  	vm5 =	vmor vm6, vm5  }
0x555: {  	v15 =	vsel vm5, $0x1, v1  }
0x556: {  	(xrf0) =	vadd.scan.msk.s32 $0xffff, v15;
	_ =	sdelay $0x4  }
0x557: {  	v15 =	vsel vm5, $0xFFFFFFFF, v1  }
0x558: {  	v15 =	vadd.s32 v15, v13;
	v61, _, _ =	vpop (xrf0)  }
0x559: {  	p1 =	seq.s32 s12, $0x1;
	v15 =	vadd.s32 v61, v15  }
.Ltmp51:
0x55a: {  	_ = 	snop;
	(pc) =	sbr.rel @!p1 .LBB2_93-.Ltmp51, $3  }
0x55b: {  	_ = 	snop  }
0x55c: {  	v62 =	vmpcnt.ones.xlane vm4;
	v63 =	vmpcnt.ones.xlane vm5;
	_ =	sdelay $0x1  }
0x55d: {  	s13 =	sadd.s32 $0x10, s13;
	s12 =	sadd.s32 $0xFFFFFFFF, s12;
	v12 =	vadd.s32 v12, v62;
	v13 =	vadd.s32 v13, v63;
	[tilespmem:v15+s9+$0x0] =	vst.idx.msk vm5, v14  }
.Ltmp52:
0x55e: {  	_ = 	snop;
	(pc) =	sbr.rel .LBB2_94-.Ltmp52, $1  }
0x55f: {  	_ =	sdelay $0x3  }
.LBB2_73:
0x560: {  	s12 =	simm.s32 $0x0  }
0x561: {  	s13 =	sand.u32 $0x70, s12;
	s14 =	sand.u32 $0x1FC00, s12  }
0x562: {  	s13 =	sor.u32 s13, s14  }
0x563: {  	v10 =	vld [tilespmem:s13+$0x180];
	_ =	sdelay $0x3  }
0x564: {  	v11 =	vor.u32 s12, v0  }
0x565: {  	(xrf1) =	vsort.ascd.msk.f32 $0xffff, v10, v11;
	_ =	sdelay $0x6  }
0x566: {  	s28 =	simm.s32 $0x10;
	s29 =	simm.s32 $0x80  }
0x567: {  	s30 =	sand.u32 $0x70, s28;
	s12 =	sand.u32 $0x1FC00, s29  }
0x568: {  	s12 =	sor.u32 s30, s12  }
0x569: {  	v10 =	vld [tilespmem:s12+$0x180];
	_ =	sdelay $0x3  }
0x56a: {  	v9 =	vimm.f32 $-3.000000010e+38;
	v12 =	vor.u32 s28, v0;
	v11, _, _ =	vpop (xrf1)  }
0x56b: {  	(xrf1) =	vsort.ascd.msk.f32 $0xffff, v10, v12;
	v9 =	vmax.f32 v9, v11  }
0x56c: {  	(xrf1) =	vsort.dscd.msk.f32 $0xffff, v9, v0;
	_ =	sdelay $0x6  }
0x56d: {  	s13 =	simm.s32 $0x100;
	s12 =	simm.s32 $0x20  }
0x56e: {  	s15 =	sand.u32 $0x1FC00, s13;
	s31 =	sand.u32 $0x70, s12  }
0x56f: {  	s14 =	simm.s32 $0x30;
	s15 =	sor.u32 s31, s15  }
.LBB2_74:
0x570: {  	p1 =	sne.s32 s14, $0x20C0;
	v9 =	vld [tilespmem:s15+$0x180];
	_ =	sdelay $0x2  }
0x571: {  	v10, _, _ =	vpop (xrf1)  }
0x572: {  	v11 =	vor.u32 s12, v0;
	s12 =	smov.u32 s14;
	v12, _, _ =	vpop (xrf1)  }
0x573: {  	(xrf1) =	vsort.ascd.msk.f32 $0xffff, v9, v11;
	v9 =	vmax.f32 v12, v10  }
0x574: {  	(xrf1) =	vsort.dscd.msk.f32 $0xffff, v9, v0;
	_ =	sdelay $0x4  }
.Ltmp53:
0x575: {  	(pc) =	sbr.rel @p1 .LBB2_74-.Ltmp53, $4  }
0x576: {  	_ = 	snop  }
0x577: {  	s13 =	sadd.s32 $0x80, s13  }
0x578: {  	s15 =	sand.u32 $0x70, s14;
	s16 =	sand.u32 $0x1FC00, s13  }
0x579: {  	s14 =	sadd.s32 $0x10, s14;
	s15 =	sor.u32 s15, s16  }
0x57a: {  	v9 =	vld [tilespmem:s15+$0x180];
	_ =	sdelay $0x2  }
0x57b: {  	v10, _, _ =	vpop (xrf1)  }
0x57c: {  	v11 =	vor.u32 s12, v0;
	v12, _, _ =	vpop (xrf1)  }
0x57d: {  	(xrf1) =	vsort.ascd.msk.f32 $0xffff, v9, v11;
	v9 =	vmax.f32 v12, v10  }
0x57e: {  	(xrf1) =	vsort.dscd.msk.f32 $0xffff, v9, v0;
	_ =	sdelay $0xc  }
0x57f: {  	v9, _, _ =	vpop (xrf1)  }
0x580: {  	v10, _, _ =	vpop (xrf1)  }
0x581: {  	v9 =	vmax.f32 v10, v9  }
0x582: {  	(xrf1) =	vsort.dscd.msk.f32 $0xffff, v9, v0;
	_ =	sdelay $0xd  }
0x583: {  	v10, _, _ =	vpop (xrf1)  }
0x584: {  	(v2sf) =	vpush v10, $0x0;
	_ =	sdelay $0xe  }
0x585: {  	s31 =	spop (v2sf)  }
0x586: {  	p1 =	sgt.f32 s31, $9.999999710e-10  }
.Ltmp54:
0x587: {  	_ = 	snop;
	(pc) =	sbr.rel @!p1 .LBB2_94-.Ltmp54, $1  }
0x588: {  	_ =	sdelay $0x3  }
0x589: {  	s17 =	simm.s32 $0x0  }
0x58a: {  	s12 =	sand.u32 $0x70, s17;
	s13 =	sand.u32 $0x1FC00, s17  }
0x58b: {  	s12 =	sor.u32 s12, s13  }
0x58c: {  	v11 =	vld [tilespmem:s12+$0x180];
	_ =	sdelay $0x2  }
0x58d: {  	v9 =	vbroadcast v10, $0xC;
	_ =	sdelay $0x1  }
0x58e: {  	vm5 =	veq.f32 v11, v9  }
0x58f: {  	v12 =	vsel vm5, $0x1, v1  }
0x590: {  	(xrf0) =	vadd.scan.msk.s32 $0xffff, v12;
	_ =	sdelay $0x3  }
0x591: {  	vm4 =	vgt.f32 v10, v9  }
0x592: {  	v10 =	vmpcnt.ones.xlane vm4;
	v13 =	vsel vm5, $0xFFFFFFFF, v1;
	v12 =	vimm.s32 $0x0  }
0x593: {  	v13 =	vadd.s32 v13, v12;
	v14, _, _ =	vpop (xrf0)  }
0x594: {  	v10 =	vsub.s32 $0xD, v10;
	v13 =	vadd.s32 v14, v13  }
0x595: {  	vm4 =	vlt.s32 v13, v10  }
0x596: {  	vm6 =	vgt.f32 v11, v9;
	vm4 =	vmand vm5, vm4  }
0x597: {  	vm4 =	vmor vm6, vm4  }
0x598: {  	v11 =	vsel vm4, $0x1, v1  }
0x599: {  	(xrf0) =	vadd.scan.msk.s32 $0xffff, v11;
	_ =	sdelay $0x2  }
0x59a: {  	v14 =	vimm.s32 $0x30  }
0x59b: {  	v13 =	vmpcnt.ones.xlane vm4;
	v11 =	vmpcnt.ones.xlane vm5  }
0x59c: {  	v15 =	vsel vm4, $0xFFFFFFFF, v1  }
0x59d: {  	v13 =	vadd.s32 v14, v13;
	v12 =	vadd.s32 v12, v11;
	v11 =	vadd.s32 v15, v14;
	v14, _, _ =	vpop (xrf0)  }
0x59e: {  	v15 =	vadd.s32 v14, v11;
	_ =	sdelay $0x2  }
0x59f: {  	s13 =	simm.s32 $0x80;
	s12 =	simm.s32 $0x10  }
0x5a0: {  	s14 =	simm.s32 $0x20;
	v16 =	vor.u32 s17, v0;
	s16 =	sand.u32 $0x1FC00, s13;
	s15 =	sand.u32 $0x70, s12;
	v14 =	vmov v12;
	v11 =	vmov v13  }
.LBB2_77:
0x5a1: {  	p1 =	sne.s32 s14, $0x20C0;
	s15 =	sor.u32 s15, s16;
	[tilespmem:v15+s9+$0x0] =	vst.idx.msk vm4, v16;
	s17 =	smov.u32 s12  }
0x5a2: {  	s12 =	smov.u32 s14;
	v15 =	vld [tilespmem:s15+$0x180];
	_ =	sdelay $0x4  }
0x5a3: {  	vm4 =	veq.f32 v15, v9  }
0x5a4: {  	v16 =	vsel vm4, $0x1, v1;
	v17 =	vmpcnt.ones.xlane vm4  }
0x5a5: {  	(xrf0) =	vadd.scan.msk.s32 $0xffff, v16  }
0x5a6: {  	v12 =	vadd.s32 v12, v17;
	_ =	sdelay $0x3  }
0x5a7: {  	v16 =	vsel vm4, $0xFFFFFFFF, v1  }
0x5a8: {  	v16 =	vadd.s32 v16, v14;
	v14 =	vmov v12;
	v17, _, _ =	vpop (xrf0)  }
0x5a9: {  	v16 =	vadd.s32 v17, v16  }
0x5aa: {  	vm5 =	vlt.s32 v16, v10  }
0x5ab: {  	vm6 =	vgt.f32 v15, v9;
	vm4 =	vmand vm4, vm5  }
0x5ac: {  	vm4 =	vmor vm6, vm4  }
0x5ad: {  	v15 =	vsel vm4, $0x1, v1;
	v16 =	vmpcnt.ones.xlane vm4  }
0x5ae: {  	(xrf0) =	vadd.scan.msk.s32 $0xffff, v15  }
0x5af: {  	v13 =	vadd.s32 v13, v16;
	_ =	sdelay $0x3  }
0x5b0: {  	v15 =	vsel vm4, $0xFFFFFFFF, v1  }
0x5b1: {  	v15 =	vadd.s32 v15, v11;
	v11 =	vmov v13;
	v16, _, _ =	vpop (xrf0)  }
.Ltmp55:
0x5b2: {  	v15 =	vadd.s32 v16, v15;
	(pc) =	sbr.rel @p1 .LBB2_77-.Ltmp55, $3  }
0x5b3: {  	_ =	sdelay $0x1  }
0x5b4: {  	s13 =	sadd.s32 $0x80, s13  }
0x5b5: {  	s14 =	sadd.s32 $0x10, s14;
	s15 =	sand.u32 $0x70, s12;
	s16 =	sand.u32 $0x1FC00, s13;
	v16 =	vor.u32 s17, v0  }
0x5b6: {  	_ =	sdelay $0x4  }
0x5b7: {  	s13 =	sor.u32 s15, s16;
	[tilespmem:v15+s9+$0x0] =	vst.idx.msk vm4, v16  }
0x5b8: {  	v12 =	vld [tilespmem:s13+$0x180];
	_ =	sdelay $0x4  }
0x5b9: {  	vm4 =	veq.f32 v12, v9  }
0x5ba: {  	v13 =	vsel vm4, $0x1, v1  }
0x5bb: {  	(xrf0) =	vadd.scan.msk.s32 $0xffff, v13;
	_ =	sdelay $0x4  }
0x5bc: {  	v62 =	vsel vm4, $0xFFFFFFFF, v1  }
0x5bd: {  	v13 =	vadd.s32 v62, v14;
	v63, _, _ =	vpop (xrf0)  }
0x5be: {  	v13 =	vadd.s32 v63, v13  }
0x5bf: {  	vm5 =	vlt.s32 v13, v10  }
0x5c0: {  	vm6 =	vgt.f32 v12, v9;
	vm4 =	vmand vm4, vm5  }
0x5c1: {  	vm4 =	vmor vm6, vm4  }
0x5c2: {  	v9 =	vsel vm4, $0x1, v1  }
0x5c3: {  	(xrf0) =	vadd.scan.msk.s32 $0xffff, v9;
	_ =	sdelay $0x4  }
0x5c4: {  	v9 =	vsel vm4, $0xFFFFFFFF, v1  }
0x5c5: {  	v9 =	vadd.s32 v9, v11;
	v10, _, _ =	vpop (xrf0)  }
0x5c6: {  	v9 =	vadd.s32 v10, v9;
	_ =	sdelay $0x3  }
0x5c7: {  	v10 =	vor.u32 s12, v0  }
0x5c8: {  	[tilespmem:v9+s9+$0x0] =	vst.idx.msk vm4, v10  }
.LBB2_94:
0x5c9: {  	v9 =	vmpcnt.ones.xlane vm3;
	_ =	sdelay $0x1  }
0x5ca: {  	v8 =	vadd.s32 v8, v9  }
0x5cb: {  	(v2sf) =	vpush v8, $0x0;
	_ =	sdelay $0xe  }
0x5cc: {  	s13 =	spop (v2sf)  }
0x5cd: {  	s14 =	sadd.s32 $0xFFFFF000, s13  }
0x5ce: {  	p1 =	sgt.s32 s14, $0x3F0  }
.Ltmp56:
0x5cf: {  	_ = 	snop;
	(pc) =	sbr.rel @p1 .LBB2_95-.Ltmp56, $2  }
0x5d0: {  	_ =	sdelay $0x2  }
0x5d1: {  	[tilespmem:$0x12840] =	vst v2  }
0x5d2: {  	s12 =	sadd.s32 $0xFFFFF00F, s13  }
0x5d3: {  	s15 =	sand.u32 $0xF, s12  }
0x5d4: {  	p2 =	slt.s32 s13, $0xFF2;
	s31 =	sshra.s32 s12, $0x1F;
	p1 =	sne.s32 s15, $0x0  }
0x5d5: {  	s15 =	sshrl.u32 s31, $0x1C;
	p1 =	por !p2, !p1  }
0x5d6: {  	s12 =	sadd.s32 s15, s12;
	s15 =	simm.s32 $0x1;
	p1 =	por !p1, !p1  }
0x5d7: {  	s12 =	sshra.s32 s12, $0x4;
	s15 =	simm.s32 @!p1 $0x0  }
0x5d8: {  	s12 =	ssub.s32 s12, s15  }
0x5d9: {  	p1 =	slt.s32 s12, $0x1  }
.Ltmp57:
0x5da: {  	_ = 	snop;
	(pc) =	sbr.rel @p1 .LBB2_113-.Ltmp57, $2  }
0x5db: {  	_ =	sdelay $0x2  }
0x5dc: {  	v8 =	vmov s14;
	[tilespmem:s13+$0x10800] =	vst v1;
	v9 =	vimm.f32 $-3.000000010e+38;
	s13 =	simm.s32 $0x0  }
0x5dd: {  	p4 =	sne.s32 s12, $0x1  }
.Ltmp58:
0x5de: {  	_ = 	snop;
	(pc) =	sbr.rel @!p4 .LBB2_103-.Ltmp58, $3  }
0x5df: {  	_ =	sdelay $0x1  }
0x5e0: {  	s14 =	sand.u32 $0xFFFFFFF0, s13;
	s15 =	sadd.s32 $0xFFFFFFFF, s12  }
0x5e1: {  	p1 =	por $0x0, $0x0;
	p2 =	por $0x0, $0x0;
	p3 =	por $0x0, $0x0;
	v13 =	vld [tilespmem:s14+$0x11800]  }
0x5e2: {  	_ =	sdelay $0x3  }
0x5e3: {  	v10 =	vshll.u32 v13, $0x3  }
0x5e4: {  	v11 =	vand.u32 $0x7F, v13;
	v10 =	vand.u32 $0xFFFFFC00, v10  }
0x5e5: {  	v10 =	vor.u32 v10, v11  }
0x5e6: {  	v10 =	vor.u32 $0x200, v10  }
0x5e7: {  	p4 =	sne.s32 s15, $0x1  }
.Ltmp59:
0x5e8: {  	_ = 	snop;
	(pc) =	sbr.rel @!p4 .LBB2_105-.Ltmp59, $4  }
0x5e9: {  	_ = 	snop  }
0x5ea: {  	s14 =	simm.s32 $0x10  }
0x5eb: {  	s16 =	sand.u32 $0xFFFFFFF0, s14;
	v11 =	vld.idx.msk [tilespmem:v10+s3+$0x0], $0xffff  }
0x5ec: {  	s15 =	sadd.s32 $0xFFFFFFFF, s15;
	p1 =	por $0x1, $0x1;
	v10 =	vld [tilespmem:s16+$0x11800]  }
0x5ed: {  	_ =	sdelay $0x3  }
0x5ee: {  	v12 =	vshll.u32 v10, $0x3  }
0x5ef: {  	v14 =	vand.u32 $0x7F, v10;
	v12 =	vand.u32 $0xFFFFFC00, v12  }
0x5f0: {  	v12 =	vor.u32 v12, v14  }
0x5f1: {  	v12 =	vor.u32 $0x200, v12;
	_ =	sdelay $0x1  }
0x5f2: {  	p4 =	sne.s32 s15, $0x1  }
.Ltmp60:
0x5f3: {  	v14 =	vor.u32 s13, v0;
	(pc) =	sbr.rel @!p4 .LBB2_107-.Ltmp60, $4  }
0x5f4: {  	s13 =	simm.s32 $0x20;
	vm3 =	vlt.s32 v14, v8  }
0x5f5: {  	s16 =	sand.u32 $0xFFFFFFF0, s13;
	v14 =	vnsel vm3, $0xBF800000, v11;
	v11 =	vld.idx.msk [tilespmem:v12+s3+$0x0], $0xffff  }
0x5f6: {  	v12 =	vld [tilespmem:s16+$0x11800]  }
0x5f7: {  	s15 =	sadd.s32 $0xFFFFFFFF, s15;
	p2 =	por $0x1, $0x1;
	(xrf1) =	vsort.ascd.msk.f32 $0xffff, v14, v13  }
0x5f8: {  	_ =	sdelay $0x7  }
0x5f9: {  	v13 =	vshll.u32 v12, $0x3  }
0x5fa: {  	v14 =	vand.u32 $0x7F, v12;
	v13 =	vand.u32 $0xFFFFFC00, v13  }
0x5fb: {  	v13 =	vor.u32 v13, v14;
	v14 =	vor.u32 s14, v0;
	_ =	sdelay $0x1  }
0x5fc: {  	vm3 =	vlt.s32 v14, v8  }
0x5fd: {  	v11 =	vnsel vm3, $0xBF800000, v11;
	v14, _, _ =	vpop (xrf1)  }
0x5fe: {  	(xrf1) =	vsort.ascd.msk.f32 $0xffff, v11, v10;
	v10 =	vmax.f32 v9, v14  }
0x5ff: {  	(xrf1) =	vsort.dscd.msk.f32 $0xffff, v10, v0;
	_ =	sdelay $0x3  }
0x600: {  	v13 =	vor.u32 $0x200, v13;
	_ =	sdelay $0x1  }
0x601: {  	p4 =	sne.s32 s15, $0x1  }
.Ltmp61:
0x602: {  	_ = 	snop;
	(pc) =	sbr.rel @!p4 .LBB2_109-.Ltmp61, $4  }
0x603: {  	_ = 	snop  }
0x604: {  	s14 =	simm.s32 $0x30;
	v11 =	vld.idx.msk [tilespmem:v13+s3+$0x0], $0xffff  }
0x605: {  	s16 =	sand.u32 $0xFFFFFFF0, s14  }
0x606: {  	s15 =	sadd.s32 $0xFFFFFFFF, s15;
	p3 =	por $0x1, $0x1;
	v10 =	vld [tilespmem:s16+$0x11800]  }
.LBB2_110:
0x607: {  	p4 =	sne.s32 s15, $0x1;
	v15 =	vor.u32 s13, v0;
	s13 =	smov.u32 s14  }
0x608: {  	vm3 =	vlt.s32 v15, v8;
	v13, _, _ =	vpop (xrf1)  }
0x609: {  	v11 =	vnsel vm3, $0xBF800000, v11;
	v14, _, _ =	vpop (xrf1)  }
0x60a: {  	(xrf1) =	vsort.ascd.msk.f32 $0xffff, v11, v12;
	v11 =	vmax.f32 v14, v13  }
0x60b: {  	v13 =	vshll.u32 v10, $0x3;
	(xrf1) =	vsort.dscd.msk.f32 $0xffff, v11, v0;
	v12 =	vmov v10  }
0x60c: {  	v10 =	vand.u32 $0x7F, v12;
	v11 =	vand.u32 $0xFFFFFC00, v13  }
0x60d: {  	v10 =	vor.u32 v11, v10  }
0x60e: {  	v10 =	vor.u32 $0x200, v10;
	_ =	sdelay $0x3  }
.Ltmp62:
0x60f: {  	(pc) =	sbr.rel @p4 .LBB2_110-.Ltmp62, $4  }
0x610: {  	v11 =	vld.idx.msk [tilespmem:v10+s3+$0x0], $0xffff  }
0x611: {  	s14 =	sadd.s32 $0x10, s14  }
0x612: {  	s16 =	sand.u32 $0xFFFFFFF0, s14  }
0x613: {  	s15 =	sadd.s32 $0xFFFFFFFF, s15;
	v10 =	vld [tilespmem:s16+$0x11800]  }
0x614: {  	v13 =	vmov v12  }
.LBB2_112:
0x615: {  	v12 =	vor.u32 @p1 s13, v0;
	_ =	sdelay $0x1  }
0x616: {  	v14, _, _ =	vpop @p2 (xrf1)  }
0x617: {  	vm3 =	vlt.s32 @p1 v12, v8;
	v12, _, _ =	vpop @p3 (xrf1)  }
0x618: {  	v11 =	vnsel @p1 vm3, $0xBF800000, v11;
	v12 =	vpsel p3, v12, v9  }
0x619: {  	(xrf1) =	vsort.ascd.msk.f32 @p1 $0xffff, v11, v13;
	v11 =	vmax.f32 @p2 v12, v14  }
0x61a: {  	(xrf1) =	vsort.dscd.msk.f32 @p2 $0xffff, v11, v0;
	_ =	sdelay $0x1  }
0x61b: {  	v11 =	vshll.u32 v10, $0x3  }
0x61c: {  	v62 =	vand.u32 $0x7F, v10;
	v11 =	vand.u32 $0xFFFFFC00, v11  }
0x61d: {  	v11 =	vor.u32 v11, v62  }
0x61e: {  	v11 =	vor.u32 $0x200, v11;
	_ =	sdelay $0x4  }
0x61f: {  	v11 =	vld.idx.msk [tilespmem:v11+s3+$0x0], $0xffff;
	_ =	sdelay $0x2  }
0x620: {  	v63 =	vor.u32 s14, v0;
	v13, _, _ =	vpop @p1 (xrf1)  }
0x621: {  	vm3 =	vlt.s32 v63, v8;
	v12, _, _ =	vpop @p2 (xrf1)  }
0x622: {  	v11 =	vnsel vm3, $0xBF800000, v11;
	v12 =	vpsel p2, v12, v9  }
0x623: {  	(xrf1) =	vsort.ascd.msk.f32 $0xffff, v11, v10;
	v10 =	vmax.f32 @p1 v12, v13  }
0x624: {  	(xrf1) =	vsort.dscd.msk.f32 @p1 $0xffff, v10, v0;
	_ =	sdelay $0xc  }
0x625: {  	v10, _, _ =	vpop (xrf1)  }
0x626: {  	v11, _, _ =	vpop @p1 (xrf1)  }
0x627: {  	v9 =	vpsel p1, v11, v9  }
0x628: {  	v9 =	vmax.f32 v9, v10  }
0x629: {  	(xrf1) =	vsort.dscd.msk.f32 $0xffff, v9, v0;
	_ =	sdelay $0xd  }
0x62a: {  	v9, _, _ =	vpop (xrf1)  }
.LBB2_113:
0x62b: {  	(v2sf) =	vpush v9, $0x0;
	_ =	sdelay $0xe  }
0x62c: {  	s13 =	spop (v2sf)  }
0x62d: {  	p1 =	sgt.f32 s13, $9.999999710e-10;
	_ =	sdelay $0x1  }
0x62e: {  	p2 =	slt.s32 @p1 s12, $0x1  }
0x62f: {  	p1 =	por !p1, p2  }
.Ltmp63:
0x630: {  	_ = 	snop;
	(pc) =	sbr.rel @p1 .LBB2_116-.Ltmp63, $1  }
0x631: {  	_ =	sdelay $0x3  }
0x632: {  	v10 =	vbroadcast v9, $0xC;
	_ =	sdelay $0x1  }
0x633: {  	vm3 =	vgt.f32 v9, v10  }
0x634: {  	v9 =	vmpcnt.ones.xlane vm3;
	_ =	sdelay $0x1  }
0x635: {  	v11 =	vimm.s32 $0x0;
	v12 =	vimm.s32 $0x40;
	s13 =	simm.s32 $0x0;
	v9 =	vsub.s32 $0xD, v9  }
.LBB2_115:
0x636: {  	s14 =	sand.u32 $0xFFFFFFF0, s13  }
0x637: {  	v13 =	vld [tilespmem:s14+$0x11800];
	_ =	sdelay $0x4  }
0x638: {  	v14 =	vshll.u32 v13, $0x3  }
0x639: {  	v15 =	vand.u32 $0x7F, v13;
	v14 =	vand.u32 $0xFFFFFC00, v14  }
0x63a: {  	v14 =	vor.u32 v14, v15  }
0x63b: {  	v14 =	vor.u32 $0x200, v14;
	_ =	sdelay $0x4  }
0x63c: {  	v14 =	vld.idx.msk [tilespmem:v14+s3+$0x0], $0xffff;
	_ =	sdelay $0x2  }
0x63d: {  	v15 =	vor.u32 s13, v0  }
0x63e: {  	vm3 =	vlt.s32 v15, v8  }
0x63f: {  	v14 =	vnsel vm3, $0xBF800000, v14  }
0x640: {  	vm3 =	veq.f32 v14, v10  }
0x641: {  	v15 =	vsel vm3, $0x1, v1  }
0x642: {  	(xrf0) =	vadd.scan.msk.s32 $0xffff, v15;
	_ =	sdelay $0x4  }
0x643: {  	v15 =	vsel vm3, $0xFFFFFFFF, v1  }
0x644: {  	v15 =	vadd.s32 v15, v11;
	v16, _, _ =	vpop (xrf0)  }
0x645: {  	v15 =	vadd.s32 v16, v15  }
0x646: {  	vm4 =	vlt.s32 v15, v9  }
0x647: {  	vm5 =	vgt.f32 v14, v10;
	vm4 =	vmand vm3, vm4  }
0x648: {  	vm4 =	vmor vm5, vm4  }
0x649: {  	v14 =	vsel vm4, $0x1, v1  }
0x64a: {  	(xrf0) =	vadd.scan.msk.s32 $0xffff, v14;
	_ =	sdelay $0x4  }
0x64b: {  	v14 =	vsel vm4, $0xFFFFFFFF, v1  }
0x64c: {  	v14 =	vadd.s32 v14, v12;
	v15, _, _ =	vpop (xrf0)  }
0x64d: {  	p1 =	seq.s32 s12, $0x1;
	v14 =	vadd.s32 v15, v14  }
.Ltmp64:
0x64e: {  	_ = 	snop;
	(pc) =	sbr.rel @!p1 .LBB2_115-.Ltmp64, $3  }
0x64f: {  	_ = 	snop  }
0x650: {  	v63 =	vmpcnt.ones.xlane vm4;
	v15 =	vmpcnt.ones.xlane vm3;
	_ =	sdelay $0x1  }
0x651: {  	s12 =	sadd.s32 $0xFFFFFFFF, s12;
	s13 =	sadd.s32 $0x10, s13;
	v12 =	vadd.s32 v12, v63;
	v11 =	vadd.s32 v11, v15;
	[tilespmem:v14+s9+$0x0] =	vst.idx.msk vm4, v13  }
.Ltmp65:
0x652: {  	_ = 	snop;
	(pc) =	sbr.rel .LBB2_116-.Ltmp65, $1  }
0x653: {  	_ =	sdelay $0x3  }
.LBB2_95:
0x654: {  	s12 =	simm.s32 $0x0  }
0x655: {  	s13 =	sand.u32 $0x70, s12;
	s14 =	sand.u32 $0x1FC00, s12  }
0x656: {  	s13 =	sor.u32 s13, s14  }
0x657: {  	v9 =	vld [tilespmem:s13+$0x200];
	_ =	sdelay $0x3  }
0x658: {  	v10 =	vor.u32 s12, v0  }
0x659: {  	(xrf1) =	vsort.ascd.msk.f32 $0xffff, v9, v10;
	_ =	sdelay $0x6  }
0x65a: {  	s28 =	simm.s32 $0x10;
	s29 =	simm.s32 $0x80  }
0x65b: {  	s30 =	sand.u32 $0x70, s28;
	s12 =	sand.u32 $0x1FC00, s29  }
0x65c: {  	s12 =	sor.u32 s30, s12  }
0x65d: {  	v63 =	vld [tilespmem:s12+$0x200];
	_ =	sdelay $0x3  }
0x65e: {  	v8 =	vimm.f32 $-3.000000010e+38;
	v11 =	vor.u32 s28, v0;
	v10, _, _ =	vpop (xrf1)  }
0x65f: {  	(xrf1) =	vsort.ascd.msk.f32 $0xffff, v63, v11;
	v8 =	vmax.f32 v8, v10  }
0x660: {  	(xrf1) =	vsort.dscd.msk.f32 $0xffff, v8, v0;
	_ =	sdelay $0x6  }
0x661: {  	s12 =	simm.s32 $0x20;
	s13 =	simm.s32 $0x100  }
0x662: {  	s31 =	sand.u32 $0x70, s12;
	s15 =	sand.u32 $0x1FC00, s13  }
0x663: {  	s14 =	simm.s32 $0x30;
	s15 =	sor.u32 s31, s15  }
.LBB2_96:
0x664: {  	p1 =	sne.s32 s14, $0x20C0;
	v8 =	vld [tilespmem:s15+$0x200];
	_ =	sdelay $0x2  }
0x665: {  	v9, _, _ =	vpop (xrf1)  }
0x666: {  	v10 =	vor.u32 s12, v0;
	s12 =	smov.u32 s14;
	v11, _, _ =	vpop (xrf1)  }
0x667: {  	(xrf1) =	vsort.ascd.msk.f32 $0xffff, v8, v10;
	v8 =	vmax.f32 v11, v9  }
0x668: {  	(xrf1) =	vsort.dscd.msk.f32 $0xffff, v8, v0;
	_ =	sdelay $0x4  }
.Ltmp66:
0x669: {  	(pc) =	sbr.rel @p1 .LBB2_96-.Ltmp66, $4  }
0x66a: {  	_ = 	snop  }
0x66b: {  	s13 =	sadd.s32 $0x80, s13  }
0x66c: {  	s15 =	sand.u32 $0x70, s14;
	s16 =	sand.u32 $0x1FC00, s13  }
0x66d: {  	s14 =	sadd.s32 $0x10, s14;
	s15 =	sor.u32 s15, s16  }
0x66e: {  	v8 =	vld [tilespmem:s15+$0x200];
	_ =	sdelay $0x2  }
0x66f: {  	v9, _, _ =	vpop (xrf1)  }
0x670: {  	v10 =	vor.u32 s12, v0;
	v11, _, _ =	vpop (xrf1)  }
0x671: {  	(xrf1) =	vsort.ascd.msk.f32 $0xffff, v8, v10;
	v8 =	vmax.f32 v11, v9  }
0x672: {  	(xrf1) =	vsort.dscd.msk.f32 $0xffff, v8, v0;
	_ =	sdelay $0xc  }
0x673: {  	v8, _, _ =	vpop (xrf1)  }
0x674: {  	v9, _, _ =	vpop (xrf1)  }
0x675: {  	v8 =	vmax.f32 v9, v8  }
0x676: {  	(xrf1) =	vsort.dscd.msk.f32 $0xffff, v8, v0;
	_ =	sdelay $0xd  }
0x677: {  	v9, _, _ =	vpop (xrf1)  }
0x678: {  	(v2sf) =	vpush v9, $0x0;
	_ =	sdelay $0xe  }
0x679: {  	s31 =	spop (v2sf)  }
0x67a: {  	p1 =	sgt.f32 s31, $9.999999710e-10  }
.Ltmp67:
0x67b: {  	_ = 	snop;
	(pc) =	sbr.rel @!p1 .LBB2_116-.Ltmp67, $1  }
0x67c: {  	_ =	sdelay $0x3  }
0x67d: {  	s17 =	simm.s32 $0x0  }
0x67e: {  	s12 =	sand.u32 $0x70, s17;
	s13 =	sand.u32 $0x1FC00, s17  }
0x67f: {  	s12 =	sor.u32 s12, s13  }
0x680: {  	v10 =	vld [tilespmem:s12+$0x200];
	_ =	sdelay $0x2  }
0x681: {  	v8 =	vbroadcast v9, $0xC;
	_ =	sdelay $0x1  }
0x682: {  	vm4 =	veq.f32 v10, v8  }
0x683: {  	v11 =	vsel vm4, $0x1, v1  }
0x684: {  	(xrf0) =	vadd.scan.msk.s32 $0xffff, v11;
	_ =	sdelay $0x3  }
0x685: {  	vm3 =	vgt.f32 v9, v8  }
0x686: {  	v9 =	vmpcnt.ones.xlane vm3;
	v12 =	vsel vm4, $0xFFFFFFFF, v1;
	v11 =	vimm.s32 $0x0  }
0x687: {  	v12 =	vadd.s32 v12, v11;
	v13, _, _ =	vpop (xrf0)  }
0x688: {  	v9 =	vsub.s32 $0xD, v9;
	v12 =	vadd.s32 v13, v12  }
0x689: {  	vm3 =	vlt.s32 v12, v9  }
0x68a: {  	vm5 =	vgt.f32 v10, v8;
	vm3 =	vmand vm4, vm3  }
0x68b: {  	vm3 =	vmor vm5, vm3  }
0x68c: {  	v10 =	vsel vm3, $0x1, v1  }
0x68d: {  	(xrf0) =	vadd.scan.msk.s32 $0xffff, v10;
	_ =	sdelay $0x2  }
0x68e: {  	v13 =	vimm.s32 $0x40  }
0x68f: {  	v12 =	vmpcnt.ones.xlane vm3;
	v10 =	vmpcnt.ones.xlane vm4  }
0x690: {  	v14 =	vsel vm3, $0xFFFFFFFF, v1  }
0x691: {  	v12 =	vadd.s32 v13, v12;
	v11 =	vadd.s32 v11, v10;
	v10 =	vadd.s32 v14, v13;
	v13, _, _ =	vpop (xrf0)  }
0x692: {  	v14 =	vadd.s32 v13, v10;
	_ =	sdelay $0x2  }
0x693: {  	s13 =	simm.s32 $0x80;
	s12 =	simm.s32 $0x10  }
0x694: {  	s14 =	simm.s32 $0x20;
	v15 =	vor.u32 s17, v0;
	s16 =	sand.u32 $0x1FC00, s13;
	s15 =	sand.u32 $0x70, s12;
	v13 =	vmov v11;
	v10 =	vmov v12  }
.LBB2_99:
0x695: {  	p1 =	sne.s32 s14, $0x20C0;
	s15 =	sor.u32 s15, s16;
	[tilespmem:v14+s9+$0x0] =	vst.idx.msk vm3, v15;
	s17 =	smov.u32 s12  }
0x696: {  	s12 =	smov.u32 s14;
	v14 =	vld [tilespmem:s15+$0x200];
	_ =	sdelay $0x4  }
0x697: {  	vm3 =	veq.f32 v14, v8  }
0x698: {  	v15 =	vsel vm3, $0x1, v1;
	v16 =	vmpcnt.ones.xlane vm3  }
0x699: {  	(xrf0) =	vadd.scan.msk.s32 $0xffff, v15  }
0x69a: {  	v11 =	vadd.s32 v11, v16;
	_ =	sdelay $0x3  }
0x69b: {  	v15 =	vsel vm3, $0xFFFFFFFF, v1  }
0x69c: {  	v15 =	vadd.s32 v15, v13;
	v13 =	vmov v11;
	v16, _, _ =	vpop (xrf0)  }
0x69d: {  	v15 =	vadd.s32 v16, v15  }
0x69e: {  	vm4 =	vlt.s32 v15, v9  }
0x69f: {  	vm5 =	vgt.f32 v14, v8;
	vm3 =	vmand vm3, vm4  }
0x6a0: {  	vm3 =	vmor vm5, vm3  }
0x6a1: {  	v14 =	vsel vm3, $0x1, v1;
	v15 =	vmpcnt.ones.xlane vm3  }
0x6a2: {  	(xrf0) =	vadd.scan.msk.s32 $0xffff, v14  }
0x6a3: {  	v12 =	vadd.s32 v12, v15;
	_ =	sdelay $0x3  }
0x6a4: {  	v14 =	vsel vm3, $0xFFFFFFFF, v1  }
0x6a5: {  	v14 =	vadd.s32 v14, v10;
	v10 =	vmov v12;
	v15, _, _ =	vpop (xrf0)  }
.Ltmp68:
0x6a6: {  	v14 =	vadd.s32 v15, v14;
	(pc) =	sbr.rel @p1 .LBB2_99-.Ltmp68, $3  }
0x6a7: {  	_ =	sdelay $0x1  }
0x6a8: {  	s13 =	sadd.s32 $0x80, s13  }
0x6a9: {  	s14 =	sadd.s32 $0x10, s14;
	s15 =	sand.u32 $0x70, s12;
	s16 =	sand.u32 $0x1FC00, s13;
	v15 =	vor.u32 s17, v0  }
0x6aa: {  	_ =	sdelay $0x4  }
0x6ab: {  	s13 =	sor.u32 s15, s16;
	[tilespmem:v14+s9+$0x0] =	vst.idx.msk vm3, v15  }
0x6ac: {  	v11 =	vld [tilespmem:s13+$0x200];
	_ =	sdelay $0x4  }
0x6ad: {  	vm3 =	veq.f32 v11, v8  }
0x6ae: {  	v12 =	vsel vm3, $0x1, v1  }
0x6af: {  	(xrf0) =	vadd.scan.msk.s32 $0xffff, v12;
	_ =	sdelay $0x4  }
0x6b0: {  	v60 =	vsel vm3, $0xFFFFFFFF, v1  }
0x6b1: {  	v12 =	vadd.s32 v60, v13;
	v61, _, _ =	vpop (xrf0)  }
0x6b2: {  	v12 =	vadd.s32 v61, v12  }
0x6b3: {  	vm4 =	vlt.s32 v12, v9  }
0x6b4: {  	vm5 =	vgt.f32 v11, v8;
	vm3 =	vmand vm3, vm4  }
0x6b5: {  	vm3 =	vmor vm5, vm3  }
0x6b6: {  	v8 =	vsel vm3, $0x1, v1  }
0x6b7: {  	(xrf0) =	vadd.scan.msk.s32 $0xffff, v8;
	_ =	sdelay $0x4  }
0x6b8: {  	v8 =	vsel vm3, $0xFFFFFFFF, v1  }
0x6b9: {  	v8 =	vadd.s32 v8, v10;
	v62, _, _ =	vpop (xrf0)  }
0x6ba: {  	v8 =	vadd.s32 v62, v8;
	_ =	sdelay $0x3  }
0x6bb: {  	v63 =	vor.u32 s12, v0  }
0x6bc: {  	[tilespmem:v8+s9+$0x0] =	vst.idx.msk vm3, v63  }
.LBB2_116:
0x6bd: {  	v8 =	vmpcnt.ones.xlane vm2;
	_ =	sdelay $0x1  }
0x6be: {  	v7 =	vadd.s32 v7, v8  }
0x6bf: {  	(v2sf) =	vpush v7, $0x0;
	_ =	sdelay $0xe  }
0x6c0: {  	s13 =	spop (v2sf)  }
0x6c1: {  	s14 =	sadd.s32 $0xFFFFEC00, s13  }
0x6c2: {  	p1 =	sgt.s32 s14, $0x3F0  }
.Ltmp69:
0x6c3: {  	_ = 	snop;
	(pc) =	sbr.rel @p1 .LBB2_117-.Ltmp69, $2  }
0x6c4: {  	_ =	sdelay $0x2  }
0x6c5: {  	[tilespmem:$0x12850] =	vst v2  }
0x6c6: {  	s12 =	sadd.s32 $0xFFFFEC0F, s13  }
0x6c7: {  	s15 =	sand.u32 $0xF, s12  }
0x6c8: {  	p2 =	slt.s32 s13, $0x13F2;
	s31 =	sshra.s32 s12, $0x1F;
	p1 =	sne.s32 s15, $0x0  }
0x6c9: {  	s15 =	sshrl.u32 s31, $0x1C;
	p1 =	por !p2, !p1  }
0x6ca: {  	s12 =	sadd.s32 s15, s12;
	s15 =	simm.s32 $0x1;
	p1 =	por !p1, !p1  }
0x6cb: {  	s12 =	sshra.s32 s12, $0x4;
	s15 =	simm.s32 @!p1 $0x0  }
0x6cc: {  	s12 =	ssub.s32 s12, s15  }
0x6cd: {  	p1 =	slt.s32 s12, $0x1  }
.Ltmp70:
0x6ce: {  	_ = 	snop;
	(pc) =	sbr.rel @p1 .LBB2_135-.Ltmp70, $2  }
0x6cf: {  	_ =	sdelay $0x2  }
0x6d0: {  	v7 =	vmov s14;
	[tilespmem:s13+$0x10800] =	vst v1;
	v8 =	vimm.f32 $-3.000000010e+38;
	s13 =	simm.s32 $0x0  }
0x6d1: {  	p4 =	sne.s32 s12, $0x1  }
.Ltmp71:
0x6d2: {  	_ = 	snop;
	(pc) =	sbr.rel @!p4 .LBB2_125-.Ltmp71, $3  }
0x6d3: {  	_ =	sdelay $0x1  }
0x6d4: {  	s14 =	sand.u32 $0xFFFFFFF0, s13;
	s15 =	sadd.s32 $0xFFFFFFFF, s12  }
0x6d5: {  	p1 =	por $0x0, $0x0;
	p2 =	por $0x0, $0x0;
	p3 =	por $0x0, $0x0;
	v12 =	vld [tilespmem:s14+$0x11C00]  }
0x6d6: {  	_ =	sdelay $0x3  }
0x6d7: {  	v9 =	vshll.u32 v12, $0x3  }
0x6d8: {  	v10 =	vand.u32 $0x7F, v12;
	v9 =	vand.u32 $0xFFFFFC00, v9  }
0x6d9: {  	v9 =	vor.u32 v9, v10  }
0x6da: {  	v9 =	vor.u32 $0x280, v9  }
0x6db: {  	p4 =	sne.s32 s15, $0x1  }
.Ltmp72:
0x6dc: {  	_ = 	snop;
	(pc) =	sbr.rel @!p4 .LBB2_127-.Ltmp72, $4  }
0x6dd: {  	_ = 	snop  }
0x6de: {  	s14 =	simm.s32 $0x10  }
0x6df: {  	s16 =	sand.u32 $0xFFFFFFF0, s14;
	v10 =	vld.idx.msk [tilespmem:v9+s3+$0x0], $0xffff  }
0x6e0: {  	s15 =	sadd.s32 $0xFFFFFFFF, s15;
	p1 =	por $0x1, $0x1;
	v9 =	vld [tilespmem:s16+$0x11C00]  }
0x6e1: {  	_ =	sdelay $0x3  }
0x6e2: {  	v11 =	vshll.u32 v9, $0x3  }
0x6e3: {  	v13 =	vand.u32 $0x7F, v9;
	v11 =	vand.u32 $0xFFFFFC00, v11  }
0x6e4: {  	v11 =	vor.u32 v11, v13  }
0x6e5: {  	v11 =	vor.u32 $0x280, v11;
	_ =	sdelay $0x1  }
0x6e6: {  	p4 =	sne.s32 s15, $0x1  }
.Ltmp73:
0x6e7: {  	v63 =	vor.u32 s13, v0;
	(pc) =	sbr.rel @!p4 .LBB2_129-.Ltmp73, $4  }
0x6e8: {  	s13 =	simm.s32 $0x20;
	vm2 =	vlt.s32 v63, v7  }
0x6e9: {  	s16 =	sand.u32 $0xFFFFFFF0, s13;
	v13 =	vnsel vm2, $0xBF800000, v10;
	v10 =	vld.idx.msk [tilespmem:v11+s3+$0x0], $0xffff  }
0x6ea: {  	v11 =	vld [tilespmem:s16+$0x11C00]  }
0x6eb: {  	s15 =	sadd.s32 $0xFFFFFFFF, s15;
	p2 =	por $0x1, $0x1;
	(xrf1) =	vsort.ascd.msk.f32 $0xffff, v13, v12  }
0x6ec: {  	_ =	sdelay $0xa  }
0x6ed: {  	v62 =	vor.u32 s14, v0  }
0x6ee: {  	vm2 =	vlt.s32 v62, v7  }
0x6ef: {  	v10 =	vnsel vm2, $0xBF800000, v10;
	v63, _, _ =	vpop (xrf1)  }
0x6f0: {  	(xrf1) =	vsort.ascd.msk.f32 $0xffff, v10, v9;
	v9 =	vmax.f32 v8, v63  }
0x6f1: {  	(xrf1) =	vsort.dscd.msk.f32 $0xffff, v9, v0  }
0x6f2: {  	v12 =	vshll.u32 v11, $0x3  }
0x6f3: {  	v13 =	vand.u32 $0x7F, v11;
	v12 =	vand.u32 $0xFFFFFC00, v12  }
0x6f4: {  	v12 =	vor.u32 v12, v13  }
0x6f5: {  	v12 =	vor.u32 $0x280, v12;
	_ =	sdelay $0x1  }
0x6f6: {  	p4 =	sne.s32 s15, $0x1  }
.Ltmp74:
0x6f7: {  	_ = 	snop;
	(pc) =	sbr.rel @!p4 .LBB2_131-.Ltmp74, $4  }
0x6f8: {  	_ = 	snop  }
0x6f9: {  	s14 =	simm.s32 $0x30;
	v10 =	vld.idx.msk [tilespmem:v12+s3+$0x0], $0xffff  }
0x6fa: {  	s16 =	sand.u32 $0xFFFFFFF0, s14  }
0x6fb: {  	s15 =	sadd.s32 $0xFFFFFFFF, s15;
	p3 =	por $0x1, $0x1;
	v9 =	vld [tilespmem:s16+$0x11C00]  }
.LBB2_132:
0x6fc: {  	p4 =	sne.s32 s15, $0x1;
	v14 =	vor.u32 s13, v0;
	s13 =	smov.u32 s14  }
0x6fd: {  	vm2 =	vlt.s32 v14, v7;
	v12, _, _ =	vpop (xrf1)  }
0x6fe: {  	v10 =	vnsel vm2, $0xBF800000, v10;
	v13, _, _ =	vpop (xrf1)  }
0x6ff: {  	(xrf1) =	vsort.ascd.msk.f32 $0xffff, v10, v11;
	v10 =	vmax.f32 v13, v12  }
0x700: {  	v12 =	vshll.u32 v9, $0x3;
	(xrf1) =	vsort.dscd.msk.f32 $0xffff, v10, v0;
	v11 =	vmov v9  }
0x701: {  	v9 =	vand.u32 $0x7F, v11;
	v10 =	vand.u32 $0xFFFFFC00, v12  }
0x702: {  	v9 =	vor.u32 v10, v9  }
0x703: {  	v9 =	vor.u32 $0x280, v9;
	_ =	sdelay $0x3  }
.Ltmp75:
0x704: {  	(pc) =	sbr.rel @p4 .LBB2_132-.Ltmp75, $4  }
0x705: {  	v10 =	vld.idx.msk [tilespmem:v9+s3+$0x0], $0xffff  }
0x706: {  	s14 =	sadd.s32 $0x10, s14  }
0x707: {  	s16 =	sand.u32 $0xFFFFFFF0, s14  }
0x708: {  	s15 =	sadd.s32 $0xFFFFFFFF, s15;
	v9 =	vld [tilespmem:s16+$0x11C00]  }
0x709: {  	v12 =	vmov v11  }
.LBB2_134:
0x70a: {  	v11 =	vor.u32 @p1 s13, v0;
	_ =	sdelay $0x1  }
0x70b: {  	v13, _, _ =	vpop @p2 (xrf1)  }
0x70c: {  	vm2 =	vlt.s32 @p1 v11, v7;
	v11, _, _ =	vpop @p3 (xrf1)  }
0x70d: {  	v10 =	vnsel @p1 vm2, $0xBF800000, v10;
	v11 =	vpsel p3, v11, v8  }
0x70e: {  	(xrf1) =	vsort.ascd.msk.f32 @p1 $0xffff, v10, v12;
	v10 =	vmax.f32 @p2 v11, v13  }
0x70f: {  	(xrf1) =	vsort.dscd.msk.f32 @p2 $0xffff, v10, v0;
	_ =	sdelay $0x1  }
0x710: {  	v10 =	vshll.u32 v9, $0x3  }
0x711: {  	v11 =	vand.u32 $0x7F, v9;
	v10 =	vand.u32 $0xFFFFFC00, v10  }
0x712: {  	v10 =	vor.u32 v10, v11  }
0x713: {  	v10 =	vor.u32 $0x280, v10;
	_ =	sdelay $0x4  }
0x714: {  	v10 =	vld.idx.msk [tilespmem:v10+s3+$0x0], $0xffff  }
0x715: {  	v11 =	vor.u32 s14, v0;
	_ =	sdelay $0x1  }
0x716: {  	v12, _, _ =	vpop @p1 (xrf1)  }
0x717: {  	vm2 =	vlt.s32 v11, v7;
	v11, _, _ =	vpop @p2 (xrf1)  }
0x718: {  	v10 =	vnsel vm2, $0xBF800000, v10;
	v11 =	vpsel p2, v11, v8  }
0x719: {  	(xrf1) =	vsort.ascd.msk.f32 $0xffff, v10, v9;
	v9 =	vmax.f32 @p1 v11, v12  }
0x71a: {  	(xrf1) =	vsort.dscd.msk.f32 @p1 $0xffff, v9, v0;
	_ =	sdelay $0xc  }
0x71b: {  	v9, _, _ =	vpop (xrf1)  }
0x71c: {  	v10, _, _ =	vpop @p1 (xrf1)  }
0x71d: {  	v8 =	vpsel p1, v10, v8  }
0x71e: {  	v8 =	vmax.f32 v8, v9  }
0x71f: {  	(xrf1) =	vsort.dscd.msk.f32 $0xffff, v8, v0;
	_ =	sdelay $0xd  }
0x720: {  	v8, _, _ =	vpop (xrf1)  }
.LBB2_135:
0x721: {  	(v2sf) =	vpush v8, $0x0;
	_ =	sdelay $0xe  }
0x722: {  	s13 =	spop (v2sf)  }
0x723: {  	p1 =	sgt.f32 s13, $9.999999710e-10;
	_ =	sdelay $0x1  }
0x724: {  	p2 =	slt.s32 @p1 s12, $0x1  }
0x725: {  	p1 =	por !p1, p2  }
.Ltmp76:
0x726: {  	_ = 	snop;
	(pc) =	sbr.rel @p1 .LBB2_138-.Ltmp76, $1  }
0x727: {  	_ =	sdelay $0x3  }
0x728: {  	v9 =	vbroadcast v8, $0xC;
	_ =	sdelay $0x1  }
0x729: {  	vm2 =	vgt.f32 v8, v9  }
0x72a: {  	v8 =	vmpcnt.ones.xlane vm2;
	_ =	sdelay $0x1  }
0x72b: {  	v10 =	vimm.s32 $0x0;
	v11 =	vimm.s32 $0x50;
	s13 =	simm.s32 $0x0;
	v8 =	vsub.s32 $0xD, v8  }
.LBB2_137:
0x72c: {  	s14 =	sand.u32 $0xFFFFFFF0, s13  }
0x72d: {  	v12 =	vld [tilespmem:s14+$0x11C00];
	_ =	sdelay $0x4  }
0x72e: {  	v13 =	vshll.u32 v12, $0x3  }
0x72f: {  	v14 =	vand.u32 $0x7F, v12;
	v13 =	vand.u32 $0xFFFFFC00, v13  }
0x730: {  	v13 =	vor.u32 v13, v14  }
0x731: {  	v13 =	vor.u32 $0x280, v13;
	_ =	sdelay $0x4  }
0x732: {  	v13 =	vld.idx.msk [tilespmem:v13+s3+$0x0], $0xffff;
	_ =	sdelay $0x2  }
0x733: {  	v56 =	vor.u32 s13, v0  }
0x734: {  	vm2 =	vlt.s32 v56, v7  }
0x735: {  	v13 =	vnsel vm2, $0xBF800000, v13  }
0x736: {  	vm2 =	veq.f32 v13, v9  }
0x737: {  	v57 =	vsel vm2, $0x1, v1  }
0x738: {  	(xrf0) =	vadd.scan.msk.s32 $0xffff, v57;
	_ =	sdelay $0x4  }
0x739: {  	v58 =	vsel vm2, $0xFFFFFFFF, v1  }
0x73a: {  	v14 =	vadd.s32 v58, v10;
	v15, _, _ =	vpop (xrf0)  }
0x73b: {  	v14 =	vadd.s32 v15, v14  }
0x73c: {  	vm3 =	vlt.s32 v14, v8  }
0x73d: {  	vm4 =	vgt.f32 v13, v9;
	vm3 =	vmand vm2, vm3  }
0x73e: {  	vm3 =	vmor vm4, vm3  }
0x73f: {  	v59 =	vsel vm3, $0x1, v1  }
0x740: {  	(xrf0) =	vadd.scan.msk.s32 $0xffff, v59;
	_ =	sdelay $0x4  }
0x741: {  	v60 =	vsel vm3, $0xFFFFFFFF, v1  }
0x742: {  	v13 =	vadd.s32 v60, v11;
	v61, _, _ =	vpop (xrf0)  }
0x743: {  	p1 =	seq.s32 s12, $0x1;
	v13 =	vadd.s32 v61, v13  }
.Ltmp77:
0x744: {  	_ = 	snop;
	(pc) =	sbr.rel @!p1 .LBB2_137-.Ltmp77, $3  }
0x745: {  	_ = 	snop  }
0x746: {  	v62 =	vmpcnt.ones.xlane vm2;
	v63 =	vmpcnt.ones.xlane vm3;
	_ =	sdelay $0x1  }
0x747: {  	s13 =	sadd.s32 $0x10, s13;
	s12 =	sadd.s32 $0xFFFFFFFF, s12;
	v10 =	vadd.s32 v10, v62;
	v11 =	vadd.s32 v11, v63;
	[tilespmem:v13+s9+$0x0] =	vst.idx.msk vm3, v12  }
.Ltmp78:
0x748: {  	_ = 	snop;
	(pc) =	sbr.rel .LBB2_138-.Ltmp78, $1  }
0x749: {  	_ =	sdelay $0x3  }
.LBB2_117:
0x74a: {  	s12 =	simm.s32 $0x0  }
0x74b: {  	s13 =	sand.u32 $0x70, s12;
	s14 =	sand.u32 $0x1FC00, s12  }
0x74c: {  	s13 =	sor.u32 s13, s14  }
0x74d: {  	v8 =	vld [tilespmem:s13+$0x280];
	_ =	sdelay $0x3  }
0x74e: {  	v9 =	vor.u32 s12, v0  }
0x74f: {  	(xrf1) =	vsort.ascd.msk.f32 $0xffff, v8, v9;
	_ =	sdelay $0x6  }
0x750: {  	s28 =	simm.s32 $0x10;
	s29 =	simm.s32 $0x80  }
0x751: {  	s30 =	sand.u32 $0x70, s28;
	s12 =	sand.u32 $0x1FC00, s29  }
0x752: {  	s12 =	sor.u32 s30, s12  }
0x753: {  	v8 =	vld [tilespmem:s12+$0x280];
	_ =	sdelay $0x3  }
0x754: {  	v7 =	vimm.f32 $-3.000000010e+38;
	v10 =	vor.u32 s28, v0;
	v9, _, _ =	vpop (xrf1)  }
0x755: {  	(xrf1) =	vsort.ascd.msk.f32 $0xffff, v8, v10;
	v7 =	vmax.f32 v7, v9  }
0x756: {  	(xrf1) =	vsort.dscd.msk.f32 $0xffff, v7, v0;
	_ =	sdelay $0x6  }
0x757: {  	s13 =	simm.s32 $0x100;
	s12 =	simm.s32 $0x20  }
0x758: {  	s15 =	sand.u32 $0x1FC00, s13;
	s31 =	sand.u32 $0x70, s12  }
0x759: {  	s14 =	simm.s32 $0x30;
	s15 =	sor.u32 s31, s15  }
.LBB2_118:
0x75a: {  	p1 =	sne.s32 s14, $0x20C0;
	v7 =	vld [tilespmem:s15+$0x280];
	_ =	sdelay $0x2  }
0x75b: {  	v8, _, _ =	vpop (xrf1)  }
0x75c: {  	v9 =	vor.u32 s12, v0;
	s12 =	smov.u32 s14;
	v10, _, _ =	vpop (xrf1)  }
0x75d: {  	(xrf1) =	vsort.ascd.msk.f32 $0xffff, v7, v9;
	v7 =	vmax.f32 v10, v8  }
0x75e: {  	(xrf1) =	vsort.dscd.msk.f32 $0xffff, v7, v0;
	_ =	sdelay $0x4  }
.Ltmp79:
0x75f: {  	(pc) =	sbr.rel @p1 .LBB2_118-.Ltmp79, $4  }
0x760: {  	_ = 	snop  }
0x761: {  	s13 =	sadd.s32 $0x80, s13  }
0x762: {  	s15 =	sand.u32 $0x70, s14;
	s16 =	sand.u32 $0x1FC00, s13  }
0x763: {  	s14 =	sadd.s32 $0x10, s14;
	s15 =	sor.u32 s15, s16  }
0x764: {  	v7 =	vld [tilespmem:s15+$0x280];
	_ =	sdelay $0x2  }
0x765: {  	v8, _, _ =	vpop (xrf1)  }
0x766: {  	v9 =	vor.u32 s12, v0;
	v10, _, _ =	vpop (xrf1)  }
0x767: {  	(xrf1) =	vsort.ascd.msk.f32 $0xffff, v7, v9;
	v7 =	vmax.f32 v10, v8  }
0x768: {  	(xrf1) =	vsort.dscd.msk.f32 $0xffff, v7, v0;
	_ =	sdelay $0xc  }
0x769: {  	v7, _, _ =	vpop (xrf1)  }
0x76a: {  	v8, _, _ =	vpop (xrf1)  }
0x76b: {  	v7 =	vmax.f32 v8, v7  }
0x76c: {  	(xrf1) =	vsort.dscd.msk.f32 $0xffff, v7, v0;
	_ =	sdelay $0xd  }
0x76d: {  	v8, _, _ =	vpop (xrf1)  }
0x76e: {  	(v2sf) =	vpush v8, $0x0;
	_ =	sdelay $0xe  }
0x76f: {  	s31 =	spop (v2sf)  }
0x770: {  	p1 =	sgt.f32 s31, $9.999999710e-10  }
.Ltmp80:
0x771: {  	_ = 	snop;
	(pc) =	sbr.rel @!p1 .LBB2_138-.Ltmp80, $1  }
0x772: {  	_ =	sdelay $0x3  }
0x773: {  	s17 =	simm.s32 $0x0  }
0x774: {  	s12 =	sand.u32 $0x70, s17;
	s13 =	sand.u32 $0x1FC00, s17  }
0x775: {  	s12 =	sor.u32 s12, s13  }
0x776: {  	v9 =	vld [tilespmem:s12+$0x280];
	_ =	sdelay $0x2  }
0x777: {  	v7 =	vbroadcast v8, $0xC;
	_ =	sdelay $0x1  }
0x778: {  	vm3 =	veq.f32 v9, v7  }
0x779: {  	v10 =	vsel vm3, $0x1, v1  }
0x77a: {  	(xrf0) =	vadd.scan.msk.s32 $0xffff, v10;
	_ =	sdelay $0x3  }
0x77b: {  	vm2 =	vgt.f32 v8, v7  }
0x77c: {  	v8 =	vmpcnt.ones.xlane vm2;
	v11 =	vsel vm3, $0xFFFFFFFF, v1;
	v10 =	vimm.s32 $0x0  }
0x77d: {  	v11 =	vadd.s32 v11, v10;
	v12, _, _ =	vpop (xrf0)  }
0x77e: {  	v8 =	vsub.s32 $0xD, v8;
	v11 =	vadd.s32 v12, v11  }
0x77f: {  	vm2 =	vlt.s32 v11, v8  }
0x780: {  	vm4 =	vgt.f32 v9, v7;
	vm2 =	vmand vm3, vm2  }
0x781: {  	vm2 =	vmor vm4, vm2  }
0x782: {  	v9 =	vsel vm2, $0x1, v1  }
0x783: {  	(xrf0) =	vadd.scan.msk.s32 $0xffff, v9;
	_ =	sdelay $0x2  }
0x784: {  	v12 =	vimm.s32 $0x50  }
0x785: {  	v11 =	vmpcnt.ones.xlane vm2;
	v9 =	vmpcnt.ones.xlane vm3  }
0x786: {  	v13 =	vsel vm2, $0xFFFFFFFF, v1  }
0x787: {  	v11 =	vadd.s32 v12, v11;
	v10 =	vadd.s32 v10, v9;
	v9 =	vadd.s32 v13, v12;
	v12, _, _ =	vpop (xrf0)  }
0x788: {  	v13 =	vadd.s32 v12, v9;
	_ =	sdelay $0x2  }
0x789: {  	s13 =	simm.s32 $0x80;
	s12 =	simm.s32 $0x10  }
0x78a: {  	s14 =	simm.s32 $0x20;
	v14 =	vor.u32 s17, v0;
	s16 =	sand.u32 $0x1FC00, s13;
	s15 =	sand.u32 $0x70, s12;
	v12 =	vmov v10;
	v9 =	vmov v11  }
.LBB2_121:
0x78b: {  	p1 =	sne.s32 s14, $0x20C0;
	s15 =	sor.u32 s15, s16;
	[tilespmem:v13+s9+$0x0] =	vst.idx.msk vm2, v14;
	s17 =	smov.u32 s12  }
0x78c: {  	s12 =	smov.u32 s14;
	v13 =	vld [tilespmem:s15+$0x280];
	_ =	sdelay $0x4  }
0x78d: {  	vm2 =	veq.f32 v13, v7  }
0x78e: {  	v14 =	vsel vm2, $0x1, v1;
	v15 =	vmpcnt.ones.xlane vm2  }
0x78f: {  	(xrf0) =	vadd.scan.msk.s32 $0xffff, v14  }
0x790: {  	v10 =	vadd.s32 v10, v15;
	_ =	sdelay $0x3  }
0x791: {  	v14 =	vsel vm2, $0xFFFFFFFF, v1  }
0x792: {  	v14 =	vadd.s32 v14, v12;
	v12 =	vmov v10;
	v15, _, _ =	vpop (xrf0)  }
0x793: {  	v14 =	vadd.s32 v15, v14  }
0x794: {  	vm3 =	vlt.s32 v14, v8  }
0x795: {  	vm4 =	vgt.f32 v13, v7;
	vm2 =	vmand vm2, vm3  }
0x796: {  	vm2 =	vmor vm4, vm2  }
0x797: {  	v13 =	vsel vm2, $0x1, v1;
	v14 =	vmpcnt.ones.xlane vm2  }
0x798: {  	(xrf0) =	vadd.scan.msk.s32 $0xffff, v13  }
0x799: {  	v11 =	vadd.s32 v11, v14;
	_ =	sdelay $0x3  }
0x79a: {  	v13 =	vsel vm2, $0xFFFFFFFF, v1  }
0x79b: {  	v13 =	vadd.s32 v13, v9;
	v9 =	vmov v11;
	v14, _, _ =	vpop (xrf0)  }
.Ltmp81:
0x79c: {  	v13 =	vadd.s32 v14, v13;
	(pc) =	sbr.rel @p1 .LBB2_121-.Ltmp81, $3  }
0x79d: {  	_ =	sdelay $0x1  }
0x79e: {  	s13 =	sadd.s32 $0x80, s13  }
0x79f: {  	s14 =	sadd.s32 $0x10, s14;
	s15 =	sand.u32 $0x70, s12;
	s16 =	sand.u32 $0x1FC00, s13;
	v14 =	vor.u32 s17, v0  }
0x7a0: {  	_ =	sdelay $0x4  }
0x7a1: {  	s13 =	sor.u32 s15, s16;
	[tilespmem:v13+s9+$0x0] =	vst.idx.msk vm2, v14  }
0x7a2: {  	v10 =	vld [tilespmem:s13+$0x280];
	_ =	sdelay $0x4  }
0x7a3: {  	vm2 =	veq.f32 v10, v7  }
0x7a4: {  	v11 =	vsel vm2, $0x1, v1  }
0x7a5: {  	(xrf0) =	vadd.scan.msk.s32 $0xffff, v11;
	_ =	sdelay $0x4  }
0x7a6: {  	v62 =	vsel vm2, $0xFFFFFFFF, v1  }
0x7a7: {  	v11 =	vadd.s32 v62, v12;
	v63, _, _ =	vpop (xrf0)  }
0x7a8: {  	v11 =	vadd.s32 v63, v11  }
0x7a9: {  	vm3 =	vlt.s32 v11, v8  }
0x7aa: {  	vm4 =	vgt.f32 v10, v7;
	vm2 =	vmand vm2, vm3  }
0x7ab: {  	vm2 =	vmor vm4, vm2  }
0x7ac: {  	v7 =	vsel vm2, $0x1, v1  }
0x7ad: {  	(xrf0) =	vadd.scan.msk.s32 $0xffff, v7;
	_ =	sdelay $0x4  }
0x7ae: {  	v7 =	vsel vm2, $0xFFFFFFFF, v1  }
0x7af: {  	v7 =	vadd.s32 v7, v9;
	v8, _, _ =	vpop (xrf0)  }
0x7b0: {  	v7 =	vadd.s32 v8, v7;
	_ =	sdelay $0x3  }
0x7b1: {  	v8 =	vor.u32 s12, v0  }
0x7b2: {  	[tilespmem:v7+s9+$0x0] =	vst.idx.msk vm2, v8  }
.LBB2_138:
0x7b3: {  	v7 =	vmpcnt.ones.xlane vm1;
	_ =	sdelay $0x1  }
0x7b4: {  	v6 =	vadd.s32 v6, v7  }
0x7b5: {  	(v2sf) =	vpush v6, $0x0;
	_ =	sdelay $0xe  }
0x7b6: {  	s13 =	spop (v2sf)  }
0x7b7: {  	s14 =	sadd.s32 $0xFFFFE800, s13  }
0x7b8: {  	p1 =	sgt.s32 s14, $0x3F0  }
.Ltmp82:
0x7b9: {  	_ = 	snop;
	(pc) =	sbr.rel @p1 .LBB2_139-.Ltmp82, $2  }
0x7ba: {  	_ =	sdelay $0x2  }
0x7bb: {  	[tilespmem:$0x12860] =	vst v2  }
0x7bc: {  	s12 =	sadd.s32 $0xFFFFE80F, s13  }
0x7bd: {  	s15 =	sand.u32 $0xF, s12  }
0x7be: {  	p2 =	slt.s32 s13, $0x17F2;
	s31 =	sshra.s32 s12, $0x1F;
	p1 =	sne.s32 s15, $0x0  }
0x7bf: {  	s15 =	sshrl.u32 s31, $0x1C;
	p1 =	por !p2, !p1  }
0x7c0: {  	s12 =	sadd.s32 s15, s12;
	s15 =	simm.s32 $0x1;
	p1 =	por !p1, !p1  }
0x7c1: {  	s12 =	sshra.s32 s12, $0x4;
	s15 =	simm.s32 @!p1 $0x0  }
0x7c2: {  	s12 =	ssub.s32 s12, s15  }
0x7c3: {  	p1 =	slt.s32 s12, $0x1  }
.Ltmp83:
0x7c4: {  	_ = 	snop;
	(pc) =	sbr.rel @p1 .LBB2_157-.Ltmp83, $2  }
0x7c5: {  	_ =	sdelay $0x2  }
0x7c6: {  	v6 =	vmov s14;
	[tilespmem:s13+$0x10800] =	vst v1;
	v7 =	vimm.f32 $-3.000000010e+38;
	s13 =	simm.s32 $0x0  }
0x7c7: {  	p4 =	sne.s32 s12, $0x1  }
.Ltmp84:
0x7c8: {  	_ = 	snop;
	(pc) =	sbr.rel @!p4 .LBB2_147-.Ltmp84, $3  }
0x7c9: {  	_ =	sdelay $0x1  }
0x7ca: {  	s14 =	sand.u32 $0xFFFFFFF0, s13;
	s15 =	sadd.s32 $0xFFFFFFFF, s12  }
0x7cb: {  	p1 =	por $0x0, $0x0;
	p2 =	por $0x0, $0x0;
	p3 =	por $0x0, $0x0;
	v11 =	vld [tilespmem:s14+$0x12000]  }
0x7cc: {  	_ =	sdelay $0x3  }
0x7cd: {  	v8 =	vshll.u32 v11, $0x3  }
0x7ce: {  	v9 =	vand.u32 $0x7F, v11;
	v8 =	vand.u32 $0xFFFFFC00, v8  }
0x7cf: {  	v8 =	vor.u32 v8, v9  }
0x7d0: {  	v8 =	vor.u32 $0x300, v8  }
0x7d1: {  	p4 =	sne.s32 s15, $0x1  }
.Ltmp85:
0x7d2: {  	_ = 	snop;
	(pc) =	sbr.rel @!p4 .LBB2_149-.Ltmp85, $4  }
0x7d3: {  	_ = 	snop  }
0x7d4: {  	s14 =	simm.s32 $0x10  }
0x7d5: {  	s16 =	sand.u32 $0xFFFFFFF0, s14;
	v9 =	vld.idx.msk [tilespmem:v8+s3+$0x0], $0xffff  }
0x7d6: {  	s15 =	sadd.s32 $0xFFFFFFFF, s15;
	p1 =	por $0x1, $0x1;
	v8 =	vld [tilespmem:s16+$0x12000]  }
0x7d7: {  	_ =	sdelay $0x3  }
0x7d8: {  	v10 =	vshll.u32 v8, $0x3  }
0x7d9: {  	v12 =	vand.u32 $0x7F, v8;
	v10 =	vand.u32 $0xFFFFFC00, v10  }
0x7da: {  	v10 =	vor.u32 v10, v12  }
0x7db: {  	v10 =	vor.u32 $0x300, v10;
	_ =	sdelay $0x1  }
0x7dc: {  	p4 =	sne.s32 s15, $0x1  }
.Ltmp86:
0x7dd: {  	v63 =	vor.u32 s13, v0;
	(pc) =	sbr.rel @!p4 .LBB2_151-.Ltmp86, $4  }
0x7de: {  	s13 =	simm.s32 $0x20;
	vm1 =	vlt.s32 v63, v6  }
0x7df: {  	s16 =	sand.u32 $0xFFFFFFF0, s13;
	v12 =	vnsel vm1, $0xBF800000, v9;
	v9 =	vld.idx.msk [tilespmem:v10+s3+$0x0], $0xffff  }
0x7e0: {  	v10 =	vld [tilespmem:s16+$0x12000]  }
0x7e1: {  	s15 =	sadd.s32 $0xFFFFFFFF, s15;
	p2 =	por $0x1, $0x1;
	(xrf1) =	vsort.ascd.msk.f32 $0xffff, v12, v11  }
0x7e2: {  	_ =	sdelay $0xa  }
0x7e3: {  	v62 =	vor.u32 s14, v0  }
0x7e4: {  	vm1 =	vlt.s32 v62, v6  }
0x7e5: {  	v9 =	vnsel vm1, $0xBF800000, v9;
	v63, _, _ =	vpop (xrf1)  }
0x7e6: {  	(xrf1) =	vsort.ascd.msk.f32 $0xffff, v9, v8;
	v8 =	vmax.f32 v7, v63  }
0x7e7: {  	(xrf1) =	vsort.dscd.msk.f32 $0xffff, v8, v0  }
0x7e8: {  	v11 =	vshll.u32 v10, $0x3  }
0x7e9: {  	v12 =	vand.u32 $0x7F, v10;
	v11 =	vand.u32 $0xFFFFFC00, v11  }
0x7ea: {  	v11 =	vor.u32 v11, v12  }
0x7eb: {  	v11 =	vor.u32 $0x300, v11;
	_ =	sdelay $0x1  }
0x7ec: {  	p4 =	sne.s32 s15, $0x1  }
.Ltmp87:
0x7ed: {  	_ = 	snop;
	(pc) =	sbr.rel @!p4 .LBB2_153-.Ltmp87, $4  }
0x7ee: {  	_ = 	snop  }
0x7ef: {  	s14 =	simm.s32 $0x30;
	v9 =	vld.idx.msk [tilespmem:v11+s3+$0x0], $0xffff  }
0x7f0: {  	s16 =	sand.u32 $0xFFFFFFF0, s14  }
0x7f1: {  	s15 =	sadd.s32 $0xFFFFFFFF, s15;
	p3 =	por $0x1, $0x1;
	v8 =	vld [tilespmem:s16+$0x12000]  }
.LBB2_154:
0x7f2: {  	p4 =	sne.s32 s15, $0x1;
	v13 =	vor.u32 s13, v0;
	s13 =	smov.u32 s14  }
0x7f3: {  	vm1 =	vlt.s32 v13, v6;
	v11, _, _ =	vpop (xrf1)  }
0x7f4: {  	v9 =	vnsel vm1, $0xBF800000, v9;
	v12, _, _ =	vpop (xrf1)  }
0x7f5: {  	(xrf1) =	vsort.ascd.msk.f32 $0xffff, v9, v10;
	v9 =	vmax.f32 v12, v11  }
0x7f6: {  	v11 =	vshll.u32 v8, $0x3;
	(xrf1) =	vsort.dscd.msk.f32 $0xffff, v9, v0;
	v10 =	vmov v8  }
0x7f7: {  	v8 =	vand.u32 $0x7F, v10;
	v9 =	vand.u32 $0xFFFFFC00, v11  }
0x7f8: {  	v8 =	vor.u32 v9, v8  }
0x7f9: {  	v8 =	vor.u32 $0x300, v8;
	_ =	sdelay $0x3  }
.Ltmp88:
0x7fa: {  	(pc) =	sbr.rel @p4 .LBB2_154-.Ltmp88, $4  }
0x7fb: {  	v9 =	vld.idx.msk [tilespmem:v8+s3+$0x0], $0xffff  }
0x7fc: {  	s14 =	sadd.s32 $0x10, s14  }
0x7fd: {  	s16 =	sand.u32 $0xFFFFFFF0, s14  }
0x7fe: {  	s15 =	sadd.s32 $0xFFFFFFFF, s15;
	v8 =	vld [tilespmem:s16+$0x12000]  }
0x7ff: {  	v11 =	vmov v10  }
.LBB2_156:
0x800: {  	v10 =	vor.u32 @p1 s13, v0;
	_ =	sdelay $0x1  }
0x801: {  	v12, _, _ =	vpop @p2 (xrf1)  }
0x802: {  	vm1 =	vlt.s32 @p1 v10, v6;
	v10, _, _ =	vpop @p3 (xrf1)  }
0x803: {  	v9 =	vnsel @p1 vm1, $0xBF800000, v9;
	v10 =	vpsel p3, v10, v7  }
0x804: {  	(xrf1) =	vsort.ascd.msk.f32 @p1 $0xffff, v9, v11;
	v9 =	vmax.f32 @p2 v10, v12  }
0x805: {  	(xrf1) =	vsort.dscd.msk.f32 @p2 $0xffff, v9, v0;
	_ =	sdelay $0x1  }
0x806: {  	v61 =	vshll.u32 v8, $0x3  }
0x807: {  	v62 =	vand.u32 $0x7F, v8;
	v9 =	vand.u32 $0xFFFFFC00, v61  }
0x808: {  	v9 =	vor.u32 v9, v62  }
0x809: {  	v9 =	vor.u32 $0x300, v9;
	_ =	sdelay $0x4  }
0x80a: {  	v9 =	vld.idx.msk [tilespmem:v9+s3+$0x0], $0xffff;
	_ =	sdelay $0x2  }
0x80b: {  	v63 =	vor.u32 s14, v0;
	v11, _, _ =	vpop @p1 (xrf1)  }
0x80c: {  	vm1 =	vlt.s32 v63, v6;
	v10, _, _ =	vpop @p2 (xrf1)  }
0x80d: {  	v9 =	vnsel vm1, $0xBF800000, v9;
	v10 =	vpsel p2, v10, v7  }
0x80e: {  	(xrf1) =	vsort.ascd.msk.f32 $0xffff, v9, v8;
	v8 =	vmax.f32 @p1 v10, v11  }
0x80f: {  	(xrf1) =	vsort.dscd.msk.f32 @p1 $0xffff, v8, v0;
	_ =	sdelay $0xc  }
0x810: {  	v8, _, _ =	vpop (xrf1)  }
0x811: {  	v9, _, _ =	vpop @p1 (xrf1)  }
0x812: {  	v7 =	vpsel p1, v9, v7  }
0x813: {  	v7 =	vmax.f32 v7, v8  }
0x814: {  	(xrf1) =	vsort.dscd.msk.f32 $0xffff, v7, v0;
	_ =	sdelay $0xd  }
0x815: {  	v7, _, _ =	vpop (xrf1)  }
.LBB2_157:
0x816: {  	(v2sf) =	vpush v7, $0x0;
	_ =	sdelay $0xe  }
0x817: {  	s13 =	spop (v2sf)  }
0x818: {  	p1 =	sgt.f32 s13, $9.999999710e-10;
	_ =	sdelay $0x1  }
0x819: {  	p2 =	slt.s32 @p1 s12, $0x1  }
0x81a: {  	p1 =	por !p1, p2  }
.Ltmp89:
0x81b: {  	_ = 	snop;
	(pc) =	sbr.rel @p1 .LBB2_160-.Ltmp89, $1  }
0x81c: {  	_ =	sdelay $0x3  }
0x81d: {  	v8 =	vbroadcast v7, $0xC;
	_ =	sdelay $0x1  }
0x81e: {  	vm1 =	vgt.f32 v7, v8  }
0x81f: {  	v7 =	vmpcnt.ones.xlane vm1;
	_ =	sdelay $0x1  }
0x820: {  	v9 =	vimm.s32 $0x0;
	v10 =	vimm.s32 $0x60;
	s13 =	simm.s32 $0x0;
	v7 =	vsub.s32 $0xD, v7  }
.LBB2_159:
0x821: {  	s14 =	sand.u32 $0xFFFFFFF0, s13  }
0x822: {  	v11 =	vld [tilespmem:s14+$0x12000];
	_ =	sdelay $0x4  }
0x823: {  	v12 =	vshll.u32 v11, $0x3  }
0x824: {  	v13 =	vand.u32 $0x7F, v11;
	v12 =	vand.u32 $0xFFFFFC00, v12  }
0x825: {  	v12 =	vor.u32 v12, v13  }
0x826: {  	v12 =	vor.u32 $0x300, v12;
	_ =	sdelay $0x4  }
0x827: {  	v12 =	vld.idx.msk [tilespmem:v12+s3+$0x0], $0xffff;
	_ =	sdelay $0x2  }
0x828: {  	v56 =	vor.u32 s13, v0  }
0x829: {  	vm1 =	vlt.s32 v56, v6  }
0x82a: {  	v12 =	vnsel vm1, $0xBF800000, v12  }
0x82b: {  	vm1 =	veq.f32 v12, v8  }
0x82c: {  	v57 =	vsel vm1, $0x1, v1  }
0x82d: {  	(xrf0) =	vadd.scan.msk.s32 $0xffff, v57;
	_ =	sdelay $0x4  }
0x82e: {  	v58 =	vsel vm1, $0xFFFFFFFF, v1  }
0x82f: {  	v13 =	vadd.s32 v58, v9;
	v14, _, _ =	vpop (xrf0)  }
0x830: {  	v13 =	vadd.s32 v14, v13  }
0x831: {  	vm2 =	vlt.s32 v13, v7  }
0x832: {  	vm3 =	vgt.f32 v12, v8;
	vm2 =	vmand vm1, vm2  }
0x833: {  	vm2 =	vmor vm3, vm2  }
0x834: {  	v59 =	vsel vm2, $0x1, v1  }
0x835: {  	(xrf0) =	vadd.scan.msk.s32 $0xffff, v59;
	_ =	sdelay $0x4  }
0x836: {  	v60 =	vsel vm2, $0xFFFFFFFF, v1  }
0x837: {  	v12 =	vadd.s32 v60, v10;
	v61, _, _ =	vpop (xrf0)  }
0x838: {  	p1 =	seq.s32 s12, $0x1;
	v12 =	vadd.s32 v61, v12  }
.Ltmp90:
0x839: {  	_ = 	snop;
	(pc) =	sbr.rel @!p1 .LBB2_159-.Ltmp90, $3  }
0x83a: {  	_ = 	snop  }
0x83b: {  	v62 =	vmpcnt.ones.xlane vm1;
	v63 =	vmpcnt.ones.xlane vm2;
	_ =	sdelay $0x1  }
0x83c: {  	s13 =	sadd.s32 $0x10, s13;
	s12 =	sadd.s32 $0xFFFFFFFF, s12;
	v9 =	vadd.s32 v9, v62;
	v10 =	vadd.s32 v10, v63;
	[tilespmem:v12+s9+$0x0] =	vst.idx.msk vm2, v11  }
.Ltmp91:
0x83d: {  	_ = 	snop;
	(pc) =	sbr.rel .LBB2_160-.Ltmp91, $1  }
0x83e: {  	_ =	sdelay $0x3  }
.LBB2_139:
0x83f: {  	s12 =	simm.s32 $0x0  }
0x840: {  	s13 =	sand.u32 $0x70, s12;
	s14 =	sand.u32 $0x1FC00, s12  }
0x841: {  	s13 =	sor.u32 s13, s14  }
0x842: {  	v7 =	vld [tilespmem:s13+$0x300];
	_ =	sdelay $0x3  }
0x843: {  	v8 =	vor.u32 s12, v0  }
0x844: {  	(xrf1) =	vsort.ascd.msk.f32 $0xffff, v7, v8;
	_ =	sdelay $0x6  }
0x845: {  	s28 =	simm.s32 $0x10;
	s29 =	simm.s32 $0x80  }
0x846: {  	s30 =	sand.u32 $0x70, s28;
	s12 =	sand.u32 $0x1FC00, s29  }
0x847: {  	s12 =	sor.u32 s30, s12  }
0x848: {  	v7 =	vld [tilespmem:s12+$0x300];
	_ =	sdelay $0x3  }
0x849: {  	v6 =	vimm.f32 $-3.000000010e+38;
	v9 =	vor.u32 s28, v0;
	v8, _, _ =	vpop (xrf1)  }
0x84a: {  	(xrf1) =	vsort.ascd.msk.f32 $0xffff, v7, v9;
	v6 =	vmax.f32 v6, v8  }
0x84b: {  	(xrf1) =	vsort.dscd.msk.f32 $0xffff, v6, v0;
	_ =	sdelay $0x6  }
0x84c: {  	s13 =	simm.s32 $0x100;
	s12 =	simm.s32 $0x20  }
0x84d: {  	s15 =	sand.u32 $0x1FC00, s13;
	s31 =	sand.u32 $0x70, s12  }
0x84e: {  	s14 =	simm.s32 $0x30;
	s15 =	sor.u32 s31, s15  }
.LBB2_140:
0x84f: {  	p1 =	sne.s32 s14, $0x20C0;
	v6 =	vld [tilespmem:s15+$0x300];
	_ =	sdelay $0x2  }
0x850: {  	v7, _, _ =	vpop (xrf1)  }
0x851: {  	v8 =	vor.u32 s12, v0;
	s12 =	smov.u32 s14;
	v9, _, _ =	vpop (xrf1)  }
0x852: {  	(xrf1) =	vsort.ascd.msk.f32 $0xffff, v6, v8;
	v6 =	vmax.f32 v9, v7  }
0x853: {  	(xrf1) =	vsort.dscd.msk.f32 $0xffff, v6, v0;
	_ =	sdelay $0x4  }
.Ltmp92:
0x854: {  	(pc) =	sbr.rel @p1 .LBB2_140-.Ltmp92, $4  }
0x855: {  	_ = 	snop  }
0x856: {  	s13 =	sadd.s32 $0x80, s13  }
0x857: {  	s15 =	sand.u32 $0x70, s14;
	s16 =	sand.u32 $0x1FC00, s13  }
0x858: {  	s14 =	sadd.s32 $0x10, s14;
	s15 =	sor.u32 s15, s16  }
0x859: {  	v6 =	vld [tilespmem:s15+$0x300];
	_ =	sdelay $0x2  }
0x85a: {  	v7, _, _ =	vpop (xrf1)  }
0x85b: {  	v8 =	vor.u32 s12, v0;
	v9, _, _ =	vpop (xrf1)  }
0x85c: {  	(xrf1) =	vsort.ascd.msk.f32 $0xffff, v6, v8;
	v6 =	vmax.f32 v9, v7  }
0x85d: {  	(xrf1) =	vsort.dscd.msk.f32 $0xffff, v6, v0;
	_ =	sdelay $0xc  }
0x85e: {  	v6, _, _ =	vpop (xrf1)  }
0x85f: {  	v7, _, _ =	vpop (xrf1)  }
0x860: {  	v6 =	vmax.f32 v7, v6  }
0x861: {  	(xrf1) =	vsort.dscd.msk.f32 $0xffff, v6, v0;
	_ =	sdelay $0xd  }
0x862: {  	v7, _, _ =	vpop (xrf1)  }
0x863: {  	(v2sf) =	vpush v7, $0x0;
	_ =	sdelay $0xe  }
0x864: {  	s31 =	spop (v2sf)  }
0x865: {  	p1 =	sgt.f32 s31, $9.999999710e-10  }
.Ltmp93:
0x866: {  	_ = 	snop;
	(pc) =	sbr.rel @!p1 .LBB2_160-.Ltmp93, $1  }
0x867: {  	_ =	sdelay $0x3  }
0x868: {  	s17 =	simm.s32 $0x0  }
0x869: {  	s12 =	sand.u32 $0x70, s17;
	s13 =	sand.u32 $0x1FC00, s17  }
0x86a: {  	s12 =	sor.u32 s12, s13  }
0x86b: {  	v8 =	vld [tilespmem:s12+$0x300];
	_ =	sdelay $0x2  }
0x86c: {  	v6 =	vbroadcast v7, $0xC;
	_ =	sdelay $0x1  }
0x86d: {  	vm2 =	veq.f32 v8, v6  }
0x86e: {  	v9 =	vsel vm2, $0x1, v1  }
0x86f: {  	(xrf0) =	vadd.scan.msk.s32 $0xffff, v9;
	_ =	sdelay $0x3  }
0x870: {  	vm1 =	vgt.f32 v7, v6  }
0x871: {  	v7 =	vmpcnt.ones.xlane vm1;
	v10 =	vsel vm2, $0xFFFFFFFF, v1;
	v9 =	vimm.s32 $0x0  }
0x872: {  	v10 =	vadd.s32 v10, v9;
	v11, _, _ =	vpop (xrf0)  }
0x873: {  	v7 =	vsub.s32 $0xD, v7;
	v10 =	vadd.s32 v11, v10  }
0x874: {  	vm1 =	vlt.s32 v10, v7  }
0x875: {  	vm3 =	vgt.f32 v8, v6;
	vm1 =	vmand vm2, vm1  }
0x876: {  	vm1 =	vmor vm3, vm1  }
0x877: {  	v8 =	vsel vm1, $0x1, v1  }
0x878: {  	(xrf0) =	vadd.scan.msk.s32 $0xffff, v8;
	_ =	sdelay $0x2  }
0x879: {  	v11 =	vimm.s32 $0x60  }
0x87a: {  	v10 =	vmpcnt.ones.xlane vm1;
	v8 =	vmpcnt.ones.xlane vm2  }
0x87b: {  	v12 =	vsel vm1, $0xFFFFFFFF, v1  }
0x87c: {  	v10 =	vadd.s32 v11, v10;
	v9 =	vadd.s32 v9, v8;
	v8 =	vadd.s32 v12, v11;
	v11, _, _ =	vpop (xrf0)  }
0x87d: {  	v12 =	vadd.s32 v11, v8;
	_ =	sdelay $0x2  }
0x87e: {  	s13 =	simm.s32 $0x80;
	s12 =	simm.s32 $0x10  }
0x87f: {  	s14 =	simm.s32 $0x20;
	v13 =	vor.u32 s17, v0;
	s16 =	sand.u32 $0x1FC00, s13;
	s15 =	sand.u32 $0x70, s12;
	v11 =	vmov v9;
	v8 =	vmov v10  }
.LBB2_143:
0x880: {  	p1 =	sne.s32 s14, $0x20C0;
	s15 =	sor.u32 s15, s16;
	[tilespmem:v12+s9+$0x0] =	vst.idx.msk vm1, v13;
	s17 =	smov.u32 s12  }
0x881: {  	s12 =	smov.u32 s14;
	v12 =	vld [tilespmem:s15+$0x300];
	_ =	sdelay $0x4  }
0x882: {  	vm1 =	veq.f32 v12, v6  }
0x883: {  	v13 =	vsel vm1, $0x1, v1;
	v14 =	vmpcnt.ones.xlane vm1  }
0x884: {  	(xrf0) =	vadd.scan.msk.s32 $0xffff, v13  }
0x885: {  	v9 =	vadd.s32 v9, v14;
	_ =	sdelay $0x3  }
0x886: {  	v13 =	vsel vm1, $0xFFFFFFFF, v1  }
0x887: {  	v13 =	vadd.s32 v13, v11;
	v11 =	vmov v9;
	v14, _, _ =	vpop (xrf0)  }
0x888: {  	v13 =	vadd.s32 v14, v13  }
0x889: {  	vm2 =	vlt.s32 v13, v7  }
0x88a: {  	vm3 =	vgt.f32 v12, v6;
	vm1 =	vmand vm1, vm2  }
0x88b: {  	vm1 =	vmor vm3, vm1  }
0x88c: {  	v12 =	vsel vm1, $0x1, v1;
	v13 =	vmpcnt.ones.xlane vm1  }
0x88d: {  	(xrf0) =	vadd.scan.msk.s32 $0xffff, v12  }
0x88e: {  	v10 =	vadd.s32 v10, v13;
	_ =	sdelay $0x3  }
0x88f: {  	v12 =	vsel vm1, $0xFFFFFFFF, v1  }
0x890: {  	v12 =	vadd.s32 v12, v8;
	v8 =	vmov v10;
	v13, _, _ =	vpop (xrf0)  }
.Ltmp94:
0x891: {  	v12 =	vadd.s32 v13, v12;
	(pc) =	sbr.rel @p1 .LBB2_143-.Ltmp94, $3  }
0x892: {  	_ =	sdelay $0x1  }
0x893: {  	s13 =	sadd.s32 $0x80, s13  }
0x894: {  	s14 =	sadd.s32 $0x10, s14;
	s15 =	sand.u32 $0x70, s12;
	s16 =	sand.u32 $0x1FC00, s13;
	v13 =	vor.u32 s17, v0  }
0x895: {  	_ =	sdelay $0x4  }
0x896: {  	s13 =	sor.u32 s15, s16;
	[tilespmem:v12+s9+$0x0] =	vst.idx.msk vm1, v13  }
0x897: {  	v9 =	vld [tilespmem:s13+$0x300];
	_ =	sdelay $0x4  }
0x898: {  	vm1 =	veq.f32 v9, v6  }
0x899: {  	v10 =	vsel vm1, $0x1, v1  }
0x89a: {  	(xrf0) =	vadd.scan.msk.s32 $0xffff, v10;
	_ =	sdelay $0x4  }
0x89b: {  	v62 =	vsel vm1, $0xFFFFFFFF, v1  }
0x89c: {  	v10 =	vadd.s32 v62, v11;
	v63, _, _ =	vpop (xrf0)  }
0x89d: {  	v10 =	vadd.s32 v63, v10  }
0x89e: {  	vm2 =	vlt.s32 v10, v7  }
0x89f: {  	vm3 =	vgt.f32 v9, v6;
	vm1 =	vmand vm1, vm2  }
0x8a0: {  	vm1 =	vmor vm3, vm1  }
0x8a1: {  	v6 =	vsel vm1, $0x1, v1  }
0x8a2: {  	(xrf0) =	vadd.scan.msk.s32 $0xffff, v6;
	_ =	sdelay $0x4  }
0x8a3: {  	v6 =	vsel vm1, $0xFFFFFFFF, v1  }
0x8a4: {  	v6 =	vadd.s32 v6, v8;
	v7, _, _ =	vpop (xrf0)  }
0x8a5: {  	v6 =	vadd.s32 v7, v6;
	_ =	sdelay $0x3  }
0x8a6: {  	v7 =	vor.u32 s12, v0  }
0x8a7: {  	[tilespmem:v6+s9+$0x0] =	vst.idx.msk vm1, v7  }
.LBB2_160:
0x8a8: {  	v6 =	vmpcnt.ones.xlane vm0;
	_ =	sdelay $0x1  }
0x8a9: {  	v5 =	vadd.s32 v5, v6  }
0x8aa: {  	(v2sf) =	vpush v5, $0x0;
	_ =	sdelay $0xe  }
0x8ab: {  	s13 =	spop (v2sf)  }
0x8ac: {  	s14 =	sadd.s32 $0xFFFFE400, s13  }
0x8ad: {  	p1 =	sgt.s32 s14, $0x3F0  }
.Ltmp95:
0x8ae: {  	_ = 	snop;
	(pc) =	sbr.rel @p1 .LBB2_161-.Ltmp95, $2  }
0x8af: {  	_ =	sdelay $0x2  }
0x8b0: {  	[tilespmem:$0x12870] =	vst v2  }
0x8b1: {  	s12 =	sadd.s32 $0xFFFFE40F, s13  }
0x8b2: {  	s15 =	sand.u32 $0xF, s12  }
0x8b3: {  	p2 =	slt.s32 s13, $0x1BF2;
	s31 =	sshra.s32 s12, $0x1F;
	p1 =	sne.s32 s15, $0x0  }
0x8b4: {  	s15 =	sshrl.u32 s31, $0x1C;
	p1 =	por !p2, !p1  }
0x8b5: {  	s12 =	sadd.s32 s15, s12;
	s15 =	simm.s32 $0x1;
	p1 =	por !p1, !p1  }
0x8b6: {  	s12 =	sshra.s32 s12, $0x4;
	s15 =	simm.s32 @!p1 $0x0  }
0x8b7: {  	s12 =	ssub.s32 s12, s15  }
0x8b8: {  	p1 =	slt.s32 s12, $0x1  }
.Ltmp96:
0x8b9: {  	_ = 	snop;
	(pc) =	sbr.rel @p1 .LBB2_179-.Ltmp96, $2  }
0x8ba: {  	_ =	sdelay $0x2  }
0x8bb: {  	v5 =	vmov s14;
	[tilespmem:s13+$0x10800] =	vst v1;
	v6 =	vimm.f32 $-3.000000010e+38;
	s13 =	simm.s32 $0x0  }
0x8bc: {  	p4 =	sne.s32 s12, $0x1  }
.Ltmp97:
0x8bd: {  	_ = 	snop;
	(pc) =	sbr.rel @!p4 .LBB2_169-.Ltmp97, $3  }
0x8be: {  	_ =	sdelay $0x1  }
0x8bf: {  	s14 =	sand.u32 $0xFFFFFFF0, s13;
	s15 =	sadd.s32 $0xFFFFFFFF, s12  }
0x8c0: {  	p1 =	por $0x0, $0x0;
	p2 =	por $0x0, $0x0;
	p3 =	por $0x0, $0x0;
	v10 =	vld [tilespmem:s14+$0x12400]  }
0x8c1: {  	_ =	sdelay $0x3  }
0x8c2: {  	v7 =	vshll.u32 v10, $0x3  }
0x8c3: {  	v8 =	vand.u32 $0x7F, v10;
	v7 =	vand.u32 $0xFFFFFC00, v7  }
0x8c4: {  	v7 =	vor.u32 v7, v8  }
0x8c5: {  	v7 =	vor.u32 $0x380, v7  }
0x8c6: {  	p4 =	sne.s32 s15, $0x1  }
.Ltmp98:
0x8c7: {  	_ = 	snop;
	(pc) =	sbr.rel @!p4 .LBB2_171-.Ltmp98, $4  }
0x8c8: {  	_ = 	snop  }
0x8c9: {  	s14 =	simm.s32 $0x10  }
0x8ca: {  	s16 =	sand.u32 $0xFFFFFFF0, s14;
	v8 =	vld.idx.msk [tilespmem:v7+s3+$0x0], $0xffff  }
0x8cb: {  	s15 =	sadd.s32 $0xFFFFFFFF, s15;
	p1 =	por $0x1, $0x1;
	v7 =	vld [tilespmem:s16+$0x12400]  }
0x8cc: {  	_ =	sdelay $0x3  }
0x8cd: {  	v9 =	vshll.u32 v7, $0x3  }
0x8ce: {  	v11 =	vand.u32 $0x7F, v7;
	v9 =	vand.u32 $0xFFFFFC00, v9  }
0x8cf: {  	v9 =	vor.u32 v9, v11  }
0x8d0: {  	v9 =	vor.u32 $0x380, v9;
	_ =	sdelay $0x1  }
0x8d1: {  	p4 =	sne.s32 s15, $0x1  }
.Ltmp99:
0x8d2: {  	v11 =	vor.u32 s13, v0;
	(pc) =	sbr.rel @!p4 .LBB2_173-.Ltmp99, $4  }
0x8d3: {  	s13 =	simm.s32 $0x20;
	vm0 =	vlt.s32 v11, v5  }
0x8d4: {  	s16 =	sand.u32 $0xFFFFFFF0, s13;
	v11 =	vnsel vm0, $0xBF800000, v8;
	v8 =	vld.idx.msk [tilespmem:v9+s3+$0x0], $0xffff  }
0x8d5: {  	v9 =	vld [tilespmem:s16+$0x12400]  }
0x8d6: {  	s15 =	sadd.s32 $0xFFFFFFFF, s15;
	p2 =	por $0x1, $0x1;
	(xrf1) =	vsort.ascd.msk.f32 $0xffff, v11, v10  }
0x8d7: {  	_ =	sdelay $0x7  }
0x8d8: {  	v10 =	vshll.u32 v9, $0x3  }
0x8d9: {  	v11 =	vand.u32 $0x7F, v9;
	v10 =	vand.u32 $0xFFFFFC00, v10  }
0x8da: {  	v10 =	vor.u32 v10, v11;
	v11 =	vor.u32 s14, v0;
	_ =	sdelay $0x1  }
0x8db: {  	vm0 =	vlt.s32 v11, v5  }
0x8dc: {  	v8 =	vnsel vm0, $0xBF800000, v8;
	v11, _, _ =	vpop (xrf1)  }
0x8dd: {  	(xrf1) =	vsort.ascd.msk.f32 $0xffff, v8, v7;
	v7 =	vmax.f32 v6, v11  }
0x8de: {  	(xrf1) =	vsort.dscd.msk.f32 $0xffff, v7, v0;
	_ =	sdelay $0x3  }
0x8df: {  	v10 =	vor.u32 $0x380, v10;
	_ =	sdelay $0x1  }
0x8e0: {  	p4 =	sne.s32 s15, $0x1  }
.Ltmp100:
0x8e1: {  	_ = 	snop;
	(pc) =	sbr.rel @!p4 .LBB2_175-.Ltmp100, $4  }
0x8e2: {  	_ = 	snop  }
0x8e3: {  	s14 =	simm.s32 $0x30;
	v8 =	vld.idx.msk [tilespmem:v10+s3+$0x0], $0xffff  }
0x8e4: {  	s16 =	sand.u32 $0xFFFFFFF0, s14  }
0x8e5: {  	s15 =	sadd.s32 $0xFFFFFFFF, s15;
	p3 =	por $0x1, $0x1;
	v7 =	vld [tilespmem:s16+$0x12400]  }
.LBB2_176:
0x8e6: {  	p4 =	sne.s32 s15, $0x1;
	v12 =	vor.u32 s13, v0;
	s13 =	smov.u32 s14  }
0x8e7: {  	vm0 =	vlt.s32 v12, v5;
	v10, _, _ =	vpop (xrf1)  }
0x8e8: {  	v8 =	vnsel vm0, $0xBF800000, v8;
	v11, _, _ =	vpop (xrf1)  }
0x8e9: {  	(xrf1) =	vsort.ascd.msk.f32 $0xffff, v8, v9;
	v8 =	vmax.f32 v11, v10  }
0x8ea: {  	v10 =	vshll.u32 v7, $0x3;
	(xrf1) =	vsort.dscd.msk.f32 $0xffff, v8, v0;
	v9 =	vmov v7  }
0x8eb: {  	v7 =	vand.u32 $0x7F, v9;
	v8 =	vand.u32 $0xFFFFFC00, v10  }
0x8ec: {  	v7 =	vor.u32 v8, v7  }
0x8ed: {  	v7 =	vor.u32 $0x380, v7;
	_ =	sdelay $0x3  }
.Ltmp101:
0x8ee: {  	(pc) =	sbr.rel @p4 .LBB2_176-.Ltmp101, $4  }
0x8ef: {  	v8 =	vld.idx.msk [tilespmem:v7+s3+$0x0], $0xffff  }
0x8f0: {  	s14 =	sadd.s32 $0x10, s14  }
0x8f1: {  	s16 =	sand.u32 $0xFFFFFFF0, s14  }
0x8f2: {  	s15 =	sadd.s32 $0xFFFFFFFF, s15;
	v7 =	vld [tilespmem:s16+$0x12400]  }
0x8f3: {  	v10 =	vmov v9  }
.LBB2_178:
0x8f4: {  	v9 =	vor.u32 @p1 s13, v0;
	_ =	sdelay $0x1  }
0x8f5: {  	v11, _, _ =	vpop @p2 (xrf1)  }
0x8f6: {  	vm0 =	vlt.s32 @p1 v9, v5;
	v9, _, _ =	vpop @p3 (xrf1)  }
0x8f7: {  	v8 =	vnsel @p1 vm0, $0xBF800000, v8;
	v9 =	vpsel p3, v9, v6  }
0x8f8: {  	(xrf1) =	vsort.ascd.msk.f32 @p1 $0xffff, v8, v10;
	v8 =	vmax.f32 @p2 v9, v11  }
0x8f9: {  	(xrf1) =	vsort.dscd.msk.f32 @p2 $0xffff, v8, v0;
	_ =	sdelay $0x1  }
0x8fa: {  	v8 =	vshll.u32 v7, $0x3  }
0x8fb: {  	v62 =	vand.u32 $0x7F, v7;
	v8 =	vand.u32 $0xFFFFFC00, v8  }
0x8fc: {  	v8 =	vor.u32 v8, v62  }
0x8fd: {  	v8 =	vor.u32 $0x380, v8;
	_ =	sdelay $0x4  }
0x8fe: {  	v8 =	vld.idx.msk [tilespmem:v8+s3+$0x0], $0xffff;
	_ =	sdelay $0x2  }
0x8ff: {  	v63 =	vor.u32 s14, v0;
	v10, _, _ =	vpop @p1 (xrf1)  }
0x900: {  	vm15 =	vlt.s32 v63, v5;
	v9, _, _ =	vpop @p2 (xrf1)  }
0x901: {  	v8 =	vnsel vm15, $0xBF800000, v8;
	v9 =	vpsel p2, v9, v6  }
0x902: {  	(xrf1) =	vsort.ascd.msk.f32 $0xffff, v8, v7;
	v7 =	vmax.f32 @p1 v9, v10  }
0x903: {  	(xrf1) =	vsort.dscd.msk.f32 @p1 $0xffff, v7, v0;
	_ =	sdelay $0xc  }
0x904: {  	v7, _, _ =	vpop (xrf1)  }
0x905: {  	v8, _, _ =	vpop @p1 (xrf1)  }
0x906: {  	v6 =	vpsel p1, v8, v6  }
0x907: {  	v6 =	vmax.f32 v6, v7  }
0x908: {  	(xrf1) =	vsort.dscd.msk.f32 $0xffff, v6, v0;
	_ =	sdelay $0xd  }
0x909: {  	v6, _, _ =	vpop (xrf1)  }
.LBB2_179:
0x90a: {  	(v2sf) =	vpush v6, $0x0;
	_ =	sdelay $0xe  }
0x90b: {  	s13 =	spop (v2sf)  }
0x90c: {  	p1 =	sgt.f32 s13, $9.999999710e-10;
	_ =	sdelay $0x1  }
0x90d: {  	p2 =	slt.s32 @p1 s12, $0x1  }
0x90e: {  	p1 =	por !p1, p2  }
.Ltmp102:
0x90f: {  	_ = 	snop;
	(pc) =	sbr.rel @p1 .LBB2_182-.Ltmp102, $1  }
0x910: {  	_ =	sdelay $0x3  }
0x911: {  	v7 =	vbroadcast v6, $0xC;
	_ =	sdelay $0x1  }
0x912: {  	vm0 =	vgt.f32 v6, v7  }
0x913: {  	v6 =	vmpcnt.ones.xlane vm0;
	_ =	sdelay $0x1  }
0x914: {  	v8 =	vimm.s32 $0x0;
	v9 =	vimm.s32 $0x70;
	s13 =	simm.s32 $0x0;
	v6 =	vsub.s32 $0xD, v6  }
.LBB2_181:
0x915: {  	s14 =	sand.u32 $0xFFFFFFF0, s13  }
0x916: {  	v10 =	vld [tilespmem:s14+$0x12400];
	_ =	sdelay $0x4  }
0x917: {  	v11 =	vshll.u32 v10, $0x3  }
0x918: {  	v12 =	vand.u32 $0x7F, v10;
	v11 =	vand.u32 $0xFFFFFC00, v11  }
0x919: {  	v11 =	vor.u32 v11, v12  }
0x91a: {  	v11 =	vor.u32 $0x380, v11;
	_ =	sdelay $0x4  }
0x91b: {  	v11 =	vld.idx.msk [tilespmem:v11+s3+$0x0], $0xffff;
	_ =	sdelay $0x2  }
0x91c: {  	v58 =	vor.u32 s13, v0  }
0x91d: {  	vm0 =	vlt.s32 v58, v5  }
0x91e: {  	v11 =	vnsel vm0, $0xBF800000, v11  }
0x91f: {  	vm0 =	veq.f32 v11, v7  }
0x920: {  	v59 =	vsel vm0, $0x1, v1  }
0x921: {  	(xrf0) =	vadd.scan.msk.s32 $0xffff, v59;
	_ =	sdelay $0x4  }
0x922: {  	v60 =	vsel vm0, $0xFFFFFFFF, v1  }
0x923: {  	v12 =	vadd.s32 v60, v8;
	v13, _, _ =	vpop (xrf0)  }
0x924: {  	v12 =	vadd.s32 v13, v12  }
0x925: {  	vm1 =	vlt.s32 v12, v6  }
0x926: {  	vm2 =	vgt.f32 v11, v7;
	vm1 =	vmand vm0, vm1  }
0x927: {  	vm1 =	vmor vm2, vm1  }
0x928: {  	v11 =	vsel vm1, $0x1, v1  }
0x929: {  	(xrf0) =	vadd.scan.msk.s32 $0xffff, v11;
	_ =	sdelay $0x4  }
0x92a: {  	v11 =	vsel vm1, $0xFFFFFFFF, v1  }
0x92b: {  	v11 =	vadd.s32 v11, v9;
	v61, _, _ =	vpop (xrf0)  }
0x92c: {  	p1 =	seq.s32 s12, $0x1;
	v11 =	vadd.s32 v61, v11  }
.Ltmp103:
0x92d: {  	_ = 	snop;
	(pc) =	sbr.rel @!p1 .LBB2_181-.Ltmp103, $3  }
0x92e: {  	_ = 	snop  }
0x92f: {  	v62 =	vmpcnt.ones.xlane vm0;
	v63 =	vmpcnt.ones.xlane vm1;
	_ =	sdelay $0x1  }
0x930: {  	s13 =	sadd.s32 $0x10, s13;
	s12 =	sadd.s32 $0xFFFFFFFF, s12;
	v8 =	vadd.s32 v8, v62;
	v9 =	vadd.s32 v9, v63;
	[tilespmem:v11+s9+$0x0] =	vst.idx.msk vm1, v10  }
.Ltmp104:
0x931: {  	_ = 	snop;
	(pc) =	sbr.rel .LBB2_182-.Ltmp104, $1  }
0x932: {  	_ =	sdelay $0x3  }
.LBB2_161:
0x933: {  	s12 =	simm.s32 $0x0  }
0x934: {  	s13 =	sand.u32 $0x7, s12  }
0x935: {  	s13 =	sshll.u32 s13, $0x4  }
0x936: {  	s13 =	sadd.s32 $0x0, s13  }
0x937: {  	s13 =	sor.u32 $0x380, s13  }
0x938: {  	v6 =	vld [tilespmem:s13+$0x0];
	_ =	sdelay $0x3  }
0x939: {  	v7 =	vor.u32 s12, v0  }
0x93a: {  	(xrf1) =	vsort.ascd.msk.f32 $0xffff, v6, v7;
	_ =	sdelay $0x4  }
0x93b: {  	s30 =	simm.s32 $0x1  }
0x93c: {  	s12 =	sand.u32 $0x7, s30  }
0x93d: {  	s12 =	sshll.u32 s12, $0x4  }
0x93e: {  	s12 =	sadd.s32 $0x80, s12  }
0x93f: {  	s12 =	sor.u32 $0x380, s12  }
0x940: {  	v6 =	vld [tilespmem:s12+$0x0];
	_ =	sdelay $0x2  }
0x941: {  	s31 =	simm.s32 $0x10  }
0x942: {  	v5 =	vimm.f32 $-3.000000010e+38;
	v8 =	vor.u32 s31, v0;
	v7, _, _ =	vpop (xrf1)  }
0x943: {  	(xrf1) =	vsort.ascd.msk.f32 $0xffff, v6, v8;
	v5 =	vmax.f32 v5, v7  }
0x944: {  	(xrf1) =	vsort.dscd.msk.f32 $0xffff, v5, v0;
	_ =	sdelay $0x4  }
0x945: {  	s13 =	simm.s32 $0x2  }
0x946: {  	s15 =	simm.s32 $0x30;
	s14 =	sand.u32 $0x7, s13  }
0x947: {  	s16 =	sshll.u32 s14, $0x4;
	s14 =	simm.s32 $0x100;
	s12 =	simm.s32 $0x20  }
.LBB2_162:
0x948: {  	p1 =	sne.s32 s15, $0x20C0;
	s16 =	sadd.s32 s16, s14  }
0x949: {  	s16 =	sor.u32 $0x380, s16  }
0x94a: {  	v5 =	vld [tilespmem:s16+$0x0];
	_ =	sdelay $0x2  }
0x94b: {  	v6, _, _ =	vpop (xrf1)  }
0x94c: {  	v7 =	vor.u32 s12, v0;
	s12 =	smov.u32 s15;
	v8, _, _ =	vpop (xrf1)  }
0x94d: {  	(xrf1) =	vsort.ascd.msk.f32 $0xffff, v5, v7;
	v5 =	vmax.f32 v8, v6  }
0x94e: {  	(xrf1) =	vsort.dscd.msk.f32 $0xffff, v5, v0;
	_ =	sdelay $0x2  }
.Ltmp105:
0x94f: {  	(pc) =	sbr.rel @p1 .LBB2_162-.Ltmp105, $4  }
0x950: {  	_ = 	snop  }
0x951: {  	s13 =	sadd.s32 $0x1, s13  }
0x952: {  	s16 =	sand.u32 $0x7, s13  }
0x953: {  	s15 =	sadd.s32 $0x10, s15;
	s14 =	sadd.s32 $0x80, s14;
	s16 =	sshll.u32 s16, $0x4  }
0x954: {  	s13 =	sadd.s32 s16, s14  }
0x955: {  	s13 =	sor.u32 $0x380, s13  }
0x956: {  	v5 =	vld [tilespmem:s13+$0x0];
	_ =	sdelay $0x2  }
0x957: {  	v6, _, _ =	vpop (xrf1)  }
0x958: {  	v7 =	vor.u32 s12, v0;
	v8, _, _ =	vpop (xrf1)  }
0x959: {  	(xrf1) =	vsort.ascd.msk.f32 $0xffff, v5, v7;
	v5 =	vmax.f32 v8, v6  }
0x95a: {  	(xrf1) =	vsort.dscd.msk.f32 $0xffff, v5, v0;
	_ =	sdelay $0xc  }
0x95b: {  	v5, _, _ =	vpop (xrf1)  }
0x95c: {  	v6, _, _ =	vpop (xrf1)  }
0x95d: {  	v5 =	vmax.f32 v6, v5  }
0x95e: {  	(xrf1) =	vsort.dscd.msk.f32 $0xffff, v5, v0;
	_ =	sdelay $0xd  }
0x95f: {  	v6, _, _ =	vpop (xrf1)  }
0x960: {  	(v2sf) =	vpush v6, $0x0;
	_ =	sdelay $0xe  }
0x961: {  	s31 =	spop (v2sf)  }
0x962: {  	p1 =	sgt.f32 s31, $9.999999710e-10  }
.Ltmp106:
0x963: {  	_ = 	snop;
	(pc) =	sbr.rel @!p1 .LBB2_182-.Ltmp106, $1  }
0x964: {  	_ =	sdelay $0x3  }
0x965: {  	s12 =	simm.s32 $0x0  }
0x966: {  	s13 =	sand.u32 $0x7, s12  }
0x967: {  	s13 =	sshll.u32 s13, $0x4  }
0x968: {  	s13 =	sadd.s32 $0x0, s13  }
0x969: {  	s13 =	sor.u32 $0x380, s13  }
0x96a: {  	v7 =	vld [tilespmem:s13+$0x0];
	_ =	sdelay $0x2  }
0x96b: {  	v5 =	vbroadcast v6, $0xC;
	_ =	sdelay $0x1  }
0x96c: {  	vm1 =	veq.f32 v7, v5  }
0x96d: {  	v8 =	vsel vm1, $0x1, v1  }
0x96e: {  	(xrf0) =	vadd.scan.msk.s32 $0xffff, v8;
	_ =	sdelay $0x3  }
0x96f: {  	vm0 =	vgt.f32 v6, v5  }
0x970: {  	v6 =	vmpcnt.ones.xlane vm0;
	v9 =	vsel vm1, $0xFFFFFFFF, v1;
	v8 =	vimm.s32 $0x0  }
0x971: {  	v9 =	vadd.s32 v9, v8;
	v10, _, _ =	vpop (xrf0)  }
0x972: {  	v6 =	vsub.s32 $0xD, v6;
	v9 =	vadd.s32 v10, v9  }
0x973: {  	vm0 =	vlt.s32 v9, v6  }
0x974: {  	vm2 =	vgt.f32 v7, v5;
	vm0 =	vmand vm1, vm0  }
0x975: {  	vm0 =	vmor vm2, vm0  }
0x976: {  	v7 =	vsel vm0, $0x1, v1  }
0x977: {  	(xrf0) =	vadd.scan.msk.s32 $0xffff, v7;
	_ =	sdelay $0x3  }
0x978: {  	v7 =	vmpcnt.ones.xlane vm1  }
0x979: {  	v11 =	vimm.s32 $0x70;
	v10 =	vmpcnt.ones.xlane vm0;
	v12 =	vsel vm0, $0xFFFFFFFF, v1  }
0x97a: {  	v9 =	vadd.s32 v8, v7;
	v7 =	vadd.s32 v12, v11;
	v8, _, _ =	vpop (xrf0)  }
0x97b: {  	v10 =	vadd.s32 v11, v10;
	v11 =	vadd.s32 v8, v7  }
0x97c: {  	s14 =	simm.s32 $0x1;
	s16 =	simm.s32 $0x20  }
0x97d: {  	s15 =	simm.s32 $0x0;
	s17 =	sand.u32 $0x7, s14;
	s13 =	simm.s32 $0x10;
	v8 =	vmov v9;
	v7 =	vmov v10  }
.LBB2_165:
0x97e: {  	p1 =	sne.s32 s16, $0x20C0;
	s17 =	sshll.u32 s17, $0x4;
	s12 =	sadd.s32 $0x80, s12  }
0x97f: {  	v12 =	vor.u32 s15, v0;
	s15 =	smov.u32 s13;
	s13 =	smov.u32 s16;
	s17 =	sadd.s32 s17, s12  }
0x980: {  	s17 =	sor.u32 $0x380, s17;
	[tilespmem:v11+s9+$0x0] =	vst.idx.msk vm0, v12  }
0x981: {  	v11 =	vld [tilespmem:s17+$0x0];
	_ =	sdelay $0x4  }
0x982: {  	vm0 =	veq.f32 v11, v5  }
0x983: {  	v12 =	vsel vm0, $0x1, v1;
	v13 =	vmpcnt.ones.xlane vm0  }
0x984: {  	(xrf0) =	vadd.scan.msk.s32 $0xffff, v12  }
0x985: {  	v9 =	vadd.s32 v9, v13;
	_ =	sdelay $0x3  }
0x986: {  	v12 =	vsel vm0, $0xFFFFFFFF, v1  }
0x987: {  	v12 =	vadd.s32 v12, v8;
	v8 =	vmov v9;
	v13, _, _ =	vpop (xrf0)  }
0x988: {  	v12 =	vadd.s32 v13, v12  }
0x989: {  	vm1 =	vlt.s32 v12, v6  }
0x98a: {  	vm2 =	vgt.f32 v11, v5;
	vm0 =	vmand vm0, vm1  }
0x98b: {  	vm0 =	vmor vm2, vm0  }
0x98c: {  	v11 =	vsel vm0, $0x1, v1;
	v12 =	vmpcnt.ones.xlane vm0  }
0x98d: {  	(xrf0) =	vadd.scan.msk.s32 $0xffff, v11  }
0x98e: {  	v10 =	vadd.s32 v10, v12;
	_ =	sdelay $0x3  }
.Ltmp107:
0x98f: {  	v11 =	vsel vm0, $0xFFFFFFFF, v1;
	(pc) =	sbr.rel @p1 .LBB2_165-.Ltmp107, $4  }
0x990: {  	v11 =	vadd.s32 v11, v7;
	v7 =	vmov v10;
	v12, _, _ =	vpop (xrf0)  }
0x991: {  	v11 =	vadd.s32 v12, v11  }
0x992: {  	s14 =	sadd.s32 $0x1, s14  }
0x993: {  	s16 =	sadd.s32 $0x10, s16;
	s17 =	sand.u32 $0x7, s14  }
0x994: {  	_ =	sdelay $0x2  }
0x995: {  	s14 =	sshll.u32 s17, $0x4;
	s12 =	sadd.s32 $0x80, s12  }
0x996: {  	v9 =	vor.u32 s15, v0;
	s12 =	sadd.s32 s14, s12  }
0x997: {  	[tilespmem:v11+s9+$0x0] =	vst.idx.msk vm0, v9;
	s12 =	sor.u32 $0x380, s12  }
0x998: {  	v9 =	vld [tilespmem:s12+$0x0];
	_ =	sdelay $0x4  }
0x999: {  	vm15 =	veq.f32 v9, v5  }
0x99a: {  	v10 =	vsel vm15, $0x1, v1  }
0x99b: {  	(xrf0) =	vadd.scan.msk.s32 $0xffff, v10;
	_ =	sdelay $0x4  }
0x99c: {  	v62 =	vsel vm15, $0xFFFFFFFF, v1  }
0x99d: {  	v8 =	vadd.s32 v62, v8;
	v63, _, _ =	vpop (xrf0)  }
0x99e: {  	v8 =	vadd.s32 v63, v8  }
0x99f: {  	vm1 =	vlt.s32 v8, v6  }
0x9a0: {  	vm2 =	vgt.f32 v9, v5;
	vm0 =	vmand vm15, vm1  }
0x9a1: {  	vm0 =	vmor vm2, vm0  }
0x9a2: {  	v5 =	vsel vm0, $0x1, v1  }
0x9a3: {  	(xrf0) =	vadd.scan.msk.s32 $0xffff, v5;
	_ =	sdelay $0x4  }
0x9a4: {  	v5 =	vsel vm0, $0xFFFFFFFF, v1  }
0x9a5: {  	v5 =	vadd.s32 v5, v7;
	v6, _, _ =	vpop (xrf0)  }
0x9a6: {  	v5 =	vadd.s32 v6, v5;
	_ =	sdelay $0x3  }
0x9a7: {  	v6 =	vor.u32 s13, v0  }
0x9a8: {  	[tilespmem:v5+s9+$0x0] =	vst.idx.msk vm0, v6  }
.LBB2_182:
0x9a9: {  	s12 =	simm.s32 $0x0  }
0x9aa: {  	s13 =	sand.u32 $0x60, s12;
	s14 =	sand.u32 $0x1FC00, s12  }
0x9ab: {  	s14 =	sor.u32 s13, s14  }
0x9ac: {  	[tilespmem:s14+$0x10] =	vst v3  }
0x9ad: {  	[tilespmem:s14+$0x90] =	vst v3  }
0x9ae: {  	[tilespmem:s14+$0x110] =	vst v3  }
0x9af: {  	[tilespmem:s14+$0x190] =	vst v3  }
0x9b0: {  	[tilespmem:s14+$0x210] =	vst v3  }
0x9b1: {  	[tilespmem:s14+$0x290] =	vst v3  }
0x9b2: {  	[tilespmem:s14+$0x0] =	vst v3  }
0x9b3: {  	s31 =	sand.u32 $0x3, s12;
	[tilespmem:s14+$0x80] =	vst v3  }
0x9b4: {  	s13 =	sshll.u32 s31, $0x5;
	[tilespmem:s14+$0x100] =	vst v3  }
0x9b5: {  	s15 =	sadd.s32 $0x0, s13;
	[tilespmem:s14+$0x180] =	vst v3  }
0x9b6: {  	[tilespmem:s14+$0x200] =	vst v3;
	s13 =	sadd.s32 $0x10, s15  }
0x9b7: {  	[tilespmem:s14+$0x280] =	vst v3;
	s16 =	sor.u32 $0x300, s13  }
0x9b8: {  	s14 =	simm.s32 $0x100;
	s17 =	sor.u32 $0x300, s15;
	s13 =	sor.u32 $0x380, s13;
	[tilespmem:s16+$0x0] =	vst v3  }
0x9b9: {  	s16 =	sor.u32 $0x380, s15;
	s15 =	simm.s32 $0x20;
	[tilespmem:s13+$0x0] =	vst v3;
	s13 =	simm.s32 $0x0  }
.LBB2_183:
0x9ba: {  	s18 =	sand.u32 $0x60, s15;
	s19 =	sand.u32 $0x1FC00, s14;
	[tilespmem:s17+$0x0] =	vst v3  }
0x9bb: {  	s18 =	sor.u32 s18, s19;
	[tilespmem:s16+$0x0] =	vst v3  }
0x9bc: {  	s12 =	sadd.s32 $0x1, s12;
	[tilespmem:s18+$0x10] =	vst v3  }
0x9bd: {  	s16 =	sand.u32 $0x3, s12;
	[tilespmem:s18+$0x90] =	vst v3  }
0x9be: {  	s13 =	sadd.s32 $0x2, s13;
	s16 =	sshll.u32 s16, $0x5;
	[tilespmem:s18+$0x110] =	vst v3  }
0x9bf: {  	p1 =	slt.u32 s13, $0x20A;
	s19 =	sadd.s32 s16, s14;
	[tilespmem:s18+$0x190] =	vst v3  }
0x9c0: {  	s17 =	sor.u32 $0x300, s19;
	s16 =	sor.u32 $0x380, s19;
	s19 =	sadd.s32 $0x10, s19;
	[tilespmem:s18+$0x210] =	vst v3  }
0x9c1: {  	s20 =	sor.u32 $0x300, s19;
	[tilespmem:s18+$0x290] =	vst v3  }
0x9c2: {  	s19 =	sor.u32 $0x380, s19;
	[tilespmem:s20+$0x0] =	vst v3  }
0x9c3: {  	[tilespmem:s19+$0x0] =	vst v3  }
0x9c4: {  	[tilespmem:s18+$0x0] =	vst v3  }
.Ltmp108:
0x9c5: {  	[tilespmem:s18+$0x80] =	vst v3;
	(pc) =	sbr.rel @p1 .LBB2_183-.Ltmp108, $4  }
0x9c6: {  	[tilespmem:s18+$0x100] =	vst v3  }
0x9c7: {  	[tilespmem:s18+$0x180] =	vst v3  }
0x9c8: {  	[tilespmem:s18+$0x200] =	vst v3  }
0x9c9: {  	s15 =	sadd.s32 $0x20, s15;
	s14 =	sadd.s32 $0x100, s14;
	[tilespmem:s18+$0x280] =	vst v3  }
0x9ca: {  	[tilespmem:s17+$0x0] =	vst v3  }
0x9cb: {  	[tilespmem:s16+$0x0] =	vst v3  }
0x9cc: {  	v5 =	vld [tilespmem:$0x12800];
	_ =	sdelay $0x3  }
0x9cd: {  	[tilespmem:$0x10440] =	vst v3  }
0x9ce: {  	[tilespmem:$0x104C0] =	vst v3;
	v6 =	vshll.u32 v5, $0x3  }
0x9cf: {  	[tilespmem:$0x10540] =	vst v3;
	vm0 =	vgt.s32 v5, $0xFFFFFFFF;
	v5 =	vand.u32 $0x7F, v5;
	v6 =	vand.u32 $0xFFFFFC00, v6  }
0x9d0: {  	[tilespmem:$0x105C0] =	vst v3;
	v5 =	vor.u32 v5, v6  }
0x9d1: {  	[tilespmem:$0x10640] =	vst v3  }
0x9d2: {  	[tilespmem:$0x106C0] =	vst v3  }
0x9d3: {  	[tilespmem:$0x10740] =	vst v3  }
0x9d4: {  	[tilespmem:$0x107C0] =	vst v3  }
0x9d5: {  	[tilespmem:v5+s3+$0x0] =	vst.idx.msk vm0, v4  }
0x9d6: {  	v5 =	vld [tilespmem:$0x12810];
	_ =	sdelay $0x4  }
0x9d7: {  	v6 =	vshll.u32 v5, $0x3  }
0x9d8: {  	v7 =	vand.u32 $0x7F, v5;
	v6 =	vand.u32 $0xFFFFFC00, v6  }
0x9d9: {  	vm9 =	vgt.s32 v5, $0xFFFFFFFF;
	v5 =	vor.u32 v6, v7  }
0x9da: {  	v5 =	vor.u32 $0x80, v5;
	_ =	sdelay $0x4  }
0x9db: {  	[tilespmem:v5+s3+$0x0] =	vst.idx.msk vm9, v4  }
0x9dc: {  	v5 =	vld [tilespmem:$0x12820];
	_ =	sdelay $0x4  }
0x9dd: {  	v6 =	vshll.u32 v5, $0x3  }
0x9de: {  	v7 =	vand.u32 $0x7F, v5;
	v6 =	vand.u32 $0xFFFFFC00, v6  }
0x9df: {  	vm10 =	vgt.s32 v5, $0xFFFFFFFF;
	v5 =	vor.u32 v6, v7  }
0x9e0: {  	v5 =	vor.u32 $0x100, v5;
	_ =	sdelay $0x4  }
0x9e1: {  	[tilespmem:v5+s3+$0x0] =	vst.idx.msk vm10, v4  }
0x9e2: {  	v5 =	vld [tilespmem:$0x12830];
	_ =	sdelay $0x4  }
0x9e3: {  	v6 =	vshll.u32 v5, $0x3  }
0x9e4: {  	v7 =	vand.u32 $0x7F, v5;
	v6 =	vand.u32 $0xFFFFFC00, v6  }
0x9e5: {  	vm11 =	vgt.s32 v5, $0xFFFFFFFF;
	v5 =	vor.u32 v6, v7  }
0x9e6: {  	v5 =	vor.u32 $0x180, v5;
	_ =	sdelay $0x4  }
0x9e7: {  	[tilespmem:v5+s3+$0x0] =	vst.idx.msk vm11, v4  }
0x9e8: {  	v5 =	vld [tilespmem:$0x12840];
	_ =	sdelay $0x4  }
0x9e9: {  	v6 =	vshll.u32 v5, $0x3  }
0x9ea: {  	v7 =	vand.u32 $0x7F, v5;
	v6 =	vand.u32 $0xFFFFFC00, v6  }
0x9eb: {  	vm12 =	vgt.s32 v5, $0xFFFFFFFF;
	v5 =	vor.u32 v6, v7  }
0x9ec: {  	v5 =	vor.u32 $0x200, v5;
	_ =	sdelay $0x4  }
0x9ed: {  	[tilespmem:v5+s3+$0x0] =	vst.idx.msk vm12, v4  }
0x9ee: {  	v5 =	vld [tilespmem:$0x12850];
	_ =	sdelay $0x4  }
0x9ef: {  	v6 =	vshll.u32 v5, $0x3  }
0x9f0: {  	v7 =	vand.u32 $0x7F, v5;
	v6 =	vand.u32 $0xFFFFFC00, v6  }
0x9f1: {  	vm13 =	vgt.s32 v5, $0xFFFFFFFF;
	v5 =	vor.u32 v6, v7  }
0x9f2: {  	v5 =	vor.u32 $0x280, v5;
	_ =	sdelay $0x4  }
0x9f3: {  	[tilespmem:v5+s3+$0x0] =	vst.idx.msk vm13, v4  }
0x9f4: {  	v5 =	vld [tilespmem:$0x12860];
	_ =	sdelay $0x4  }
0x9f5: {  	v6 =	vshll.u32 v5, $0x3  }
0x9f6: {  	v7 =	vand.u32 $0x7F, v5;
	v6 =	vand.u32 $0xFFFFFC00, v6  }
0x9f7: {  	vm14 =	vgt.s32 v5, $0xFFFFFFFF;
	v5 =	vor.u32 v6, v7  }
0x9f8: {  	v5 =	vor.u32 $0x300, v5;
	_ =	sdelay $0x4  }
0x9f9: {  	[tilespmem:v5+s3+$0x0] =	vst.idx.msk vm14, v4  }
0x9fa: {  	v5 =	vld [tilespmem:$0x12870];
	_ =	sdelay $0x4  }
0x9fb: {  	v6 =	vshll.u32 v5, $0x3  }
0x9fc: {  	v7 =	vand.u32 $0x7F, v5;
	v6 =	vand.u32 $0xFFFFFC00, v6  }
0x9fd: {  	vm15 =	vgt.s32 v5, $0xFFFFFFFF;
	v5 =	vor.u32 v6, v7  }
0x9fe: {  	v5 =	vor.u32 $0x380, v5;
	_ =	sdelay $0x4  }
0x9ff: {  	s11 =	sadd.s32 s2, s11;
	[tilespmem:v5+s3+$0x0] =	vst.idx.msk vm15, v4  }
0xa00: {  	[hbm4b:s11+s3] =	stream.linear.scatter [tilespmem:s3], [sflag:$0x1], $0x10800, $0x38;
	[tilespmem:$0x12880] =	vst v63  }
.Ltmp109:
0xa01: {  	_ = 	snop;
	(pc) =	sbr.rel @p0 .LBB2_2-.Ltmp109, $4  }
.Ltmp110:
0xa02: {  	s11 =	simm.s32 $0x1;
	(pc) =	sbr.rel @!p0 .LBB2_185-.Ltmp110, $4  }
0xa03: {  	_ =	swait.ge [sflag:s11], $0x10800  }
0xa04: {  	[sflag:s11] =	ssyncset.done $0x0  }
0xa05: {  	p1 =	por $0x0, $0x0;
	[sflag:s11] =	ssyncadd.s32 $0xFFFEF800  }
0xa06: {  	_ = 	snop  }
.LBB2_15:
.Ltmp111:
0xa07: {  	_ = 	snop;
	(pc) =	sbr.rel .LBB2_24-.Ltmp111, $2  }
0xa08: {  	_ =	sdelay $0x2  }
0xa09: {  	s14 =	simm.s32 $0x0;
	v15 =	vmov v18  }
.LBB2_37:
.Ltmp112:
0xa0a: {  	_ = 	snop;
	(pc) =	sbr.rel .LBB2_46-.Ltmp112, $2  }
0xa0b: {  	_ =	sdelay $0x2  }
0xa0c: {  	s14 =	simm.s32 $0x0;
	v13 =	vmov v16  }
.LBB2_59:
.Ltmp113:
0xa0d: {  	_ = 	snop;
	(pc) =	sbr.rel .LBB2_68-.Ltmp113, $2  }
0xa0e: {  	_ =	sdelay $0x2  }
0xa0f: {  	s14 =	simm.s32 $0x0;
	v12 =	vmov v15  }
.LBB2_81:
.Ltmp114:
0xa10: {  	_ = 	snop;
	(pc) =	sbr.rel .LBB2_90-.Ltmp114, $2  }
0xa11: {  	_ =	sdelay $0x2  }
0xa12: {  	s14 =	simm.s32 $0x0;
	v11 =	vmov v14  }
.LBB2_103:
.Ltmp115:
0xa13: {  	_ = 	snop;
	(pc) =	sbr.rel .LBB2_112-.Ltmp115, $2  }
0xa14: {  	_ =	sdelay $0x2  }
0xa15: {  	s14 =	simm.s32 $0x0;
	v10 =	vmov v13  }
.LBB2_125:
.Ltmp116:
0xa16: {  	_ = 	snop;
	(pc) =	sbr.rel .LBB2_134-.Ltmp116, $2  }
0xa17: {  	_ =	sdelay $0x2  }
0xa18: {  	s14 =	simm.s32 $0x0;
	v9 =	vmov v12  }
.LBB2_147:
.Ltmp117:
0xa19: {  	_ = 	snop;
	(pc) =	sbr.rel .LBB2_156-.Ltmp117, $2  }
0xa1a: {  	_ =	sdelay $0x2  }
0xa1b: {  	s14 =	simm.s32 $0x0;
	v8 =	vmov v11  }
.LBB2_169:
.Ltmp118:
0xa1c: {  	_ = 	snop;
	(pc) =	sbr.rel .LBB2_178-.Ltmp118, $2  }
0xa1d: {  	_ =	sdelay $0x2  }
0xa1e: {  	s14 =	simm.s32 $0x0;
	v7 =	vmov v10  }
.LBB2_17:
.Ltmp119:
0xa1f: {  	(pc) =	sbr.rel .LBB2_24-.Ltmp119, $2  }
0xa20: {  	_ =	sdelay $0x2  }
0xa21: {  	s14 =	simm.s32 $0x0  }
.LBB2_39:
.Ltmp120:
0xa22: {  	(pc) =	sbr.rel .LBB2_46-.Ltmp120, $2  }
0xa23: {  	_ =	sdelay $0x2  }
0xa24: {  	_ = 	snop  }
.LBB2_61:
.Ltmp121:
0xa25: {  	(pc) =	sbr.rel .LBB2_68-.Ltmp121, $2  }
0xa26: {  	_ =	sdelay $0x2  }
0xa27: {  	_ = 	snop  }
.LBB2_83:
.Ltmp122:
0xa28: {  	(pc) =	sbr.rel .LBB2_90-.Ltmp122, $2  }
0xa29: {  	_ =	sdelay $0x2  }
0xa2a: {  	_ = 	snop  }
.LBB2_105:
.Ltmp123:
0xa2b: {  	(pc) =	sbr.rel .LBB2_112-.Ltmp123, $2  }
0xa2c: {  	_ =	sdelay $0x2  }
0xa2d: {  	_ = 	snop  }
.LBB2_127:
.Ltmp124:
0xa2e: {  	(pc) =	sbr.rel .LBB2_134-.Ltmp124, $2  }
0xa2f: {  	_ =	sdelay $0x2  }
0xa30: {  	_ = 	snop  }
.LBB2_149:
.Ltmp125:
0xa31: {  	(pc) =	sbr.rel .LBB2_156-.Ltmp125, $2  }
0xa32: {  	_ =	sdelay $0x2  }
0xa33: {  	_ = 	snop  }
.LBB2_171:
.Ltmp126:
0xa34: {  	(pc) =	sbr.rel .LBB2_178-.Ltmp126, $2  }
0xa35: {  	_ =	sdelay $0x2  }
0xa36: {  	_ = 	snop  }
.LBB2_19:
.Ltmp127:
0xa37: {  	(pc) =	sbr.rel .LBB2_24-.Ltmp127, $2  }
0xa38: {  	_ =	sdelay $0x2  }
0xa39: {  	v18 =	vmov v15;
	v19 =	vmov v14;
	v15 =	vmov v17  }
.LBB2_41:
.Ltmp128:
0xa3a: {  	(pc) =	sbr.rel .LBB2_46-.Ltmp128, $2  }
0xa3b: {  	_ =	sdelay $0x2  }
0xa3c: {  	v16 =	vmov v13;
	s13 =	simm.s32 $0x10;
	s14 =	simm.s32 $0x20;
	v13 =	vmov v15  }
.LBB2_63:
.Ltmp129:
0xa3d: {  	(pc) =	sbr.rel .LBB2_68-.Ltmp129, $2  }
0xa3e: {  	_ =	sdelay $0x2  }
0xa3f: {  	v15 =	vmov v12;
	s13 =	simm.s32 $0x10;
	s14 =	simm.s32 $0x20;
	v12 =	vmov v14  }
.LBB2_85:
.Ltmp130:
0xa40: {  	(pc) =	sbr.rel .LBB2_90-.Ltmp130, $2  }
0xa41: {  	_ =	sdelay $0x2  }
0xa42: {  	v14 =	vmov v11;
	s13 =	simm.s32 $0x10;
	s14 =	simm.s32 $0x20;
	v11 =	vmov v13  }
.LBB2_107:
.Ltmp131:
0xa43: {  	(pc) =	sbr.rel .LBB2_112-.Ltmp131, $2  }
0xa44: {  	_ =	sdelay $0x2  }
0xa45: {  	v13 =	vmov v10;
	s13 =	simm.s32 $0x10;
	s14 =	simm.s32 $0x20;
	v10 =	vmov v12  }
.LBB2_129:
.Ltmp132:
0xa46: {  	(pc) =	sbr.rel .LBB2_134-.Ltmp132, $2  }
0xa47: {  	_ =	sdelay $0x2  }
0xa48: {  	v12 =	vmov v9;
	s13 =	simm.s32 $0x10;
	s14 =	simm.s32 $0x20;
	v9 =	vmov v11  }
.LBB2_151:
.Ltmp133:
0xa49: {  	(pc) =	sbr.rel .LBB2_156-.Ltmp133, $2  }
0xa4a: {  	_ =	sdelay $0x2  }
0xa4b: {  	v11 =	vmov v8;
	s13 =	simm.s32 $0x10;
	s14 =	simm.s32 $0x20;
	v8 =	vmov v10  }
.LBB2_173:
.Ltmp134:
0xa4c: {  	(pc) =	sbr.rel .LBB2_178-.Ltmp134, $2  }
0xa4d: {  	_ =	sdelay $0x2  }
0xa4e: {  	v10 =	vmov v7;
	s13 =	simm.s32 $0x10;
	s14 =	simm.s32 $0x20;
	v7 =	vmov v9  }
.LBB2_21:
.Ltmp135:
0xa4f: {  	(pc) =	sbr.rel .LBB2_24-.Ltmp135, $2  }
0xa50: {  	_ =	sdelay $0x2  }
0xa51: {  	v18 =	vmov v17  }
.LBB2_43:
.Ltmp136:
0xa52: {  	(pc) =	sbr.rel .LBB2_46-.Ltmp136, $2  }
0xa53: {  	_ =	sdelay $0x2  }
0xa54: {  	v16 =	vmov v15  }
.LBB2_65:
.Ltmp137:
0xa55: {  	(pc) =	sbr.rel .LBB2_68-.Ltmp137, $2  }
0xa56: {  	_ =	sdelay $0x2  }
0xa57: {  	v15 =	vmov v14  }
.LBB2_87:
.Ltmp138:
0xa58: {  	(pc) =	sbr.rel .LBB2_90-.Ltmp138, $2  }
0xa59: {  	_ =	sdelay $0x2  }
0xa5a: {  	v14 =	vmov v13  }
.LBB2_109:
.Ltmp139:
0xa5b: {  	(pc) =	sbr.rel .LBB2_112-.Ltmp139, $2  }
0xa5c: {  	_ =	sdelay $0x2  }
0xa5d: {  	v13 =	vmov v12  }
.LBB2_131:
.Ltmp140:
0xa5e: {  	(pc) =	sbr.rel .LBB2_134-.Ltmp140, $2  }
0xa5f: {  	_ =	sdelay $0x2  }
0xa60: {  	v12 =	vmov v11  }
.LBB2_153:
.Ltmp141:
0xa61: {  	(pc) =	sbr.rel .LBB2_156-.Ltmp141, $2  }
0xa62: {  	_ =	sdelay $0x2  }
0xa63: {  	v11 =	vmov v10  }
.LBB2_175:
.Ltmp142:
0xa64: {  	(pc) =	sbr.rel .LBB2_178-.Ltmp142, $2  }
0xa65: {  	_ =	sdelay $0x2  }
0xa66: {  	v10 =	vmov v9  }
.LBB2_186:
0xa67: {  	_ =	sfence.sel $0x180000  }
0xa68: {  	[bflag:$0x0] =	sbarrier.arrive $0xFFFF  }
0xa69: {  	p0 =	sne.s32 s4, $0x0;
	_ =	strace $0x90000047  }
0xa6a: {  	s0 =	sadd.s32 @!p0 $0x100000, s0;
	[bflag:$0x2] =	sbarrier.arrive $0xFFFF  }
0xa6b: {  	[sflag:s0] =	ssyncadd.tile.s32 @!p0 $0x1;
	_ =	shalt  }
.Lfunc_end2:
_tile_overlayer_lowered:
.L_overlay_start_2:
0xa6c: {  	(tag) =	ssettag $0x2  }
0xa6d: {  	s0 =	rddreg [dreg:$0x0];
	s2 =	stileid.u32  }
0xa6e: {  	s1 =	rddreg [dreg:$0x1];
	p0 =	sne.s32 s2, $0x0  }
0xa6f: {  	s3 =	rddreg [dreg:$0x2];
	[bflag:$0x3] =	sbarrier.arrive $0xFFFF;
	s2 =	simm.s32 @!p0 $0x1C02  }
0xa70: {  	[timem:s3], [sflag:s2] =	dma.local @!p0 [hbm:s0], s1  }
0xa71: {  	s0 =	simm.s32 @!p0 $0x2  }
0xa72: {  	_ =	swait.ge @!p0 [sflag:s0], s1  }
0xa73: {  	s1 =	ssub.s32 @!p0 $0x0, s1;
	[sflag:s0] =	ssyncset.done @!p0 $0x0  }
0xa74: {  	[sflag:s0] =	ssyncadd.s32 @!p0 s1  }
0xa75: {  	[bflag:$0x3] =	sbarrier.arrive $0xFFFF  }
0xa76: {  	_ =	shalt  }

</sc_bundles>
